<compile_context>
chip_gen: v7x
topology: tpu7x:2x2x1
jax: 0.10.2.dev20260603
libtpu: 0.0.44.dev20260713+nightly
codegen_flags: <defaults>
</compile_context>

<pallas_src>
import functools

import jax
import jax.numpy as jnp
from jax import lax
from jax.experimental import pallas as pl
from jax.experimental.pallas import tpu as pltpu
from jax.experimental.pallas import tpu_sc as plsc

B = 16384
L = 200
VOCAB = 10
DIM = 5
N = B * L
LANES = 16
NW = 32
B_PER_W = B // NW
KB = 2
CH = KB * L
NCHUNK = B_PER_W // KB
ROWS_PER_W = B_PER_W * L
BLKS = CH // LANES


def _full(v):
    return jnp.full((LANES,), v, jnp.int32)


def _sc_body(idx_hbm, wt_hbm, out_hbm,
             wt_v, g_v, idx_v0, idx_v1, out_v0, out_v1,
             sem_i0, sem_i1, sem_o0, sem_o1):
    wid = lax.axis_index("s") * 2 + lax.axis_index("c")
    b0w = wid * B_PER_W
    idx_bufs = (idx_v0, idx_v1)
    out_bufs = (out_v0, out_v1)
    sem_i = (sem_i0, sem_i1)
    sem_o = (sem_o0, sem_o1)

    pltpu.sync_copy(wt_hbm, wt_v.at[pl.ds(LANES, LANES * LANES)])
    for i in range(VOCAB):
        acc = None
        for d in range(DIM):
            w_id = plsc.load_gather(wt_v, [_full(LANES + LANES * d + i)])
            term = w_id * wt_v[pl.ds(LANES + LANES * d, LANES)]
            acc = term if acc is None else acc + term
        g_v[pl.ds(LANES * i, LANES)] = acc

    iota = lax.iota(jnp.int32, LANES)
    pats, cols = [], []
    for j in range(VOCAB):
        q = iota + (LANES * j)
        r = q // VOCAB
        pats.append(r)
        cols.append(q - r * VOCAB)

    def compute_chunk(idx_v, out_v):
        @plsc.parallel_loop(0, BLKS, unroll=5)
        def _(b):
            rbase = b * LANES
            for j in range(VOCAB):
                rowsel = pats[j] + rbase
                rmaj = rowsel // L
                rmin = rowsel - rmaj * L
                rows = plsc.load_gather(idx_v, [rmaj, rmin])
                flat = lax.shift_left(rows, 4) + cols[j]
                vals = plsc.load_gather(g_v, [flat])
                plsc.store_scatter(out_v, [rowsel, cols[j]], vals)

    def idx_dst(b):
        return idx_bufs[b]

    def wait_idx(b):
        pltpu.make_async_copy(
            idx_hbm.at[pl.ds(b0w, KB)], idx_dst(b), sem_i[b]).wait()

    def out_dst(c):
        return out_hbm.at[pl.ds(b0w + c * KB, KB)]

    def wait_out(b):
        pltpu.make_async_copy(
            out_bufs[b].reshape(KB, L, VOCAB), out_dst(0), sem_o[b]).wait()

    pltpu.async_copy(idx_hbm.at[pl.ds(b0w, KB)], idx_dst(0), sem_i[0])
    pltpu.async_copy(idx_hbm.at[pl.ds(b0w + KB, KB)], idx_dst(1), sem_i[1])

    def pair_body(g, carry):
        for b in range(2):
            c = 2 * g + b
            wait_idx(b)

            @pl.when(c >= 2)
            def _():
                wait_out(b)

            compute_chunk(idx_bufs[b], out_bufs[b])
            pltpu.async_copy(
                out_bufs[b].reshape(KB, L, VOCAB), out_dst(c), sem_o[b])

            @pl.when(c + 2 < NCHUNK)
            def _():
                bn = b0w + (c + 2) * KB
                pltpu.async_copy(
                    idx_hbm.at[pl.ds(bn, KB)], idx_dst(b), sem_i[b])
        return carry

    lax.fori_loop(0, NCHUNK // 2, pair_body, 0)
    wait_out(0)
    wait_out(1)


_emb_gather = functools.partial(
    pl.kernel,
    mesh=plsc.VectorSubcoreMesh(core_axis_name="c", subcore_axis_name="s"),
    out_type=jax.ShapeDtypeStruct((B, L, VOCAB), jnp.float32),
    compiler_params=pltpu.CompilerParams(needs_layout_passes=False),
    scratch_types=[
        pltpu.VMEM((LANES * LANES + LANES,), jnp.float32),
        pltpu.VMEM((LANES * LANES,), jnp.float32),
        pltpu.VMEM((KB, L), jnp.int32),
        pltpu.VMEM((KB, L), jnp.int32),
        pltpu.VMEM((CH, VOCAB), jnp.float32),
        pltpu.VMEM((CH, VOCAB), jnp.float32),
        pltpu.SemaphoreType.DMA,
        pltpu.SemaphoreType.DMA,
        pltpu.SemaphoreType.DMA,
        pltpu.SemaphoreType.DMA,
    ],
)(_sc_body)


def kernel(indices, W):
    idx = indices.astype(jnp.int32)
    wt = jnp.zeros((LANES, LANES), jnp.float32).at[:DIM, :VOCAB].set(W.T).reshape(-1)
    return _emb_gather(idx, wt)

# --- scband reference (transcript-rebuilt; emitter-appended) ---
"""Pipeline reference for scband-m-17179869971 (READ-ONLY COPY).

The authoritative reference and input builder live on the scoring server;
editing this copy changes nothing except your own understanding.
"""

import jax, jax.numpy as jnp
import numpy as np

VOCAB = 10
DIM = 5

def setup_inputs(seed: int = 0) -> dict:
    key = jax.random.key(seed)
    k_idx, k_w = jax.random.split(key)
    indices = jax.random.randint(k_idx, (16384, 200), 0, VOCAB, dtype=jnp.int64)
    # nn.Embedding default init: N(0,1)
    W = jax.random.normal(k_w, (VOCAB, DIM), dtype=jnp.float32)
    return {"indices": indices, "W": W}

def reference(indices, W):
    # embed lookup with tied output projection: logits = embed(idx) @ W.T
    emb = jnp.take(W, indices, axis=0)          # [B, L, DIM]
    logits = jnp.einsum('bld,vd->blv', emb, W)  # [B, L, VOCAB]
    return logits

if __name__ == "__main__":
    import jax
    _d = setup_inputs()
    print(jax.jit(kernel)(*tuple(_d.values())))

</pallas_src>

<mosaic_0001>
#map = affine_map<(d0, d1) -> (0, 0)>
#map1 = affine_map<(d0, d1) -> (0)>
#map2 = affine_map<(d0, d1) -> (0, 0, 0)>
module attributes {stable_mosaic.version = 14 : i64} {
  func.func @_sc_body(%arg0: i32, %arg1: i32, %arg2: memref<16384x200xi32, #tpu.memory_space<hbm>>, %arg3: memref<256xf32, #tpu.memory_space<hbm>>, %arg4: memref<16384x200x10xf32, #tpu.memory_space<hbm>>, %arg5: memref<272xf32, #tpu.memory_space<vmem>>, %arg6: memref<256xf32, #tpu.memory_space<vmem>>, %arg7: memref<2x200xi32, #tpu.memory_space<vmem>>, %arg8: memref<2x200xi32, #tpu.memory_space<vmem>>, %arg9: memref<400x10xf32, #tpu.memory_space<vmem>>, %arg10: memref<400x10xf32, #tpu.memory_space<vmem>>, %arg11: memref<!tpu.dma_semaphore, #tpu.memory_space<semaphore_mem>>, %arg12: memref<!tpu.dma_semaphore, #tpu.memory_space<semaphore_mem>>, %arg13: memref<!tpu.dma_semaphore, #tpu.memory_space<semaphore_mem>>, %arg14: memref<!tpu.dma_semaphore, #tpu.memory_space<semaphore_mem>>) attributes {dimension_semantics = [#tpu.dimension_semantics<core_parallel>, #tpu.dimension_semantics<subcore_parallel>], iteration_bounds = array<i64: 2, 16>, scalar_prefetch = 0 : i64, scratch_operands = 10 : i64, tpu.core_type = #tpu.core_type<sc_vector_subcore>, window_params = [{transform_indices = #map}, {transform_indices = #map1}, {transform_indices = #map2}]} {
    %mul3A = arith.constant 2 : i32
    %mul3A_0 = arith.muli %arg1, %mul3A : i32
    %add3A = arith.addi %mul3A_0, %arg0 : i32
    %mul3A_1 = arith.constant 512 : i32
    %mul3A_2 = arith.muli %add3A, %mul3A_1 : i32
    "tpu.region"() ({
      %run_scoped3A = tpu.sem_alloc : memref<!tpu.dma_semaphore, #tpu.memory_space<semaphore_mem>>
      %dma_start3A_764 = arith.constant 16 : i32
      %dma_start3A_765 = tpu.memref_slice %arg5[%dma_start3A_764] : memref<272xf32, #tpu.memory_space<vmem>> -> memref<256xf32, #tpu.memory_space<vmem>>
      %dma_start3A_766 = arith.constant 16 : i32
      %dma_start3A_767 = tpu.memref_slice %arg5[%dma_start3A_766] : memref<272xf32, #tpu.memory_space<vmem>> -> memref<256xf32, #tpu.memory_space<vmem>>
      tpu.enqueue_dma source(%arg3 : memref<256xf32, #tpu.memory_space<hbm>>) target(%dma_start3A_767 : memref<256xf32, #tpu.memory_space<vmem>>) target_semaphore(%run_scoped3A : memref<!tpu.dma_semaphore, #tpu.memory_space<semaphore_mem>>)
      %dma_wait3A_768 = arith.constant 16 : i32
      %dma_wait3A_769 = tpu.memref_slice %arg5[%dma_wait3A_768] : memref<272xf32, #tpu.memory_space<vmem>> -> memref<256xf32, #tpu.memory_space<vmem>>
      %dma_wait3A_770 = arith.constant 16 : i32
      %dma_wait3A_771 = tpu.memref_slice %arg5[%dma_wait3A_770] : memref<272xf32, #tpu.memory_space<vmem>> -> memref<256xf32, #tpu.memory_space<vmem>>
      tpu.wait_dma2 semaphore(%run_scoped3A : memref<!tpu.dma_semaphore, #tpu.memory_space<semaphore_mem>>) src(%arg3 : memref<256xf32, #tpu.memory_space<hbm>>) dst(%dma_wait3A_771 : memref<256xf32, #tpu.memory_space<vmem>>)
      tpu.yield
    }) : () -> ()
    %broadcast_in_dim3A = arith.constant 16 : i32
    %broadcast_in_dim3A_3 = vector.broadcast %broadcast_in_dim3A : i32 to vector<16xi32>
    %gather3A = tpu.vector_load_idx %arg5[%broadcast_in_dim3A_3] : memref<272xf32, #tpu.memory_space<vmem>>[vector<16xi32>], vector<16xf32>,
    %get3A = arith.constant 16 : index
    %get3A_4 = tpu.vector_load %arg5[%get3A] {strides = array<i32>} : memref<272xf32, #tpu.memory_space<vmem>>, vector<16xf32>,
    %mul3A_5 = arith.mulf %gather3A, %get3A_4 : vector<16xf32>
    %broadcast_in_dim3A_6 = arith.constant 32 : i32
    %broadcast_in_dim3A_7 = vector.broadcast %broadcast_in_dim3A_6 : i32 to vector<16xi32>
    %gather3A_8 = tpu.vector_load_idx %arg5[%broadcast_in_dim3A_7] : memref<272xf32, #tpu.memory_space<vmem>>[vector<16xi32>], vector<16xf32>,
    %get3A_9 = arith.constant 32 : index
    %get3A_10 = tpu.vector_load %arg5[%get3A_9] {strides = array<i32>} : memref<272xf32, #tpu.memory_space<vmem>>, vector<16xf32>,
    %mul3A_11 = arith.mulf %gather3A_8, %get3A_10 : vector<16xf32>
    %add3A_12 = arith.addf %mul3A_5, %mul3A_11 : vector<16xf32>
    %broadcast_in_dim3A_13 = arith.constant 48 : i32
    %broadcast_in_dim3A_14 = vector.broadcast %broadcast_in_dim3A_13 : i32 to vector<16xi32>
    %gather3A_15 = tpu.vector_load_idx %arg5[%broadcast_in_dim3A_14] : memref<272xf32, #tpu.memory_space<vmem>>[vector<16xi32>], vector<16xf32>,
    %get3A_16 = arith.constant 48 : index
    %get3A_17 = tpu.vector_load %arg5[%get3A_16] {strides = array<i32>} : memref<272xf32, #tpu.memory_space<vmem>>, vector<16xf32>,
    %mul3A_18 = arith.mulf %gather3A_15, %get3A_17 : vector<16xf32>
    %add3A_19 = arith.addf %add3A_12, %mul3A_18 : vector<16xf32>
    %broadcast_in_dim3A_20 = arith.constant 64 : i32
    %broadcast_in_dim3A_21 = vector.broadcast %broadcast_in_dim3A_20 : i32 to vector<16xi32>
    %gather3A_22 = tpu.vector_load_idx %arg5[%broadcast_in_dim3A_21] : memref<272xf32, #tpu.memory_space<vmem>>[vector<16xi32>], vector<16xf32>,
    %get3A_23 = arith.constant 64 : index
    %get3A_24 = tpu.vector_load %arg5[%get3A_23] {strides = array<i32>} : memref<272xf32, #tpu.memory_space<vmem>>, vector<16xf32>,
    %mul3A_25 = arith.mulf %gather3A_22, %get3A_24 : vector<16xf32>
    %add3A_26 = arith.addf %add3A_19, %mul3A_25 : vector<16xf32>
    %broadcast_in_dim3A_27 = arith.constant 80 : i32
    %broadcast_in_dim3A_28 = vector.broadcast %broadcast_in_dim3A_27 : i32 to vector<16xi32>
    %gather3A_29 = tpu.vector_load_idx %arg5[%broadcast_in_dim3A_28] : memref<272xf32, #tpu.memory_space<vmem>>[vector<16xi32>], vector<16xf32>,
    %get3A_30 = arith.constant 80 : index
    %get3A_31 = tpu.vector_load %arg5[%get3A_30] {strides = array<i32>} : memref<272xf32, #tpu.memory_space<vmem>>, vector<16xf32>,
    %mul3A_32 = arith.mulf %gather3A_29, %get3A_31 : vector<16xf32>
    %add3A_33 = arith.addf %add3A_26, %mul3A_32 : vector<16xf32>
    %swap3A = arith.constant 0 : index
    %swap3A_34 = tpu.vector_load %arg6[%swap3A] {strides = array<i32>} : memref<256xf32, #tpu.memory_space<vmem>>, vector<16xf32>,
    tpu.vector_store %arg6[%swap3A], %add3A_33 {strides = array<i32>} : memref<256xf32, #tpu.memory_space<vmem>>, vector<16xf32>,
    %broadcast_in_dim3A_35 = arith.constant 17 : i32
    %broadcast_in_dim3A_36 = vector.broadcast %broadcast_in_dim3A_35 : i32 to vector<16xi32>
    %gather3A_37 = tpu.vector_load_idx %arg5[%broadcast_in_dim3A_36] : memref<272xf32, #tpu.memory_space<vmem>>[vector<16xi32>], vector<16xf32>,
    %get3A_38 = arith.constant 16 : index
    %get3A_39 = tpu.vector_load %arg5[%get3A_38] {strides = array<i32>} : memref<272xf32, #tpu.memory_space<vmem>>, vector<16xf32>,
    %mul3A_40 = arith.mulf %gather3A_37, %get3A_39 : vector<16xf32>
    %broadcast_in_dim3A_41 = arith.constant 33 : i32
    %broadcast_in_dim3A_42 = vector.broadcast %broadcast_in_dim3A_41 : i32 to vector<16xi32>
    %gather3A_43 = tpu.vector_load_idx %arg5[%broadcast_in_dim3A_42] : memref<272xf32, #tpu.memory_space<vmem>>[vector<16xi32>], vector<16xf32>,
    %get3A_44 = arith.constant 32 : index
    %get3A_45 = tpu.vector_load %arg5[%get3A_44] {strides = array<i32>} : memref<272xf32, #tpu.memory_space<vmem>>, vector<16xf32>,
    %mul3A_46 = arith.mulf %gather3A_43, %get3A_45 : vector<16xf32>
    %add3A_47 = arith.addf %mul3A_40, %mul3A_46 : vector<16xf32>
    %broadcast_in_dim3A_48 = arith.constant 49 : i32
    %broadcast_in_dim3A_49 = vector.broadcast %broadcast_in_dim3A_48 : i32 to vector<16xi32>
    %gather3A_50 = tpu.vector_load_idx %arg5[%broadcast_in_dim3A_49] : memref<272xf32, #tpu.memory_space<vmem>>[vector<16xi32>], vector<16xf32>,
    %get3A_51 = arith.constant 48 : index
    %get3A_52 = tpu.vector_load %arg5[%get3A_51] {strides = array<i32>} : memref<272xf32, #tpu.memory_space<vmem>>, vector<16xf32>,
    %mul3A_53 = arith.mulf %gather3A_50, %get3A_52 : vector<16xf32>
    %add3A_54 = arith.addf %add3A_47, %mul3A_53 : vector<16xf32>
    %broadcast_in_dim3A_55 = arith.constant 65 : i32
    %broadcast_in_dim3A_56 = vector.broadcast %broadcast_in_dim3A_55 : i32 to vector<16xi32>
    %gather3A_57 = tpu.vector_load_idx %arg5[%broadcast_in_dim3A_56] : memref<272xf32, #tpu.memory_space<vmem>>[vector<16xi32>], vector<16xf32>,
    %get3A_58 = arith.constant 64 : index
    %get3A_59 = tpu.vector_load %arg5[%get3A_58] {strides = array<i32>} : memref<272xf32, #tpu.memory_space<vmem>>, vector<16xf32>,
    %mul3A_60 = arith.mulf %gather3A_57, %get3A_59 : vector<16xf32>
    %add3A_61 = arith.addf %add3A_54, %mul3A_60 : vector<16xf32>
    %broadcast_in_dim3A_62 = arith.constant 81 : i32
    %broadcast_in_dim3A_63 = vector.broadcast %broadcast_in_dim3A_62 : i32 to vector<16xi32>
    %gather3A_64 = tpu.vector_load_idx %arg5[%broadcast_in_dim3A_63] : memref<272xf32, #tpu.memory_space<vmem>>[vector<16xi32>], vector<16xf32>,
    %get3A_65 = arith.constant 80 : index
    %get3A_66 = tpu.vector_load %arg5[%get3A_65] {strides = array<i32>} : memref<272xf32, #tpu.memory_space<vmem>>, vector<16xf32>,
    %mul3A_67 = arith.mulf %gather3A_64, %get3A_66 : vector<16xf32>
    %add3A_68 = arith.addf %add3A_61, %mul3A_67 : vector<16xf32>
    %swap3A_69 = arith.constant 16 : index
    %swap3A_70 = tpu.vector_load %arg6[%swap3A_69] {strides = array<i32>} : memref<256xf32, #tpu.memory_space<vmem>>, vector<16xf32>,
    tpu.vector_store %arg6[%swap3A_69], %add3A_68 {strides = array<i32>} : memref<256xf32, #tpu.memory_space<vmem>>, vector<16xf32>,
    %broadcast_in_dim3A_71 = arith.constant 18 : i32
    %broadcast_in_dim3A_72 = vector.broadcast %broadcast_in_dim3A_71 : i32 to vector<16xi32>
    %gather3A_73 = tpu.vector_load_idx %arg5[%broadcast_in_dim3A_72] : memref<272xf32, #tpu.memory_space<vmem>>[vector<16xi32>], vector<16xf32>,
    %get3A_74 = arith.constant 16 : index
    %get3A_75 = tpu.vector_load %arg5[%get3A_74] {strides = array<i32>} : memref<272xf32, #tpu.memory_space<vmem>>, vector<16xf32>,
    %mul3A_76 = arith.mulf %gather3A_73, %get3A_75 : vector<16xf32>
    %broadcast_in_dim3A_77 = arith.constant 34 : i32
    %broadcast_in_dim3A_78 = vector.broadcast %broadcast_in_dim3A_77 : i32 to vector<16xi32>
    %gather3A_79 = tpu.vector_load_idx %arg5[%broadcast_in_dim3A_78] : memref<272xf32, #tpu.memory_space<vmem>>[vector<16xi32>], vector<16xf32>,
    %get3A_80 = arith.constant 32 : index
    %get3A_81 = tpu.vector_load %arg5[%get3A_80] {strides = array<i32>} : memref<272xf32, #tpu.memory_space<vmem>>, vector<16xf32>,
    %mul3A_82 = arith.mulf %gather3A_79, %get3A_81 : vector<16xf32>
    %add3A_83 = arith.addf %mul3A_76, %mul3A_82 : vector<16xf32>
    %broadcast_in_dim3A_84 = arith.constant 50 : i32
    %broadcast_in_dim3A_85 = vector.broadcast %broadcast_in_dim3A_84 : i32 to vector<16xi32>
    %gather3A_86 = tpu.vector_load_idx %arg5[%broadcast_in_dim3A_85] : memref<272xf32, #tpu.memory_space<vmem>>[vector<16xi32>], vector<16xf32>,
    %get3A_87 = arith.constant 48 : index
    %get3A_88 = tpu.vector_load %arg5[%get3A_87] {strides = array<i32>} : memref<272xf32, #tpu.memory_space<vmem>>, vector<16xf32>,
    %mul3A_89 = arith.mulf %gather3A_86, %get3A_88 : vector<16xf32>
    %add3A_90 = arith.addf %add3A_83, %mul3A_89 : vector<16xf32>
    %broadcast_in_dim3A_91 = arith.constant 66 : i32
    %broadcast_in_dim3A_92 = vector.broadcast %broadcast_in_dim3A_91 : i32 to vector<16xi32>
    %gather3A_93 = tpu.vector_load_idx %arg5[%broadcast_in_dim3A_92] : memref<272xf32, #tpu.memory_space<vmem>>[vector<16xi32>], vector<16xf32>,
    %get3A_94 = arith.constant 64 : index
    %get3A_95 = tpu.vector_load %arg5[%get3A_94] {strides = array<i32>} : memref<272xf32, #tpu.memory_space<vmem>>, vector<16xf32>,
    %mul3A_96 = arith.mulf %gather3A_93, %get3A_95 : vector<16xf32>
    %add3A_97 = arith.addf %add3A_90, %mul3A_96 : vector<16xf32>
    %broadcast_in_dim3A_98 = arith.constant 82 : i32
    %broadcast_in_dim3A_99 = vector.broadcast %broadcast_in_dim3A_98 : i32 to vector<16xi32>
    %gather3A_100 = tpu.vector_load_idx %arg5[%broadcast_in_dim3A_99] : memref<272xf32, #tpu.memory_space<vmem>>[vector<16xi32>], vector<16xf32>,
    %get3A_101 = arith.constant 80 : index
    %get3A_102 = tpu.vector_load %arg5[%get3A_101] {strides = array<i32>} : memref<272xf32, #tpu.memory_space<vmem>>, vector<16xf32>,
    %mul3A_103 = arith.mulf %gather3A_100, %get3A_102 : vector<16xf32>
    %add3A_104 = arith.addf %add3A_97, %mul3A_103 : vector<16xf32>
    %swap3A_105 = arith.constant 32 : index
    %swap3A_106 = tpu.vector_load %arg6[%swap3A_105] {strides = array<i32>} : memref<256xf32, #tpu.memory_space<vmem>>, vector<16xf32>,
    tpu.vector_store %arg6[%swap3A_105], %add3A_104 {strides = array<i32>} : memref<256xf32, #tpu.memory_space<vmem>>, vector<16xf32>,
    %broadcast_in_dim3A_107 = arith.constant 19 : i32
    %broadcast_in_dim3A_108 = vector.broadcast %broadcast_in_dim3A_107 : i32 to vector<16xi32>
    %gather3A_109 = tpu.vector_load_idx %arg5[%broadcast_in_dim3A_108] : memref<272xf32, #tpu.memory_space<vmem>>[vector<16xi32>], vector<16xf32>,
    %get3A_110 = arith.constant 16 : index
    %get3A_111 = tpu.vector_load %arg5[%get3A_110] {strides = array<i32>} : memref<272xf32, #tpu.memory_space<vmem>>, vector<16xf32>,
    %mul3A_112 = arith.mulf %gather3A_109, %get3A_111 : vector<16xf32>
    %broadcast_in_dim3A_113 = arith.constant 35 : i32
    %broadcast_in_dim3A_114 = vector.broadcast %broadcast_in_dim3A_113 : i32 to vector<16xi32>
    %gather3A_115 = tpu.vector_load_idx %arg5[%broadcast_in_dim3A_114] : memref<272xf32, #tpu.memory_space<vmem>>[vector<16xi32>], vector<16xf32>,
    %get3A_116 = arith.constant 32 : index
    %get3A_117 = tpu.vector_load %arg5[%get3A_116] {strides = array<i32>} : memref<272xf32, #tpu.memory_space<vmem>>, vector<16xf32>,
    %mul3A_118 = arith.mulf %gather3A_115, %get3A_117 : vector<16xf32>
    %add3A_119 = arith.addf %mul3A_112, %mul3A_118 : vector<16xf32>
    %broadcast_in_dim3A_120 = arith.constant 51 : i32
    %broadcast_in_dim3A_121 = vector.broadcast %broadcast_in_dim3A_120 : i32 to vector<16xi32>
    %gather3A_122 = tpu.vector_load_idx %arg5[%broadcast_in_dim3A_121] : memref<272xf32, #tpu.memory_space<vmem>>[vector<16xi32>], vector<16xf32>,
    %get3A_123 = arith.constant 48 : index
    %get3A_124 = tpu.vector_load %arg5[%get3A_123] {strides = array<i32>} : memref<272xf32, #tpu.memory_space<vmem>>, vector<16xf32>,
    %mul3A_125 = arith.mulf %gather3A_122, %get3A_124 : vector<16xf32>
    %add3A_126 = arith.addf %add3A_119, %mul3A_125 : vector<16xf32>
    %broadcast_in_dim3A_127 = arith.constant 67 : i32
    %broadcast_in_dim3A_128 = vector.broadcast %broadcast_in_dim3A_127 : i32 to vector<16xi32>
    %gather3A_129 = tpu.vector_load_idx %arg5[%broadcast_in_dim3A_128] : memref<272xf32, #tpu.memory_space<vmem>>[vector<16xi32>], vector<16xf32>,
    %get3A_130 = arith.constant 64 : index
    %get3A_131 = tpu.vector_load %arg5[%get3A_130] {strides = array<i32>} : memref<272xf32, #tpu.memory_space<vmem>>, vector<16xf32>,
    %mul3A_132 = arith.mulf %gather3A_129, %get3A_131 : vector<16xf32>
    %add3A_133 = arith.addf %add3A_126, %mul3A_132 : vector<16xf32>
    %broadcast_in_dim3A_134 = arith.constant 83 : i32
    %broadcast_in_dim3A_135 = vector.broadcast %broadcast_in_dim3A_134 : i32 to vector<16xi32>
    %gather3A_136 = tpu.vector_load_idx %arg5[%broadcast_in_dim3A_135] : memref<272xf32, #tpu.memory_space<vmem>>[vector<16xi32>], vector<16xf32>,
    %get3A_137 = arith.constant 80 : index
    %get3A_138 = tpu.vector_load %arg5[%get3A_137] {strides = array<i32>} : memref<272xf32, #tpu.memory_space<vmem>>, vector<16xf32>,
    %mul3A_139 = arith.mulf %gather3A_136, %get3A_138 : vector<16xf32>
    %add3A_140 = arith.addf %add3A_133, %mul3A_139 : vector<16xf32>
    %swap3A_141 = arith.constant 48 : index
    %swap3A_142 = tpu.vector_load %arg6[%swap3A_141] {strides = array<i32>} : memref<256xf32, #tpu.memory_space<vmem>>, vector<16xf32>,
    tpu.vector_store %arg6[%swap3A_141], %add3A_140 {strides = array<i32>} : memref<256xf32, #tpu.memory_space<vmem>>, vector<16xf32>,
    %broadcast_in_dim3A_143 = arith.constant 20 : i32
    %broadcast_in_dim3A_144 = vector.broadcast %broadcast_in_dim3A_143 : i32 to vector<16xi32>
    %gather3A_145 = tpu.vector_load_idx %arg5[%broadcast_in_dim3A_144] : memref<272xf32, #tpu.memory_space<vmem>>[vector<16xi32>], vector<16xf32>,
    %get3A_146 = arith.constant 16 : index
    %get3A_147 = tpu.vector_load %arg5[%get3A_146] {strides = array<i32>} : memref<272xf32, #tpu.memory_space<vmem>>, vector<16xf32>,
    %mul3A_148 = arith.mulf %gather3A_145, %get3A_147 : vector<16xf32>
    %broadcast_in_dim3A_149 = arith.constant 36 : i32
    %broadcast_in_dim3A_150 = vector.broadcast %broadcast_in_dim3A_149 : i32 to vector<16xi32>
    %gather3A_151 = tpu.vector_load_idx %arg5[%broadcast_in_dim3A_150] : memref<272xf32, #tpu.memory_space<vmem>>[vector<16xi32>], vector<16xf32>,
    %get3A_152 = arith.constant 32 : index
    %get3A_153 = tpu.vector_load %arg5[%get3A_152] {strides = array<i32>} : memref<272xf32, #tpu.memory_space<vmem>>, vector<16xf32>,
    %mul3A_154 = arith.mulf %gather3A_151, %get3A_153 : vector<16xf32>
    %add3A_155 = arith.addf %mul3A_148, %mul3A_154 : vector<16xf32>
    %broadcast_in_dim3A_156 = arith.constant 52 : i32
    %broadcast_in_dim3A_157 = vector.broadcast %broadcast_in_dim3A_156 : i32 to vector<16xi32>
    %gather3A_158 = tpu.vector_load_idx %arg5[%broadcast_in_dim3A_157] : memref<272xf32, #tpu.memory_space<vmem>>[vector<16xi32>], vector<16xf32>,
    %get3A_159 = arith.constant 48 : index
    %get3A_160 = tpu.vector_load %arg5[%get3A_159] {strides = array<i32>} : memref<272xf32, #tpu.memory_space<vmem>>, vector<16xf32>,
    %mul3A_161 = arith.mulf %gather3A_158, %get3A_160 : vector<16xf32>
    %add3A_162 = arith.addf %add3A_155, %mul3A_161 : vector<16xf32>
    %broadcast_in_dim3A_163 = arith.constant 68 : i32
    %broadcast_in_dim3A_164 = vector.broadcast %broadcast_in_dim3A_163 : i32 to vector<16xi32>
    %gather3A_165 = tpu.vector_load_idx %arg5[%broadcast_in_dim3A_164] : memref<272xf32, #tpu.memory_space<vmem>>[vector<16xi32>], vector<16xf32>,
    %get3A_166 = arith.constant 64 : index
    %get3A_167 = tpu.vector_load %arg5[%get3A_166] {strides = array<i32>} : memref<272xf32, #tpu.memory_space<vmem>>, vector<16xf32>,
    %mul3A_168 = arith.mulf %gather3A_165, %get3A_167 : vector<16xf32>
    %add3A_169 = arith.addf %add3A_162, %mul3A_168 : vector<16xf32>
    %broadcast_in_dim3A_170 = arith.constant 84 : i32
    %broadcast_in_dim3A_171 = vector.broadcast %broadcast_in_dim3A_170 : i32 to vector<16xi32>
    %gather3A_172 = tpu.vector_load_idx %arg5[%broadcast_in_dim3A_171] : memref<272xf32, #tpu.memory_space<vmem>>[vector<16xi32>], vector<16xf32>,
    %get3A_173 = arith.constant 80 : index
    %get3A_174 = tpu.vector_load %arg5[%get3A_173] {strides = array<i32>} : memref<272xf32, #tpu.memory_space<vmem>>, vector<16xf32>,
    %mul3A_175 = arith.mulf %gather3A_172, %get3A_174 : vector<16xf32>
    %add3A_176 = arith.addf %add3A_169, %mul3A_175 : vector<16xf32>
    %swap3A_177 = arith.constant 64 : index
    %swap3A_178 = tpu.vector_load %arg6[%swap3A_177] {strides = array<i32>} : memref<256xf32, #tpu.memory_space<vmem>>, vector<16xf32>,
    tpu.vector_store %arg6[%swap3A_177], %add3A_176 {strides = array<i32>} : memref<256xf32, #tpu.memory_space<vmem>>, vector<16xf32>,
    %broadcast_in_dim3A_179 = arith.constant 21 : i32
    %broadcast_in_dim3A_180 = vector.broadcast %broadcast_in_dim3A_179 : i32 to vector<16xi32>
    %gather3A_181 = tpu.vector_load_idx %arg5[%broadcast_in_dim3A_180] : memref<272xf32, #tpu.memory_space<vmem>>[vector<16xi32>], vector<16xf32>,
    %get3A_182 = arith.constant 16 : index
    %get3A_183 = tpu.vector_load %arg5[%get3A_182] {strides = array<i32>} : memref<272xf32, #tpu.memory_space<vmem>>, vector<16xf32>,
    %mul3A_184 = arith.mulf %gather3A_181, %get3A_183 : vector<16xf32>
    %broadcast_in_dim3A_185 = arith.constant 37 : i32
    %broadcast_in_dim3A_186 = vector.broadcast %broadcast_in_dim3A_185 : i32 to vector<16xi32>
    %gather3A_187 = tpu.vector_load_idx %arg5[%broadcast_in_dim3A_186] : memref<272xf32, #tpu.memory_space<vmem>>[vector<16xi32>], vector<16xf32>,
    %get3A_188 = arith.constant 32 : index
    %get3A_189 = tpu.vector_load %arg5[%get3A_188] {strides = array<i32>} : memref<272xf32, #tpu.memory_space<vmem>>, vector<16xf32>,
    %mul3A_190 = arith.mulf %gather3A_187, %get3A_189 : vector<16xf32>
    %add3A_191 = arith.addf %mul3A_184, %mul3A_190 : vector<16xf32>
    %broadcast_in_dim3A_192 = arith.constant 53 : i32
    %broadcast_in_dim3A_193 = vector.broadcast %broadcast_in_dim3A_192 : i32 to vector<16xi32>
    %gather3A_194 = tpu.vector_load_idx %arg5[%broadcast_in_dim3A_193] : memref<272xf32, #tpu.memory_space<vmem>>[vector<16xi32>], vector<16xf32>,
    %get3A_195 = arith.constant 48 : index
    %get3A_196 = tpu.vector_load %arg5[%get3A_195] {strides = array<i32>} : memref<272xf32, #tpu.memory_space<vmem>>, vector<16xf32>,
    %mul3A_197 = arith.mulf %gather3A_194, %get3A_196 : vector<16xf32>
    %add3A_198 = arith.addf %add3A_191, %mul3A_197 : vector<16xf32>
    %broadcast_in_dim3A_199 = arith.constant 69 : i32
    %broadcast_in_dim3A_200 = vector.broadcast %broadcast_in_dim3A_199 : i32 to vector<16xi32>
    %gather3A_201 = tpu.vector_load_idx %arg5[%broadcast_in_dim3A_200] : memref<272xf32, #tpu.memory_space<vmem>>[vector<16xi32>], vector<16xf32>,
    %get3A_202 = arith.constant 64 : index
    %get3A_203 = tpu.vector_load %arg5[%get3A_202] {strides = array<i32>} : memref<272xf32, #tpu.memory_space<vmem>>, vector<16xf32>,
    %mul3A_204 = arith.mulf %gather3A_201, %get3A_203 : vector<16xf32>
    %add3A_205 = arith.addf %add3A_198, %mul3A_204 : vector<16xf32>
    %broadcast_in_dim3A_206 = arith.constant 85 : i32
    %broadcast_in_dim3A_207 = vector.broadcast %broadcast_in_dim3A_206 : i32 to vector<16xi32>
    %gather3A_208 = tpu.vector_load_idx %arg5[%broadcast_in_dim3A_207] : memref<272xf32, #tpu.memory_space<vmem>>[vector<16xi32>], vector<16xf32>,
    %get3A_209 = arith.constant 80 : index
    %get3A_210 = tpu.vector_load %arg5[%get3A_209] {strides = array<i32>} : memref<272xf32, #tpu.memory_space<vmem>>, vector<16xf32>,
    %mul3A_211 = arith.mulf %gather3A_208, %get3A_210 : vector<16xf32>
    %add3A_212 = arith.addf %add3A_205, %mul3A_211 : vector<16xf32>
    %swap3A_213 = arith.constant 80 : index
    %swap3A_214 = tpu.vector_load %arg6[%swap3A_213] {strides = array<i32>} : memref<256xf32, #tpu.memory_space<vmem>>, vector<16xf32>,
    tpu.vector_store %arg6[%swap3A_213], %add3A_212 {strides = array<i32>} : memref<256xf32, #tpu.memory_space<vmem>>, vector<16xf32>,
    %broadcast_in_dim3A_215 = arith.constant 22 : i32
    %broadcast_in_dim3A_216 = vector.broadcast %broadcast_in_dim3A_215 : i32 to vector<16xi32>
    %gather3A_217 = tpu.vector_load_idx %arg5[%broadcast_in_dim3A_216] : memref<272xf32, #tpu.memory_space<vmem>>[vector<16xi32>], vector<16xf32>,
    %get3A_218 = arith.constant 16 : index
    %get3A_219 = tpu.vector_load %arg5[%get3A_218] {strides = array<i32>} : memref<272xf32, #tpu.memory_space<vmem>>, vector<16xf32>,
    %mul3A_220 = arith.mulf %gather3A_217, %get3A_219 : vector<16xf32>
    %broadcast_in_dim3A_221 = arith.constant 38 : i32
    %broadcast_in_dim3A_222 = vector.broadcast %broadcast_in_dim3A_221 : i32 to vector<16xi32>
    %gather3A_223 = tpu.vector_load_idx %arg5[%broadcast_in_dim3A_222] : memref<272xf32, #tpu.memory_space<vmem>>[vector<16xi32>], vector<16xf32>,
    %get3A_224 = arith.constant 32 : index
    %get3A_225 = tpu.vector_load %arg5[%get3A_224] {strides = array<i32>} : memref<272xf32, #tpu.memory_space<vmem>>, vector<16xf32>,
    %mul3A_226 = arith.mulf %gather3A_223, %get3A_225 : vector<16xf32>
    %add3A_227 = arith.addf %mul3A_220, %mul3A_226 : vector<16xf32>
    %broadcast_in_dim3A_228 = arith.constant 54 : i32
    %broadcast_in_dim3A_229 = vector.broadcast %broadcast_in_dim3A_228 : i32 to vector<16xi32>
    %gather3A_230 = tpu.vector_load_idx %arg5[%broadcast_in_dim3A_229] : memref<272xf32, #tpu.memory_space<vmem>>[vector<16xi32>], vector<16xf32>,
    %get3A_231 = arith.constant 48 : index
    %get3A_232 = tpu.vector_load %arg5[%get3A_231] {strides = array<i32>} : memref<272xf32, #tpu.memory_space<vmem>>, vector<16xf32>,
    %mul3A_233 = arith.mulf %gather3A_230, %get3A_232 : vector<16xf32>
    %add3A_234 = arith.addf %add3A_227, %mul3A_233 : vector<16xf32>
    %broadcast_in_dim3A_235 = arith.constant 70 : i32
    %broadcast_in_dim3A_236 = vector.broadcast %broadcast_in_dim3A_235 : i32 to vector<16xi32>
    %gather3A_237 = tpu.vector_load_idx %arg5[%broadcast_in_dim3A_236] : memref<272xf32, #tpu.memory_space<vmem>>[vector<16xi32>], vector<16xf32>,
    %get3A_238 = arith.constant 64 : index
    %get3A_239 = tpu.vector_load %arg5[%get3A_238] {strides = array<i32>} : memref<272xf32, #tpu.memory_space<vmem>>, vector<16xf32>,
    %mul3A_240 = arith.mulf %gather3A_237, %get3A_239 : vector<16xf32>
    %add3A_241 = arith.addf %add3A_234, %mul3A_240 : vector<16xf32>
    %broadcast_in_dim3A_242 = arith.constant 86 : i32
    %broadcast_in_dim3A_243 = vector.broadcast %broadcast_in_dim3A_242 : i32 to vector<16xi32>
    %gather3A_244 = tpu.vector_load_idx %arg5[%broadcast_in_dim3A_243] : memref<272xf32, #tpu.memory_space<vmem>>[vector<16xi32>], vector<16xf32>,
    %get3A_245 = arith.constant 80 : index
    %get3A_246 = tpu.vector_load %arg5[%get3A_245] {strides = array<i32>} : memref<272xf32, #tpu.memory_space<vmem>>, vector<16xf32>,
    %mul3A_247 = arith.mulf %gather3A_244, %get3A_246 : vector<16xf32>
    %add3A_248 = arith.addf %add3A_241, %mul3A_247 : vector<16xf32>
    %swap3A_249 = arith.constant 96 : index
    %swap3A_250 = tpu.vector_load %arg6[%swap3A_249] {strides = array<i32>} : memref<256xf32, #tpu.memory_space<vmem>>, vector<16xf32>,
    tpu.vector_store %arg6[%swap3A_249], %add3A_248 {strides = array<i32>} : memref<256xf32, #tpu.memory_space<vmem>>, vector<16xf32>,
    %broadcast_in_dim3A_251 = arith.constant 23 : i32
    %broadcast_in_dim3A_252 = vector.broadcast %broadcast_in_dim3A_251 : i32 to vector<16xi32>
    %gather3A_253 = tpu.vector_load_idx %arg5[%broadcast_in_dim3A_252] : memref<272xf32, #tpu.memory_space<vmem>>[vector<16xi32>], vector<16xf32>,
    %get3A_254 = arith.constant 16 : index
    %get3A_255 = tpu.vector_load %arg5[%get3A_254] {strides = array<i32>} : memref<272xf32, #tpu.memory_space<vmem>>, vector<16xf32>,
    %mul3A_256 = arith.mulf %gather3A_253, %get3A_255 : vector<16xf32>
    %broadcast_in_dim3A_257 = arith.constant 39 : i32
    %broadcast_in_dim3A_258 = vector.broadcast %broadcast_in_dim3A_257 : i32 to vector<16xi32>
    %gather3A_259 = tpu.vector_load_idx %arg5[%broadcast_in_dim3A_258] : memref<272xf32, #tpu.memory_space<vmem>>[vector<16xi32>], vector<16xf32>,
    %get3A_260 = arith.constant 32 : index
    %get3A_261 = tpu.vector_load %arg5[%get3A_260] {strides = array<i32>} : memref<272xf32, #tpu.memory_space<vmem>>, vector<16xf32>,
    %mul3A_262 = arith.mulf %gather3A_259, %get3A_261 : vector<16xf32>
    %add3A_263 = arith.addf %mul3A_256, %mul3A_262 : vector<16xf32>
    %broadcast_in_dim3A_264 = arith.constant 55 : i32
    %broadcast_in_dim3A_265 = vector.broadcast %broadcast_in_dim3A_264 : i32 to vector<16xi32>
    %gather3A_266 = tpu.vector_load_idx %arg5[%broadcast_in_dim3A_265] : memref<272xf32, #tpu.memory_space<vmem>>[vector<16xi32>], vector<16xf32>,
    %get3A_267 = arith.constant 48 : index
    %get3A_268 = tpu.vector_load %arg5[%get3A_267] {strides = array<i32>} : memref<272xf32, #tpu.memory_space<vmem>>, vector<16xf32>,
    %mul3A_269 = arith.mulf %gather3A_266, %get3A_268 : vector<16xf32>
    %add3A_270 = arith.addf %add3A_263, %mul3A_269 : vector<16xf32>
    %broadcast_in_dim3A_271 = arith.constant 71 : i32
    %broadcast_in_dim3A_272 = vector.broadcast %broadcast_in_dim3A_271 : i32 to vector<16xi32>
    %gather3A_273 = tpu.vector_load_idx %arg5[%broadcast_in_dim3A_272] : memref<272xf32, #tpu.memory_space<vmem>>[vector<16xi32>], vector<16xf32>,
    %get3A_274 = arith.constant 64 : index
    %get3A_275 = tpu.vector_load %arg5[%get3A_274] {strides = array<i32>} : memref<272xf32, #tpu.memory_space<vmem>>, vector<16xf32>,
    %mul3A_276 = arith.mulf %gather3A_273, %get3A_275 : vector<16xf32>
    %add3A_277 = arith.addf %add3A_270, %mul3A_276 : vector<16xf32>
    %broadcast_in_dim3A_278 = arith.constant 87 : i32
    %broadcast_in_dim3A_279 = vector.broadcast %broadcast_in_dim3A_278 : i32 to vector<16xi32>
    %gather3A_280 = tpu.vector_load_idx %arg5[%broadcast_in_dim3A_279] : memref<272xf32, #tpu.memory_space<vmem>>[vector<16xi32>], vector<16xf32>,
    %get3A_281 = arith.constant 80 : index
    %get3A_282 = tpu.vector_load %arg5[%get3A_281] {strides = array<i32>} : memref<272xf32, #tpu.memory_space<vmem>>, vector<16xf32>,
    %mul3A_283 = arith.mulf %gather3A_280, %get3A_282 : vector<16xf32>
    %add3A_284 = arith.addf %add3A_277, %mul3A_283 : vector<16xf32>
    %swap3A_285 = arith.constant 112 : index
    %swap3A_286 = tpu.vector_load %arg6[%swap3A_285] {strides = array<i32>} : memref<256xf32, #tpu.memory_space<vmem>>, vector<16xf32>,
    tpu.vector_store %arg6[%swap3A_285], %add3A_284 {strides = array<i32>} : memref<256xf32, #tpu.memory_space<vmem>>, vector<16xf32>,
    %broadcast_in_dim3A_287 = arith.constant 24 : i32
    %broadcast_in_dim3A_288 = vector.broadcast %broadcast_in_dim3A_287 : i32 to vector<16xi32>
    %gather3A_289 = tpu.vector_load_idx %arg5[%broadcast_in_dim3A_288] : memref<272xf32, #tpu.memory_space<vmem>>[vector<16xi32>], vector<16xf32>,
    %get3A_290 = arith.constant 16 : index
    %get3A_291 = tpu.vector_load %arg5[%get3A_290] {strides = array<i32>} : memref<272xf32, #tpu.memory_space<vmem>>, vector<16xf32>,
    %mul3A_292 = arith.mulf %gather3A_289, %get3A_291 : vector<16xf32>
    %broadcast_in_dim3A_293 = arith.constant 40 : i32
    %broadcast_in_dim3A_294 = vector.broadcast %broadcast_in_dim3A_293 : i32 to vector<16xi32>
    %gather3A_295 = tpu.vector_load_idx %arg5[%broadcast_in_dim3A_294] : memref<272xf32, #tpu.memory_space<vmem>>[vector<16xi32>], vector<16xf32>,
    %get3A_296 = arith.constant 32 : index
    %get3A_297 = tpu.vector_load %arg5[%get3A_296] {strides = array<i32>} : memref<272xf32, #tpu.memory_space<vmem>>, vector<16xf32>,
    %mul3A_298 = arith.mulf %gather3A_295, %get3A_297 : vector<16xf32>
    %add3A_299 = arith.addf %mul3A_292, %mul3A_298 : vector<16xf32>
    %broadcast_in_dim3A_300 = arith.constant 56 : i32
    %broadcast_in_dim3A_301 = vector.broadcast %broadcast_in_dim3A_300 : i32 to vector<16xi32>
    %gather3A_302 = tpu.vector_load_idx %arg5[%broadcast_in_dim3A_301] : memref<272xf32, #tpu.memory_space<vmem>>[vector<16xi32>], vector<16xf32>,
    %get3A_303 = arith.constant 48 : index
    %get3A_304 = tpu.vector_load %arg5[%get3A_303] {strides = array<i32>} : memref<272xf32, #tpu.memory_space<vmem>>, vector<16xf32>,
    %mul3A_305 = arith.mulf %gather3A_302, %get3A_304 : vector<16xf32>
    %add3A_306 = arith.addf %add3A_299, %mul3A_305 : vector<16xf32>
    %broadcast_in_dim3A_307 = arith.constant 72 : i32
    %broadcast_in_dim3A_308 = vector.broadcast %broadcast_in_dim3A_307 : i32 to vector<16xi32>
    %gather3A_309 = tpu.vector_load_idx %arg5[%broadcast_in_dim3A_308] : memref<272xf32, #tpu.memory_space<vmem>>[vector<16xi32>], vector<16xf32>,
    %get3A_310 = arith.constant 64 : index
    %get3A_311 = tpu.vector_load %arg5[%get3A_310] {strides = array<i32>} : memref<272xf32, #tpu.memory_space<vmem>>, vector<16xf32>,
    %mul3A_312 = arith.mulf %gather3A_309, %get3A_311 : vector<16xf32>
    %add3A_313 = arith.addf %add3A_306, %mul3A_312 : vector<16xf32>
    %broadcast_in_dim3A_314 = arith.constant 88 : i32
    %broadcast_in_dim3A_315 = vector.broadcast %broadcast_in_dim3A_314 : i32 to vector<16xi32>
    %gather3A_316 = tpu.vector_load_idx %arg5[%broadcast_in_dim3A_315] : memref<272xf32, #tpu.memory_space<vmem>>[vector<16xi32>], vector<16xf32>,
    %get3A_317 = arith.constant 80 : index
    %get3A_318 = tpu.vector_load %arg5[%get3A_317] {strides = array<i32>} : memref<272xf32, #tpu.memory_space<vmem>>, vector<16xf32>,
    %mul3A_319 = arith.mulf %gather3A_316, %get3A_318 : vector<16xf32>
    %add3A_320 = arith.addf %add3A_313, %mul3A_319 : vector<16xf32>
    %swap3A_321 = arith.constant 128 : index
    %swap3A_322 = tpu.vector_load %arg6[%swap3A_321] {strides = array<i32>} : memref<256xf32, #tpu.memory_space<vmem>>, vector<16xf32>,
    tpu.vector_store %arg6[%swap3A_321], %add3A_320 {strides = array<i32>} : memref<256xf32, #tpu.memory_space<vmem>>, vector<16xf32>,
    %broadcast_in_dim3A_323 = arith.constant 25 : i32
    %broadcast_in_dim3A_324 = vector.broadcast %broadcast_in_dim3A_323 : i32 to vector<16xi32>
    %gather3A_325 = tpu.vector_load_idx %arg5[%broadcast_in_dim3A_324] : memref<272xf32, #tpu.memory_space<vmem>>[vector<16xi32>], vector<16xf32>,
    %get3A_326 = arith.constant 16 : index
    %get3A_327 = tpu.vector_load %arg5[%get3A_326] {strides = array<i32>} : memref<272xf32, #tpu.memory_space<vmem>>, vector<16xf32>,
    %mul3A_328 = arith.mulf %gather3A_325, %get3A_327 : vector<16xf32>
    %broadcast_in_dim3A_329 = arith.constant 41 : i32
    %broadcast_in_dim3A_330 = vector.broadcast %broadcast_in_dim3A_329 : i32 to vector<16xi32>
    %gather3A_331 = tpu.vector_load_idx %arg5[%broadcast_in_dim3A_330] : memref<272xf32, #tpu.memory_space<vmem>>[vector<16xi32>], vector<16xf32>,
    %get3A_332 = arith.constant 32 : index
    %get3A_333 = tpu.vector_load %arg5[%get3A_332] {strides = array<i32>} : memref<272xf32, #tpu.memory_space<vmem>>, vector<16xf32>,
    %mul3A_334 = arith.mulf %gather3A_331, %get3A_333 : vector<16xf32>
    %add3A_335 = arith.addf %mul3A_328, %mul3A_334 : vector<16xf32>
    %broadcast_in_dim3A_336 = arith.constant 57 : i32
    %broadcast_in_dim3A_337 = vector.broadcast %broadcast_in_dim3A_336 : i32 to vector<16xi32>
    %gather3A_338 = tpu.vector_load_idx %arg5[%broadcast_in_dim3A_337] : memref<272xf32, #tpu.memory_space<vmem>>[vector<16xi32>], vector<16xf32>,
    %get3A_339 = arith.constant 48 : index
    %get3A_340 = tpu.vector_load %arg5[%get3A_339] {strides = array<i32>} : memref<272xf32, #tpu.memory_space<vmem>>, vector<16xf32>,
    %mul3A_341 = arith.mulf %gather3A_338, %get3A_340 : vector<16xf32>
    %add3A_342 = arith.addf %add3A_335, %mul3A_341 : vector<16xf32>
    %broadcast_in_dim3A_343 = arith.constant 73 : i32
    %broadcast_in_dim3A_344 = vector.broadcast %broadcast_in_dim3A_343 : i32 to vector<16xi32>
    %gather3A_345 = tpu.vector_load_idx %arg5[%broadcast_in_dim3A_344] : memref<272xf32, #tpu.memory_space<vmem>>[vector<16xi32>], vector<16xf32>,
    %get3A_346 = arith.constant 64 : index
    %get3A_347 = tpu.vector_load %arg5[%get3A_346] {strides = array<i32>} : memref<272xf32, #tpu.memory_space<vmem>>, vector<16xf32>,
    %mul3A_348 = arith.mulf %gather3A_345, %get3A_347 : vector<16xf32>
    %add3A_349 = arith.addf %add3A_342, %mul3A_348 : vector<16xf32>
    %broadcast_in_dim3A_350 = arith.constant 89 : i32
    %broadcast_in_dim3A_351 = vector.broadcast %broadcast_in_dim3A_350 : i32 to vector<16xi32>
    %gather3A_352 = tpu.vector_load_idx %arg5[%broadcast_in_dim3A_351] : memref<272xf32, #tpu.memory_space<vmem>>[vector<16xi32>], vector<16xf32>,
    %get3A_353 = arith.constant 80 : index
    %get3A_354 = tpu.vector_load %arg5[%get3A_353] {strides = array<i32>} : memref<272xf32, #tpu.memory_space<vmem>>, vector<16xf32>,
    %mul3A_355 = arith.mulf %gather3A_352, %get3A_354 : vector<16xf32>
    %add3A_356 = arith.addf %add3A_349, %mul3A_355 : vector<16xf32>
    %swap3A_357 = arith.constant 144 : index
    %swap3A_358 = tpu.vector_load %arg6[%swap3A_357] {strides = array<i32>} : memref<256xf32, #tpu.memory_space<vmem>>, vector<16xf32>,
    tpu.vector_store %arg6[%swap3A_357], %add3A_356 {strides = array<i32>} : memref<256xf32, #tpu.memory_space<vmem>>, vector<16xf32>,
    %iota3A = tpu.iota {dimensions = array<i32: 0>} : vector<16xi32>
    %add3A_359 = arith.constant 0 : i32
    %add3A_360 = vector.broadcast %add3A_359 : i32 to vector<16xi32>
    %add3A_361 = arith.addi %iota3A, %add3A_360 : vector<16xi32>
    %jit3A = arith.constant 10 : i32
    %div3A = vector.broadcast %jit3A : i32 to vector<16xi32>
    %div3A_362 = arith.divsi %add3A_361, %div3A : vector<16xi32>
    %sign3A = arith.constant 0 : i32
    %sign3A_363 = vector.broadcast %sign3A : i32 to vector<16xi32>
    %sign3A_364 = arith.cmpi sgt, %add3A_361, %sign3A_363 : vector<16xi32>
    %sign3A_365 = arith.extui %sign3A_364 : vector<16xi1> to vector<16xi32>
    %sign3A_366 = arith.constant 0 : i32
    %sign3A_367 = vector.broadcast %sign3A_366 : i32 to vector<16xi32>
    %sign3A_368 = arith.cmpi slt, %add3A_361, %sign3A_367 : vector<16xi32>
    %sign3A_369 = arith.extui %sign3A_368 : vector<16xi1> to vector<16xi32>
    %sign3A_370 = arith.subi %sign3A_365, %sign3A_369 : vector<16xi32>
    %sign3A_371 = arith.constant 0 : i32
    %sign3A_372 = arith.cmpi sgt, %jit3A, %sign3A_371 : i32
    %sign3A_373 = arith.extui %sign3A_372 : i1 to i32
    %sign3A_374 = arith.constant 0 : i32
    %sign3A_375 = arith.cmpi slt, %jit3A, %sign3A_374 : i32
    %sign3A_376 = arith.extui %sign3A_375 : i1 to i32
    %sign3A_377 = arith.subi %sign3A_373, %sign3A_376 : i32
    %ne3A = vector.broadcast %sign3A_377 : i32 to vector<16xi32>
    %ne3A_378 = arith.cmpi ne, %sign3A_370, %ne3A : vector<16xi32>
    %rem3A = vector.broadcast %jit3A : i32 to vector<16xi32>
    %rem3A_379 = arith.remsi %add3A_361, %rem3A : vector<16xi32>
    %ne3A_380 = arith.constant 0 : i32
    %ne3A_381 = vector.broadcast %ne3A_380 : i32 to vector<16xi32>
    %ne3A_382 = arith.cmpi ne, %rem3A_379, %ne3A_381 : vector<16xi32>
    %and3A = arith.andi %ne3A_378, %ne3A_382 : vector<16xi1>
    %sub3A = arith.constant 1 : i32
    %sub3A_383 = vector.broadcast %sub3A : i32 to vector<16xi32>
    %sub3A_384 = arith.subi %div3A_362, %sub3A_383 : vector<16xi32>
    %select_n3A = arith.select %and3A, %sub3A_384, %div3A_362 : vector<16xi1>, vector<16xi32>
    %mul3A_385 = arith.constant 10 : i32
    %mul3A_386 = vector.broadcast %mul3A_385 : i32 to vector<16xi32>
    %mul3A_387 = arith.muli %select_n3A, %mul3A_386 : vector<16xi32>
    %sub3A_388 = arith.subi %add3A_361, %mul3A_387 : vector<16xi32>
    %add3A_389 = arith.constant 16 : i32
    %add3A_390 = vector.broadcast %add3A_389 : i32 to vector<16xi32>
    %add3A_391 = arith.addi %iota3A, %add3A_390 : vector<16xi32>
    %jit3A_392 = arith.constant 10 : i32
    %div3A_393 = vector.broadcast %jit3A_392 : i32 to vector<16xi32>
    %div3A_394 = arith.divsi %add3A_391, %div3A_393 : vector<16xi32>
    %sign3A_395 = arith.constant 0 : i32
    %sign3A_396 = vector.broadcast %sign3A_395 : i32 to vector<16xi32>
    %sign3A_397 = arith.cmpi sgt, %add3A_391, %sign3A_396 : vector<16xi32>
    %sign3A_398 = arith.extui %sign3A_397 : vector<16xi1> to vector<16xi32>
    %sign3A_399 = arith.constant 0 : i32
    %sign3A_400 = vector.broadcast %sign3A_399 : i32 to vector<16xi32>
    %sign3A_401 = arith.cmpi slt, %add3A_391, %sign3A_400 : vector<16xi32>
    %sign3A_402 = arith.extui %sign3A_401 : vector<16xi1> to vector<16xi32>
    %sign3A_403 = arith.subi %sign3A_398, %sign3A_402 : vector<16xi32>
    %sign3A_404 = arith.constant 0 : i32
    %sign3A_405 = arith.cmpi sgt, %jit3A_392, %sign3A_404 : i32
    %sign3A_406 = arith.extui %sign3A_405 : i1 to i32
    %sign3A_407 = arith.constant 0 : i32
    %sign3A_408 = arith.cmpi slt, %jit3A_392, %sign3A_407 : i32
    %sign3A_409 = arith.extui %sign3A_408 : i1 to i32
    %sign3A_410 = arith.subi %sign3A_406, %sign3A_409 : i32
    %ne3A_411 = vector.broadcast %sign3A_410 : i32 to vector<16xi32>
    %ne3A_412 = arith.cmpi ne, %sign3A_403, %ne3A_411 : vector<16xi32>
    %rem3A_413 = vector.broadcast %jit3A_392 : i32 to vector<16xi32>
    %rem3A_414 = arith.remsi %add3A_391, %rem3A_413 : vector<16xi32>
    %ne3A_415 = arith.constant 0 : i32
    %ne3A_416 = vector.broadcast %ne3A_415 : i32 to vector<16xi32>
    %ne3A_417 = arith.cmpi ne, %rem3A_414, %ne3A_416 : vector<16xi32>
    %and3A_418 = arith.andi %ne3A_412, %ne3A_417 : vector<16xi1>
    %sub3A_419 = arith.constant 1 : i32
    %sub3A_420 = vector.broadcast %sub3A_419 : i32 to vector<16xi32>
    %sub3A_421 = arith.subi %div3A_394, %sub3A_420 : vector<16xi32>
    %select_n3A_422 = arith.select %and3A_418, %sub3A_421, %div3A_394 : vector<16xi1>, vector<16xi32>
    %mul3A_423 = arith.constant 10 : i32
    %mul3A_424 = vector.broadcast %mul3A_423 : i32 to vector<16xi32>
    %mul3A_425 = arith.muli %select_n3A_422, %mul3A_424 : vector<16xi32>
    %sub3A_426 = arith.subi %add3A_391, %mul3A_425 : vector<16xi32>
    %add3A_427 = arith.constant 32 : i32
    %add3A_428 = vector.broadcast %add3A_427 : i32 to vector<16xi32>
    %add3A_429 = arith.addi %iota3A, %add3A_428 : vector<16xi32>
    %jit3A_430 = arith.constant 10 : i32
    %div3A_431 = vector.broadcast %jit3A_430 : i32 to vector<16xi32>
    %div3A_432 = arith.divsi %add3A_429, %div3A_431 : vector<16xi32>
    %sign3A_433 = arith.constant 0 : i32
    %sign3A_434 = vector.broadcast %sign3A_433 : i32 to vector<16xi32>
    %sign3A_435 = arith.cmpi sgt, %add3A_429, %sign3A_434 : vector<16xi32>
    %sign3A_436 = arith.extui %sign3A_435 : vector<16xi1> to vector<16xi32>
    %sign3A_437 = arith.constant 0 : i32
    %sign3A_438 = vector.broadcast %sign3A_437 : i32 to vector<16xi32>
    %sign3A_439 = arith.cmpi slt, %add3A_429, %sign3A_438 : vector<16xi32>
    %sign3A_440 = arith.extui %sign3A_439 : vector<16xi1> to vector<16xi32>
    %sign3A_441 = arith.subi %sign3A_436, %sign3A_440 : vector<16xi32>
    %sign3A_442 = arith.constant 0 : i32
    %sign3A_443 = arith.cmpi sgt, %jit3A_430, %sign3A_442 : i32
    %sign3A_444 = arith.extui %sign3A_443 : i1 to i32
    %sign3A_445 = arith.constant 0 : i32
    %sign3A_446 = arith.cmpi slt, %jit3A_430, %sign3A_445 : i32
    %sign3A_447 = arith.extui %sign3A_446 : i1 to i32
    %sign3A_448 = arith.subi %sign3A_444, %sign3A_447 : i32
    %ne3A_449 = vector.broadcast %sign3A_448 : i32 to vector<16xi32>
    %ne3A_450 = arith.cmpi ne, %sign3A_441, %ne3A_449 : vector<16xi32>
    %rem3A_451 = vector.broadcast %jit3A_430 : i32 to vector<16xi32>
    %rem3A_452 = arith.remsi %add3A_429, %rem3A_451 : vector<16xi32>
    %ne3A_453 = arith.constant 0 : i32
    %ne3A_454 = vector.broadcast %ne3A_453 : i32 to vector<16xi32>
    %ne3A_455 = arith.cmpi ne, %rem3A_452, %ne3A_454 : vector<16xi32>
    %and3A_456 = arith.andi %ne3A_450, %ne3A_455 : vector<16xi1>
    %sub3A_457 = arith.constant 1 : i32
    %sub3A_458 = vector.broadcast %sub3A_457 : i32 to vector<16xi32>
    %sub3A_459 = arith.subi %div3A_432, %sub3A_458 : vector<16xi32>
    %select_n3A_460 = arith.select %and3A_456, %sub3A_459, %div3A_432 : vector<16xi1>, vector<16xi32>
    %mul3A_461 = arith.constant 10 : i32
    %mul3A_462 = vector.broadcast %mul3A_461 : i32 to vector<16xi32>
    %mul3A_463 = arith.muli %select_n3A_460, %mul3A_462 : vector<16xi32>
    %sub3A_464 = arith.subi %add3A_429, %mul3A_463 : vector<16xi32>
    %add3A_465 = arith.constant 48 : i32
    %add3A_466 = vector.broadcast %add3A_465 : i32 to vector<16xi32>
    %add3A_467 = arith.addi %iota3A, %add3A_466 : vector<16xi32>
    %jit3A_468 = arith.constant 10 : i32
    %div3A_469 = vector.broadcast %jit3A_468 : i32 to vector<16xi32>
    %div3A_470 = arith.divsi %add3A_467, %div3A_469 : vector<16xi32>
    %sign3A_471 = arith.constant 0 : i32
    %sign3A_472 = vector.broadcast %sign3A_471 : i32 to vector<16xi32>
    %sign3A_473 = arith.cmpi sgt, %add3A_467, %sign3A_472 : vector<16xi32>
    %sign3A_474 = arith.extui %sign3A_473 : vector<16xi1> to vector<16xi32>
    %sign3A_475 = arith.constant 0 : i32
    %sign3A_476 = vector.broadcast %sign3A_475 : i32 to vector<16xi32>
    %sign3A_477 = arith.cmpi slt, %add3A_467, %sign3A_476 : vector<16xi32>
    %sign3A_478 = arith.extui %sign3A_477 : vector<16xi1> to vector<16xi32>
    %sign3A_479 = arith.subi %sign3A_474, %sign3A_478 : vector<16xi32>
    %sign3A_480 = arith.constant 0 : i32
    %sign3A_481 = arith.cmpi sgt, %jit3A_468, %sign3A_480 : i32
    %sign3A_482 = arith.extui %sign3A_481 : i1 to i32
    %sign3A_483 = arith.constant 0 : i32
    %sign3A_484 = arith.cmpi slt, %jit3A_468, %sign3A_483 : i32
    %sign3A_485 = arith.extui %sign3A_484 : i1 to i32
    %sign3A_486 = arith.subi %sign3A_482, %sign3A_485 : i32
    %ne3A_487 = vector.broadcast %sign3A_486 : i32 to vector<16xi32>
    %ne3A_488 = arith.cmpi ne, %sign3A_479, %ne3A_487 : vector<16xi32>
    %rem3A_489 = vector.broadcast %jit3A_468 : i32 to vector<16xi32>
    %rem3A_490 = arith.remsi %add3A_467, %rem3A_489 : vector<16xi32>
    %ne3A_491 = arith.constant 0 : i32
    %ne3A_492 = vector.broadcast %ne3A_491 : i32 to vector<16xi32>
    %ne3A_493 = arith.cmpi ne, %rem3A_490, %ne3A_492 : vector<16xi32>
    %and3A_494 = arith.andi %ne3A_488, %ne3A_493 : vector<16xi1>
    %sub3A_495 = arith.constant 1 : i32
    %sub3A_496 = vector.broadcast %sub3A_495 : i32 to vector<16xi32>
    %sub3A_497 = arith.subi %div3A_470, %sub3A_496 : vector<16xi32>
    %select_n3A_498 = arith.select %and3A_494, %sub3A_497, %div3A_470 : vector<16xi1>, vector<16xi32>
    %mul3A_499 = arith.constant 10 : i32
    %mul3A_500 = vector.broadcast %mul3A_499 : i32 to vector<16xi32>
    %mul3A_501 = arith.muli %select_n3A_498, %mul3A_500 : vector<16xi32>
    %sub3A_502 = arith.subi %add3A_467, %mul3A_501 : vector<16xi32>
    %add3A_503 = arith.constant 64 : i32
    %add3A_504 = vector.broadcast %add3A_503 : i32 to vector<16xi32>
    %add3A_505 = arith.addi %iota3A, %add3A_504 : vector<16xi32>
    %jit3A_506 = arith.constant 10 : i32
    %div3A_507 = vector.broadcast %jit3A_506 : i32 to vector<16xi32>
    %div3A_508 = arith.divsi %add3A_505, %div3A_507 : vector<16xi32>
    %sign3A_509 = arith.constant 0 : i32
    %sign3A_510 = vector.broadcast %sign3A_509 : i32 to vector<16xi32>
    %sign3A_511 = arith.cmpi sgt, %add3A_505, %sign3A_510 : vector<16xi32>
    %sign3A_512 = arith.extui %sign3A_511 : vector<16xi1> to vector<16xi32>
    %sign3A_513 = arith.constant 0 : i32
    %sign3A_514 = vector.broadcast %sign3A_513 : i32 to vector<16xi32>
    %sign3A_515 = arith.cmpi slt, %add3A_505, %sign3A_514 : vector<16xi32>
    %sign3A_516 = arith.extui %sign3A_515 : vector<16xi1> to vector<16xi32>
    %sign3A_517 = arith.subi %sign3A_512, %sign3A_516 : vector<16xi32>
    %sign3A_518 = arith.constant 0 : i32
    %sign3A_519 = arith.cmpi sgt, %jit3A_506, %sign3A_518 : i32
    %sign3A_520 = arith.extui %sign3A_519 : i1 to i32
    %sign3A_521 = arith.constant 0 : i32
    %sign3A_522 = arith.cmpi slt, %jit3A_506, %sign3A_521 : i32
    %sign3A_523 = arith.extui %sign3A_522 : i1 to i32
    %sign3A_524 = arith.subi %sign3A_520, %sign3A_523 : i32
    %ne3A_525 = vector.broadcast %sign3A_524 : i32 to vector<16xi32>
    %ne3A_526 = arith.cmpi ne, %sign3A_517, %ne3A_525 : vector<16xi32>
    %rem3A_527 = vector.broadcast %jit3A_506 : i32 to vector<16xi32>
    %rem3A_528 = arith.remsi %add3A_505, %rem3A_527 : vector<16xi32>
    %ne3A_529 = arith.constant 0 : i32
    %ne3A_530 = vector.broadcast %ne3A_529 : i32 to vector<16xi32>
    %ne3A_531 = arith.cmpi ne, %rem3A_528, %ne3A_530 : vector<16xi32>
    %and3A_532 = arith.andi %ne3A_526, %ne3A_531 : vector<16xi1>
    %sub3A_533 = arith.constant 1 : i32
    %sub3A_534 = vector.broadcast %sub3A_533 : i32 to vector<16xi32>
    %sub3A_535 = arith.subi %div3A_508, %sub3A_534 : vector<16xi32>
    %select_n3A_536 = arith.select %and3A_532, %sub3A_535, %div3A_508 : vector<16xi1>, vector<16xi32>
    %mul3A_537 = arith.constant 10 : i32
    %mul3A_538 = vector.broadcast %mul3A_537 : i32 to vector<16xi32>
    %mul3A_539 = arith.muli %select_n3A_536, %mul3A_538 : vector<16xi32>
    %sub3A_540 = arith.subi %add3A_505, %mul3A_539 : vector<16xi32>
    %add3A_541 = arith.constant 80 : i32
    %add3A_542 = vector.broadcast %add3A_541 : i32 to vector<16xi32>
    %add3A_543 = arith.addi %iota3A, %add3A_542 : vector<16xi32>
    %jit3A_544 = arith.constant 10 : i32
    %div3A_545 = vector.broadcast %jit3A_544 : i32 to vector<16xi32>
    %div3A_546 = arith.divsi %add3A_543, %div3A_545 : vector<16xi32>
    %sign3A_547 = arith.constant 0 : i32
    %sign3A_548 = vector.broadcast %sign3A_547 : i32 to vector<16xi32>
    %sign3A_549 = arith.cmpi sgt, %add3A_543, %sign3A_548 : vector<16xi32>
    %sign3A_550 = arith.extui %sign3A_549 : vector<16xi1> to vector<16xi32>
    %sign3A_551 = arith.constant 0 : i32
    %sign3A_552 = vector.broadcast %sign3A_551 : i32 to vector<16xi32>
    %sign3A_553 = arith.cmpi slt, %add3A_543, %sign3A_552 : vector<16xi32>
    %sign3A_554 = arith.extui %sign3A_553 : vector<16xi1> to vector<16xi32>
    %sign3A_555 = arith.subi %sign3A_550, %sign3A_554 : vector<16xi32>
    %sign3A_556 = arith.constant 0 : i32
    %sign3A_557 = arith.cmpi sgt, %jit3A_544, %sign3A_556 : i32
    %sign3A_558 = arith.extui %sign3A_557 : i1 to i32
    %sign3A_559 = arith.constant 0 : i32
    %sign3A_560 = arith.cmpi slt, %jit3A_544, %sign3A_559 : i32
    %sign3A_561 = arith.extui %sign3A_560 : i1 to i32
    %sign3A_562 = arith.subi %sign3A_558, %sign3A_561 : i32
    %ne3A_563 = vector.broadcast %sign3A_562 : i32 to vector<16xi32>
    %ne3A_564 = arith.cmpi ne, %sign3A_555, %ne3A_563 : vector<16xi32>
    %rem3A_565 = vector.broadcast %jit3A_544 : i32 to vector<16xi32>
    %rem3A_566 = arith.remsi %add3A_543, %rem3A_565 : vector<16xi32>
    %ne3A_567 = arith.constant 0 : i32
    %ne3A_568 = vector.broadcast %ne3A_567 : i32 to vector<16xi32>
    %ne3A_569 = arith.cmpi ne, %rem3A_566, %ne3A_568 : vector<16xi32>
    %and3A_570 = arith.andi %ne3A_564, %ne3A_569 : vector<16xi1>
    %sub3A_571 = arith.constant 1 : i32
    %sub3A_572 = vector.broadcast %sub3A_571 : i32 to vector<16xi32>
    %sub3A_573 = arith.subi %div3A_546, %sub3A_572 : vector<16xi32>
    %select_n3A_574 = arith.select %and3A_570, %sub3A_573, %div3A_546 : vector<16xi1>, vector<16xi32>
    %mul3A_575 = arith.constant 10 : i32
    %mul3A_576 = vector.broadcast %mul3A_575 : i32 to vector<16xi32>
    %mul3A_577 = arith.muli %select_n3A_574, %mul3A_576 : vector<16xi32>
    %sub3A_578 = arith.subi %add3A_543, %mul3A_577 : vector<16xi32>
    %add3A_579 = arith.constant 96 : i32
    %add3A_580 = vector.broadcast %add3A_579 : i32 to vector<16xi32>
    %add3A_581 = arith.addi %iota3A, %add3A_580 : vector<16xi32>
    %jit3A_582 = arith.constant 10 : i32
    %div3A_583 = vector.broadcast %jit3A_582 : i32 to vector<16xi32>
    %div3A_584 = arith.divsi %add3A_581, %div3A_583 : vector<16xi32>
    %sign3A_585 = arith.constant 0 : i32
    %sign3A_586 = vector.broadcast %sign3A_585 : i32 to vector<16xi32>
    %sign3A_587 = arith.cmpi sgt, %add3A_581, %sign3A_586 : vector<16xi32>
    %sign3A_588 = arith.extui %sign3A_587 : vector<16xi1> to vector<16xi32>
    %sign3A_589 = arith.constant 0 : i32
    %sign3A_590 = vector.broadcast %sign3A_589 : i32 to vector<16xi32>
    %sign3A_591 = arith.cmpi slt, %add3A_581, %sign3A_590 : vector<16xi32>
    %sign3A_592 = arith.extui %sign3A_591 : vector<16xi1> to vector<16xi32>
    %sign3A_593 = arith.subi %sign3A_588, %sign3A_592 : vector<16xi32>
    %sign3A_594 = arith.constant 0 : i32
    %sign3A_595 = arith.cmpi sgt, %jit3A_582, %sign3A_594 : i32
    %sign3A_596 = arith.extui %sign3A_595 : i1 to i32
    %sign3A_597 = arith.constant 0 : i32
    %sign3A_598 = arith.cmpi slt, %jit3A_582, %sign3A_597 : i32
    %sign3A_599 = arith.extui %sign3A_598 : i1 to i32
    %sign3A_600 = arith.subi %sign3A_596, %sign3A_599 : i32
    %ne3A_601 = vector.broadcast %sign3A_600 : i32 to vector<16xi32>
    %ne3A_602 = arith.cmpi ne, %sign3A_593, %ne3A_601 : vector<16xi32>
    %rem3A_603 = vector.broadcast %jit3A_582 : i32 to vector<16xi32>
    %rem3A_604 = arith.remsi %add3A_581, %rem3A_603 : vector<16xi32>
    %ne3A_605 = arith.constant 0 : i32
    %ne3A_606 = vector.broadcast %ne3A_605 : i32 to vector<16xi32>
    %ne3A_607 = arith.cmpi ne, %rem3A_604, %ne3A_606 : vector<16xi32>
    %and3A_608 = arith.andi %ne3A_602, %ne3A_607 : vector<16xi1>
    %sub3A_609 = arith.constant 1 : i32
    %sub3A_610 = vector.broadcast %sub3A_609 : i32 to vector<16xi32>
    %sub3A_611 = arith.subi %div3A_584, %sub3A_610 : vector<16xi32>
    %select_n3A_612 = arith.select %and3A_608, %sub3A_611, %div3A_584 : vector<16xi1>, vector<16xi32>
    %mul3A_613 = arith.constant 10 : i32
    %mul3A_614 = vector.broadcast %mul3A_613 : i32 to vector<16xi32>
    %mul3A_615 = arith.muli %select_n3A_612, %mul3A_614 : vector<16xi32>
    %sub3A_616 = arith.subi %add3A_581, %mul3A_615 : vector<16xi32>
    %add3A_617 = arith.constant 112 : i32
    %add3A_618 = vector.broadcast %add3A_617 : i32 to vector<16xi32>
    %add3A_619 = arith.addi %iota3A, %add3A_618 : vector<16xi32>
    %jit3A_620 = arith.constant 10 : i32
    %div3A_621 = vector.broadcast %jit3A_620 : i32 to vector<16xi32>
    %div3A_622 = arith.divsi %add3A_619, %div3A_621 : vector<16xi32>
    %sign3A_623 = arith.constant 0 : i32
    %sign3A_624 = vector.broadcast %sign3A_623 : i32 to vector<16xi32>
    %sign3A_625 = arith.cmpi sgt, %add3A_619, %sign3A_624 : vector<16xi32>
    %sign3A_626 = arith.extui %sign3A_625 : vector<16xi1> to vector<16xi32>
    %sign3A_627 = arith.constant 0 : i32
    %sign3A_628 = vector.broadcast %sign3A_627 : i32 to vector<16xi32>
    %sign3A_629 = arith.cmpi slt, %add3A_619, %sign3A_628 : vector<16xi32>
    %sign3A_630 = arith.extui %sign3A_629 : vector<16xi1> to vector<16xi32>
    %sign3A_631 = arith.subi %sign3A_626, %sign3A_630 : vector<16xi32>
    %sign3A_632 = arith.constant 0 : i32
    %sign3A_633 = arith.cmpi sgt, %jit3A_620, %sign3A_632 : i32
    %sign3A_634 = arith.extui %sign3A_633 : i1 to i32
    %sign3A_635 = arith.constant 0 : i32
    %sign3A_636 = arith.cmpi slt, %jit3A_620, %sign3A_635 : i32
    %sign3A_637 = arith.extui %sign3A_636 : i1 to i32
    %sign3A_638 = arith.subi %sign3A_634, %sign3A_637 : i32
    %ne3A_639 = vector.broadcast %sign3A_638 : i32 to vector<16xi32>
    %ne3A_640 = arith.cmpi ne, %sign3A_631, %ne3A_639 : vector<16xi32>
    %rem3A_641 = vector.broadcast %jit3A_620 : i32 to vector<16xi32>
    %rem3A_642 = arith.remsi %add3A_619, %rem3A_641 : vector<16xi32>
    %ne3A_643 = arith.constant 0 : i32
    %ne3A_644 = vector.broadcast %ne3A_643 : i32 to vector<16xi32>
    %ne3A_645 = arith.cmpi ne, %rem3A_642, %ne3A_644 : vector<16xi32>
    %and3A_646 = arith.andi %ne3A_640, %ne3A_645 : vector<16xi1>
    %sub3A_647 = arith.constant 1 : i32
    %sub3A_648 = vector.broadcast %sub3A_647 : i32 to vector<16xi32>
    %sub3A_649 = arith.subi %div3A_622, %sub3A_648 : vector<16xi32>
    %select_n3A_650 = arith.select %and3A_646, %sub3A_649, %div3A_622 : vector<16xi1>, vector<16xi32>
    %mul3A_651 = arith.constant 10 : i32
    %mul3A_652 = vector.broadcast %mul3A_651 : i32 to vector<16xi32>
    %mul3A_653 = arith.muli %select_n3A_650, %mul3A_652 : vector<16xi32>
    %sub3A_654 = arith.subi %add3A_619, %mul3A_653 : vector<16xi32>
    %add3A_655 = arith.constant 128 : i32
    %add3A_656 = vector.broadcast %add3A_655 : i32 to vector<16xi32>
    %add3A_657 = arith.addi %iota3A, %add3A_656 : vector<16xi32>
    %jit3A_658 = arith.constant 10 : i32
    %div3A_659 = vector.broadcast %jit3A_658 : i32 to vector<16xi32>
    %div3A_660 = arith.divsi %add3A_657, %div3A_659 : vector<16xi32>
    %sign3A_661 = arith.constant 0 : i32
    %sign3A_662 = vector.broadcast %sign3A_661 : i32 to vector<16xi32>
    %sign3A_663 = arith.cmpi sgt, %add3A_657, %sign3A_662 : vector<16xi32>
    %sign3A_664 = arith.extui %sign3A_663 : vector<16xi1> to vector<16xi32>
    %sign3A_665 = arith.constant 0 : i32
    %sign3A_666 = vector.broadcast %sign3A_665 : i32 to vector<16xi32>
    %sign3A_667 = arith.cmpi slt, %add3A_657, %sign3A_666 : vector<16xi32>
    %sign3A_668 = arith.extui %sign3A_667 : vector<16xi1> to vector<16xi32>
    %sign3A_669 = arith.subi %sign3A_664, %sign3A_668 : vector<16xi32>
    %sign3A_670 = arith.constant 0 : i32
    %sign3A_671 = arith.cmpi sgt, %jit3A_658, %sign3A_670 : i32
    %sign3A_672 = arith.extui %sign3A_671 : i1 to i32
    %sign3A_673 = arith.constant 0 : i32
    %sign3A_674 = arith.cmpi slt, %jit3A_658, %sign3A_673 : i32
    %sign3A_675 = arith.extui %sign3A_674 : i1 to i32
    %sign3A_676 = arith.subi %sign3A_672, %sign3A_675 : i32
    %ne3A_677 = vector.broadcast %sign3A_676 : i32 to vector<16xi32>
    %ne3A_678 = arith.cmpi ne, %sign3A_669, %ne3A_677 : vector<16xi32>
    %rem3A_679 = vector.broadcast %jit3A_658 : i32 to vector<16xi32>
    %rem3A_680 = arith.remsi %add3A_657, %rem3A_679 : vector<16xi32>
    %ne3A_681 = arith.constant 0 : i32
    %ne3A_682 = vector.broadcast %ne3A_681 : i32 to vector<16xi32>
    %ne3A_683 = arith.cmpi ne, %rem3A_680, %ne3A_682 : vector<16xi32>
    %and3A_684 = arith.andi %ne3A_678, %ne3A_683 : vector<16xi1>
    %sub3A_685 = arith.constant 1 : i32
    %sub3A_686 = vector.broadcast %sub3A_685 : i32 to vector<16xi32>
    %sub3A_687 = arith.subi %div3A_660, %sub3A_686 : vector<16xi32>
    %select_n3A_688 = arith.select %and3A_684, %sub3A_687, %div3A_660 : vector<16xi1>, vector<16xi32>
    %mul3A_689 = arith.constant 10 : i32
    %mul3A_690 = vector.broadcast %mul3A_689 : i32 to vector<16xi32>
    %mul3A_691 = arith.muli %select_n3A_688, %mul3A_690 : vector<16xi32>
    %sub3A_692 = arith.subi %add3A_657, %mul3A_691 : vector<16xi32>
    %add3A_693 = arith.constant 144 : i32
    %add3A_694 = vector.broadcast %add3A_693 : i32 to vector<16xi32>
    %add3A_695 = arith.addi %iota3A, %add3A_694 : vector<16xi32>
    %jit3A_696 = arith.constant 10 : i32
    %div3A_697 = vector.broadcast %jit3A_696 : i32 to vector<16xi32>
    %div3A_698 = arith.divsi %add3A_695, %div3A_697 : vector<16xi32>
    %sign3A_699 = arith.constant 0 : i32
    %sign3A_700 = vector.broadcast %sign3A_699 : i32 to vector<16xi32>
    %sign3A_701 = arith.cmpi sgt, %add3A_695, %sign3A_700 : vector<16xi32>
    %sign3A_702 = arith.extui %sign3A_701 : vector<16xi1> to vector<16xi32>
    %sign3A_703 = arith.constant 0 : i32
    %sign3A_704 = vector.broadcast %sign3A_703 : i32 to vector<16xi32>
    %sign3A_705 = arith.cmpi slt, %add3A_695, %sign3A_704 : vector<16xi32>
    %sign3A_706 = arith.extui %sign3A_705 : vector<16xi1> to vector<16xi32>
    %sign3A_707 = arith.subi %sign3A_702, %sign3A_706 : vector<16xi32>
    %sign3A_708 = arith.constant 0 : i32
    %sign3A_709 = arith.cmpi sgt, %jit3A_696, %sign3A_708 : i32
    %sign3A_710 = arith.extui %sign3A_709 : i1 to i32
    %sign3A_711 = arith.constant 0 : i32
    %sign3A_712 = arith.cmpi slt, %jit3A_696, %sign3A_711 : i32
    %sign3A_713 = arith.extui %sign3A_712 : i1 to i32
    %sign3A_714 = arith.subi %sign3A_710, %sign3A_713 : i32
    %ne3A_715 = vector.broadcast %sign3A_714 : i32 to vector<16xi32>
    %ne3A_716 = arith.cmpi ne, %sign3A_707, %ne3A_715 : vector<16xi32>
    %rem3A_717 = vector.broadcast %jit3A_696 : i32 to vector<16xi32>
    %rem3A_718 = arith.remsi %add3A_695, %rem3A_717 : vector<16xi32>
    %ne3A_719 = arith.constant 0 : i32
    %ne3A_720 = vector.broadcast %ne3A_719 : i32 to vector<16xi32>
    %ne3A_721 = arith.cmpi ne, %rem3A_718, %ne3A_720 : vector<16xi32>
    %and3A_722 = arith.andi %ne3A_716, %ne3A_721 : vector<16xi1>
    %sub3A_723 = arith.constant 1 : i32
    %sub3A_724 = vector.broadcast %sub3A_723 : i32 to vector<16xi32>
    %sub3A_725 = arith.subi %div3A_698, %sub3A_724 : vector<16xi32>
    %select_n3A_726 = arith.select %and3A_722, %sub3A_725, %div3A_698 : vector<16xi1>, vector<16xi32>
    %mul3A_727 = arith.constant 10 : i32
    %mul3A_728 = vector.broadcast %mul3A_727 : i32 to vector<16xi32>
    %mul3A_729 = arith.muli %select_n3A_726, %mul3A_728 : vector<16xi32>
    %sub3A_730 = arith.subi %add3A_695, %mul3A_729 : vector<16xi32>
    %dma_start3A = arith.constant 0 : i32
    %dma_start3A_731 = tpu.memref_slice %arg2[%mul3A_2, %dma_start3A] : memref<16384x200xi32, #tpu.memory_space<hbm>> -> memref<2x200xi32, #tpu.memory_space<hbm>>
    %dma_start3A_732 = arith.constant 0 : i32
    %dma_start3A_733 = tpu.memref_slice %arg2[%mul3A_2, %dma_start3A_732] : memref<16384x200xi32, #tpu.memory_space<hbm>> -> memref<2x200xi32, #tpu.memory_space<hbm>>
    tpu.enqueue_dma source(%dma_start3A_733 : memref<2x200xi32, #tpu.memory_space<hbm>>) target(%arg7 : memref<2x200xi32, #tpu.memory_space<vmem>>) target_semaphore(%arg11 : memref<!tpu.dma_semaphore, #tpu.memory_space<semaphore_mem>>)
    %add3A_734 = arith.constant 2 : i32
    %add3A_735 = arith.addi %mul3A_2, %add3A_734 : i32
    %dma_start3A_736 = arith.constant 0 : i32
    %dma_start3A_737 = tpu.memref_slice %arg2[%add3A_735, %dma_start3A_736] : memref<16384x200xi32, #tpu.memory_space<hbm>> -> memref<2x200xi32, #tpu.memory_space<hbm>>
    %dma_start3A_738 = arith.constant 0 : i32
    %dma_start3A_739 = tpu.memref_slice %arg2[%add3A_735, %dma_start3A_738] : memref<16384x200xi32, #tpu.memory_space<hbm>> -> memref<2x200xi32, #tpu.memory_space<hbm>>
    tpu.enqueue_dma source(%dma_start3A_739 : memref<2x200xi32, #tpu.memory_space<hbm>>) target(%arg8 : memref<2x200xi32, #tpu.memory_space<vmem>>) target_semaphore(%arg12 : memref<!tpu.dma_semaphore, #tpu.memory_space<semaphore_mem>>)
    %scan3A = arith.constant 0 : i32
    %scan3A_740 = arith.constant 0 : i32
    %scan3A_741 = arith.constant 128 : i32
    %scan3A_742 = arith.addi %scan3A_740, %scan3A_741 : i32
    %scan3A_743 = arith.constant 1 : i32
    scf.for %scan3A_764 = %scan3A_740 to %scan3A_742 step %scan3A_743  : i32 {
      %mul3A_765 = arith.constant 2 : i32
      %mul3A_766 = arith.muli %mul3A_765, %scan3A_764 : i32
      %add3A_767 = arith.constant 0 : i32
      %add3A_768 = arith.addi %mul3A_766, %add3A_767 : i32
      %dma_wait3A_769 = arith.constant 0 : i32
      %dma_wait3A_770 = tpu.memref_slice %arg2[%mul3A_2, %dma_wait3A_769] : memref<16384x200xi32, #tpu.memory_space<hbm>> -> memref<2x200xi32, #tpu.memory_space<hbm>>
      %dma_wait3A_771 = arith.constant 0 : i32
      %dma_wait3A_772 = tpu.memref_slice %arg2[%mul3A_2, %dma_wait3A_771] : memref<16384x200xi32, #tpu.memory_space<hbm>> -> memref<2x200xi32, #tpu.memory_space<hbm>>
      tpu.wait_dma2 semaphore(%arg11 : memref<!tpu.dma_semaphore, #tpu.memory_space<semaphore_mem>>) src(%dma_wait3A_772 : memref<2x200xi32, #tpu.memory_space<hbm>>) dst(%arg7 : memref<2x200xi32, #tpu.memory_space<vmem>>)
      %ge3A = arith.constant 2 : i32
      %ge3A_773 = arith.cmpi sge, %add3A_768, %ge3A : i32
      %convert_element_type3A = arith.extui %ge3A_773 : i1 to i32
      %cond3A = arith.constant 0 : i32
      %cond3A_774 = arith.cmpi ne, %convert_element_type3A, %cond3A : i32
      scf.if %cond3A_774 {
        %add3A_828 = arith.constant 0 : i32
        %add3A_829 = arith.addi %mul3A_2, %add3A_828 : i32
        %dma_wait3A_830 = tpu.memref_reshape %arg9 : memref<400x10xf32, #tpu.memory_space<vmem>> -> memref<2x200x10xf32, #tpu.memory_space<vmem>>
        %dma_wait3A_831 = arith.constant 0 : i32
        %dma_wait3A_832 = arith.constant 0 : i32
        %dma_wait3A_833 = tpu.memref_slice %arg4[%add3A_829, %dma_wait3A_831, %dma_wait3A_832] : memref<16384x200x10xf32, #tpu.memory_space<hbm>> -> memref<2x200x10xf32, #tpu.memory_space<hbm>>
        %dma_wait3A_834 = arith.constant 0 : i32
        %dma_wait3A_835 = arith.constant 0 : i32
        %dma_wait3A_836 = tpu.memref_slice %arg4[%add3A_829, %dma_wait3A_834, %dma_wait3A_835] : memref<16384x200x10xf32, #tpu.memory_space<hbm>> -> memref<2x200x10xf32, #tpu.memory_space<hbm>>
        %dma_wait3A_837 = tpu.memref_reshape %arg9 : memref<400x10xf32, #tpu.memory_space<vmem>> -> memref<2x200x10xf32, #tpu.memory_space<vmem>>
        tpu.wait_dma2 semaphore(%arg13 : memref<!tpu.dma_semaphore, #tpu.memory_space<semaphore_mem>>) src(%dma_wait3A_837 : memref<2x200x10xf32, #tpu.memory_space<vmem>>) dst(%dma_wait3A_836 : memref<2x200x10xf32, #tpu.memory_space<hbm>>)
      } else {
      }
      %parallel_loop3A = arith.constant 0 : i32
      %parallel_loop3A_775 = arith.constant 25 : i32
      %parallel_loop3A_776 = arith.constant 1 : i32
      scf.for %parallel_loop3A_828 = %parallel_loop3A to %parallel_loop3A_775 step %parallel_loop3A_776  : i32 {
        %parallel_loop3A_829 = arith.constant 16 : i32
        %parallel_loop3A_830 = arith.muli %parallel_loop3A_828, %parallel_loop3A_829 : i32
        %parallel_loop3A_831 = vector.broadcast %parallel_loop3A_830 : i32 to vector<16xi32>
        %parallel_loop3A_832 = arith.addi %select_n3A, %parallel_loop3A_831 : vector<16xi32>
        %parallel_loop3A_833 = arith.constant 200 : i32
        %parallel_loop3A_834 = vector.broadcast %parallel_loop3A_833 : i32 to vector<16xi32>
        %parallel_loop3A_835 = arith.divsi %parallel_loop3A_832, %parallel_loop3A_834 : vector<16xi32>
        %parallel_loop3A_836 = arith.constant 0 : i32
        %parallel_loop3A_837 = vector.broadcast %parallel_loop3A_836 : i32 to vector<16xi32>
        %parallel_loop3A_838 = arith.cmpi sgt, %parallel_loop3A_832, %parallel_loop3A_837 : vector<16xi32>
        %parallel_loop3A_839 = arith.extui %parallel_loop3A_838 : vector<16xi1> to vector<16xi32>
        %parallel_loop3A_840 = arith.constant 0 : i32
        %parallel_loop3A_841 = vector.broadcast %parallel_loop3A_840 : i32 to vector<16xi32>
        %parallel_loop3A_842 = arith.cmpi slt, %parallel_loop3A_832, %parallel_loop3A_841 : vector<16xi32>
        %parallel_loop3A_843 = arith.extui %parallel_loop3A_842 : vector<16xi1> to vector<16xi32>
        %parallel_loop3A_844 = arith.subi %parallel_loop3A_839, %parallel_loop3A_843 : vector<16xi32>
        %parallel_loop3A_845 = arith.constant 0 : i32
        %parallel_loop3A_846 = arith.cmpi sgt, %parallel_loop3A_833, %parallel_loop3A_845 : i32
        %parallel_loop3A_847 = arith.extui %parallel_loop3A_846 : i1 to i32
        %parallel_loop3A_848 = arith.constant 0 : i32
        %parallel_loop3A_849 = arith.cmpi slt, %parallel_loop3A_833, %parallel_loop3A_848 : i32
        %parallel_loop3A_850 = arith.extui %parallel_loop3A_849 : i1 to i32
        %parallel_loop3A_851 = arith.subi %parallel_loop3A_847, %parallel_loop3A_850 : i32
        %parallel_loop3A_852 = vector.broadcast %parallel_loop3A_851 : i32 to vector<16xi32>
        %parallel_loop3A_853 = arith.cmpi ne, %parallel_loop3A_844, %parallel_loop3A_852 : vector<16xi32>
        %parallel_loop3A_854 = vector.broadcast %parallel_loop3A_833 : i32 to vector<16xi32>
        %parallel_loop3A_855 = arith.remsi %parallel_loop3A_832, %parallel_loop3A_854 : vector<16xi32>
        %parallel_loop3A_856 = arith.constant 0 : i32
        %parallel_loop3A_857 = vector.broadcast %parallel_loop3A_856 : i32 to vector<16xi32>
        %parallel_loop3A_858 = arith.cmpi ne, %parallel_loop3A_855, %parallel_loop3A_857 : vector<16xi32>
        %parallel_loop3A_859 = arith.andi %parallel_loop3A_853, %parallel_loop3A_858 : vector<16xi1>
        %parallel_loop3A_860 = arith.constant 1 : i32
        %parallel_loop3A_861 = vector.broadcast %parallel_loop3A_860 : i32 to vector<16xi32>
        %parallel_loop3A_862 = arith.subi %parallel_loop3A_835, %parallel_loop3A_861 : vector<16xi32>
        %parallel_loop3A_863 = arith.select %parallel_loop3A_859, %parallel_loop3A_862, %parallel_loop3A_835 : vector<16xi1>, vector<16xi32>
        %parallel_loop3A_864 = arith.constant 200 : i32
        %parallel_loop3A_865 = vector.broadcast %parallel_loop3A_864 : i32 to vector<16xi32>
        %parallel_loop3A_866 = arith.muli %parallel_loop3A_863, %parallel_loop3A_865 : vector<16xi32>
        %parallel_loop3A_867 = arith.subi %parallel_loop3A_832, %parallel_loop3A_866 : vector<16xi32>
        %parallel_loop3A_868 = tpu.vector_load_idx %arg7[%parallel_loop3A_863, %parallel_loop3A_867] : memref<2x200xi32, #tpu.memory_space<vmem>>[vector<16xi32>, vector<16xi32>], vector<16xi32>,
        %parallel_loop3A_869 = arith.constant 4 : i32
        %parallel_loop3A_870 = vector.broadcast %parallel_loop3A_869 : i32 to vector<16xi32>
        %parallel_loop3A_871 = arith.shli %parallel_loop3A_868, %parallel_loop3A_870 : vector<16xi32>
        %parallel_loop3A_872 = arith.addi %parallel_loop3A_871, %sub3A_388 : vector<16xi32>
        %parallel_loop3A_873 = tpu.vector_load_idx %arg6[%parallel_loop3A_872] : memref<256xf32, #tpu.memory_space<vmem>>[vector<16xi32>], vector<16xf32>,
        tpu.vector_store_idx %arg9[%parallel_loop3A_832, %sub3A_388], %parallel_loop3A_873 : memref<400x10xf32, #tpu.memory_space<vmem>>[vector<16xi32>, vector<16xi32>], vector<16xf32>,
        %parallel_loop3A_874 = vector.broadcast %parallel_loop3A_830 : i32 to vector<16xi32>
        %parallel_loop3A_875 = arith.addi %select_n3A_422, %parallel_loop3A_874 : vector<16xi32>
        %parallel_loop3A_876 = arith.constant 200 : i32
        %parallel_loop3A_877 = vector.broadcast %parallel_loop3A_876 : i32 to vector<16xi32>
        %parallel_loop3A_878 = arith.divsi %parallel_loop3A_875, %parallel_loop3A_877 : vector<16xi32>
        %parallel_loop3A_879 = arith.constant 0 : i32
        %parallel_loop3A_880 = vector.broadcast %parallel_loop3A_879 : i32 to vector<16xi32>
        %parallel_loop3A_881 = arith.cmpi sgt, %parallel_loop3A_875, %parallel_loop3A_880 : vector<16xi32>
        %parallel_loop3A_882 = arith.extui %parallel_loop3A_881 : vector<16xi1> to vector<16xi32>
        %parallel_loop3A_883 = arith.constant 0 : i32
        %parallel_loop3A_884 = vector.broadcast %parallel_loop3A_883 : i32 to vector<16xi32>
        %parallel_loop3A_885 = arith.cmpi slt, %parallel_loop3A_875, %parallel_loop3A_884 : vector<16xi32>
        %parallel_loop3A_886 = arith.extui %parallel_loop3A_885 : vector<16xi1> to vector<16xi32>
        %parallel_loop3A_887 = arith.subi %parallel_loop3A_882, %parallel_loop3A_886 : vector<16xi32>
        %parallel_loop3A_888 = arith.constant 0 : i32
        %parallel_loop3A_889 = arith.cmpi sgt, %parallel_loop3A_876, %parallel_loop3A_888 : i32
        %parallel_loop3A_890 = arith.extui %parallel_loop3A_889 : i1 to i32
        %parallel_loop3A_891 = arith.constant 0 : i32
        %parallel_loop3A_892 = arith.cmpi slt, %parallel_loop3A_876, %parallel_loop3A_891 : i32
        %parallel_loop3A_893 = arith.extui %parallel_loop3A_892 : i1 to i32
        %parallel_loop3A_894 = arith.subi %parallel_loop3A_890, %parallel_loop3A_893 : i32
        %parallel_loop3A_895 = vector.broadcast %parallel_loop3A_894 : i32 to vector<16xi32>
        %parallel_loop3A_896 = arith.cmpi ne, %parallel_loop3A_887, %parallel_loop3A_895 : vector<16xi32>
        %parallel_loop3A_897 = vector.broadcast %parallel_loop3A_876 : i32 to vector<16xi32>
        %parallel_loop3A_898 = arith.remsi %parallel_loop3A_875, %parallel_loop3A_897 : vector<16xi32>
        %parallel_loop3A_899 = arith.constant 0 : i32
        %parallel_loop3A_900 = vector.broadcast %parallel_loop3A_899 : i32 to vector<16xi32>
        %parallel_loop3A_901 = arith.cmpi ne, %parallel_loop3A_898, %parallel_loop3A_900 : vector<16xi32>
        %parallel_loop3A_902 = arith.andi %parallel_loop3A_896, %parallel_loop3A_901 : vector<16xi1>
        %parallel_loop3A_903 = arith.constant 1 : i32
        %parallel_loop3A_904 = vector.broadcast %parallel_loop3A_903 : i32 to vector<16xi32>
        %parallel_loop3A_905 = arith.subi %parallel_loop3A_878, %parallel_loop3A_904 : vector<16xi32>
        %parallel_loop3A_906 = arith.select %parallel_loop3A_902, %parallel_loop3A_905, %parallel_loop3A_878 : vector<16xi1>, vector<16xi32>
        %parallel_loop3A_907 = arith.constant 200 : i32
        %parallel_loop3A_908 = vector.broadcast %parallel_loop3A_907 : i32 to vector<16xi32>
        %parallel_loop3A_909 = arith.muli %parallel_loop3A_906, %parallel_loop3A_908 : vector<16xi32>
        %parallel_loop3A_910 = arith.subi %parallel_loop3A_875, %parallel_loop3A_909 : vector<16xi32>
        %parallel_loop3A_911 = tpu.vector_load_idx %arg7[%parallel_loop3A_906, %parallel_loop3A_910] : memref<2x200xi32, #tpu.memory_space<vmem>>[vector<16xi32>, vector<16xi32>], vector<16xi32>,
        %parallel_loop3A_912 = arith.constant 4 : i32
        %parallel_loop3A_913 = vector.broadcast %parallel_loop3A_912 : i32 to vector<16xi32>
        %parallel_loop3A_914 = arith.shli %parallel_loop3A_911, %parallel_loop3A_913 : vector<16xi32>
        %parallel_loop3A_915 = arith.addi %parallel_loop3A_914, %sub3A_426 : vector<16xi32>
        %parallel_loop3A_916 = tpu.vector_load_idx %arg6[%parallel_loop3A_915] : memref<256xf32, #tpu.memory_space<vmem>>[vector<16xi32>], vector<16xf32>,
        tpu.vector_store_idx %arg9[%parallel_loop3A_875, %sub3A_426], %parallel_loop3A_916 : memref<400x10xf32, #tpu.memory_space<vmem>>[vector<16xi32>, vector<16xi32>], vector<16xf32>,
        %parallel_loop3A_917 = vector.broadcast %parallel_loop3A_830 : i32 to vector<16xi32>
        %parallel_loop3A_918 = arith.addi %select_n3A_460, %parallel_loop3A_917 : vector<16xi32>
        %parallel_loop3A_919 = arith.constant 200 : i32
        %parallel_loop3A_920 = vector.broadcast %parallel_loop3A_919 : i32 to vector<16xi32>
        %parallel_loop3A_921 = arith.divsi %parallel_loop3A_918, %parallel_loop3A_920 : vector<16xi32>
        %parallel_loop3A_922 = arith.constant 0 : i32
        %parallel_loop3A_923 = vector.broadcast %parallel_loop3A_922 : i32 to vector<16xi32>
        %parallel_loop3A_924 = arith.cmpi sgt, %parallel_loop3A_918, %parallel_loop3A_923 : vector<16xi32>
        %parallel_loop3A_925 = arith.extui %parallel_loop3A_924 : vector<16xi1> to vector<16xi32>
        %parallel_loop3A_926 = arith.constant 0 : i32
        %parallel_loop3A_927 = vector.broadcast %parallel_loop3A_926 : i32 to vector<16xi32>
        %parallel_loop3A_928 = arith.cmpi slt, %parallel_loop3A_918, %parallel_loop3A_927 : vector<16xi32>
        %parallel_loop3A_929 = arith.extui %parallel_loop3A_928 : vector<16xi1> to vector<16xi32>
        %parallel_loop3A_930 = arith.subi %parallel_loop3A_925, %parallel_loop3A_929 : vector<16xi32>
        %parallel_loop3A_931 = arith.constant 0 : i32
        %parallel_loop3A_932 = arith.cmpi sgt, %parallel_loop3A_919, %parallel_loop3A_931 : i32
        %parallel_loop3A_933 = arith.extui %parallel_loop3A_932 : i1 to i32
        %parallel_loop3A_934 = arith.constant 0 : i32
        %parallel_loop3A_935 = arith.cmpi slt, %parallel_loop3A_919, %parallel_loop3A_934 : i32
        %parallel_loop3A_936 = arith.extui %parallel_loop3A_935 : i1 to i32
        %parallel_loop3A_937 = arith.subi %parallel_loop3A_933, %parallel_loop3A_936 : i32
        %parallel_loop3A_938 = vector.broadcast %parallel_loop3A_937 : i32 to vector<16xi32>
        %parallel_loop3A_939 = arith.cmpi ne, %parallel_loop3A_930, %parallel_loop3A_938 : vector<16xi32>
        %parallel_loop3A_940 = vector.broadcast %parallel_loop3A_919 : i32 to vector<16xi32>
        %parallel_loop3A_941 = arith.remsi %parallel_loop3A_918, %parallel_loop3A_940 : vector<16xi32>
        %parallel_loop3A_942 = arith.constant 0 : i32
        %parallel_loop3A_943 = vector.broadcast %parallel_loop3A_942 : i32 to vector<16xi32>
        %parallel_loop3A_944 = arith.cmpi ne, %parallel_loop3A_941, %parallel_loop3A_943 : vector<16xi32>
        %parallel_loop3A_945 = arith.andi %parallel_loop3A_939, %parallel_loop3A_944 : vector<16xi1>
        %parallel_loop3A_946 = arith.constant 1 : i32
        %parallel_loop3A_947 = vector.broadcast %parallel_loop3A_946 : i32 to vector<16xi32>
        %parallel_loop3A_948 = arith.subi %parallel_loop3A_921, %parallel_loop3A_947 : vector<16xi32>
        %parallel_loop3A_949 = arith.select %parallel_loop3A_945, %parallel_loop3A_948, %parallel_loop3A_921 : vector<16xi1>, vector<16xi32>
        %parallel_loop3A_950 = arith.constant 200 : i32
        %parallel_loop3A_951 = vector.broadcast %parallel_loop3A_950 : i32 to vector<16xi32>
        %parallel_loop3A_952 = arith.muli %parallel_loop3A_949, %parallel_loop3A_951 : vector<16xi32>
        %parallel_loop3A_953 = arith.subi %parallel_loop3A_918, %parallel_loop3A_952 : vector<16xi32>
        %parallel_loop3A_954 = tpu.vector_load_idx %arg7[%parallel_loop3A_949, %parallel_loop3A_953] : memref<2x200xi32, #tpu.memory_space<vmem>>[vector<16xi32>, vector<16xi32>], vector<16xi32>,
        %parallel_loop3A_955 = arith.constant 4 : i32
        %parallel_loop3A_956 = vector.broadcast %parallel_loop3A_955 : i32 to vector<16xi32>
        %parallel_loop3A_957 = arith.shli %parallel_loop3A_954, %parallel_loop3A_956 : vector<16xi32>
        %parallel_loop3A_958 = arith.addi %parallel_loop3A_957, %sub3A_464 : vector<16xi32>
        %parallel_loop3A_959 = tpu.vector_load_idx %arg6[%parallel_loop3A_958] : memref<256xf32, #tpu.memory_space<vmem>>[vector<16xi32>], vector<16xf32>,
        tpu.vector_store_idx %arg9[%parallel_loop3A_918, %sub3A_464], %parallel_loop3A_959 : memref<400x10xf32, #tpu.memory_space<vmem>>[vector<16xi32>, vector<16xi32>], vector<16xf32>,
        %parallel_loop3A_960 = vector.broadcast %parallel_loop3A_830 : i32 to vector<16xi32>
        %parallel_loop3A_961 = arith.addi %select_n3A_498, %parallel_loop3A_960 : vector<16xi32>
        %parallel_loop3A_962 = arith.constant 200 : i32
        %parallel_loop3A_963 = vector.broadcast %parallel_loop3A_962 : i32 to vector<16xi32>
        %parallel_loop3A_964 = arith.divsi %parallel_loop3A_961, %parallel_loop3A_963 : vector<16xi32>
        %parallel_loop3A_965 = arith.constant 0 : i32
        %parallel_loop3A_966 = vector.broadcast %parallel_loop3A_965 : i32 to vector<16xi32>
        %parallel_loop3A_967 = arith.cmpi sgt, %parallel_loop3A_961, %parallel_loop3A_966 : vector<16xi32>
        %parallel_loop3A_968 = arith.extui %parallel_loop3A_967 : vector<16xi1> to vector<16xi32>
        %parallel_loop3A_969 = arith.constant 0 : i32
        %parallel_loop3A_970 = vector.broadcast %parallel_loop3A_969 : i32 to vector<16xi32>
        %parallel_loop3A_971 = arith.cmpi slt, %parallel_loop3A_961, %parallel_loop3A_970 : vector<16xi32>
        %parallel_loop3A_972 = arith.extui %parallel_loop3A_971 : vector<16xi1> to vector<16xi32>
        %parallel_loop3A_973 = arith.subi %parallel_loop3A_968, %parallel_loop3A_972 : vector<16xi32>
        %parallel_loop3A_974 = arith.constant 0 : i32
        %parallel_loop3A_975 = arith.cmpi sgt, %parallel_loop3A_962, %parallel_loop3A_974 : i32
        %parallel_loop3A_976 = arith.extui %parallel_loop3A_975 : i1 to i32
        %parallel_loop3A_977 = arith.constant 0 : i32
        %parallel_loop3A_978 = arith.cmpi slt, %parallel_loop3A_962, %parallel_loop3A_977 : i32
        %parallel_loop3A_979 = arith.extui %parallel_loop3A_978 : i1 to i32
        %parallel_loop3A_980 = arith.subi %parallel_loop3A_976, %parallel_loop3A_979 : i32
        %parallel_loop3A_981 = vector.broadcast %parallel_loop3A_980 : i32 to vector<16xi32>
        %parallel_loop3A_982 = arith.cmpi ne, %parallel_loop3A_973, %parallel_loop3A_981 : vector<16xi32>
        %parallel_loop3A_983 = vector.broadcast %parallel_loop3A_962 : i32 to vector<16xi32>
        %parallel_loop3A_984 = arith.remsi %parallel_loop3A_961, %parallel_loop3A_983 : vector<16xi32>
        %parallel_loop3A_985 = arith.constant 0 : i32
        %parallel_loop3A_986 = vector.broadcast %parallel_loop3A_985 : i32 to vector<16xi32>
        %parallel_loop3A_987 = arith.cmpi ne, %parallel_loop3A_984, %parallel_loop3A_986 : vector<16xi32>
        %parallel_loop3A_988 = arith.andi %parallel_loop3A_982, %parallel_loop3A_987 : vector<16xi1>
        %parallel_loop3A_989 = arith.constant 1 : i32
        %parallel_loop3A_990 = vector.broadcast %parallel_loop3A_989 : i32 to vector<16xi32>
        %parallel_loop3A_991 = arith.subi %parallel_loop3A_964, %parallel_loop3A_990 : vector<16xi32>
        %parallel_loop3A_992 = arith.select %parallel_loop3A_988, %parallel_loop3A_991, %parallel_loop3A_964 : vector<16xi1>, vector<16xi32>
        %parallel_loop3A_993 = arith.constant 200 : i32
        %parallel_loop3A_994 = vector.broadcast %parallel_loop3A_993 : i32 to vector<16xi32>
        %parallel_loop3A_995 = arith.muli %parallel_loop3A_992, %parallel_loop3A_994 : vector<16xi32>
        %parallel_loop3A_996 = arith.subi %parallel_loop3A_961, %parallel_loop3A_995 : vector<16xi32>
        %parallel_loop3A_997 = tpu.vector_load_idx %arg7[%parallel_loop3A_992, %parallel_loop3A_996] : memref<2x200xi32, #tpu.memory_space<vmem>>[vector<16xi32>, vector<16xi32>], vector<16xi32>,
        %parallel_loop3A_998 = arith.constant 4 : i32
        %parallel_loop3A_999 = vector.broadcast %parallel_loop3A_998 : i32 to vector<16xi32>
        %parallel_loop3A_1000 = arith.shli %parallel_loop3A_997, %parallel_loop3A_999 : vector<16xi32>
        %parallel_loop3A_1001 = arith.addi %parallel_loop3A_1000, %sub3A_502 : vector<16xi32>
        %parallel_loop3A_1002 = tpu.vector_load_idx %arg6[%parallel_loop3A_1001] : memref<256xf32, #tpu.memory_space<vmem>>[vector<16xi32>], vector<16xf32>,
        tpu.vector_store_idx %arg9[%parallel_loop3A_961, %sub3A_502], %parallel_loop3A_1002 : memref<400x10xf32, #tpu.memory_space<vmem>>[vector<16xi32>, vector<16xi32>], vector<16xf32>,
        %parallel_loop3A_1003 = vector.broadcast %parallel_loop3A_830 : i32 to vector<16xi32>
        %parallel_loop3A_1004 = arith.addi %select_n3A_536, %parallel_loop3A_1003 : vector<16xi32>
        %parallel_loop3A_1005 = arith.constant 200 : i32
        %parallel_loop3A_1006 = vector.broadcast %parallel_loop3A_1005 : i32 to vector<16xi32>
        %parallel_loop3A_1007 = arith.divsi %parallel_loop3A_1004, %parallel_loop3A_1006 : vector<16xi32>
        %parallel_loop3A_1008 = arith.constant 0 : i32
        %parallel_loop3A_1009 = vector.broadcast %parallel_loop3A_1008 : i32 to vector<16xi32>
        %parallel_loop3A_1010 = arith.cmpi sgt, %parallel_loop3A_1004, %parallel_loop3A_1009 : vector<16xi32>
        %parallel_loop3A_1011 = arith.extui %parallel_loop3A_1010 : vector<16xi1> to vector<16xi32>
        %parallel_loop3A_1012 = arith.constant 0 : i32
        %parallel_loop3A_1013 = vector.broadcast %parallel_loop3A_1012 : i32 to vector<16xi32>
        %parallel_loop3A_1014 = arith.cmpi slt, %parallel_loop3A_1004, %parallel_loop3A_1013 : vector<16xi32>
        %parallel_loop3A_1015 = arith.extui %parallel_loop3A_1014 : vector<16xi1> to vector<16xi32>
        %parallel_loop3A_1016 = arith.subi %parallel_loop3A_1011, %parallel_loop3A_1015 : vector<16xi32>
        %parallel_loop3A_1017 = arith.constant 0 : i32
        %parallel_loop3A_1018 = arith.cmpi sgt, %parallel_loop3A_1005, %parallel_loop3A_1017 : i32
        %parallel_loop3A_1019 = arith.extui %parallel_loop3A_1018 : i1 to i32
        %parallel_loop3A_1020 = arith.constant 0 : i32
        %parallel_loop3A_1021 = arith.cmpi slt, %parallel_loop3A_1005, %parallel_loop3A_1020 : i32
        %parallel_loop3A_1022 = arith.extui %parallel_loop3A_1021 : i1 to i32
        %parallel_loop3A_1023 = arith.subi %parallel_loop3A_1019, %parallel_loop3A_1022 : i32
        %parallel_loop3A_1024 = vector.broadcast %parallel_loop3A_1023 : i32 to vector<16xi32>
        %parallel_loop3A_1025 = arith.cmpi ne, %parallel_loop3A_1016, %parallel_loop3A_1024 : vector<16xi32>
        %parallel_loop3A_1026 = vector.broadcast %parallel_loop3A_1005 : i32 to vector<16xi32>
        %parallel_loop3A_1027 = arith.remsi %parallel_loop3A_1004, %parallel_loop3A_1026 : vector<16xi32>
        %parallel_loop3A_1028 = arith.constant 0 : i32
        %parallel_loop3A_1029 = vector.broadcast %parallel_loop3A_1028 : i32 to vector<16xi32>
        %parallel_loop3A_1030 = arith.cmpi ne, %parallel_loop3A_1027, %parallel_loop3A_1029 : vector<16xi32>
        %parallel_loop3A_1031 = arith.andi %parallel_loop3A_1025, %parallel_loop3A_1030 : vector<16xi1>
        %parallel_loop3A_1032 = arith.constant 1 : i32
        %parallel_loop3A_1033 = vector.broadcast %parallel_loop3A_1032 : i32 to vector<16xi32>
        %parallel_loop3A_1034 = arith.subi %parallel_loop3A_1007, %parallel_loop3A_1033 : vector<16xi32>
        %parallel_loop3A_1035 = arith.select %parallel_loop3A_1031, %parallel_loop3A_1034, %parallel_loop3A_1007 : vector<16xi1>, vector<16xi32>
        %parallel_loop3A_1036 = arith.constant 200 : i32
        %parallel_loop3A_1037 = vector.broadcast %parallel_loop3A_1036 : i32 to vector<16xi32>
        %parallel_loop3A_1038 = arith.muli %parallel_loop3A_1035, %parallel_loop3A_1037 : vector<16xi32>
        %parallel_loop3A_1039 = arith.subi %parallel_loop3A_1004, %parallel_loop3A_1038 : vector<16xi32>
        %parallel_loop3A_1040 = tpu.vector_load_idx %arg7[%parallel_loop3A_1035, %parallel_loop3A_1039] : memref<2x200xi32, #tpu.memory_space<vmem>>[vector<16xi32>, vector<16xi32>], vector<16xi32>,
        %parallel_loop3A_1041 = arith.constant 4 : i32
        %parallel_loop3A_1042 = vector.broadcast %parallel_loop3A_1041 : i32 to vector<16xi32>
        %parallel_loop3A_1043 = arith.shli %parallel_loop3A_1040, %parallel_loop3A_1042 : vector<16xi32>
        %parallel_loop3A_1044 = arith.addi %parallel_loop3A_1043, %sub3A_540 : vector<16xi32>
        %parallel_loop3A_1045 = tpu.vector_load_idx %arg6[%parallel_loop3A_1044] : memref<256xf32, #tpu.memory_space<vmem>>[vector<16xi32>], vector<16xf32>,
        tpu.vector_store_idx %arg9[%parallel_loop3A_1004, %sub3A_540], %parallel_loop3A_1045 : memref<400x10xf32, #tpu.memory_space<vmem>>[vector<16xi32>, vector<16xi32>], vector<16xf32>,
        %parallel_loop3A_1046 = vector.broadcast %parallel_loop3A_830 : i32 to vector<16xi32>
        %parallel_loop3A_1047 = arith.addi %select_n3A_574, %parallel_loop3A_1046 : vector<16xi32>
        %parallel_loop3A_1048 = arith.constant 200 : i32
        %parallel_loop3A_1049 = vector.broadcast %parallel_loop3A_1048 : i32 to vector<16xi32>
        %parallel_loop3A_1050 = arith.divsi %parallel_loop3A_1047, %parallel_loop3A_1049 : vector<16xi32>
        %parallel_loop3A_1051 = arith.constant 0 : i32
        %parallel_loop3A_1052 = vector.broadcast %parallel_loop3A_1051 : i32 to vector<16xi32>
        %parallel_loop3A_1053 = arith.cmpi sgt, %parallel_loop3A_1047, %parallel_loop3A_1052 : vector<16xi32>
        %parallel_loop3A_1054 = arith.extui %parallel_loop3A_1053 : vector<16xi1> to vector<16xi32>
        %parallel_loop3A_1055 = arith.constant 0 : i32
        %parallel_loop3A_1056 = vector.broadcast %parallel_loop3A_1055 : i32 to vector<16xi32>
        %parallel_loop3A_1057 = arith.cmpi slt, %parallel_loop3A_1047, %parallel_loop3A_1056 : vector<16xi32>
        %parallel_loop3A_1058 = arith.extui %parallel_loop3A_1057 : vector<16xi1> to vector<16xi32>
        %parallel_loop3A_1059 = arith.subi %parallel_loop3A_1054, %parallel_loop3A_1058 : vector<16xi32>
        %parallel_loop3A_1060 = arith.constant 0 : i32
        %parallel_loop3A_1061 = arith.cmpi sgt, %parallel_loop3A_1048, %parallel_loop3A_1060 : i32
        %parallel_loop3A_1062 = arith.extui %parallel_loop3A_1061 : i1 to i32
        %parallel_loop3A_1063 = arith.constant 0 : i32
        %parallel_loop3A_1064 = arith.cmpi slt, %parallel_loop3A_1048, %parallel_loop3A_1063 : i32
        %parallel_loop3A_1065 = arith.extui %parallel_loop3A_1064 : i1 to i32
        %parallel_loop3A_1066 = arith.subi %parallel_loop3A_1062, %parallel_loop3A_1065 : i32
        %parallel_loop3A_1067 = vector.broadcast %parallel_loop3A_1066 : i32 to vector<16xi32>
        %parallel_loop3A_1068 = arith.cmpi ne, %parallel_loop3A_1059, %parallel_loop3A_1067 : vector<16xi32>
        %parallel_loop3A_1069 = vector.broadcast %parallel_loop3A_1048 : i32 to vector<16xi32>
        %parallel_loop3A_1070 = arith.remsi %parallel_loop3A_1047, %parallel_loop3A_1069 : vector<16xi32>
        %parallel_loop3A_1071 = arith.constant 0 : i32
        %parallel_loop3A_1072 = vector.broadcast %parallel_loop3A_1071 : i32 to vector<16xi32>
        %parallel_loop3A_1073 = arith.cmpi ne, %parallel_loop3A_1070, %parallel_loop3A_1072 : vector<16xi32>
        %parallel_loop3A_1074 = arith.andi %parallel_loop3A_1068, %parallel_loop3A_1073 : vector<16xi1>
        %parallel_loop3A_1075 = arith.constant 1 : i32
        %parallel_loop3A_1076 = vector.broadcast %parallel_loop3A_1075 : i32 to vector<16xi32>
        %parallel_loop3A_1077 = arith.subi %parallel_loop3A_1050, %parallel_loop3A_1076 : vector<16xi32>
        %parallel_loop3A_1078 = arith.select %parallel_loop3A_1074, %parallel_loop3A_1077, %parallel_loop3A_1050 : vector<16xi1>, vector<16xi32>
        %parallel_loop3A_1079 = arith.constant 200 : i32
        %parallel_loop3A_1080 = vector.broadcast %parallel_loop3A_1079 : i32 to vector<16xi32>
        %parallel_loop3A_1081 = arith.muli %parallel_loop3A_1078, %parallel_loop3A_1080 : vector<16xi32>
        %parallel_loop3A_1082 = arith.subi %parallel_loop3A_1047, %parallel_loop3A_1081 : vector<16xi32>
        %parallel_loop3A_1083 = tpu.vector_load_idx %arg7[%parallel_loop3A_1078, %parallel_loop3A_1082] : memref<2x200xi32, #tpu.memory_space<vmem>>[vector<16xi32>, vector<16xi32>], vector<16xi32>,
        %parallel_loop3A_1084 = arith.constant 4 : i32
        %parallel_loop3A_1085 = vector.broadcast %parallel_loop3A_1084 : i32 to vector<16xi32>
        %parallel_loop3A_1086 = arith.shli %parallel_loop3A_1083, %parallel_loop3A_1085 : vector<16xi32>
        %parallel_loop3A_1087 = arith.addi %parallel_loop3A_1086, %sub3A_578 : vector<16xi32>
        %parallel_loop3A_1088 = tpu.vector_load_idx %arg6[%parallel_loop3A_1087] : memref<256xf32, #tpu.memory_space<vmem>>[vector<16xi32>], vector<16xf32>,
        tpu.vector_store_idx %arg9[%parallel_loop3A_1047, %sub3A_578], %parallel_loop3A_1088 : memref<400x10xf32, #tpu.memory_space<vmem>>[vector<16xi32>, vector<16xi32>], vector<16xf32>,
        %parallel_loop3A_1089 = vector.broadcast %parallel_loop3A_830 : i32 to vector<16xi32>
        %parallel_loop3A_1090 = arith.addi %select_n3A_612, %parallel_loop3A_1089 : vector<16xi32>
        %parallel_loop3A_1091 = arith.constant 200 : i32
        %parallel_loop3A_1092 = vector.broadcast %parallel_loop3A_1091 : i32 to vector<16xi32>
        %parallel_loop3A_1093 = arith.divsi %parallel_loop3A_1090, %parallel_loop3A_1092 : vector<16xi32>
        %parallel_loop3A_1094 = arith.constant 0 : i32
        %parallel_loop3A_1095 = vector.broadcast %parallel_loop3A_1094 : i32 to vector<16xi32>
        %parallel_loop3A_1096 = arith.cmpi sgt, %parallel_loop3A_1090, %parallel_loop3A_1095 : vector<16xi32>
        %parallel_loop3A_1097 = arith.extui %parallel_loop3A_1096 : vector<16xi1> to vector<16xi32>
        %parallel_loop3A_1098 = arith.constant 0 : i32
        %parallel_loop3A_1099 = vector.broadcast %parallel_loop3A_1098 : i32 to vector<16xi32>
        %parallel_loop3A_1100 = arith.cmpi slt, %parallel_loop3A_1090, %parallel_loop3A_1099 : vector<16xi32>
        %parallel_loop3A_1101 = arith.extui %parallel_loop3A_1100 : vector<16xi1> to vector<16xi32>
        %parallel_loop3A_1102 = arith.subi %parallel_loop3A_1097, %parallel_loop3A_1101 : vector<16xi32>
        %parallel_loop3A_1103 = arith.constant 0 : i32
        %parallel_loop3A_1104 = arith.cmpi sgt, %parallel_loop3A_1091, %parallel_loop3A_1103 : i32
        %parallel_loop3A_1105 = arith.extui %parallel_loop3A_1104 : i1 to i32
        %parallel_loop3A_1106 = arith.constant 0 : i32
        %parallel_loop3A_1107 = arith.cmpi slt, %parallel_loop3A_1091, %parallel_loop3A_1106 : i32
        %parallel_loop3A_1108 = arith.extui %parallel_loop3A_1107 : i1 to i32
        %parallel_loop3A_1109 = arith.subi %parallel_loop3A_1105, %parallel_loop3A_1108 : i32
        %parallel_loop3A_1110 = vector.broadcast %parallel_loop3A_1109 : i32 to vector<16xi32>
        %parallel_loop3A_1111 = arith.cmpi ne, %parallel_loop3A_1102, %parallel_loop3A_1110 : vector<16xi32>
        %parallel_loop3A_1112 = vector.broadcast %parallel_loop3A_1091 : i32 to vector<16xi32>
        %parallel_loop3A_1113 = arith.remsi %parallel_loop3A_1090, %parallel_loop3A_1112 : vector<16xi32>
        %parallel_loop3A_1114 = arith.constant 0 : i32
        %parallel_loop3A_1115 = vector.broadcast %parallel_loop3A_1114 : i32 to vector<16xi32>
        %parallel_loop3A_1116 = arith.cmpi ne, %parallel_loop3A_1113, %parallel_loop3A_1115 : vector<16xi32>
        %parallel_loop3A_1117 = arith.andi %parallel_loop3A_1111, %parallel_loop3A_1116 : vector<16xi1>
        %parallel_loop3A_1118 = arith.constant 1 : i32
        %parallel_loop3A_1119 = vector.broadcast %parallel_loop3A_1118 : i32 to vector<16xi32>
        %parallel_loop3A_1120 = arith.subi %parallel_loop3A_1093, %parallel_loop3A_1119 : vector<16xi32>
        %parallel_loop3A_1121 = arith.select %parallel_loop3A_1117, %parallel_loop3A_1120, %parallel_loop3A_1093 : vector<16xi1>, vector<16xi32>
        %parallel_loop3A_1122 = arith.constant 200 : i32
        %parallel_loop3A_1123 = vector.broadcast %parallel_loop3A_1122 : i32 to vector<16xi32>
        %parallel_loop3A_1124 = arith.muli %parallel_loop3A_1121, %parallel_loop3A_1123 : vector<16xi32>
        %parallel_loop3A_1125 = arith.subi %parallel_loop3A_1090, %parallel_loop3A_1124 : vector<16xi32>
        %parallel_loop3A_1126 = tpu.vector_load_idx %arg7[%parallel_loop3A_1121, %parallel_loop3A_1125] : memref<2x200xi32, #tpu.memory_space<vmem>>[vector<16xi32>, vector<16xi32>], vector<16xi32>,
        %parallel_loop3A_1127 = arith.constant 4 : i32
        %parallel_loop3A_1128 = vector.broadcast %parallel_loop3A_1127 : i32 to vector<16xi32>
        %parallel_loop3A_1129 = arith.shli %parallel_loop3A_1126, %parallel_loop3A_1128 : vector<16xi32>
        %parallel_loop3A_1130 = arith.addi %parallel_loop3A_1129, %sub3A_616 : vector<16xi32>
        %parallel_loop3A_1131 = tpu.vector_load_idx %arg6[%parallel_loop3A_1130] : memref<256xf32, #tpu.memory_space<vmem>>[vector<16xi32>], vector<16xf32>,
        tpu.vector_store_idx %arg9[%parallel_loop3A_1090, %sub3A_616], %parallel_loop3A_1131 : memref<400x10xf32, #tpu.memory_space<vmem>>[vector<16xi32>, vector<16xi32>], vector<16xf32>,
        %parallel_loop3A_1132 = vector.broadcast %parallel_loop3A_830 : i32 to vector<16xi32>
        %parallel_loop3A_1133 = arith.addi %select_n3A_650, %parallel_loop3A_1132 : vector<16xi32>
        %parallel_loop3A_1134 = arith.constant 200 : i32
        %parallel_loop3A_1135 = vector.broadcast %parallel_loop3A_1134 : i32 to vector<16xi32>
        %parallel_loop3A_1136 = arith.divsi %parallel_loop3A_1133, %parallel_loop3A_1135 : vector<16xi32>
        %parallel_loop3A_1137 = arith.constant 0 : i32
        %parallel_loop3A_1138 = vector.broadcast %parallel_loop3A_1137 : i32 to vector<16xi32>
        %parallel_loop3A_1139 = arith.cmpi sgt, %parallel_loop3A_1133, %parallel_loop3A_1138 : vector<16xi32>
        %parallel_loop3A_1140 = arith.extui %parallel_loop3A_1139 : vector<16xi1> to vector<16xi32>
        %parallel_loop3A_1141 = arith.constant 0 : i32
        %parallel_loop3A_1142 = vector.broadcast %parallel_loop3A_1141 : i32 to vector<16xi32>
        %parallel_loop3A_1143 = arith.cmpi slt, %parallel_loop3A_1133, %parallel_loop3A_1142 : vector<16xi32>
        %parallel_loop3A_1144 = arith.extui %parallel_loop3A_1143 : vector<16xi1> to vector<16xi32>
        %parallel_loop3A_1145 = arith.subi %parallel_loop3A_1140, %parallel_loop3A_1144 : vector<16xi32>
        %parallel_loop3A_1146 = arith.constant 0 : i32
        %parallel_loop3A_1147 = arith.cmpi sgt, %parallel_loop3A_1134, %parallel_loop3A_1146 : i32
        %parallel_loop3A_1148 = arith.extui %parallel_loop3A_1147 : i1 to i32
        %parallel_loop3A_1149 = arith.constant 0 : i32
        %parallel_loop3A_1150 = arith.cmpi slt, %parallel_loop3A_1134, %parallel_loop3A_1149 : i32
        %parallel_loop3A_1151 = arith.extui %parallel_loop3A_1150 : i1 to i32
        %parallel_loop3A_1152 = arith.subi %parallel_loop3A_1148, %parallel_loop3A_1151 : i32
        %parallel_loop3A_1153 = vector.broadcast %parallel_loop3A_1152 : i32 to vector<16xi32>
        %parallel_loop3A_1154 = arith.cmpi ne, %parallel_loop3A_1145, %parallel_loop3A_1153 : vector<16xi32>
        %parallel_loop3A_1155 = vector.broadcast %parallel_loop3A_1134 : i32 to vector<16xi32>
        %parallel_loop3A_1156 = arith.remsi %parallel_loop3A_1133, %parallel_loop3A_1155 : vector<16xi32>
        %parallel_loop3A_1157 = arith.constant 0 : i32
        %parallel_loop3A_1158 = vector.broadcast %parallel_loop3A_1157 : i32 to vector<16xi32>
        %parallel_loop3A_1159 = arith.cmpi ne, %parallel_loop3A_1156, %parallel_loop3A_1158 : vector<16xi32>
        %parallel_loop3A_1160 = arith.andi %parallel_loop3A_1154, %parallel_loop3A_1159 : vector<16xi1>
        %parallel_loop3A_1161 = arith.constant 1 : i32
        %parallel_loop3A_1162 = vector.broadcast %parallel_loop3A_1161 : i32 to vector<16xi32>
        %parallel_loop3A_1163 = arith.subi %parallel_loop3A_1136, %parallel_loop3A_1162 : vector<16xi32>
        %parallel_loop3A_1164 = arith.select %parallel_loop3A_1160, %parallel_loop3A_1163, %parallel_loop3A_1136 : vector<16xi1>, vector<16xi32>
        %parallel_loop3A_1165 = arith.constant 200 : i32
        %parallel_loop3A_1166 = vector.broadcast %parallel_loop3A_1165 : i32 to vector<16xi32>
        %parallel_loop3A_1167 = arith.muli %parallel_loop3A_1164, %parallel_loop3A_1166 : vector<16xi32>
        %parallel_loop3A_1168 = arith.subi %parallel_loop3A_1133, %parallel_loop3A_1167 : vector<16xi32>
        %parallel_loop3A_1169 = tpu.vector_load_idx %arg7[%parallel_loop3A_1164, %parallel_loop3A_1168] : memref<2x200xi32, #tpu.memory_space<vmem>>[vector<16xi32>, vector<16xi32>], vector<16xi32>,
        %parallel_loop3A_1170 = arith.constant 4 : i32
        %parallel_loop3A_1171 = vector.broadcast %parallel_loop3A_1170 : i32 to vector<16xi32>
        %parallel_loop3A_1172 = arith.shli %parallel_loop3A_1169, %parallel_loop3A_1171 : vector<16xi32>
        %parallel_loop3A_1173 = arith.addi %parallel_loop3A_1172, %sub3A_654 : vector<16xi32>
        %parallel_loop3A_1174 = tpu.vector_load_idx %arg6[%parallel_loop3A_1173] : memref<256xf32, #tpu.memory_space<vmem>>[vector<16xi32>], vector<16xf32>,
        tpu.vector_store_idx %arg9[%parallel_loop3A_1133, %sub3A_654], %parallel_loop3A_1174 : memref<400x10xf32, #tpu.memory_space<vmem>>[vector<16xi32>, vector<16xi32>], vector<16xf32>,
        %parallel_loop3A_1175 = vector.broadcast %parallel_loop3A_830 : i32 to vector<16xi32>
        %parallel_loop3A_1176 = arith.addi %select_n3A_688, %parallel_loop3A_1175 : vector<16xi32>
        %parallel_loop3A_1177 = arith.constant 200 : i32
        %parallel_loop3A_1178 = vector.broadcast %parallel_loop3A_1177 : i32 to vector<16xi32>
        %parallel_loop3A_1179 = arith.divsi %parallel_loop3A_1176, %parallel_loop3A_1178 : vector<16xi32>
        %parallel_loop3A_1180 = arith.constant 0 : i32
        %parallel_loop3A_1181 = vector.broadcast %parallel_loop3A_1180 : i32 to vector<16xi32>
        %parallel_loop3A_1182 = arith.cmpi sgt, %parallel_loop3A_1176, %parallel_loop3A_1181 : vector<16xi32>
        %parallel_loop3A_1183 = arith.extui %parallel_loop3A_1182 : vector<16xi1> to vector<16xi32>
        %parallel_loop3A_1184 = arith.constant 0 : i32
        %parallel_loop3A_1185 = vector.broadcast %parallel_loop3A_1184 : i32 to vector<16xi32>
        %parallel_loop3A_1186 = arith.cmpi slt, %parallel_loop3A_1176, %parallel_loop3A_1185 : vector<16xi32>
        %parallel_loop3A_1187 = arith.extui %parallel_loop3A_1186 : vector<16xi1> to vector<16xi32>
        %parallel_loop3A_1188 = arith.subi %parallel_loop3A_1183, %parallel_loop3A_1187 : vector<16xi32>
        %parallel_loop3A_1189 = arith.constant 0 : i32
        %parallel_loop3A_1190 = arith.cmpi sgt, %parallel_loop3A_1177, %parallel_loop3A_1189 : i32
        %parallel_loop3A_1191 = arith.extui %parallel_loop3A_1190 : i1 to i32
        %parallel_loop3A_1192 = arith.constant 0 : i32
        %parallel_loop3A_1193 = arith.cmpi slt, %parallel_loop3A_1177, %parallel_loop3A_1192 : i32
        %parallel_loop3A_1194 = arith.extui %parallel_loop3A_1193 : i1 to i32
        %parallel_loop3A_1195 = arith.subi %parallel_loop3A_1191, %parallel_loop3A_1194 : i32
        %parallel_loop3A_1196 = vector.broadcast %parallel_loop3A_1195 : i32 to vector<16xi32>
        %parallel_loop3A_1197 = arith.cmpi ne, %parallel_loop3A_1188, %parallel_loop3A_1196 : vector<16xi32>
        %parallel_loop3A_1198 = vector.broadcast %parallel_loop3A_1177 : i32 to vector<16xi32>
        %parallel_loop3A_1199 = arith.remsi %parallel_loop3A_1176, %parallel_loop3A_1198 : vector<16xi32>
        %parallel_loop3A_1200 = arith.constant 0 : i32
        %parallel_loop3A_1201 = vector.broadcast %parallel_loop3A_1200 : i32 to vector<16xi32>
        %parallel_loop3A_1202 = arith.cmpi ne, %parallel_loop3A_1199, %parallel_loop3A_1201 : vector<16xi32>
        %parallel_loop3A_1203 = arith.andi %parallel_loop3A_1197, %parallel_loop3A_1202 : vector<16xi1>
        %parallel_loop3A_1204 = arith.constant 1 : i32
        %parallel_loop3A_1205 = vector.broadcast %parallel_loop3A_1204 : i32 to vector<16xi32>
        %parallel_loop3A_1206 = arith.subi %parallel_loop3A_1179, %parallel_loop3A_1205 : vector<16xi32>
        %parallel_loop3A_1207 = arith.select %parallel_loop3A_1203, %parallel_loop3A_1206, %parallel_loop3A_1179 : vector<16xi1>, vector<16xi32>
        %parallel_loop3A_1208 = arith.constant 200 : i32
        %parallel_loop3A_1209 = vector.broadcast %parallel_loop3A_1208 : i32 to vector<16xi32>
        %parallel_loop3A_1210 = arith.muli %parallel_loop3A_1207, %parallel_loop3A_1209 : vector<16xi32>
        %parallel_loop3A_1211 = arith.subi %parallel_loop3A_1176, %parallel_loop3A_1210 : vector<16xi32>
        %parallel_loop3A_1212 = tpu.vector_load_idx %arg7[%parallel_loop3A_1207, %parallel_loop3A_1211] : memref<2x200xi32, #tpu.memory_space<vmem>>[vector<16xi32>, vector<16xi32>], vector<16xi32>,
        %parallel_loop3A_1213 = arith.constant 4 : i32
        %parallel_loop3A_1214 = vector.broadcast %parallel_loop3A_1213 : i32 to vector<16xi32>
        %parallel_loop3A_1215 = arith.shli %parallel_loop3A_1212, %parallel_loop3A_1214 : vector<16xi32>
        %parallel_loop3A_1216 = arith.addi %parallel_loop3A_1215, %sub3A_692 : vector<16xi32>
        %parallel_loop3A_1217 = tpu.vector_load_idx %arg6[%parallel_loop3A_1216] : memref<256xf32, #tpu.memory_space<vmem>>[vector<16xi32>], vector<16xf32>,
        tpu.vector_store_idx %arg9[%parallel_loop3A_1176, %sub3A_692], %parallel_loop3A_1217 : memref<400x10xf32, #tpu.memory_space<vmem>>[vector<16xi32>, vector<16xi32>], vector<16xf32>,
        %parallel_loop3A_1218 = vector.broadcast %parallel_loop3A_830 : i32 to vector<16xi32>
        %parallel_loop3A_1219 = arith.addi %select_n3A_726, %parallel_loop3A_1218 : vector<16xi32>
        %parallel_loop3A_1220 = arith.constant 200 : i32
        %parallel_loop3A_1221 = vector.broadcast %parallel_loop3A_1220 : i32 to vector<16xi32>
        %parallel_loop3A_1222 = arith.divsi %parallel_loop3A_1219, %parallel_loop3A_1221 : vector<16xi32>
        %parallel_loop3A_1223 = arith.constant 0 : i32
        %parallel_loop3A_1224 = vector.broadcast %parallel_loop3A_1223 : i32 to vector<16xi32>
        %parallel_loop3A_1225 = arith.cmpi sgt, %parallel_loop3A_1219, %parallel_loop3A_1224 : vector<16xi32>
        %parallel_loop3A_1226 = arith.extui %parallel_loop3A_1225 : vector<16xi1> to vector<16xi32>
        %parallel_loop3A_1227 = arith.constant 0 : i32
        %parallel_loop3A_1228 = vector.broadcast %parallel_loop3A_1227 : i32 to vector<16xi32>
        %parallel_loop3A_1229 = arith.cmpi slt, %parallel_loop3A_1219, %parallel_loop3A_1228 : vector<16xi32>
        %parallel_loop3A_1230 = arith.extui %parallel_loop3A_1229 : vector<16xi1> to vector<16xi32>
        %parallel_loop3A_1231 = arith.subi %parallel_loop3A_1226, %parallel_loop3A_1230 : vector<16xi32>
        %parallel_loop3A_1232 = arith.constant 0 : i32
        %parallel_loop3A_1233 = arith.cmpi sgt, %parallel_loop3A_1220, %parallel_loop3A_1232 : i32
        %parallel_loop3A_1234 = arith.extui %parallel_loop3A_1233 : i1 to i32
        %parallel_loop3A_1235 = arith.constant 0 : i32
        %parallel_loop3A_1236 = arith.cmpi slt, %parallel_loop3A_1220, %parallel_loop3A_1235 : i32
        %parallel_loop3A_1237 = arith.extui %parallel_loop3A_1236 : i1 to i32
        %parallel_loop3A_1238 = arith.subi %parallel_loop3A_1234, %parallel_loop3A_1237 : i32
        %parallel_loop3A_1239 = vector.broadcast %parallel_loop3A_1238 : i32 to vector<16xi32>
        %parallel_loop3A_1240 = arith.cmpi ne, %parallel_loop3A_1231, %parallel_loop3A_1239 : vector<16xi32>
        %parallel_loop3A_1241 = vector.broadcast %parallel_loop3A_1220 : i32 to vector<16xi32>
        %parallel_loop3A_1242 = arith.remsi %parallel_loop3A_1219, %parallel_loop3A_1241 : vector<16xi32>
        %parallel_loop3A_1243 = arith.constant 0 : i32
        %parallel_loop3A_1244 = vector.broadcast %parallel_loop3A_1243 : i32 to vector<16xi32>
        %parallel_loop3A_1245 = arith.cmpi ne, %parallel_loop3A_1242, %parallel_loop3A_1244 : vector<16xi32>
        %parallel_loop3A_1246 = arith.andi %parallel_loop3A_1240, %parallel_loop3A_1245 : vector<16xi1>
        %parallel_loop3A_1247 = arith.constant 1 : i32
        %parallel_loop3A_1248 = vector.broadcast %parallel_loop3A_1247 : i32 to vector<16xi32>
        %parallel_loop3A_1249 = arith.subi %parallel_loop3A_1222, %parallel_loop3A_1248 : vector<16xi32>
        %parallel_loop3A_1250 = arith.select %parallel_loop3A_1246, %parallel_loop3A_1249, %parallel_loop3A_1222 : vector<16xi1>, vector<16xi32>
        %parallel_loop3A_1251 = arith.constant 200 : i32
        %parallel_loop3A_1252 = vector.broadcast %parallel_loop3A_1251 : i32 to vector<16xi32>
        %parallel_loop3A_1253 = arith.muli %parallel_loop3A_1250, %parallel_loop3A_1252 : vector<16xi32>
        %parallel_loop3A_1254 = arith.subi %parallel_loop3A_1219, %parallel_loop3A_1253 : vector<16xi32>
        %parallel_loop3A_1255 = tpu.vector_load_idx %arg7[%parallel_loop3A_1250, %parallel_loop3A_1254] : memref<2x200xi32, #tpu.memory_space<vmem>>[vector<16xi32>, vector<16xi32>], vector<16xi32>,
        %parallel_loop3A_1256 = arith.constant 4 : i32
        %parallel_loop3A_1257 = vector.broadcast %parallel_loop3A_1256 : i32 to vector<16xi32>
        %parallel_loop3A_1258 = arith.shli %parallel_loop3A_1255, %parallel_loop3A_1257 : vector<16xi32>
        %parallel_loop3A_1259 = arith.addi %parallel_loop3A_1258, %sub3A_730 : vector<16xi32>
        %parallel_loop3A_1260 = tpu.vector_load_idx %arg6[%parallel_loop3A_1259] : memref<256xf32, #tpu.memory_space<vmem>>[vector<16xi32>], vector<16xf32>,
        tpu.vector_store_idx %arg9[%parallel_loop3A_1219, %sub3A_730], %parallel_loop3A_1260 : memref<400x10xf32, #tpu.memory_space<vmem>>[vector<16xi32>, vector<16xi32>], vector<16xf32>,
      } {sc.loop_unroll_factor = 5 : i64, sc.parallel_access}
      %mul3A_777 = arith.constant 2 : i32
      %mul3A_778 = arith.muli %add3A_768, %mul3A_777 : i32
      %add3A_779 = arith.addi %mul3A_2, %mul3A_778 : i32
      %dma_start3A_780 = tpu.memref_reshape %arg9 : memref<400x10xf32, #tpu.memory_space<vmem>> -> memref<2x200x10xf32, #tpu.memory_space<vmem>>
      %dma_start3A_781 = arith.constant 0 : i32
      %dma_start3A_782 = arith.constant 0 : i32
      %dma_start3A_783 = tpu.memref_slice %arg4[%add3A_779, %dma_start3A_781, %dma_start3A_782] : memref<16384x200x10xf32, #tpu.memory_space<hbm>> -> memref<2x200x10xf32, #tpu.memory_space<hbm>>
      %dma_start3A_784 = arith.constant 0 : i32
      %dma_start3A_785 = arith.constant 0 : i32
      %dma_start3A_786 = tpu.memref_slice %arg4[%add3A_779, %dma_start3A_784, %dma_start3A_785] : memref<16384x200x10xf32, #tpu.memory_space<hbm>> -> memref<2x200x10xf32, #tpu.memory_space<hbm>>
      %dma_start3A_787 = tpu.memref_reshape %arg9 : memref<400x10xf32, #tpu.memory_space<vmem>> -> memref<2x200x10xf32, #tpu.memory_space<vmem>>
      tpu.enqueue_dma source(%dma_start3A_787 : memref<2x200x10xf32, #tpu.memory_space<vmem>>) target(%dma_start3A_786 : memref<2x200x10xf32, #tpu.memory_space<hbm>>) target_semaphore(%arg13 : memref<!tpu.dma_semaphore, #tpu.memory_space<semaphore_mem>>)
      %add3A_788 = arith.constant 2 : i32
      %add3A_789 = arith.addi %add3A_768, %add3A_788 : i32
      %lt3A = arith.constant 256 : i32
      %lt3A_790 = arith.cmpi slt, %add3A_789, %lt3A : i32
      %convert_element_type3A_791 = arith.extui %lt3A_790 : i1 to i32
      %cond3A_792 = arith.constant 0 : i32
      %cond3A_793 = arith.cmpi ne, %convert_element_type3A_791, %cond3A_792 : i32
      scf.if %cond3A_793 {
        %add3A_828 = arith.constant 2 : i32
        %add3A_829 = arith.addi %add3A_768, %add3A_828 : i32
        %mul3A_830 = arith.constant 2 : i32
        %mul3A_831 = arith.muli %add3A_829, %mul3A_830 : i32
        %add3A_832 = arith.addi %mul3A_2, %mul3A_831 : i32
        %dma_start3A_833 = arith.constant 0 : i32
        %dma_start3A_834 = tpu.memref_slice %arg2[%add3A_832, %dma_start3A_833] : memref<16384x200xi32, #tpu.memory_space<hbm>> -> memref<2x200xi32, #tpu.memory_space<hbm>>
        %dma_start3A_835 = arith.constant 0 : i32
        %dma_start3A_836 = tpu.memref_slice %arg2[%add3A_832, %dma_start3A_835] : memref<16384x200xi32, #tpu.memory_space<hbm>> -> memref<2x200xi32, #tpu.memory_space<hbm>>
        tpu.enqueue_dma source(%dma_start3A_836 : memref<2x200xi32, #tpu.memory_space<hbm>>) target(%arg7 : memref<2x200xi32, #tpu.memory_space<vmem>>) target_semaphore(%arg11 : memref<!tpu.dma_semaphore, #tpu.memory_space<semaphore_mem>>)
      } else {
      }
      %mul3A_794 = arith.constant 2 : i32
      %mul3A_795 = arith.muli %mul3A_794, %scan3A_764 : i32
      %add3A_796 = arith.constant 1 : i32
      %add3A_797 = arith.addi %mul3A_795, %add3A_796 : i32
      %dma_wait3A_798 = arith.constant 0 : i32
      %dma_wait3A_799 = tpu.memref_slice %arg2[%mul3A_2, %dma_wait3A_798] : memref<16384x200xi32, #tpu.memory_space<hbm>> -> memref<2x200xi32, #tpu.memory_space<hbm>>
      %dma_wait3A_800 = arith.constant 0 : i32
      %dma_wait3A_801 = tpu.memref_slice %arg2[%mul3A_2, %dma_wait3A_800] : memref<16384x200xi32, #tpu.memory_space<hbm>> -> memref<2x200xi32, #tpu.memory_space<hbm>>
      tpu.wait_dma2 semaphore(%arg12 : memref<!tpu.dma_semaphore, #tpu.memory_space<semaphore_mem>>) src(%dma_wait3A_801 : memref<2x200xi32, #tpu.memory_space<hbm>>) dst(%arg8 : memref<2x200xi32, #tpu.memory_space<vmem>>)
      %ge3A_802 = arith.constant 2 : i32
      %ge3A_803 = arith.cmpi sge, %add3A_797, %ge3A_802 : i32
      %convert_element_type3A_804 = arith.extui %ge3A_803 : i1 to i32
      %cond3A_805 = arith.constant 0 : i32
      %cond3A_806 = arith.cmpi ne, %convert_element_type3A_804, %cond3A_805 : i32
      scf.if %cond3A_806 {
        %add3A_828 = arith.constant 0 : i32
        %add3A_829 = arith.addi %mul3A_2, %add3A_828 : i32
        %dma_wait3A_830 = tpu.memref_reshape %arg10 : memref<400x10xf32, #tpu.memory_space<vmem>> -> memref<2x200x10xf32, #tpu.memory_space<vmem>>
        %dma_wait3A_831 = arith.constant 0 : i32
        %dma_wait3A_832 = arith.constant 0 : i32
        %dma_wait3A_833 = tpu.memref_slice %arg4[%add3A_829, %dma_wait3A_831, %dma_wait3A_832] : memref<16384x200x10xf32, #tpu.memory_space<hbm>> -> memref<2x200x10xf32, #tpu.memory_space<hbm>>
        %dma_wait3A_834 = arith.constant 0 : i32
        %dma_wait3A_835 = arith.constant 0 : i32
        %dma_wait3A_836 = tpu.memref_slice %arg4[%add3A_829, %dma_wait3A_834, %dma_wait3A_835] : memref<16384x200x10xf32, #tpu.memory_space<hbm>> -> memref<2x200x10xf32, #tpu.memory_space<hbm>>
        %dma_wait3A_837 = tpu.memref_reshape %arg10 : memref<400x10xf32, #tpu.memory_space<vmem>> -> memref<2x200x10xf32, #tpu.memory_space<vmem>>
        tpu.wait_dma2 semaphore(%arg14 : memref<!tpu.dma_semaphore, #tpu.memory_space<semaphore_mem>>) src(%dma_wait3A_837 : memref<2x200x10xf32, #tpu.memory_space<vmem>>) dst(%dma_wait3A_836 : memref<2x200x10xf32, #tpu.memory_space<hbm>>)
      } else {
      }
      %parallel_loop3A_807 = arith.constant 0 : i32
      %parallel_loop3A_808 = arith.constant 25 : i32
      %parallel_loop3A_809 = arith.constant 1 : i32
      scf.for %parallel_loop3A_828 = %parallel_loop3A_807 to %parallel_loop3A_808 step %parallel_loop3A_809  : i32 {
        %parallel_loop3A_829 = arith.constant 16 : i32
        %parallel_loop3A_830 = arith.muli %parallel_loop3A_828, %parallel_loop3A_829 : i32
        %parallel_loop3A_831 = vector.broadcast %parallel_loop3A_830 : i32 to vector<16xi32>
        %parallel_loop3A_832 = arith.addi %select_n3A, %parallel_loop3A_831 : vector<16xi32>
        %parallel_loop3A_833 = arith.constant 200 : i32
        %parallel_loop3A_834 = vector.broadcast %parallel_loop3A_833 : i32 to vector<16xi32>
        %parallel_loop3A_835 = arith.divsi %parallel_loop3A_832, %parallel_loop3A_834 : vector<16xi32>
        %parallel_loop3A_836 = arith.constant 0 : i32
        %parallel_loop3A_837 = vector.broadcast %parallel_loop3A_836 : i32 to vector<16xi32>
        %parallel_loop3A_838 = arith.cmpi sgt, %parallel_loop3A_832, %parallel_loop3A_837 : vector<16xi32>
        %parallel_loop3A_839 = arith.extui %parallel_loop3A_838 : vector<16xi1> to vector<16xi32>
        %parallel_loop3A_840 = arith.constant 0 : i32
        %parallel_loop3A_841 = vector.broadcast %parallel_loop3A_840 : i32 to vector<16xi32>
        %parallel_loop3A_842 = arith.cmpi slt, %parallel_loop3A_832, %parallel_loop3A_841 : vector<16xi32>
        %parallel_loop3A_843 = arith.extui %parallel_loop3A_842 : vector<16xi1> to vector<16xi32>
        %parallel_loop3A_844 = arith.subi %parallel_loop3A_839, %parallel_loop3A_843 : vector<16xi32>
        %parallel_loop3A_845 = arith.constant 0 : i32
        %parallel_loop3A_846 = arith.cmpi sgt, %parallel_loop3A_833, %parallel_loop3A_845 : i32
        %parallel_loop3A_847 = arith.extui %parallel_loop3A_846 : i1 to i32
        %parallel_loop3A_848 = arith.constant 0 : i32
        %parallel_loop3A_849 = arith.cmpi slt, %parallel_loop3A_833, %parallel_loop3A_848 : i32
        %parallel_loop3A_850 = arith.extui %parallel_loop3A_849 : i1 to i32
        %parallel_loop3A_851 = arith.subi %parallel_loop3A_847, %parallel_loop3A_850 : i32
        %parallel_loop3A_852 = vector.broadcast %parallel_loop3A_851 : i32 to vector<16xi32>
        %parallel_loop3A_853 = arith.cmpi ne, %parallel_loop3A_844, %parallel_loop3A_852 : vector<16xi32>
        %parallel_loop3A_854 = vector.broadcast %parallel_loop3A_833 : i32 to vector<16xi32>
        %parallel_loop3A_855 = arith.remsi %parallel_loop3A_832, %parallel_loop3A_854 : vector<16xi32>
        %parallel_loop3A_856 = arith.constant 0 : i32
        %parallel_loop3A_857 = vector.broadcast %parallel_loop3A_856 : i32 to vector<16xi32>
        %parallel_loop3A_858 = arith.cmpi ne, %parallel_loop3A_855, %parallel_loop3A_857 : vector<16xi32>
        %parallel_loop3A_859 = arith.andi %parallel_loop3A_853, %parallel_loop3A_858 : vector<16xi1>
        %parallel_loop3A_860 = arith.constant 1 : i32
        %parallel_loop3A_861 = vector.broadcast %parallel_loop3A_860 : i32 to vector<16xi32>
        %parallel_loop3A_862 = arith.subi %parallel_loop3A_835, %parallel_loop3A_861 : vector<16xi32>
        %parallel_loop3A_863 = arith.select %parallel_loop3A_859, %parallel_loop3A_862, %parallel_loop3A_835 : vector<16xi1>, vector<16xi32>
        %parallel_loop3A_864 = arith.constant 200 : i32
        %parallel_loop3A_865 = vector.broadcast %parallel_loop3A_864 : i32 to vector<16xi32>
        %parallel_loop3A_866 = arith.muli %parallel_loop3A_863, %parallel_loop3A_865 : vector<16xi32>
        %parallel_loop3A_867 = arith.subi %parallel_loop3A_832, %parallel_loop3A_866 : vector<16xi32>
        %parallel_loop3A_868 = tpu.vector_load_idx %arg8[%parallel_loop3A_863, %parallel_loop3A_867] : memref<2x200xi32, #tpu.memory_space<vmem>>[vector<16xi32>, vector<16xi32>], vector<16xi32>,
        %parallel_loop3A_869 = arith.constant 4 : i32
        %parallel_loop3A_870 = vector.broadcast %parallel_loop3A_869 : i32 to vector<16xi32>
        %parallel_loop3A_871 = arith.shli %parallel_loop3A_868, %parallel_loop3A_870 : vector<16xi32>
        %parallel_loop3A_872 = arith.addi %parallel_loop3A_871, %sub3A_388 : vector<16xi32>
        %parallel_loop3A_873 = tpu.vector_load_idx %arg6[%parallel_loop3A_872] : memref<256xf32, #tpu.memory_space<vmem>>[vector<16xi32>], vector<16xf32>,
        tpu.vector_store_idx %arg10[%parallel_loop3A_832, %sub3A_388], %parallel_loop3A_873 : memref<400x10xf32, #tpu.memory_space<vmem>>[vector<16xi32>, vector<16xi32>], vector<16xf32>,
        %parallel_loop3A_874 = vector.broadcast %parallel_loop3A_830 : i32 to vector<16xi32>
        %parallel_loop3A_875 = arith.addi %select_n3A_422, %parallel_loop3A_874 : vector<16xi32>
        %parallel_loop3A_876 = arith.constant 200 : i32
        %parallel_loop3A_877 = vector.broadcast %parallel_loop3A_876 : i32 to vector<16xi32>
        %parallel_loop3A_878 = arith.divsi %parallel_loop3A_875, %parallel_loop3A_877 : vector<16xi32>
        %parallel_loop3A_879 = arith.constant 0 : i32
        %parallel_loop3A_880 = vector.broadcast %parallel_loop3A_879 : i32 to vector<16xi32>
        %parallel_loop3A_881 = arith.cmpi sgt, %parallel_loop3A_875, %parallel_loop3A_880 : vector<16xi32>
        %parallel_loop3A_882 = arith.extui %parallel_loop3A_881 : vector<16xi1> to vector<16xi32>
        %parallel_loop3A_883 = arith.constant 0 : i32
        %parallel_loop3A_884 = vector.broadcast %parallel_loop3A_883 : i32 to vector<16xi32>
        %parallel_loop3A_885 = arith.cmpi slt, %parallel_loop3A_875, %parallel_loop3A_884 : vector<16xi32>
        %parallel_loop3A_886 = arith.extui %parallel_loop3A_885 : vector<16xi1> to vector<16xi32>
        %parallel_loop3A_887 = arith.subi %parallel_loop3A_882, %parallel_loop3A_886 : vector<16xi32>
        %parallel_loop3A_888 = arith.constant 0 : i32
        %parallel_loop3A_889 = arith.cmpi sgt, %parallel_loop3A_876, %parallel_loop3A_888 : i32
        %parallel_loop3A_890 = arith.extui %parallel_loop3A_889 : i1 to i32
        %parallel_loop3A_891 = arith.constant 0 : i32
        %parallel_loop3A_892 = arith.cmpi slt, %parallel_loop3A_876, %parallel_loop3A_891 : i32
        %parallel_loop3A_893 = arith.extui %parallel_loop3A_892 : i1 to i32
        %parallel_loop3A_894 = arith.subi %parallel_loop3A_890, %parallel_loop3A_893 : i32
        %parallel_loop3A_895 = vector.broadcast %parallel_loop3A_894 : i32 to vector<16xi32>
        %parallel_loop3A_896 = arith.cmpi ne, %parallel_loop3A_887, %parallel_loop3A_895 : vector<16xi32>
        %parallel_loop3A_897 = vector.broadcast %parallel_loop3A_876 : i32 to vector<16xi32>
        %parallel_loop3A_898 = arith.remsi %parallel_loop3A_875, %parallel_loop3A_897 : vector<16xi32>
        %parallel_loop3A_899 = arith.constant 0 : i32
        %parallel_loop3A_900 = vector.broadcast %parallel_loop3A_899 : i32 to vector<16xi32>
        %parallel_loop3A_901 = arith.cmpi ne, %parallel_loop3A_898, %parallel_loop3A_900 : vector<16xi32>
        %parallel_loop3A_902 = arith.andi %parallel_loop3A_896, %parallel_loop3A_901 : vector<16xi1>
        %parallel_loop3A_903 = arith.constant 1 : i32
        %parallel_loop3A_904 = vector.broadcast %parallel_loop3A_903 : i32 to vector<16xi32>
        %parallel_loop3A_905 = arith.subi %parallel_loop3A_878, %parallel_loop3A_904 : vector<16xi32>
        %parallel_loop3A_906 = arith.select %parallel_loop3A_902, %parallel_loop3A_905, %parallel_loop3A_878 : vector<16xi1>, vector<16xi32>
        %parallel_loop3A_907 = arith.constant 200 : i32
        %parallel_loop3A_908 = vector.broadcast %parallel_loop3A_907 : i32 to vector<16xi32>
        %parallel_loop3A_909 = arith.muli %parallel_loop3A_906, %parallel_loop3A_908 : vector<16xi32>
        %parallel_loop3A_910 = arith.subi %parallel_loop3A_875, %parallel_loop3A_909 : vector<16xi32>
        %parallel_loop3A_911 = tpu.vector_load_idx %arg8[%parallel_loop3A_906, %parallel_loop3A_910] : memref<2x200xi32, #tpu.memory_space<vmem>>[vector<16xi32>, vector<16xi32>], vector<16xi32>,
        %parallel_loop3A_912 = arith.constant 4 : i32
        %parallel_loop3A_913 = vector.broadcast %parallel_loop3A_912 : i32 to vector<16xi32>
        %parallel_loop3A_914 = arith.shli %parallel_loop3A_911, %parallel_loop3A_913 : vector<16xi32>
        %parallel_loop3A_915 = arith.addi %parallel_loop3A_914, %sub3A_426 : vector<16xi32>
        %parallel_loop3A_916 = tpu.vector_load_idx %arg6[%parallel_loop3A_915] : memref<256xf32, #tpu.memory_space<vmem>>[vector<16xi32>], vector<16xf32>,
        tpu.vector_store_idx %arg10[%parallel_loop3A_875, %sub3A_426], %parallel_loop3A_916 : memref<400x10xf32, #tpu.memory_space<vmem>>[vector<16xi32>, vector<16xi32>], vector<16xf32>,
        %parallel_loop3A_917 = vector.broadcast %parallel_loop3A_830 : i32 to vector<16xi32>
        %parallel_loop3A_918 = arith.addi %select_n3A_460, %parallel_loop3A_917 : vector<16xi32>
        %parallel_loop3A_919 = arith.constant 200 : i32
        %parallel_loop3A_920 = vector.broadcast %parallel_loop3A_919 : i32 to vector<16xi32>
        %parallel_loop3A_921 = arith.divsi %parallel_loop3A_918, %parallel_loop3A_920 : vector<16xi32>
        %parallel_loop3A_922 = arith.constant 0 : i32
        %parallel_loop3A_923 = vector.broadcast %parallel_loop3A_922 : i32 to vector<16xi32>
        %parallel_loop3A_924 = arith.cmpi sgt, %parallel_loop3A_918, %parallel_loop3A_923 : vector<16xi32>
        %parallel_loop3A_925 = arith.extui %parallel_loop3A_924 : vector<16xi1> to vector<16xi32>
        %parallel_loop3A_926 = arith.constant 0 : i32
        %parallel_loop3A_927 = vector.broadcast %parallel_loop3A_926 : i32 to vector<16xi32>
        %parallel_loop3A_928 = arith.cmpi slt, %parallel_loop3A_918, %parallel_loop3A_927 : vector<16xi32>
        %parallel_loop3A_929 = arith.extui %parallel_loop3A_928 : vector<16xi1> to vector<16xi32>
        %parallel_loop3A_930 = arith.subi %parallel_loop3A_925, %parallel_loop3A_929 : vector<16xi32>
        %parallel_loop3A_931 = arith.constant 0 : i32
        %parallel_loop3A_932 = arith.cmpi sgt, %parallel_loop3A_919, %parallel_loop3A_931 : i32
        %parallel_loop3A_933 = arith.extui %parallel_loop3A_932 : i1 to i32
        %parallel_loop3A_934 = arith.constant 0 : i32
        %parallel_loop3A_935 = arith.cmpi slt, %parallel_loop3A_919, %parallel_loop3A_934 : i32
        %parallel_loop3A_936 = arith.extui %parallel_loop3A_935 : i1 to i32
        %parallel_loop3A_937 = arith.subi %parallel_loop3A_933, %parallel_loop3A_936 : i32
        %parallel_loop3A_938 = vector.broadcast %parallel_loop3A_937 : i32 to vector<16xi32>
        %parallel_loop3A_939 = arith.cmpi ne, %parallel_loop3A_930, %parallel_loop3A_938 : vector<16xi32>
        %parallel_loop3A_940 = vector.broadcast %parallel_loop3A_919 : i32 to vector<16xi32>
        %parallel_loop3A_941 = arith.remsi %parallel_loop3A_918, %parallel_loop3A_940 : vector<16xi32>
        %parallel_loop3A_942 = arith.constant 0 : i32
        %parallel_loop3A_943 = vector.broadcast %parallel_loop3A_942 : i32 to vector<16xi32>
        %parallel_loop3A_944 = arith.cmpi ne, %parallel_loop3A_941, %parallel_loop3A_943 : vector<16xi32>
        %parallel_loop3A_945 = arith.andi %parallel_loop3A_939, %parallel_loop3A_944 : vector<16xi1>
        %parallel_loop3A_946 = arith.constant 1 : i32
        %parallel_loop3A_947 = vector.broadcast %parallel_loop3A_946 : i32 to vector<16xi32>
        %parallel_loop3A_948 = arith.subi %parallel_loop3A_921, %parallel_loop3A_947 : vector<16xi32>
        %parallel_loop3A_949 = arith.select %parallel_loop3A_945, %parallel_loop3A_948, %parallel_loop3A_921 : vector<16xi1>, vector<16xi32>
        %parallel_loop3A_950 = arith.constant 200 : i32
        %parallel_loop3A_951 = vector.broadcast %parallel_loop3A_950 : i32 to vector<16xi32>
        %parallel_loop3A_952 = arith.muli %parallel_loop3A_949, %parallel_loop3A_951 : vector<16xi32>
        %parallel_loop3A_953 = arith.subi %parallel_loop3A_918, %parallel_loop3A_952 : vector<16xi32>
        %parallel_loop3A_954 = tpu.vector_load_idx %arg8[%parallel_loop3A_949, %parallel_loop3A_953] : memref<2x200xi32, #tpu.memory_space<vmem>>[vector<16xi32>, vector<16xi32>], vector<16xi32>,
        %parallel_loop3A_955 = arith.constant 4 : i32
        %parallel_loop3A_956 = vector.broadcast %parallel_loop3A_955 : i32 to vector<16xi32>
        %parallel_loop3A_957 = arith.shli %parallel_loop3A_954, %parallel_loop3A_956 : vector<16xi32>
        %parallel_loop3A_958 = arith.addi %parallel_loop3A_957, %sub3A_464 : vector<16xi32>
        %parallel_loop3A_959 = tpu.vector_load_idx %arg6[%parallel_loop3A_958] : memref<256xf32, #tpu.memory_space<vmem>>[vector<16xi32>], vector<16xf32>,
        tpu.vector_store_idx %arg10[%parallel_loop3A_918, %sub3A_464], %parallel_loop3A_959 : memref<400x10xf32, #tpu.memory_space<vmem>>[vector<16xi32>, vector<16xi32>], vector<16xf32>,
        %parallel_loop3A_960 = vector.broadcast %parallel_loop3A_830 : i32 to vector<16xi32>
        %parallel_loop3A_961 = arith.addi %select_n3A_498, %parallel_loop3A_960 : vector<16xi32>
        %parallel_loop3A_962 = arith.constant 200 : i32
        %parallel_loop3A_963 = vector.broadcast %parallel_loop3A_962 : i32 to vector<16xi32>
        %parallel_loop3A_964 = arith.divsi %parallel_loop3A_961, %parallel_loop3A_963 : vector<16xi32>
        %parallel_loop3A_965 = arith.constant 0 : i32
        %parallel_loop3A_966 = vector.broadcast %parallel_loop3A_965 : i32 to vector<16xi32>
        %parallel_loop3A_967 = arith.cmpi sgt, %parallel_loop3A_961, %parallel_loop3A_966 : vector<16xi32>
        %parallel_loop3A_968 = arith.extui %parallel_loop3A_967 : vector<16xi1> to vector<16xi32>
        %parallel_loop3A_969 = arith.constant 0 : i32
        %parallel_loop3A_970 = vector.broadcast %parallel_loop3A_969 : i32 to vector<16xi32>
        %parallel_loop3A_971 = arith.cmpi slt, %parallel_loop3A_961, %parallel_loop3A_970 : vector<16xi32>
        %parallel_loop3A_972 = arith.extui %parallel_loop3A_971 : vector<16xi1> to vector<16xi32>
        %parallel_loop3A_973 = arith.subi %parallel_loop3A_968, %parallel_loop3A_972 : vector<16xi32>
        %parallel_loop3A_974 = arith.constant 0 : i32
        %parallel_loop3A_975 = arith.cmpi sgt, %parallel_loop3A_962, %parallel_loop3A_974 : i32
        %parallel_loop3A_976 = arith.extui %parallel_loop3A_975 : i1 to i32
        %parallel_loop3A_977 = arith.constant 0 : i32
        %parallel_loop3A_978 = arith.cmpi slt, %parallel_loop3A_962, %parallel_loop3A_977 : i32
        %parallel_loop3A_979 = arith.extui %parallel_loop3A_978 : i1 to i32
        %parallel_loop3A_980 = arith.subi %parallel_loop3A_976, %parallel_loop3A_979 : i32
        %parallel_loop3A_981 = vector.broadcast %parallel_loop3A_980 : i32 to vector<16xi32>
        %parallel_loop3A_982 = arith.cmpi ne, %parallel_loop3A_973, %parallel_loop3A_981 : vector<16xi32>
        %parallel_loop3A_983 = vector.broadcast %parallel_loop3A_962 : i32 to vector<16xi32>
        %parallel_loop3A_984 = arith.remsi %parallel_loop3A_961, %parallel_loop3A_983 : vector<16xi32>
        %parallel_loop3A_985 = arith.constant 0 : i32
        %parallel_loop3A_986 = vector.broadcast %parallel_loop3A_985 : i32 to vector<16xi32>
        %parallel_loop3A_987 = arith.cmpi ne, %parallel_loop3A_984, %parallel_loop3A_986 : vector<16xi32>
        %parallel_loop3A_988 = arith.andi %parallel_loop3A_982, %parallel_loop3A_987 : vector<16xi1>
        %parallel_loop3A_989 = arith.constant 1 : i32
        %parallel_loop3A_990 = vector.broadcast %parallel_loop3A_989 : i32 to vector<16xi32>
        %parallel_loop3A_991 = arith.subi %parallel_loop3A_964, %parallel_loop3A_990 : vector<16xi32>
        %parallel_loop3A_992 = arith.select %parallel_loop3A_988, %parallel_loop3A_991, %parallel_loop3A_964 : vector<16xi1>, vector<16xi32>
        %parallel_loop3A_993 = arith.constant 200 : i32
        %parallel_loop3A_994 = vector.broadcast %parallel_loop3A_993 : i32 to vector<16xi32>
        %parallel_loop3A_995 = arith.muli %parallel_loop3A_992, %parallel_loop3A_994 : vector<16xi32>
        %parallel_loop3A_996 = arith.subi %parallel_loop3A_961, %parallel_loop3A_995 : vector<16xi32>
        %parallel_loop3A_997 = tpu.vector_load_idx %arg8[%parallel_loop3A_992, %parallel_loop3A_996] : memref<2x200xi32, #tpu.memory_space<vmem>>[vector<16xi32>, vector<16xi32>], vector<16xi32>,
        %parallel_loop3A_998 = arith.constant 4 : i32
        %parallel_loop3A_999 = vector.broadcast %parallel_loop3A_998 : i32 to vector<16xi32>
        %parallel_loop3A_1000 = arith.shli %parallel_loop3A_997, %parallel_loop3A_999 : vector<16xi32>
        %parallel_loop3A_1001 = arith.addi %parallel_loop3A_1000, %sub3A_502 : vector<16xi32>
        %parallel_loop3A_1002 = tpu.vector_load_idx %arg6[%parallel_loop3A_1001] : memref<256xf32, #tpu.memory_space<vmem>>[vector<16xi32>], vector<16xf32>,
        tpu.vector_store_idx %arg10[%parallel_loop3A_961, %sub3A_502], %parallel_loop3A_1002 : memref<400x10xf32, #tpu.memory_space<vmem>>[vector<16xi32>, vector<16xi32>], vector<16xf32>,
        %parallel_loop3A_1003 = vector.broadcast %parallel_loop3A_830 : i32 to vector<16xi32>
        %parallel_loop3A_1004 = arith.addi %select_n3A_536, %parallel_loop3A_1003 : vector<16xi32>
        %parallel_loop3A_1005 = arith.constant 200 : i32
        %parallel_loop3A_1006 = vector.broadcast %parallel_loop3A_1005 : i32 to vector<16xi32>
        %parallel_loop3A_1007 = arith.divsi %parallel_loop3A_1004, %parallel_loop3A_1006 : vector<16xi32>
        %parallel_loop3A_1008 = arith.constant 0 : i32
        %parallel_loop3A_1009 = vector.broadcast %parallel_loop3A_1008 : i32 to vector<16xi32>
        %parallel_loop3A_1010 = arith.cmpi sgt, %parallel_loop3A_1004, %parallel_loop3A_1009 : vector<16xi32>
        %parallel_loop3A_1011 = arith.extui %parallel_loop3A_1010 : vector<16xi1> to vector<16xi32>
        %parallel_loop3A_1012 = arith.constant 0 : i32
        %parallel_loop3A_1013 = vector.broadcast %parallel_loop3A_1012 : i32 to vector<16xi32>
        %parallel_loop3A_1014 = arith.cmpi slt, %parallel_loop3A_1004, %parallel_loop3A_1013 : vector<16xi32>
        %parallel_loop3A_1015 = arith.extui %parallel_loop3A_1014 : vector<16xi1> to vector<16xi32>
        %parallel_loop3A_1016 = arith.subi %parallel_loop3A_1011, %parallel_loop3A_1015 : vector<16xi32>
        %parallel_loop3A_1017 = arith.constant 0 : i32
        %parallel_loop3A_1018 = arith.cmpi sgt, %parallel_loop3A_1005, %parallel_loop3A_1017 : i32
        %parallel_loop3A_1019 = arith.extui %parallel_loop3A_1018 : i1 to i32
        %parallel_loop3A_1020 = arith.constant 0 : i32
        %parallel_loop3A_1021 = arith.cmpi slt, %parallel_loop3A_1005, %parallel_loop3A_1020 : i32
        %parallel_loop3A_1022 = arith.extui %parallel_loop3A_1021 : i1 to i32
        %parallel_loop3A_1023 = arith.subi %parallel_loop3A_1019, %parallel_loop3A_1022 : i32
        %parallel_loop3A_1024 = vector.broadcast %parallel_loop3A_1023 : i32 to vector<16xi32>
        %parallel_loop3A_1025 = arith.cmpi ne, %parallel_loop3A_1016, %parallel_loop3A_1024 : vector<16xi32>
        %parallel_loop3A_1026 = vector.broadcast %parallel_loop3A_1005 : i32 to vector<16xi32>
        %parallel_loop3A_1027 = arith.remsi %parallel_loop3A_1004, %parallel_loop3A_1026 : vector<16xi32>
        %parallel_loop3A_1028 = arith.constant 0 : i32
        %parallel_loop3A_1029 = vector.broadcast %parallel_loop3A_1028 : i32 to vector<16xi32>
        %parallel_loop3A_1030 = arith.cmpi ne, %parallel_loop3A_1027, %parallel_loop3A_1029 : vector<16xi32>
        %parallel_loop3A_1031 = arith.andi %parallel_loop3A_1025, %parallel_loop3A_1030 : vector<16xi1>
        %parallel_loop3A_1032 = arith.constant 1 : i32
        %parallel_loop3A_1033 = vector.broadcast %parallel_loop3A_1032 : i32 to vector<16xi32>
        %parallel_loop3A_1034 = arith.subi %parallel_loop3A_1007, %parallel_loop3A_1033 : vector<16xi32>
        %parallel_loop3A_1035 = arith.select %parallel_loop3A_1031, %parallel_loop3A_1034, %parallel_loop3A_1007 : vector<16xi1>, vector<16xi32>
        %parallel_loop3A_1036 = arith.constant 200 : i32
        %parallel_loop3A_1037 = vector.broadcast %parallel_loop3A_1036 : i32 to vector<16xi32>
        %parallel_loop3A_1038 = arith.muli %parallel_loop3A_1035, %parallel_loop3A_1037 : vector<16xi32>
        %parallel_loop3A_1039 = arith.subi %parallel_loop3A_1004, %parallel_loop3A_1038 : vector<16xi32>
        %parallel_loop3A_1040 = tpu.vector_load_idx %arg8[%parallel_loop3A_1035, %parallel_loop3A_1039] : memref<2x200xi32, #tpu.memory_space<vmem>>[vector<16xi32>, vector<16xi32>], vector<16xi32>,
        %parallel_loop3A_1041 = arith.constant 4 : i32
        %parallel_loop3A_1042 = vector.broadcast %parallel_loop3A_1041 : i32 to vector<16xi32>
        %parallel_loop3A_1043 = arith.shli %parallel_loop3A_1040, %parallel_loop3A_1042 : vector<16xi32>
        %parallel_loop3A_1044 = arith.addi %parallel_loop3A_1043, %sub3A_540 : vector<16xi32>
        %parallel_loop3A_1045 = tpu.vector_load_idx %arg6[%parallel_loop3A_1044] : memref<256xf32, #tpu.memory_space<vmem>>[vector<16xi32>], vector<16xf32>,
        tpu.vector_store_idx %arg10[%parallel_loop3A_1004, %sub3A_540], %parallel_loop3A_1045 : memref<400x10xf32, #tpu.memory_space<vmem>>[vector<16xi32>, vector<16xi32>], vector<16xf32>,
        %parallel_loop3A_1046 = vector.broadcast %parallel_loop3A_830 : i32 to vector<16xi32>
        %parallel_loop3A_1047 = arith.addi %select_n3A_574, %parallel_loop3A_1046 : vector<16xi32>
        %parallel_loop3A_1048 = arith.constant 200 : i32
        %parallel_loop3A_1049 = vector.broadcast %parallel_loop3A_1048 : i32 to vector<16xi32>
        %parallel_loop3A_1050 = arith.divsi %parallel_loop3A_1047, %parallel_loop3A_1049 : vector<16xi32>
        %parallel_loop3A_1051 = arith.constant 0 : i32
        %parallel_loop3A_1052 = vector.broadcast %parallel_loop3A_1051 : i32 to vector<16xi32>
        %parallel_loop3A_1053 = arith.cmpi sgt, %parallel_loop3A_1047, %parallel_loop3A_1052 : vector<16xi32>
        %parallel_loop3A_1054 = arith.extui %parallel_loop3A_1053 : vector<16xi1> to vector<16xi32>
        %parallel_loop3A_1055 = arith.constant 0 : i32
        %parallel_loop3A_1056 = vector.broadcast %parallel_loop3A_1055 : i32 to vector<16xi32>
        %parallel_loop3A_1057 = arith.cmpi slt, %parallel_loop3A_1047, %parallel_loop3A_1056 : vector<16xi32>
        %parallel_loop3A_1058 = arith.extui %parallel_loop3A_1057 : vector<16xi1> to vector<16xi32>
        %parallel_loop3A_1059 = arith.subi %parallel_loop3A_1054, %parallel_loop3A_1058 : vector<16xi32>
        %parallel_loop3A_1060 = arith.constant 0 : i32
        %parallel_loop3A_1061 = arith.cmpi sgt, %parallel_loop3A_1048, %parallel_loop3A_1060 : i32
        %parallel_loop3A_1062 = arith.extui %parallel_loop3A_1061 : i1 to i32
        %parallel_loop3A_1063 = arith.constant 0 : i32
        %parallel_loop3A_1064 = arith.cmpi slt, %parallel_loop3A_1048, %parallel_loop3A_1063 : i32
        %parallel_loop3A_1065 = arith.extui %parallel_loop3A_1064 : i1 to i32
        %parallel_loop3A_1066 = arith.subi %parallel_loop3A_1062, %parallel_loop3A_1065 : i32
        %parallel_loop3A_1067 = vector.broadcast %parallel_loop3A_1066 : i32 to vector<16xi32>
        %parallel_loop3A_1068 = arith.cmpi ne, %parallel_loop3A_1059, %parallel_loop3A_1067 : vector<16xi32>
        %parallel_loop3A_1069 = vector.broadcast %parallel_loop3A_1048 : i32 to vector<16xi32>
        %parallel_loop3A_1070 = arith.remsi %parallel_loop3A_1047, %parallel_loop3A_1069 : vector<16xi32>
        %parallel_loop3A_1071 = arith.constant 0 : i32
        %parallel_loop3A_1072 = vector.broadcast %parallel_loop3A_1071 : i32 to vector<16xi32>
        %parallel_loop3A_1073 = arith.cmpi ne, %parallel_loop3A_1070, %parallel_loop3A_1072 : vector<16xi32>
        %parallel_loop3A_1074 = arith.andi %parallel_loop3A_1068, %parallel_loop3A_1073 : vector<16xi1>
        %parallel_loop3A_1075 = arith.constant 1 : i32
        %parallel_loop3A_1076 = vector.broadcast %parallel_loop3A_1075 : i32 to vector<16xi32>
        %parallel_loop3A_1077 = arith.subi %parallel_loop3A_1050, %parallel_loop3A_1076 : vector<16xi32>
        %parallel_loop3A_1078 = arith.select %parallel_loop3A_1074, %parallel_loop3A_1077, %parallel_loop3A_1050 : vector<16xi1>, vector<16xi32>
        %parallel_loop3A_1079 = arith.constant 200 : i32
        %parallel_loop3A_1080 = vector.broadcast %parallel_loop3A_1079 : i32 to vector<16xi32>
        %parallel_loop3A_1081 = arith.muli %parallel_loop3A_1078, %parallel_loop3A_1080 : vector<16xi32>
        %parallel_loop3A_1082 = arith.subi %parallel_loop3A_1047, %parallel_loop3A_1081 : vector<16xi32>
        %parallel_loop3A_1083 = tpu.vector_load_idx %arg8[%parallel_loop3A_1078, %parallel_loop3A_1082] : memref<2x200xi32, #tpu.memory_space<vmem>>[vector<16xi32>, vector<16xi32>], vector<16xi32>,
        %parallel_loop3A_1084 = arith.constant 4 : i32
        %parallel_loop3A_1085 = vector.broadcast %parallel_loop3A_1084 : i32 to vector<16xi32>
        %parallel_loop3A_1086 = arith.shli %parallel_loop3A_1083, %parallel_loop3A_1085 : vector<16xi32>
        %parallel_loop3A_1087 = arith.addi %parallel_loop3A_1086, %sub3A_578 : vector<16xi32>
        %parallel_loop3A_1088 = tpu.vector_load_idx %arg6[%parallel_loop3A_1087] : memref<256xf32, #tpu.memory_space<vmem>>[vector<16xi32>], vector<16xf32>,
        tpu.vector_store_idx %arg10[%parallel_loop3A_1047, %sub3A_578], %parallel_loop3A_1088 : memref<400x10xf32, #tpu.memory_space<vmem>>[vector<16xi32>, vector<16xi32>], vector<16xf32>,
        %parallel_loop3A_1089 = vector.broadcast %parallel_loop3A_830 : i32 to vector<16xi32>
        %parallel_loop3A_1090 = arith.addi %select_n3A_612, %parallel_loop3A_1089 : vector<16xi32>
        %parallel_loop3A_1091 = arith.constant 200 : i32
        %parallel_loop3A_1092 = vector.broadcast %parallel_loop3A_1091 : i32 to vector<16xi32>
        %parallel_loop3A_1093 = arith.divsi %parallel_loop3A_1090, %parallel_loop3A_1092 : vector<16xi32>
        %parallel_loop3A_1094 = arith.constant 0 : i32
        %parallel_loop3A_1095 = vector.broadcast %parallel_loop3A_1094 : i32 to vector<16xi32>
        %parallel_loop3A_1096 = arith.cmpi sgt, %parallel_loop3A_1090, %parallel_loop3A_1095 : vector<16xi32>
        %parallel_loop3A_1097 = arith.extui %parallel_loop3A_1096 : vector<16xi1> to vector<16xi32>
        %parallel_loop3A_1098 = arith.constant 0 : i32
        %parallel_loop3A_1099 = vector.broadcast %parallel_loop3A_1098 : i32 to vector<16xi32>
        %parallel_loop3A_1100 = arith.cmpi slt, %parallel_loop3A_1090, %parallel_loop3A_1099 : vector<16xi32>
        %parallel_loop3A_1101 = arith.extui %parallel_loop3A_1100 : vector<16xi1> to vector<16xi32>
        %parallel_loop3A_1102 = arith.subi %parallel_loop3A_1097, %parallel_loop3A_1101 : vector<16xi32>
        %parallel_loop3A_1103 = arith.constant 0 : i32
        %parallel_loop3A_1104 = arith.cmpi sgt, %parallel_loop3A_1091, %parallel_loop3A_1103 : i32
        %parallel_loop3A_1105 = arith.extui %parallel_loop3A_1104 : i1 to i32
        %parallel_loop3A_1106 = arith.constant 0 : i32
        %parallel_loop3A_1107 = arith.cmpi slt, %parallel_loop3A_1091, %parallel_loop3A_1106 : i32
        %parallel_loop3A_1108 = arith.extui %parallel_loop3A_1107 : i1 to i32
        %parallel_loop3A_1109 = arith.subi %parallel_loop3A_1105, %parallel_loop3A_1108 : i32
        %parallel_loop3A_1110 = vector.broadcast %parallel_loop3A_1109 : i32 to vector<16xi32>
        %parallel_loop3A_1111 = arith.cmpi ne, %parallel_loop3A_1102, %parallel_loop3A_1110 : vector<16xi32>
        %parallel_loop3A_1112 = vector.broadcast %parallel_loop3A_1091 : i32 to vector<16xi32>
        %parallel_loop3A_1113 = arith.remsi %parallel_loop3A_1090, %parallel_loop3A_1112 : vector<16xi32>
        %parallel_loop3A_1114 = arith.constant 0 : i32
        %parallel_loop3A_1115 = vector.broadcast %parallel_loop3A_1114 : i32 to vector<16xi32>
        %parallel_loop3A_1116 = arith.cmpi ne, %parallel_loop3A_1113, %parallel_loop3A_1115 : vector<16xi32>
        %parallel_loop3A_1117 = arith.andi %parallel_loop3A_1111, %parallel_loop3A_1116 : vector<16xi1>
        %parallel_loop3A_1118 = arith.constant 1 : i32
        %parallel_loop3A_1119 = vector.broadcast %parallel_loop3A_1118 : i32 to vector<16xi32>
        %parallel_loop3A_1120 = arith.subi %parallel_loop3A_1093, %parallel_loop3A_1119 : vector<16xi32>
        %parallel_loop3A_1121 = arith.select %parallel_loop3A_1117, %parallel_loop3A_1120, %parallel_loop3A_1093 : vector<16xi1>, vector<16xi32>
        %parallel_loop3A_1122 = arith.constant 200 : i32
        %parallel_loop3A_1123 = vector.broadcast %parallel_loop3A_1122 : i32 to vector<16xi32>
        %parallel_loop3A_1124 = arith.muli %parallel_loop3A_1121, %parallel_loop3A_1123 : vector<16xi32>
        %parallel_loop3A_1125 = arith.subi %parallel_loop3A_1090, %parallel_loop3A_1124 : vector<16xi32>
        %parallel_loop3A_1126 = tpu.vector_load_idx %arg8[%parallel_loop3A_1121, %parallel_loop3A_1125] : memref<2x200xi32, #tpu.memory_space<vmem>>[vector<16xi32>, vector<16xi32>], vector<16xi32>,
        %parallel_loop3A_1127 = arith.constant 4 : i32
        %parallel_loop3A_1128 = vector.broadcast %parallel_loop3A_1127 : i32 to vector<16xi32>
        %parallel_loop3A_1129 = arith.shli %parallel_loop3A_1126, %parallel_loop3A_1128 : vector<16xi32>
        %parallel_loop3A_1130 = arith.addi %parallel_loop3A_1129, %sub3A_616 : vector<16xi32>
        %parallel_loop3A_1131 = tpu.vector_load_idx %arg6[%parallel_loop3A_1130] : memref<256xf32, #tpu.memory_space<vmem>>[vector<16xi32>], vector<16xf32>,
        tpu.vector_store_idx %arg10[%parallel_loop3A_1090, %sub3A_616], %parallel_loop3A_1131 : memref<400x10xf32, #tpu.memory_space<vmem>>[vector<16xi32>, vector<16xi32>], vector<16xf32>,
        %parallel_loop3A_1132 = vector.broadcast %parallel_loop3A_830 : i32 to vector<16xi32>
        %parallel_loop3A_1133 = arith.addi %select_n3A_650, %parallel_loop3A_1132 : vector<16xi32>
        %parallel_loop3A_1134 = arith.constant 200 : i32
        %parallel_loop3A_1135 = vector.broadcast %parallel_loop3A_1134 : i32 to vector<16xi32>
        %parallel_loop3A_1136 = arith.divsi %parallel_loop3A_1133, %parallel_loop3A_1135 : vector<16xi32>
        %parallel_loop3A_1137 = arith.constant 0 : i32
        %parallel_loop3A_1138 = vector.broadcast %parallel_loop3A_1137 : i32 to vector<16xi32>
        %parallel_loop3A_1139 = arith.cmpi sgt, %parallel_loop3A_1133, %parallel_loop3A_1138 : vector<16xi32>
        %parallel_loop3A_1140 = arith.extui %parallel_loop3A_1139 : vector<16xi1> to vector<16xi32>
        %parallel_loop3A_1141 = arith.constant 0 : i32
        %parallel_loop3A_1142 = vector.broadcast %parallel_loop3A_1141 : i32 to vector<16xi32>
        %parallel_loop3A_1143 = arith.cmpi slt, %parallel_loop3A_1133, %parallel_loop3A_1142 : vector<16xi32>
        %parallel_loop3A_1144 = arith.extui %parallel_loop3A_1143 : vector<16xi1> to vector<16xi32>
        %parallel_loop3A_1145 = arith.subi %parallel_loop3A_1140, %parallel_loop3A_1144 : vector<16xi32>
        %parallel_loop3A_1146 = arith.constant 0 : i32
        %parallel_loop3A_1147 = arith.cmpi sgt, %parallel_loop3A_1134, %parallel_loop3A_1146 : i32
        %parallel_loop3A_1148 = arith.extui %parallel_loop3A_1147 : i1 to i32
        %parallel_loop3A_1149 = arith.constant 0 : i32
        %parallel_loop3A_1150 = arith.cmpi slt, %parallel_loop3A_1134, %parallel_loop3A_1149 : i32
        %parallel_loop3A_1151 = arith.extui %parallel_loop3A_1150 : i1 to i32
        %parallel_loop3A_1152 = arith.subi %parallel_loop3A_1148, %parallel_loop3A_1151 : i32
        %parallel_loop3A_1153 = vector.broadcast %parallel_loop3A_1152 : i32 to vector<16xi32>
        %parallel_loop3A_1154 = arith.cmpi ne, %parallel_loop3A_1145, %parallel_loop3A_1153 : vector<16xi32>
        %parallel_loop3A_1155 = vector.broadcast %parallel_loop3A_1134 : i32 to vector<16xi32>
        %parallel_loop3A_1156 = arith.remsi %parallel_loop3A_1133, %parallel_loop3A_1155 : vector<16xi32>
        %parallel_loop3A_1157 = arith.constant 0 : i32
        %parallel_loop3A_1158 = vector.broadcast %parallel_loop3A_1157 : i32 to vector<16xi32>
        %parallel_loop3A_1159 = arith.cmpi ne, %parallel_loop3A_1156, %parallel_loop3A_1158 : vector<16xi32>
        %parallel_loop3A_1160 = arith.andi %parallel_loop3A_1154, %parallel_loop3A_1159 : vector<16xi1>
        %parallel_loop3A_1161 = arith.constant 1 : i32
        %parallel_loop3A_1162 = vector.broadcast %parallel_loop3A_1161 : i32 to vector<16xi32>
        %parallel_loop3A_1163 = arith.subi %parallel_loop3A_1136, %parallel_loop3A_1162 : vector<16xi32>
        %parallel_loop3A_1164 = arith.select %parallel_loop3A_1160, %parallel_loop3A_1163, %parallel_loop3A_1136 : vector<16xi1>, vector<16xi32>
        %parallel_loop3A_1165 = arith.constant 200 : i32
        %parallel_loop3A_1166 = vector.broadcast %parallel_loop3A_1165 : i32 to vector<16xi32>
        %parallel_loop3A_1167 = arith.muli %parallel_loop3A_1164, %parallel_loop3A_1166 : vector<16xi32>
        %parallel_loop3A_1168 = arith.subi %parallel_loop3A_1133, %parallel_loop3A_1167 : vector<16xi32>
        %parallel_loop3A_1169 = tpu.vector_load_idx %arg8[%parallel_loop3A_1164, %parallel_loop3A_1168] : memref<2x200xi32, #tpu.memory_space<vmem>>[vector<16xi32>, vector<16xi32>], vector<16xi32>,
        %parallel_loop3A_1170 = arith.constant 4 : i32
        %parallel_loop3A_1171 = vector.broadcast %parallel_loop3A_1170 : i32 to vector<16xi32>
        %parallel_loop3A_1172 = arith.shli %parallel_loop3A_1169, %parallel_loop3A_1171 : vector<16xi32>
        %parallel_loop3A_1173 = arith.addi %parallel_loop3A_1172, %sub3A_654 : vector<16xi32>
        %parallel_loop3A_1174 = tpu.vector_load_idx %arg6[%parallel_loop3A_1173] : memref<256xf32, #tpu.memory_space<vmem>>[vector<16xi32>], vector<16xf32>,
        tpu.vector_store_idx %arg10[%parallel_loop3A_1133, %sub3A_654], %parallel_loop3A_1174 : memref<400x10xf32, #tpu.memory_space<vmem>>[vector<16xi32>, vector<16xi32>], vector<16xf32>,
        %parallel_loop3A_1175 = vector.broadcast %parallel_loop3A_830 : i32 to vector<16xi32>
        %parallel_loop3A_1176 = arith.addi %select_n3A_688, %parallel_loop3A_1175 : vector<16xi32>
        %parallel_loop3A_1177 = arith.constant 200 : i32
        %parallel_loop3A_1178 = vector.broadcast %parallel_loop3A_1177 : i32 to vector<16xi32>
        %parallel_loop3A_1179 = arith.divsi %parallel_loop3A_1176, %parallel_loop3A_1178 : vector<16xi32>
        %parallel_loop3A_1180 = arith.constant 0 : i32
        %parallel_loop3A_1181 = vector.broadcast %parallel_loop3A_1180 : i32 to vector<16xi32>
        %parallel_loop3A_1182 = arith.cmpi sgt, %parallel_loop3A_1176, %parallel_loop3A_1181 : vector<16xi32>
        %parallel_loop3A_1183 = arith.extui %parallel_loop3A_1182 : vector<16xi1> to vector<16xi32>
        %parallel_loop3A_1184 = arith.constant 0 : i32
        %parallel_loop3A_1185 = vector.broadcast %parallel_loop3A_1184 : i32 to vector<16xi32>
        %parallel_loop3A_1186 = arith.cmpi slt, %parallel_loop3A_1176, %parallel_loop3A_1185 : vector<16xi32>
        %parallel_loop3A_1187 = arith.extui %parallel_loop3A_1186 : vector<16xi1> to vector<16xi32>
        %parallel_loop3A_1188 = arith.subi %parallel_loop3A_1183, %parallel_loop3A_1187 : vector<16xi32>
        %parallel_loop3A_1189 = arith.constant 0 : i32
        %parallel_loop3A_1190 = arith.cmpi sgt, %parallel_loop3A_1177, %parallel_loop3A_1189 : i32
        %parallel_loop3A_1191 = arith.extui %parallel_loop3A_1190 : i1 to i32
        %parallel_loop3A_1192 = arith.constant 0 : i32
        %parallel_loop3A_1193 = arith.cmpi slt, %parallel_loop3A_1177, %parallel_loop3A_1192 : i32
        %parallel_loop3A_1194 = arith.extui %parallel_loop3A_1193 : i1 to i32
        %parallel_loop3A_1195 = arith.subi %parallel_loop3A_1191, %parallel_loop3A_1194 : i32
        %parallel_loop3A_1196 = vector.broadcast %parallel_loop3A_1195 : i32 to vector<16xi32>
        %parallel_loop3A_1197 = arith.cmpi ne, %parallel_loop3A_1188, %parallel_loop3A_1196 : vector<16xi32>
        %parallel_loop3A_1198 = vector.broadcast %parallel_loop3A_1177 : i32 to vector<16xi32>
        %parallel_loop3A_1199 = arith.remsi %parallel_loop3A_1176, %parallel_loop3A_1198 : vector<16xi32>
        %parallel_loop3A_1200 = arith.constant 0 : i32
        %parallel_loop3A_1201 = vector.broadcast %parallel_loop3A_1200 : i32 to vector<16xi32>
        %parallel_loop3A_1202 = arith.cmpi ne, %parallel_loop3A_1199, %parallel_loop3A_1201 : vector<16xi32>
        %parallel_loop3A_1203 = arith.andi %parallel_loop3A_1197, %parallel_loop3A_1202 : vector<16xi1>
        %parallel_loop3A_1204 = arith.constant 1 : i32
        %parallel_loop3A_1205 = vector.broadcast %parallel_loop3A_1204 : i32 to vector<16xi32>
        %parallel_loop3A_1206 = arith.subi %parallel_loop3A_1179, %parallel_loop3A_1205 : vector<16xi32>
        %parallel_loop3A_1207 = arith.select %parallel_loop3A_1203, %parallel_loop3A_1206, %parallel_loop3A_1179 : vector<16xi1>, vector<16xi32>
        %parallel_loop3A_1208 = arith.constant 200 : i32
        %parallel_loop3A_1209 = vector.broadcast %parallel_loop3A_1208 : i32 to vector<16xi32>
        %parallel_loop3A_1210 = arith.muli %parallel_loop3A_1207, %parallel_loop3A_1209 : vector<16xi32>
        %parallel_loop3A_1211 = arith.subi %parallel_loop3A_1176, %parallel_loop3A_1210 : vector<16xi32>
        %parallel_loop3A_1212 = tpu.vector_load_idx %arg8[%parallel_loop3A_1207, %parallel_loop3A_1211] : memref<2x200xi32, #tpu.memory_space<vmem>>[vector<16xi32>, vector<16xi32>], vector<16xi32>,
        %parallel_loop3A_1213 = arith.constant 4 : i32
        %parallel_loop3A_1214 = vector.broadcast %parallel_loop3A_1213 : i32 to vector<16xi32>
        %parallel_loop3A_1215 = arith.shli %parallel_loop3A_1212, %parallel_loop3A_1214 : vector<16xi32>
        %parallel_loop3A_1216 = arith.addi %parallel_loop3A_1215, %sub3A_692 : vector<16xi32>
        %parallel_loop3A_1217 = tpu.vector_load_idx %arg6[%parallel_loop3A_1216] : memref<256xf32, #tpu.memory_space<vmem>>[vector<16xi32>], vector<16xf32>,
        tpu.vector_store_idx %arg10[%parallel_loop3A_1176, %sub3A_692], %parallel_loop3A_1217 : memref<400x10xf32, #tpu.memory_space<vmem>>[vector<16xi32>, vector<16xi32>], vector<16xf32>,
        %parallel_loop3A_1218 = vector.broadcast %parallel_loop3A_830 : i32 to vector<16xi32>
        %parallel_loop3A_1219 = arith.addi %select_n3A_726, %parallel_loop3A_1218 : vector<16xi32>
        %parallel_loop3A_1220 = arith.constant 200 : i32
        %parallel_loop3A_1221 = vector.broadcast %parallel_loop3A_1220 : i32 to vector<16xi32>
        %parallel_loop3A_1222 = arith.divsi %parallel_loop3A_1219, %parallel_loop3A_1221 : vector<16xi32>
        %parallel_loop3A_1223 = arith.constant 0 : i32
        %parallel_loop3A_1224 = vector.broadcast %parallel_loop3A_1223 : i32 to vector<16xi32>
        %parallel_loop3A_1225 = arith.cmpi sgt, %parallel_loop3A_1219, %parallel_loop3A_1224 : vector<16xi32>
        %parallel_loop3A_1226 = arith.extui %parallel_loop3A_1225 : vector<16xi1> to vector<16xi32>
        %parallel_loop3A_1227 = arith.constant 0 : i32
        %parallel_loop3A_1228 = vector.broadcast %parallel_loop3A_1227 : i32 to vector<16xi32>
        %parallel_loop3A_1229 = arith.cmpi slt, %parallel_loop3A_1219, %parallel_loop3A_1228 : vector<16xi32>
        %parallel_loop3A_1230 = arith.extui %parallel_loop3A_1229 : vector<16xi1> to vector<16xi32>
        %parallel_loop3A_1231 = arith.subi %parallel_loop3A_1226, %parallel_loop3A_1230 : vector<16xi32>
        %parallel_loop3A_1232 = arith.constant 0 : i32
        %parallel_loop3A_1233 = arith.cmpi sgt, %parallel_loop3A_1220, %parallel_loop3A_1232 : i32
        %parallel_loop3A_1234 = arith.extui %parallel_loop3A_1233 : i1 to i32
        %parallel_loop3A_1235 = arith.constant 0 : i32
        %parallel_loop3A_1236 = arith.cmpi slt, %parallel_loop3A_1220, %parallel_loop3A_1235 : i32
        %parallel_loop3A_1237 = arith.extui %parallel_loop3A_1236 : i1 to i32
        %parallel_loop3A_1238 = arith.subi %parallel_loop3A_1234, %parallel_loop3A_1237 : i32
        %parallel_loop3A_1239 = vector.broadcast %parallel_loop3A_1238 : i32 to vector<16xi32>
        %parallel_loop3A_1240 = arith.cmpi ne, %parallel_loop3A_1231, %parallel_loop3A_1239 : vector<16xi32>
        %parallel_loop3A_1241 = vector.broadcast %parallel_loop3A_1220 : i32 to vector<16xi32>
        %parallel_loop3A_1242 = arith.remsi %parallel_loop3A_1219, %parallel_loop3A_1241 : vector<16xi32>
        %parallel_loop3A_1243 = arith.constant 0 : i32
        %parallel_loop3A_1244 = vector.broadcast %parallel_loop3A_1243 : i32 to vector<16xi32>
        %parallel_loop3A_1245 = arith.cmpi ne, %parallel_loop3A_1242, %parallel_loop3A_1244 : vector<16xi32>
        %parallel_loop3A_1246 = arith.andi %parallel_loop3A_1240, %parallel_loop3A_1245 : vector<16xi1>
        %parallel_loop3A_1247 = arith.constant 1 : i32
        %parallel_loop3A_1248 = vector.broadcast %parallel_loop3A_1247 : i32 to vector<16xi32>
        %parallel_loop3A_1249 = arith.subi %parallel_loop3A_1222, %parallel_loop3A_1248 : vector<16xi32>
        %parallel_loop3A_1250 = arith.select %parallel_loop3A_1246, %parallel_loop3A_1249, %parallel_loop3A_1222 : vector<16xi1>, vector<16xi32>
        %parallel_loop3A_1251 = arith.constant 200 : i32
        %parallel_loop3A_1252 = vector.broadcast %parallel_loop3A_1251 : i32 to vector<16xi32>
        %parallel_loop3A_1253 = arith.muli %parallel_loop3A_1250, %parallel_loop3A_1252 : vector<16xi32>
        %parallel_loop3A_1254 = arith.subi %parallel_loop3A_1219, %parallel_loop3A_1253 : vector<16xi32>
        %parallel_loop3A_1255 = tpu.vector_load_idx %arg8[%parallel_loop3A_1250, %parallel_loop3A_1254] : memref<2x200xi32, #tpu.memory_space<vmem>>[vector<16xi32>, vector<16xi32>], vector<16xi32>,
        %parallel_loop3A_1256 = arith.constant 4 : i32
        %parallel_loop3A_1257 = vector.broadcast %parallel_loop3A_1256 : i32 to vector<16xi32>
        %parallel_loop3A_1258 = arith.shli %parallel_loop3A_1255, %parallel_loop3A_1257 : vector<16xi32>
        %parallel_loop3A_1259 = arith.addi %parallel_loop3A_1258, %sub3A_730 : vector<16xi32>
        %parallel_loop3A_1260 = tpu.vector_load_idx %arg6[%parallel_loop3A_1259] : memref<256xf32, #tpu.memory_space<vmem>>[vector<16xi32>], vector<16xf32>,
        tpu.vector_store_idx %arg10[%parallel_loop3A_1219, %sub3A_730], %parallel_loop3A_1260 : memref<400x10xf32, #tpu.memory_space<vmem>>[vector<16xi32>, vector<16xi32>], vector<16xf32>,
      } {sc.loop_unroll_factor = 5 : i64, sc.parallel_access}
      %mul3A_810 = arith.constant 2 : i32
      %mul3A_811 = arith.muli %add3A_797, %mul3A_810 : i32
      %add3A_812 = arith.addi %mul3A_2, %mul3A_811 : i32
      %dma_start3A_813 = tpu.memref_reshape %arg10 : memref<400x10xf32, #tpu.memory_space<vmem>> -> memref<2x200x10xf32, #tpu.memory_space<vmem>>
      %dma_start3A_814 = arith.constant 0 : i32
      %dma_start3A_815 = arith.constant 0 : i32
      %dma_start3A_816 = tpu.memref_slice %arg4[%add3A_812, %dma_start3A_814, %dma_start3A_815] : memref<16384x200x10xf32, #tpu.memory_space<hbm>> -> memref<2x200x10xf32, #tpu.memory_space<hbm>>
      %dma_start3A_817 = arith.constant 0 : i32
      %dma_start3A_818 = arith.constant 0 : i32
      %dma_start3A_819 = tpu.memref_slice %arg4[%add3A_812, %dma_start3A_817, %dma_start3A_818] : memref<16384x200x10xf32, #tpu.memory_space<hbm>> -> memref<2x200x10xf32, #tpu.memory_space<hbm>>
      %dma_start3A_820 = tpu.memref_reshape %arg10 : memref<400x10xf32, #tpu.memory_space<vmem>> -> memref<2x200x10xf32, #tpu.memory_space<vmem>>
      tpu.enqueue_dma source(%dma_start3A_820 : memref<2x200x10xf32, #tpu.memory_space<vmem>>) target(%dma_start3A_819 : memref<2x200x10xf32, #tpu.memory_space<hbm>>) target_semaphore(%arg14 : memref<!tpu.dma_semaphore, #tpu.memory_space<semaphore_mem>>)
      %add3A_821 = arith.constant 2 : i32
      %add3A_822 = arith.addi %add3A_797, %add3A_821 : i32
      %lt3A_823 = arith.constant 256 : i32
      %lt3A_824 = arith.cmpi slt, %add3A_822, %lt3A_823 : i32
      %convert_element_type3A_825 = arith.extui %lt3A_824 : i1 to i32
      %cond3A_826 = arith.constant 0 : i32
      %cond3A_827 = arith.cmpi ne, %convert_element_type3A_825, %cond3A_826 : i32
      scf.if %cond3A_827 {
        %add3A_828 = arith.constant 2 : i32
        %add3A_829 = arith.addi %add3A_797, %add3A_828 : i32
        %mul3A_830 = arith.constant 2 : i32
        %mul3A_831 = arith.muli %add3A_829, %mul3A_830 : i32
        %add3A_832 = arith.addi %mul3A_2, %mul3A_831 : i32
        %dma_start3A_833 = arith.constant 0 : i32
        %dma_start3A_834 = tpu.memref_slice %arg2[%add3A_832, %dma_start3A_833] : memref<16384x200xi32, #tpu.memory_space<hbm>> -> memref<2x200xi32, #tpu.memory_space<hbm>>
        %dma_start3A_835 = arith.constant 0 : i32
        %dma_start3A_836 = tpu.memref_slice %arg2[%add3A_832, %dma_start3A_835] : memref<16384x200xi32, #tpu.memory_space<hbm>> -> memref<2x200xi32, #tpu.memory_space<hbm>>
        tpu.enqueue_dma source(%dma_start3A_836 : memref<2x200xi32, #tpu.memory_space<hbm>>) target(%arg8 : memref<2x200xi32, #tpu.memory_space<vmem>>) target_semaphore(%arg12 : memref<!tpu.dma_semaphore, #tpu.memory_space<semaphore_mem>>)
      } else {
      }
    }
    %scan3A_744 = arith.constant 128 : i32
    %add3A_745 = arith.constant 0 : i32
    %add3A_746 = arith.addi %mul3A_2, %add3A_745 : i32
    %dma_wait3A = tpu.memref_reshape %arg9 : memref<400x10xf32, #tpu.memory_space<vmem>> -> memref<2x200x10xf32, #tpu.memory_space<vmem>>
    %dma_wait3A_747 = arith.constant 0 : i32
    %dma_wait3A_748 = arith.constant 0 : i32
    %dma_wait3A_749 = tpu.memref_slice %arg4[%add3A_746, %dma_wait3A_747, %dma_wait3A_748] : memref<16384x200x10xf32, #tpu.memory_space<hbm>> -> memref<2x200x10xf32, #tpu.memory_space<hbm>>
    %dma_wait3A_750 = arith.constant 0 : i32
    %dma_wait3A_751 = arith.constant 0 : i32
    %dma_wait3A_752 = tpu.memref_slice %arg4[%add3A_746, %dma_wait3A_750, %dma_wait3A_751] : memref<16384x200x10xf32, #tpu.memory_space<hbm>> -> memref<2x200x10xf32, #tpu.memory_space<hbm>>
    %dma_wait3A_753 = tpu.memref_reshape %arg9 : memref<400x10xf32, #tpu.memory_space<vmem>> -> memref<2x200x10xf32, #tpu.memory_space<vmem>>
    tpu.wait_dma2 semaphore(%arg13 : memref<!tpu.dma_semaphore, #tpu.memory_space<semaphore_mem>>) src(%dma_wait3A_753 : memref<2x200x10xf32, #tpu.memory_space<vmem>>) dst(%dma_wait3A_752 : memref<2x200x10xf32, #tpu.memory_space<hbm>>)
    %add3A_754 = arith.constant 0 : i32
    %add3A_755 = arith.addi %mul3A_2, %add3A_754 : i32
    %dma_wait3A_756 = tpu.memref_reshape %arg10 : memref<400x10xf32, #tpu.memory_space<vmem>> -> memref<2x200x10xf32, #tpu.memory_space<vmem>>
    %dma_wait3A_757 = arith.constant 0 : i32
    %dma_wait3A_758 = arith.constant 0 : i32
    %dma_wait3A_759 = tpu.memref_slice %arg4[%add3A_755, %dma_wait3A_757, %dma_wait3A_758] : memref<16384x200x10xf32, #tpu.memory_space<hbm>> -> memref<2x200x10xf32, #tpu.memory_space<hbm>>
    %dma_wait3A_760 = arith.constant 0 : i32
    %dma_wait3A_761 = arith.constant 0 : i32
    %dma_wait3A_762 = tpu.memref_slice %arg4[%add3A_755, %dma_wait3A_760, %dma_wait3A_761] : memref<16384x200x10xf32, #tpu.memory_space<hbm>> -> memref<2x200x10xf32, #tpu.memory_space<hbm>>
    %dma_wait3A_763 = tpu.memref_reshape %arg10 : memref<400x10xf32, #tpu.memory_space<vmem>> -> memref<2x200x10xf32, #tpu.memory_space<vmem>>
    tpu.wait_dma2 semaphore(%arg14 : memref<!tpu.dma_semaphore, #tpu.memory_space<semaphore_mem>>) src(%dma_wait3A_763 : memref<2x200x10xf32, #tpu.memory_space<vmem>>) dst(%dma_wait3A_762 : memref<2x200x10xf32, #tpu.memory_space<hbm>>)
    return
  }
}

</mosaic_0001>

<sc_bundles>
// kernel: kernel.3.cloned.1.call-start
scs
__scs_entry_jumppad:
0x0: {  	(pc) =	sbr.rel $0x88, $3  }
0x1: {  	(tag) =	ssettag $0x0;
	lr =	simm.s32 $0x1  }
0x2: {  	[smem:$0x3F9F] =	sst lr;
	_ =	strace $0xD0000000  }
0x3: {  	_ = 	snop  }
0x4: {  	_ = 	snop  }
0x5: {  	_ = 	snop  }
0x6: {  	_ = 	snop  }
0x7: {  	_ = 	snop  }
__scs_overlays_trampoline_lowered:
0x8: {  	[smem:$0x3FAE] =	sst s0  }
0x9: {  	[smem:$0x3FAF] =	sst s1  }
0xa: {  	[smem:$0x3FB0] =	sst s2  }
0xb: {  	[smem:$0x3FB1] =	sst s3  }
0xc: {  	[smem:$0x3FB2] =	sst s4  }
0xd: {  	[smem:$0x3FB3] =	sst s5  }
0xe: {  	[smem:$0x3FB4] =	sst s6  }
0xf: {  	[smem:$0x3FB5] =	sst s7  }
0x10: {  	[smem:$0x3FB6] =	sst s8  }
0x11: {  	[smem:$0x3FB7] =	sst s9;
	s0 =	simm.s32 @!p0 $0x0  }
0x12: {  	s1 =	sld [smem:$0x3F9D];
	s0 =	simm.s32 @p0 $0x1  }
0x13: {  	[smem:$0x3FB8] =	sst s0;
	s0 =	simm.s32 @!p1 $0x0  }
0x14: {  	s2 =	sld [smem:$0x3F9C];
	s0 =	simm.s32 @p1 $0x1  }
0x15: {  	[smem:$0x3FB9] =	sst s0;
	s0 =	simm.s32 @!p2 $0x0  }
0x16: {  	s3 =	sld [smem:$0x3FDB];
	s0 =	simm.s32 @p2 $0x1  }
0x17: {  	s4 =	simm.s32 $0x1BF5;
	[smem:$0x3FBB] =	sst s0  }
0x18: {  	s0 =	sld [smem:$0x3F9E];
	_ =	swait.ge [sflag:s4], $0x0  }
0x19: {  	s7 =	sld [smem:$0x3F9F]  }
0x1a: {  	s8 =	sadd.s32 $0xFFFFE003, lr  }
0x1b: {  	s9 =	sadd.s32 $0xFFFFFEF7, lr;
	s5 =	simm.s32 $0xFFFFFFFF;
	p2 =	slt.u32 s8, $0xFFFFF086  }
0x1c: {  	p1 =	slt.u32 s9, $0xF7A;
	s5 =	simm.s32 @!p2 $0x0  }
0x1d: {  	s5 =	simm.s32 @p1 $0x1;
	p0 =	seq.s32 s7, s2  }
0x1e: {  	s7 =	smul.u32 @!p0 $0xF7A, s2;
	p2 =	seq.s32 @!p0 s5, $0x0  }
0x1f: {  	s9 =	smul.u32 $0xF7A, s1;
	s8 =	simm.s32 @!p0 $0x1BF5;
	p2 =	por !p2, p0  }
0x20: {  	[sflag:s8] =	ssyncset.s32 @!p0 $0xFFFFF086;
	s6 =	sadd.s32 @!p0 s3, s7;
	s7 =	simm.s32 @!p0 $0x108  }
0x21: {  	s3 =	sadd.s32 s3, s9;
	s6 =	sadd.s32 @!p0 $0x88, s6;
	s7 =	simm.s32 @p2 $0x1082  }
0x22: {  	[simem:s7], [sflag:s8] =	dma.local @!p0 [hbm:s6], $0xF7A  }
0x23: {  	s9 =	sor.u32 $0xD0000000, s2;
	s6 =	simm.s32 $0x108;
	_ =	swait.ge @!p0 [sflag:s8], $0x0  }
0x24: {  	s3 =	sadd.s32 $0x88, s3;
	s6 =	simm.s32 @!p1 $0x1082;
	[sflag:s4] =	ssyncset.s32 $0xFFFFF086  }
0x25: {  	[simem:s6], [sflag:s4] =	dma.local [hbm:s3], $0xF7A  }
0x26: {  	[smem:$0x3F9F] =	sst s1;
	(tag) =	ssettag s2;
	_ =	strace s9  }
0x27: {  	s1 =	sld [smem:$0x3FAF]  }
0x28: {  	s2 =	sld [smem:$0x3FB0]  }
0x29: {  	s4 =	sld [smem:$0x3FB2]  }
0x2a: {  	p0 =	seq.s32 s5, $0x0;
	s5 =	sld [smem:$0x3FB3]  }
0x2b: {  	s6 =	sld [smem:$0x3FB4]  }
0x2c: {  	s7 =	sld [smem:$0x3FB5]  }
0x2d: {  	s3 =	simm.s32 $0x108;
	s8 =	sld [smem:$0x3FB6]  }
0x2e: {  	s3 =	simm.s32 @!p0 $0x1082;
	s9 =	sld [smem:$0x3FB7]  }
0x2f: {  	lr =	sadd.s32 s0, s3;
	s0 =	sld [smem:$0x3FAE]  }
0x30: {  	s3 =	sld [smem:$0x3FB1]  }
0x31: {  	[smem:$0x3FBA] =	sst s10  }
0x32: {  	s10 =	sld [smem:$0x3FB8];
	_ =	sdelay $0x3  }
0x33: {  	p0 =	seq.s32 s10, $0x1;
	s10 =	sld [smem:$0x3FBA];
	_ =	sdelay $0x3  }
0x34: {  	[smem:$0x3FBA] =	sst s10  }
0x35: {  	s10 =	sld [smem:$0x3FB9];
	_ =	sdelay $0x3  }
0x36: {  	p1 =	seq.s32 s10, $0x1;
	s10 =	sld [smem:$0x3FBA];
	_ =	sdelay $0x3  }
0x37: {  	[smem:$0x3FBA] =	sst s10  }
0x38: {  	s10 =	sld [smem:$0x3FBB]  }
0x39: {  	_ = 	snop;
	(pc) =	sbr.ind lr, $3  }
0x3a: {  	_ = 	snop  }
0x3b: {  	_ = 	snop  }
0x3c: {  	p2 =	seq.s32 s10, $0x1;
	s10 =	sld [smem:$0x3FBA]  }
0x3d: {  	_ =	shalt  }
0x3e: {  	_ =	shalt  }
0x3f: {  	_ =	shalt  }
0x40: {  	_ =	shalt  }
0x41: {  	_ =	shalt  }
0x42: {  	_ =	shalt  }
0x43: {  	_ =	shalt  }
0x44: {  	_ =	shalt  }
0x45: {  	_ =	shalt  }
0x46: {  	_ =	shalt  }
0x47: {  	_ =	shalt  }
0x48: {  	_ =	shalt  }
0x49: {  	_ =	shalt  }
0x4a: {  	_ =	shalt  }
0x4b: {  	_ =	shalt  }
0x4c: {  	_ =	shalt  }
0x4d: {  	_ =	shalt  }
0x4e: {  	_ =	shalt  }
0x4f: {  	_ =	shalt  }
0x50: {  	_ =	shalt  }
0x51: {  	_ =	shalt  }
0x52: {  	_ =	shalt  }
0x53: {  	_ =	shalt  }
0x54: {  	_ =	shalt  }
0x55: {  	_ =	shalt  }
0x56: {  	_ =	shalt  }
0x57: {  	_ =	shalt  }
0x58: {  	_ =	shalt  }
0x59: {  	_ =	shalt  }
0x5a: {  	_ =	shalt  }
0x5b: {  	_ =	shalt  }
0x5c: {  	_ =	shalt  }
0x5d: {  	_ =	shalt  }
0x5e: {  	_ =	shalt  }
0x5f: {  	_ =	shalt  }
0x60: {  	_ =	shalt  }
0x61: {  	_ =	shalt  }
0x62: {  	_ =	shalt  }
0x63: {  	_ =	shalt  }
0x64: {  	_ =	shalt  }
0x65: {  	_ =	shalt  }
0x66: {  	_ =	shalt  }
0x67: {  	_ =	shalt  }
0x68: {  	_ =	shalt  }
0x69: {  	_ =	shalt  }
0x6a: {  	_ =	shalt  }
0x6b: {  	_ =	shalt  }
0x6c: {  	_ =	shalt  }
0x6d: {  	_ =	shalt  }
0x6e: {  	_ =	shalt  }
0x6f: {  	_ =	shalt  }
0x70: {  	_ =	shalt  }
0x71: {  	_ =	shalt  }
0x72: {  	_ =	shalt  }
0x73: {  	_ =	shalt  }
0x74: {  	_ =	shalt  }
0x75: {  	_ =	shalt  }
0x76: {  	_ =	shalt  }
0x77: {  	_ =	shalt  }
0x78: {  	_ =	shalt  }
0x79: {  	_ =	shalt  }
0x7a: {  	_ =	shalt  }
0x7b: {  	_ =	shalt  }
0x7c: {  	_ =	shalt  }
0x7d: {  	_ =	shalt  }
0x7e: {  	_ =	shalt  }
0x7f: {  	_ =	shalt  }
0x80: {  	_ =	shalt  }
0x81: {  	_ =	shalt  }
0x82: {  	_ =	shalt  }
0x83: {  	_ =	shalt  }
0x84: {  	_ =	shalt  }
0x85: {  	_ =	shalt  }
0x86: {  	_ =	shalt  }
0x87: {  	_ =	shalt  }
.Lfunc_end0:
.L_simem_size_0:
called_computation_lowered:
.L_overlay_start_0:
0x88: {  	s2 =	sld [smem:$0x3FD9]  }
0x89: {  	s3 =	sld [smem:$0x3FFE];
	_ =	sdelay $0x1  }
0x8a: {  	s1 =	srdreg.scid  }
0x8b: {  	s0 =	sand.u32 $0x1, s1  }
0x8c: {  	s17 =	sshll.u32 s0, $0xA;
	s2 =	sadd.s32 s3, s2  }
0x8d: {  	s2 =	sadd.s32 s2, s17  }
0x8e: {  	[smem:$0x3FC6] =	sst s2  }
0x8f: {  	_ = 	snop  }
0x90: {  	s2 =	sld [smem:$0x3FD0];
	(tm) =	ssettm $0x1  }
0x91: {  	s18 =	sld [smem:$0x3FFB];
	_ =	sdelay $0x3  }
0x92: {  	_ =	strace s18  }
0x93: {  	s3 =	sld [smem:$0x3FFC];
	_ =	sdelay $0x3  }
0x94: {  	_ =	strace s3  }
0x95: {  	s3 =	sld [smem:$0x3FFD];
	_ =	sdelay $0x3  }
0x96: {  	_ =	strace s3  }
0x97: {  	_ =	strace $0x8FFFFFFF  }
0x98: {  	s19 =	sld [smem:$0x3FDB];
	_ =	sdelay $0x1  }
0x99: {  	s4 =	simm.s32 $_scs_section_size  }
0x9a: {  	s5 =	simm.s32 $_size__tile_overlayer_lowered;
	s6 =	simm.s32 $_tile_overlayer_lowered  }
0x9b: {  	s22 =	simm.s32 $0x1BFF;
	s21 =	sshll.u32 s6, $0x1;
	s3 =	sadd.s32 s4, s19  }
0x9c: {  	s7 =	simm.s32 $0x0;
	s20 =	sshll.u32 s5, $0x1;
	s5 =	sadd.s32 s21, s3  }
0x9d: {  	[timem:s7], [sflag:s22] =	dma.local [hbm:s5], s20  }
0x9e: {  	_ =	swait.ge [sflag:s22], s20  }
0x9f: {  	s4 =	ssub.s32 $0x0, s20;
	[sflag:s22] =	ssyncset.done $0x0  }
0xa0: {  	[sflag:s22] =	ssyncadd.s32 s4;
	_ =	sdelay $0x1  }
0xa1: {  	s23 =	simm.s32 $0x1B8B  }
0xa2: {  	_ =	swait.ge [sflag:s23], $0x1  }
0xa3: {  	[sflag:s23] =	ssyncset.done $0x0  }
0xa4: {  	s25 =	simm.s32 $0x1B8E;
	s24 =	sld [smem:$0x3FFE];
	[sflag:s23] =	ssyncadd.s32 $0xFFFFFFFF  }
0xa5: {  	s26 =	simm.s32 $execute0_lowered;
	[smem:$0x3FD2] =	sst s25  }
0xa6: {  	s5 =	sshll.u32 s26, $0x1;
	_ =	strace $0x80000046;
	[dreg:$0x1] =	wrdreg $0xFFFFFFFF  }
0xa7: {  	s28 =	simm.s32 $_size_execute0_lowered;
	s3 =	sadd.s32 s3, s5;
	[dreg:$0x0] =	wrdreg $0x0  }
0xa8: {  	s5 =	sshll.u32 s28, $0x1;
	[dreg:$0x2] =	wrdreg s3  }
0xa9: {  	[dreg:$0x3] =	wrdreg s5  }
0xaa: {  	[dreg:$0x4] =	wrdreg $0xC0  }
0xab: {  	_ =	task [dreg:s7], $0x5FFFF  }
0xac: {  	[dreg:$0x1] =	wrdreg $0xFFFFFFFF  }
0xad: {  	[dreg:$0x0] =	wrdreg $0x60  }
0xae: {  	[dreg:$0x2] =	wrdreg s2  }
0xaf: {  	[dreg:$0x3] =	wrdreg s24  }
0xb0: {  	[dreg:$0x4] =	wrdreg $0x9  }
0xb1: {  	_ =	task.clear_ibuf [dreg:s7], $0x5FFFF;
	_ =	strace $0x90000046  }
0xb2: {  	s29 =	simm.s32 $0x9;
	_ =	strace $0x80000048  }
0xb3: {  	_ =	swait.ge [sflag:s29], $0x1  }
0xb4: {  	[sflag:s29] =	ssyncadd.s32 $0xFFFFFFFF  }
0xb5: {  	_ =	strace $0x90000048  }
0xb6: {  	_ =	sfence  }
0xb7: {  	s30 =	sld [smem:$0x0];
	_ =	sdelay $0x2  }
0xb8: {  	s31 =	sshll.u32 s1, $0xD;
	s1 =	sshrl.u32 s1, $0x2  }
0xb9: {  	s3 =	sand.u32 $0x4000, s31;
	s1 =	sadd.s32 s1, s30  }
0xba: {  	s0 =	sor.u32 s3, s0;
	s1 =	sshll.u32 s1, $0x11  }
0xbb: {  	s0 =	sor.u32 s1, s0  }
0xbc: {  	s0 =	sadd.s32 $0x8F2B, s0  }
0xbd: {  	[sflag:s0] =	ssyncadd.remote.s32 $0x1  }
0xbe: {  	_ =	sfence.sel $0xFFFF  }
0xbf: {  	[dreg:$0x0] =	wrdreg $0xFFFFFFFF;
	(pc) =	sbr.abs _section_cstart, $3  }
0xc0: {  	[dreg:$0x1] =	wrdreg $0xFFFFFFFF  }
0xc1: {  	_ =	task.clear_ibuf [dreg:s7], $0x2FFFF;
	_ =	strace $0x9FFFFFFF  }
0xc2: {  	(tm) =	ssettm $0x7FFFFFFF  }
0xc3: {  	_ =	shalt  }
tec
execute0_lowered:
.L_overlay_start_1:
0x0: {  	(tag) =	ssettag $0x1  }
0x1: {  	v0 =	vimm.s32 $0x76543210;
	v1 =	vimm.s32 $0x54321098  }
0x2: {  	v0 =	vunpack.c.l.s4.s8 v0;
	v1 =	vunpack.c.l.s4.s8 v1  }
0x3: {  	vm0 =	vcmask $0x2700;
	v2 =	vimm.s32 $0x32109876;
	v3 =	vimm.s32 $0x10987654  }
0x4: {  	v4 =	vimm.s32 $0x1;
	v0 =	vunpack.c.0.s8.s32 v0;
	v1 =	vunpack.c.0.s8.s32 v1  }
0x5: {  	vm1 =	vcmask $0xF00;
	v2 =	vunpack.c.l.s4.s8 v2;
	v3 =	vunpack.c.l.s4.s8 v3  }
0x6: {  	s0 =	rddreg [dreg:$0x0];
	vm2 =	vcmask $0x3710;
	vm3 =	vcmask $0x2F10;
	[tilespmem:$0x1FFB0] =	vst v1;
	v1 =	vcombine.low v0, v1  }
0x7: {  	s1 =	rddreg [dreg:$0x1];
	v49 =	vsel vm0, $0x0, v4;
	v4 =	vunpack.c.0.s8.s32 v2;
	v3 =	vunpack.c.0.s8.s32 v3  }
0x8: {  	s2 =	srdreg.scid;
	s4 =	stileid.u32;
	v2 =	vimm.s32 $0x3;
	v50 =	vand.u32 $0xF, v1;
	v1 =	vimm.s32 $0x98765432  }
0x9: {  	s3 =	simm.s32 $0x0;
	vm4 =	vcmask $0x1700;
	s12 =	simm.s32 $0x5;
	s13 =	simm.s32 $0x100;
	v2 =	vsel vm1, $0x1, v2;
	[tilespmem:$0x1FFC0] =	vst v4;
	v1 =	vunpack.c.l.s4.s8 v1  }
0xa: {  	s14 =	simm.s32 $0x400;
	s15 =	simm.s32 $0x280;
	s16 =	simm.s32 $0x480;
	[tilespmem:$0x1FFD0] =	vst v3;
	v3 =	vcombine.low v4, v3;
	v4 =	vimm.s32 $0x5050404;
	v54 =	vsel vm2, $0x2, v2  }
0xb: {  	s17 =	simm.s32 $0x1;
	s18 =	simm.s32 $0x180;
	s19 =	simm.s32 $0x680;
	v2 =	vlaneseq.u32;
	v5 =	vunpack.c.0.s8.s32 v1;
	v1 =	vunpack.c.0.s8.s32 v4  }
0xc: {  	s20 =	simm.s32 $0x2;
	s21 =	simm.s32 $0x4;
	s22 =	simm.s32 $0xCE80;
	v55 =	vand.u32 $0xF, v3;
	v4 =	vshrl.u32 v2, $0x3;
	v2 =	vimm.s32 $0x9  }
0xd: {  	s23 =	simm.s32 $0x3;
	s24 =	simm.s32 $0x0;
	s2 =	sand.u32 $0x1, s2;
	v60 =	vsel vm0, $0x8, v2;
	v3 =	vand.u32 $0xF, v5;
	v1 =	vnsel vm1, $0x6, v1  }
.Ltmp0:
0xe: {  	s4 =	sshll.u32 s4, $0xA;
	s5 =	sshll.u32 s2, $0x9;
	v57 =	vcombine.low v3, v0;
	v58 =	vsel vm3, $0x5, v1;
	v1 =	vimm.s32 $0xD0D0C0C;
	(pc) =	sbr.rel .LBB2_1-.Ltmp0, $4  }
0xf: {  	[smem:$0x7FF] =	sst s3;
	s2 =	ssub.s32 $0x2, s2;
	s4 =	sor.u32 s5, s4;
	v0 =	vimm.s32 $0x7;
	v3 =	vimm.s32 $0xB;
	v1 =	vunpack.c.0.s8.s32 v1  }
0x10: {  	s6 =	sadd.s32 $0x400, s1;
	s9 =	sshrl.u32 s2, $0x1;
	s5 =	sshll.u32 s4, $0x5;
	v2 =	vimm.s32 $0x0;
	v59 =	vsel vm4, $0x6, v0;
	v0 =	vsel vm1, $0x9, v3  }
0x11: {  	s31 =	ssub.s32 s2, s9;
	s7 =	sadd.s32 s0, s5;
	_ =	strace $0x80000047;
	[tilespmem:$0x1FFF0] =	vst v4;
	v61 =	vsel vm2, $0xA, v0;
	v0 =	vnsel vm1, $0xE, v1;
	v1 =	vimm.s32 $0xF  }
0x12: {  	s8 =	sadd.s32 $0x600, s1;
	s10 =	smax.u32 s31, $0x1;
	s9 =	sadd.s32 $0x20, s7;
	[tilespmem:$0x1FFE0] =	vst v5;
	v3 =	vadd.s32 $0x3, v4;
	v62 =	vsel vm3, $0xD, v0;
	v63 =	vsel vm4, $0xE, v1  }
.LBB2_12:
0x13: {  	s24 =	sadd.s32 $0x1, s24  }
0x14: {  	_ =	swait.ge [sflag:s23], $0xC800;
	p0 =	sne.s32 s24, s10  }
.Ltmp1:
0x15: {  	[sflag:s23] =	ssyncset.done $0x0;
	(pc) =	sbr.rel @!p0 .LBB2_13-.Ltmp1, $4  }
0x16: {  	[sflag:s23] =	ssyncadd.s32 $0xFFFF3800  }
0x17: {  	_ =	swait.ge [sflag:s21], $0xC800  }
0x18: {  	[sflag:s21] =	ssyncset.done $0x0  }
0x19: {  	[sflag:s21] =	ssyncadd.s32 $0xFFFF3800  }
.LBB2_1:
0x1a: {  	s1 =	simm.s32 $0x10;
	v0 =	vimm.s32 $0x10  }
0x1b: {  	[tilespmem:s1], [sflag:$0x5] =	stream.linear.gather [hbm4b:s6+s3], $0x100, $0x38;
	[tilespmem:$0x19680] =	vst v63  }
0x1c: {  	v4 =	vimm.s32 $0x20;
	_ =	swait.ge [sflag:s12], $0x100  }
0x1d: {  	[sflag:s12] =	ssyncset.done $0x0  }
0x1e: {  	[sflag:s12] =	ssyncadd.s32 $0xFFFFFF00  }
0x1f: {  	v0 =	vld.idx.msk [tilespmem:v0+s3+$0x0], $0xffff  }
0x20: {  	v1 =	vld [tilespmem:$0x10]  }
0x21: {  	v4 =	vld.idx.msk [tilespmem:v4+s3+$0x0], $0xffff  }
0x22: {  	v6 =	vimm.s32 $0x30;
	v5 =	vld [tilespmem:$0x20];
	_ =	sdelay $0x1  }
0x23: {  	v8 =	vimm.s32 $0x40;
	_ =	sdelay $0x2  }
0x24: {  	v6 =	vld.idx.msk [tilespmem:v6+s3+$0x0], $0xffff;
	v0 =	vmul.f32 v1, v0;
	v1 =	vmul.f32 v5, v4;
	v4 =	vimm.s32 $0x50  }
0x25: {  	v7 =	vld [tilespmem:$0x30]  }
0x26: {  	v8 =	vld.idx.msk [tilespmem:v8+s3+$0x0], $0xffff  }
0x27: {  	v9 =	vld [tilespmem:$0x40]  }
0x28: {  	v5 =	vld [tilespmem:$0x50]  }
0x29: {  	v4 =	vld.idx.msk [tilespmem:v4+s3+$0x0], $0xffff  }
0x2a: {  	v0 =	vadd.f32 v1, v0;
	v1 =	vmul.f32 v7, v6;
	_ =	sdelay $0x1  }
0x2b: {  	v0 =	vadd.f32 v1, v0;
	v1 =	vmul.f32 v9, v8;
	_ =	sdelay $0x1  }
0x2c: {  	v0 =	vadd.f32 v1, v0;
	v1 =	vmul.f32 v5, v4;
	_ =	sdelay $0x1  }
0x2d: {  	v0 =	vadd.f32 v1, v0  }
0x2e: {  	v4 =	vimm.s32 $0x21  }
0x2f: {  	[tilespmem:$0x180] =	vst v0;
	v0 =	vimm.s32 $0x11;
	_ =	sdelay $0x1  }
0x30: {  	v5 =	vld [tilespmem:$0x20]  }
0x31: {  	v1 =	vld [tilespmem:$0x10]  }
0x32: {  	v4 =	vld.idx.msk [tilespmem:v4+s3+$0x0], $0xffff  }
0x33: {  	v0 =	vld.idx.msk [tilespmem:v0+s3+$0x0], $0xffff  }
0x34: {  	v17 =	vimm.s32 $0x31;
	_ =	sdelay $0x1  }
0x35: {  	v19 =	vimm.s32 $0x41;
	_ =	sdelay $0x1  }
0x36: {  	v18 =	vld [tilespmem:$0x30];
	v0 =	vmul.f32 v1, v0;
	v1 =	vmul.f32 v5, v4;
	v4 =	vimm.s32 $0x51  }
0x37: {  	v6 =	vld.idx.msk [tilespmem:v17+s3+$0x0], $0xffff  }
0x38: {  	v20 =	vld [tilespmem:$0x40]  }
0x39: {  	v8 =	vld.idx.msk [tilespmem:v19+s3+$0x0], $0xffff  }
0x3a: {  	v5 =	vld [tilespmem:$0x50]  }
0x3b: {  	v4 =	vld.idx.msk [tilespmem:v4+s3+$0x0], $0xffff  }
0x3c: {  	v0 =	vadd.f32 v1, v0;
	v1 =	vmul.f32 v18, v6;
	_ =	sdelay $0x1  }
0x3d: {  	v0 =	vadd.f32 v1, v0;
	v1 =	vmul.f32 v20, v8;
	_ =	sdelay $0x1  }
0x3e: {  	v0 =	vadd.f32 v1, v0;
	v1 =	vmul.f32 v5, v4;
	_ =	sdelay $0x1  }
0x3f: {  	v0 =	vadd.f32 v1, v0  }
0x40: {  	v4 =	vimm.s32 $0x22  }
0x41: {  	[tilespmem:$0x190] =	vst v0;
	v0 =	vimm.s32 $0x12;
	_ =	sdelay $0x1  }
0x42: {  	v5 =	vld [tilespmem:$0x20]  }
0x43: {  	v1 =	vld [tilespmem:$0x10]  }
0x44: {  	v4 =	vld.idx.msk [tilespmem:v4+s3+$0x0], $0xffff  }
0x45: {  	v0 =	vld.idx.msk [tilespmem:v0+s3+$0x0], $0xffff  }
0x46: {  	v21 =	vimm.s32 $0x32;
	_ =	sdelay $0x1  }
0x47: {  	v23 =	vimm.s32 $0x42;
	_ =	sdelay $0x1  }
0x48: {  	v22 =	vld [tilespmem:$0x30];
	v0 =	vmul.f32 v1, v0;
	v1 =	vmul.f32 v5, v4;
	v4 =	vimm.s32 $0x52  }
0x49: {  	v6 =	vld.idx.msk [tilespmem:v21+s3+$0x0], $0xffff  }
0x4a: {  	v24 =	vld [tilespmem:$0x40]  }
0x4b: {  	v8 =	vld.idx.msk [tilespmem:v23+s3+$0x0], $0xffff  }
0x4c: {  	v5 =	vld [tilespmem:$0x50]  }
0x4d: {  	v4 =	vld.idx.msk [tilespmem:v4+s3+$0x0], $0xffff  }
0x4e: {  	v0 =	vadd.f32 v1, v0;
	v1 =	vmul.f32 v22, v6;
	_ =	sdelay $0x1  }
0x4f: {  	v0 =	vadd.f32 v1, v0;
	v1 =	vmul.f32 v24, v8;
	_ =	sdelay $0x1  }
0x50: {  	v0 =	vadd.f32 v1, v0;
	v1 =	vmul.f32 v5, v4;
	_ =	sdelay $0x1  }
0x51: {  	v0 =	vadd.f32 v1, v0  }
0x52: {  	v4 =	vimm.s32 $0x23  }
0x53: {  	[tilespmem:$0x1A0] =	vst v0;
	v0 =	vimm.s32 $0x13;
	_ =	sdelay $0x1  }
0x54: {  	v5 =	vld [tilespmem:$0x20]  }
0x55: {  	v1 =	vld [tilespmem:$0x10]  }
0x56: {  	v4 =	vld.idx.msk [tilespmem:v4+s3+$0x0], $0xffff  }
0x57: {  	v0 =	vld.idx.msk [tilespmem:v0+s3+$0x0], $0xffff  }
0x58: {  	v25 =	vimm.s32 $0x33;
	_ =	sdelay $0x1  }
0x59: {  	v27 =	vimm.s32 $0x43;
	_ =	sdelay $0x1  }
0x5a: {  	v26 =	vld [tilespmem:$0x30];
	v0 =	vmul.f32 v1, v0;
	v1 =	vmul.f32 v5, v4;
	v4 =	vimm.s32 $0x53  }
0x5b: {  	v6 =	vld.idx.msk [tilespmem:v25+s3+$0x0], $0xffff  }
0x5c: {  	v28 =	vld [tilespmem:$0x40]  }
0x5d: {  	v8 =	vld.idx.msk [tilespmem:v27+s3+$0x0], $0xffff  }
0x5e: {  	v5 =	vld [tilespmem:$0x50]  }
0x5f: {  	v4 =	vld.idx.msk [tilespmem:v4+s3+$0x0], $0xffff  }
0x60: {  	v0 =	vadd.f32 v1, v0;
	v1 =	vmul.f32 v26, v6;
	_ =	sdelay $0x1  }
0x61: {  	v0 =	vadd.f32 v1, v0;
	v1 =	vmul.f32 v28, v8;
	_ =	sdelay $0x1  }
0x62: {  	v0 =	vadd.f32 v1, v0;
	v1 =	vmul.f32 v5, v4;
	_ =	sdelay $0x1  }
0x63: {  	v0 =	vadd.f32 v1, v0  }
0x64: {  	v4 =	vimm.s32 $0x24  }
0x65: {  	[tilespmem:$0x1B0] =	vst v0;
	v0 =	vimm.s32 $0x14;
	_ =	sdelay $0x1  }
0x66: {  	v5 =	vld [tilespmem:$0x20]  }
0x67: {  	v1 =	vld [tilespmem:$0x10]  }
0x68: {  	v4 =	vld.idx.msk [tilespmem:v4+s3+$0x0], $0xffff  }
0x69: {  	v0 =	vld.idx.msk [tilespmem:v0+s3+$0x0], $0xffff  }
0x6a: {  	v29 =	vimm.s32 $0x34;
	_ =	sdelay $0x1  }
0x6b: {  	v31 =	vimm.s32 $0x44;
	_ =	sdelay $0x1  }
0x6c: {  	v30 =	vld [tilespmem:$0x30];
	v0 =	vmul.f32 v1, v0;
	v1 =	vmul.f32 v5, v4;
	v4 =	vimm.s32 $0x54  }
0x6d: {  	v6 =	vld.idx.msk [tilespmem:v29+s3+$0x0], $0xffff  }
0x6e: {  	v32 =	vld [tilespmem:$0x40]  }
0x6f: {  	v8 =	vld.idx.msk [tilespmem:v31+s3+$0x0], $0xffff  }
0x70: {  	v5 =	vld [tilespmem:$0x50]  }
0x71: {  	v4 =	vld.idx.msk [tilespmem:v4+s3+$0x0], $0xffff  }
0x72: {  	v0 =	vadd.f32 v1, v0;
	v1 =	vmul.f32 v30, v6;
	_ =	sdelay $0x1  }
0x73: {  	v0 =	vadd.f32 v1, v0;
	v1 =	vmul.f32 v32, v8;
	_ =	sdelay $0x1  }
0x74: {  	v0 =	vadd.f32 v1, v0;
	v1 =	vmul.f32 v5, v4;
	_ =	sdelay $0x1  }
0x75: {  	v0 =	vadd.f32 v1, v0  }
0x76: {  	v4 =	vimm.s32 $0x25  }
0x77: {  	[tilespmem:$0x1C0] =	vst v0;
	v0 =	vimm.s32 $0x15;
	_ =	sdelay $0x1  }
0x78: {  	v5 =	vld [tilespmem:$0x20]  }
0x79: {  	v1 =	vld [tilespmem:$0x10]  }
0x7a: {  	v4 =	vld.idx.msk [tilespmem:v4+s3+$0x0], $0xffff  }
0x7b: {  	v0 =	vld.idx.msk [tilespmem:v0+s3+$0x0], $0xffff  }
0x7c: {  	v33 =	vimm.s32 $0x35;
	_ =	sdelay $0x1  }
0x7d: {  	v35 =	vimm.s32 $0x45;
	_ =	sdelay $0x1  }
0x7e: {  	v34 =	vld [tilespmem:$0x30];
	v0 =	vmul.f32 v1, v0;
	v1 =	vmul.f32 v5, v4;
	v4 =	vimm.s32 $0x55  }
0x7f: {  	v6 =	vld.idx.msk [tilespmem:v33+s3+$0x0], $0xffff  }
0x80: {  	v36 =	vld [tilespmem:$0x40]  }
0x81: {  	v8 =	vld.idx.msk [tilespmem:v35+s3+$0x0], $0xffff  }
0x82: {  	v5 =	vld [tilespmem:$0x50]  }
0x83: {  	v4 =	vld.idx.msk [tilespmem:v4+s3+$0x0], $0xffff  }
0x84: {  	v0 =	vadd.f32 v1, v0;
	v1 =	vmul.f32 v34, v6;
	_ =	sdelay $0x1  }
0x85: {  	v0 =	vadd.f32 v1, v0;
	v1 =	vmul.f32 v36, v8;
	_ =	sdelay $0x1  }
0x86: {  	v0 =	vadd.f32 v1, v0;
	v1 =	vmul.f32 v5, v4;
	_ =	sdelay $0x1  }
0x87: {  	v0 =	vadd.f32 v1, v0  }
0x88: {  	v4 =	vimm.s32 $0x26  }
0x89: {  	[tilespmem:$0x1D0] =	vst v0;
	v0 =	vimm.s32 $0x16;
	_ =	sdelay $0x1  }
0x8a: {  	v5 =	vld [tilespmem:$0x20]  }
0x8b: {  	v1 =	vld [tilespmem:$0x10]  }
0x8c: {  	v4 =	vld.idx.msk [tilespmem:v4+s3+$0x0], $0xffff  }
0x8d: {  	v0 =	vld.idx.msk [tilespmem:v0+s3+$0x0], $0xffff  }
0x8e: {  	v37 =	vimm.s32 $0x36;
	_ =	sdelay $0x1  }
0x8f: {  	v39 =	vimm.s32 $0x46;
	_ =	sdelay $0x1  }
0x90: {  	v38 =	vld [tilespmem:$0x30];
	v0 =	vmul.f32 v1, v0;
	v1 =	vmul.f32 v5, v4;
	v4 =	vimm.s32 $0x56  }
0x91: {  	v6 =	vld.idx.msk [tilespmem:v37+s3+$0x0], $0xffff  }
0x92: {  	v40 =	vld [tilespmem:$0x40]  }
0x93: {  	v8 =	vld.idx.msk [tilespmem:v39+s3+$0x0], $0xffff  }
0x94: {  	v5 =	vld [tilespmem:$0x50]  }
0x95: {  	v4 =	vld.idx.msk [tilespmem:v4+s3+$0x0], $0xffff  }
0x96: {  	v0 =	vadd.f32 v1, v0;
	v1 =	vmul.f32 v38, v6;
	_ =	sdelay $0x1  }
0x97: {  	v0 =	vadd.f32 v1, v0;
	v1 =	vmul.f32 v40, v8;
	_ =	sdelay $0x1  }
0x98: {  	v0 =	vadd.f32 v1, v0;
	v1 =	vmul.f32 v5, v4;
	_ =	sdelay $0x1  }
0x99: {  	v0 =	vadd.f32 v1, v0  }
0x9a: {  	v4 =	vimm.s32 $0x27  }
0x9b: {  	[tilespmem:$0x1E0] =	vst v0;
	v0 =	vimm.s32 $0x17;
	_ =	sdelay $0x1  }
0x9c: {  	v5 =	vld [tilespmem:$0x20]  }
0x9d: {  	v1 =	vld [tilespmem:$0x10]  }
0x9e: {  	v4 =	vld.idx.msk [tilespmem:v4+s3+$0x0], $0xffff  }
0x9f: {  	v0 =	vld.idx.msk [tilespmem:v0+s3+$0x0], $0xffff  }
0xa0: {  	v41 =	vimm.s32 $0x37;
	_ =	sdelay $0x1  }
0xa1: {  	v43 =	vimm.s32 $0x47;
	_ =	sdelay $0x1  }
0xa2: {  	v42 =	vld [tilespmem:$0x30];
	v0 =	vmul.f32 v1, v0;
	v1 =	vmul.f32 v5, v4;
	v4 =	vimm.s32 $0x57  }
0xa3: {  	v6 =	vld.idx.msk [tilespmem:v41+s3+$0x0], $0xffff  }
0xa4: {  	v44 =	vld [tilespmem:$0x40]  }
0xa5: {  	v8 =	vld.idx.msk [tilespmem:v43+s3+$0x0], $0xffff  }
0xa6: {  	v5 =	vld [tilespmem:$0x50]  }
0xa7: {  	v4 =	vld.idx.msk [tilespmem:v4+s3+$0x0], $0xffff  }
0xa8: {  	v0 =	vadd.f32 v1, v0;
	v1 =	vmul.f32 v42, v6;
	_ =	sdelay $0x1  }
0xa9: {  	v0 =	vadd.f32 v1, v0;
	v1 =	vmul.f32 v44, v8;
	_ =	sdelay $0x1  }
0xaa: {  	v0 =	vadd.f32 v1, v0;
	v1 =	vmul.f32 v5, v4;
	_ =	sdelay $0x1  }
0xab: {  	v0 =	vadd.f32 v1, v0  }
0xac: {  	v4 =	vimm.s32 $0x28  }
0xad: {  	[tilespmem:$0x1F0] =	vst v0;
	v0 =	vimm.s32 $0x18;
	_ =	sdelay $0x1  }
0xae: {  	v5 =	vld [tilespmem:$0x20]  }
0xaf: {  	v1 =	vld [tilespmem:$0x10]  }
0xb0: {  	v4 =	vld.idx.msk [tilespmem:v4+s3+$0x0], $0xffff  }
0xb1: {  	v0 =	vld.idx.msk [tilespmem:v0+s3+$0x0], $0xffff  }
0xb2: {  	v45 =	vimm.s32 $0x38;
	_ =	sdelay $0x1  }
0xb3: {  	v47 =	vimm.s32 $0x48;
	_ =	sdelay $0x1  }
0xb4: {  	v46 =	vld [tilespmem:$0x30];
	v0 =	vmul.f32 v1, v0;
	v1 =	vmul.f32 v5, v4;
	v4 =	vimm.s32 $0x58  }
0xb5: {  	v6 =	vld.idx.msk [tilespmem:v45+s3+$0x0], $0xffff  }
0xb6: {  	v48 =	vld [tilespmem:$0x40]  }
0xb7: {  	v8 =	vld.idx.msk [tilespmem:v47+s3+$0x0], $0xffff  }
0xb8: {  	v5 =	vld [tilespmem:$0x50]  }
0xb9: {  	v4 =	vld.idx.msk [tilespmem:v4+s3+$0x0], $0xffff  }
0xba: {  	v0 =	vadd.f32 v1, v0;
	v1 =	vmul.f32 v46, v6;
	_ =	sdelay $0x1  }
0xbb: {  	v0 =	vadd.f32 v1, v0;
	v1 =	vmul.f32 v48, v8;
	_ =	sdelay $0x1  }
0xbc: {  	v0 =	vadd.f32 v1, v0;
	v1 =	vmul.f32 v5, v4;
	_ =	sdelay $0x1  }
0xbd: {  	v0 =	vadd.f32 v1, v0  }
0xbe: {  	v4 =	vimm.s32 $0x29  }
0xbf: {  	[tilespmem:$0x200] =	vst v0;
	v0 =	vimm.s32 $0x19;
	_ =	sdelay $0x1  }
0xc0: {  	v5 =	vld [tilespmem:$0x20]  }
0xc1: {  	v1 =	vld [tilespmem:$0x10]  }
0xc2: {  	v4 =	vld.idx.msk [tilespmem:v4+s3+$0x0], $0xffff  }
0xc3: {  	v0 =	vld.idx.msk [tilespmem:v0+s3+$0x0], $0xffff  }
0xc4: {  	v51 =	vimm.s32 $0x39;
	_ =	sdelay $0x1  }
0xc5: {  	v53 =	vimm.s32 $0x49;
	_ =	sdelay $0x1  }
0xc6: {  	v52 =	vld [tilespmem:$0x30];
	v0 =	vmul.f32 v1, v0;
	v1 =	vmul.f32 v5, v4;
	v4 =	vimm.s32 $0x59  }
0xc7: {  	v6 =	vld.idx.msk [tilespmem:v51+s3+$0x0], $0xffff  }
0xc8: {  	v56 =	vld [tilespmem:$0x40]  }
0xc9: {  	v8 =	vld.idx.msk [tilespmem:v53+s3+$0x0], $0xffff  }
0xca: {  	v5 =	vld [tilespmem:$0x50]  }
0xcb: {  	v4 =	vld.idx.msk [tilespmem:v4+s3+$0x0], $0xffff  }
0xcc: {  	v0 =	vadd.f32 v1, v0;
	v1 =	vmul.f32 v52, v6;
	_ =	sdelay $0x1  }
0xcd: {  	v0 =	vadd.f32 v1, v0;
	v1 =	vmul.f32 v56, v8;
	_ =	sdelay $0x1  }
0xce: {  	v0 =	vadd.f32 v1, v0;
	v1 =	vmul.f32 v5, v4;
	_ =	sdelay $0x1  }
0xcf: {  	v0 =	vadd.f32 v1, v0;
	_ =	sdelay $0x1  }
0xd0: {  	[tilespmem:$0x210] =	vst v0  }
0xd1: {  	[tilespmem:s15], [sflag:$0x1] =	stream.strided.gather [hbm4b:s7+s13], $0x200, s14, s13, $0x38;
	[tilespmem:$0x19680] =	vst v63  }
0xd2: {  	s25 =	simm.s32 $0x0  }
0xd3: {  	[tilespmem:s16], [sflag:$0x2] =	stream.strided.gather [hbm4b:s9+s13], $0x200, s14, s13, $0x38;
	[tilespmem:$0x19680] =	vst v63  }
.LBB2_2:
0xd4: {  	s1 =	simm.s32 $0x40  }
0xd5: {  	s11 =	simm.s32 $0x0;
	s2 =	simm.s32 $0x10;
	v0 =	vmov s1;
	v18 =	vor.u32 s1, v49  }
0xd6: {  	s28 =	simm.s32 $0x20;
	s26 =	simm.s32 $0x30;
	v4 =	vor.u32 s1, v54;
	v17 =	vor.u32 s11, v49;
	v1 =	vmov s2  }
0xd7: {  	v6 =	vmov s28;
	v7 =	vmov s26;
	v19 =	vor.u32 s2, v49  }
0xd8: {  	v9 =	vmov s11;
	v21 =	vor.u32 s28, v49;
	v0 =	vmulhi.u32 $0x51EB851F, v0  }
0xd9: {  	v22 =	vor.u32 s26, v49;
	v47 =	vor.u32 s11, v54;
	v1 =	vmulhi.u32 $0x51EB851F, v1  }
0xda: {  	v5 =	vmul.u32 $0xC28F5C29, v17;
	v6 =	vmulhi.u32 $0x51EB851F, v6;
	v52 =	vshll.u32 v17, $0x7  }
0xdb: {  	v20 =	vmulhi.u32 $0x51EB851F, v9;
	vm0 =	veq.s32 v9, v49;
	v53 =	vor.u32 v50, v52  }
0xdc: {  	v11 =	vshrl.u32 v0, $0x6;
	v8 =	vshll.u32 v5, $0x1D;
	v5 =	vshrl.u32 v5, $0x3  }
0xdd: {  	v15 =	vshrl.u32 v20, $0x6;
	v28 =	vshll.u32 v6, $0x2;
	v32 =	vshll.u32 v0, $0x2  }
0xde: {  	v44 =	vshll.u32 v6, $0x1;
	v45 =	vshll.u32 v0, $0x1;
	v5 =	vor.u32 v8, v5  }
0xdf: {  	v8 =	vshrl.u32 v6, $0x6;
	v0 =	vand.u32 $0x80, v44;
	vm1 =	vgt.u32 v5, $0x147AE14  }
0xe0: {  	v5 =	vmulhi.u32 $0x51EB851F, v7;
	v7 =	vshrl.u32 v1, $0x6;
	v8 =	vmul.u32 $0xFFFFFF38, v8  }
0xe1: {  	vm0 =	vmand vm0, vm1;
	v10 =	vmul.u32 $0xFFFFFF38, v7;
	v7 =	vmul.u32 $0xFFFFFF38, v11  }
0xe2: {  	v9 =	vsel vm0, $0xFFFFFFFF, v2;
	v12 =	vshrl.u32 v5, $0x6;
	v23 =	vadd.s32 v21, v8  }
0xe3: {  	v29 =	vshll.u32 v5, $0x2;
	v5 =	vshll.u32 v5, $0x1;
	v21 =	vshll.u32 v21, $0x7  }
0xe4: {  	v13 =	vadd.s32 v9, v15;
	v9 =	vmul.u32 $0xFFFFFF38, v12;
	v16 =	vadd.s32 v19, v10  }
0xe5: {  	v25 =	vadd.s32 v18, v7;
	v15 =	vmul.u32 $0xFFFFFF38, v15;
	v36 =	vadd.s32 v4, v7  }
0xe6: {  	v19 =	vshll.u32 v19, $0x7;
	v18 =	vshll.u32 v18, $0x7;
	v21 =	vor.u32 v50, v21  }
0xe7: {  	v4 =	vshll.u32 v4, $0x7;
	v14 =	vmul.u32 $0xFFFFFF38, v13;
	v12 =	vshll.u32 v13, $0x8  }
0xe8: {  	v13 =	vshll.u32 v13, $0x7;
	v27 =	vshll.u32 v25, $0x1;
	v25 =	vand.u32 $0x79, v25  }
0xe9: {  	v40 =	vshll.u32 v36, $0x1;
	v36 =	vand.u32 $0x7B, v36;
	v19 =	vor.u32 v50, v19  }
0xea: {  	v18 =	vor.u32 v50, v18;
	v4 =	vor.u32 v55, v4;
	v11 =	vadd.s32 v17, v14  }
0xeb: {  	v24 =	vadd.s32 v22, v9;
	v12 =	vand.u32 $0xFFFFFE00, v12;
	v14 =	vshll.u32 v11, $0x1  }
0xec: {  	v13 =	vand.u32 $0x80, v13;
	v27 =	vand.u32 $0xFFFFFF00, v27;
	v14 =	vand.u32 $0xFFFFFF00, v14  }
0xed: {  	v48 =	vadd.s32 v47, v15;
	v40 =	vand.u32 $0xFFFFFF00, v40;
	v12 =	vadd.s32 v12, v14  }
0xee: {  	_ =	swait.ge [sflag:s17], $0x200;
	v22 =	vshll.u32 v22, $0x7;
	v11 =	vand.u32 $0x79, v11;
	v12 =	vor.u32 v13, v12  }
0xef: {  	p0 =	seq.s32 s25, $0x0;
	[sflag:s17] =	ssyncset.done $0x0;
	v51 =	vshll.u32 v48, $0x1;
	v22 =	vor.u32 v50, v22;
	v26 =	vor.u32 v11, v12  }
0xf0: {  	s29 =	simm.s32 @!p0 $0x3;
	[sflag:s17] =	ssyncadd.s32 $0xFFFFFE00;
	v14 =	vshll.u32 v16, $0x1;
	v16 =	vand.u32 $0x79, v16;
	v13 =	vshll.u32 v23, $0x1  }
0xf1: {  	_ =	swait.ge @!p0 [sflag:s29], $0xC800;
	v30 =	vand.u32 $0xFFFFFF00, v14;
	v14 =	vand.u32 $0x7FFFFE00, v29;
	v23 =	vand.u32 $0x79, v23  }
0xf2: {  	[sflag:s29] =	ssyncset.done @!p0 $0x0;
	v29 =	vand.u32 $0x7B, v48;
	v12 =	vshll.u32 v24, $0x1;
	v11 =	vshll.u32 v1, $0x2  }
0xf3: {  	[sflag:s29] =	ssyncadd.s32 @!p0 $0xFFFF3800;
	v31 =	vand.u32 $0xFFFFFF00, v13;
	v13 =	vand.u32 $0x7FFFFE00, v28;
	v1 =	vshll.u32 v1, $0x1  }
0xf4: {  	v24 =	vand.u32 $0x79, v24;
	v28 =	vshll.u32 v47, $0x7;
	v11 =	vand.u32 $0x7FFFFE00, v11;
	v26 =	vld.idx.msk [tilespmem:v26+s15+$0x0], $0xffff  }
0xf5: {  	v33 =	vand.u32 $0xFFFFFF00, v12;
	v12 =	vand.u32 $0x7FFFFE00, v32;
	v42 =	vadd.s32 v13, v31  }
0xf6: {  	v6 =	vand.u32 $0x80, v1;
	v1 =	vand.u32 $0x80, v5;
	v5 =	vand.u32 $0x80, v45  }
0xf7: {  	v32 =	vor.u32 s28, v54;
	v31 =	vand.u32 $0xFFFFFF00, v51;
	v28 =	vor.u32 v55, v28  }
0xf8: {  	v41 =	vadd.s32 v11, v30;
	v43 =	vadd.s32 v14, v33;
	v23 =	vor.u32 v23, v42  }
0xf9: {  	v27 =	vadd.s32 v12, v27;
	v23 =	vor.u32 v0, v23;
	v26 =	vshll.u32 v26, $0x4  }
0xfa: {  	v30 =	vor.u32 s2, v54;
	v16 =	vor.u32 v16, v41;
	v26 =	vor.u32 v50, v26  }
0xfb: {  	v34 =	vadd.s32 v32, v8;
	v32 =	vshll.u32 v32, $0x7;
	v46 =	vor.u32 v6, v16  }
0xfc: {  	v24 =	vor.u32 v24, v43;
	v25 =	vor.u32 v25, v27;
	v16 =	vshll.u32 v20, $0x2  }
0xfd: {  	v56 =	vadd.s32 v30, v10;
	v24 =	vor.u32 v1, v24;
	v16 =	vand.u32 $0x200, v16  }
0xfe: {  	v38 =	vshll.u32 v34, $0x1;
	v20 =	vshll.u32 v20, $0x1;
	v31 =	vadd.s32 v16, v31;
	v23 =	vld.idx.msk [tilespmem:v23+s15+$0x0], $0xffff  }
0xff: {  	v25 =	vor.u32 v5, v25;
	v17 =	vand.u32 $0x80, v20;
	v20 =	vor.u32 v29, v31;
	v26 =	vld.idx.msk [tilespmem:v26+s18+$0x0], $0xffff  }
0x100: {  	v34 =	vand.u32 $0x7B, v34;
	v37 =	vshll.u32 v56, $0x1;
	v20 =	vor.u32 v17, v20;
	v27 =	vld.idx.msk [tilespmem:v46+s15+$0x0], $0xffff  }
0x101: {  	v30 =	vshll.u32 v30, $0x7;
	v32 =	vor.u32 v55, v32;
	v37 =	vand.u32 $0xFFFFFF00, v37  }
0x102: {  	v38 =	vand.u32 $0xFFFFFF00, v38;
	v33 =	vand.u32 $0x7B, v56;
	v37 =	vadd.s32 v11, v37;
	v24 =	vld.idx.msk [tilespmem:v24+s15+$0x0], $0xffff  }
0x103: {  	v30 =	vor.u32 v55, v30;
	v41 =	vadd.s32 v13, v38;
	v33 =	vor.u32 v33, v37  }
0x104: {  	v31 =	vor.u32 s26, v54;
	v29 =	vor.u32 v34, v41;
	v25 =	vld.idx.msk [tilespmem:v25+s15+$0x0], $0xffff;
	v23 =	vshll.u32 v23, $0x4;
	[tilespmem:v53+s19+$0x0] =	vst.idx.msk $0xffff, v26  }
0x105: {  	v35 =	vadd.s32 v31, v9;
	v27 =	vshll.u32 v27, $0x4;
	v23 =	vor.u32 v50, v23;
	v20 =	vld.idx.msk [tilespmem:v20+s15+$0x0], $0xffff  }
0x106: {  	v33 =	vor.u32 v6, v33;
	v39 =	vshll.u32 v35, $0x1;
	v27 =	vor.u32 v50, v27  }
0x107: {  	v29 =	vor.u32 v0, v29;
	v39 =	vand.u32 $0xFFFFFF00, v39;
	v24 =	vshll.u32 v24, $0x4  }
0x108: {  	v35 =	vand.u32 $0x7B, v35;
	v42 =	vadd.s32 v14, v39;
	v24 =	vor.u32 v50, v24  }
0x109: {  	v43 =	vor.u32 v35, v42;
	v35 =	vor.u32 s11, v3;
	v25 =	vshll.u32 v25, $0x4  }
0x10a: {  	v44 =	vadd.s32 v35, v15;
	v25 =	vor.u32 v50, v25;
	v23 =	vld.idx.msk [tilespmem:v23+s18+$0x0], $0xffff;
	v20 =	vshll.u32 v20, $0x4  }
0x10b: {  	v31 =	vshll.u32 v31, $0x7;
	v45 =	vshll.u32 v44, $0x1;
	v27 =	vld.idx.msk [tilespmem:v27+s18+$0x0], $0xffff;
	v20 =	vor.u32 v55, v20  }
0x10c: {  	v31 =	vor.u32 v55, v31;
	v37 =	vand.u32 $0xFFFFFF00, v45;
	v26 =	vadd.s32 v12, v40  }
0x10d: {  	v37 =	vadd.s32 v16, v37;
	v24 =	vld.idx.msk [tilespmem:v24+s18+$0x0], $0xffff;
	v26 =	vor.u32 v36, v26;
	v36 =	vand.u32 $0x7F, v44  }
0x10e: {  	v39 =	vor.u32 s11, v58;
	v34 =	vor.u32 v1, v43;
	v36 =	vor.u32 v36, v37  }
0x10f: {  	v25 =	vld.idx.msk [tilespmem:v25+s18+$0x0], $0xffff;
	v37 =	vor.u32 s1, v3;
	[tilespmem:v21+s19+$0x0] =	vst.idx.msk $0xffff, v23;
	v21 =	vor.u32 v5, v26;
	v26 =	vor.u32 s26, v3  }
0x110: {  	v52 =	vadd.s32 v37, v7;
	v37 =	vshll.u32 v37, $0x7;
	[tilespmem:v19+s19+$0x0] =	vst.idx.msk $0xffff, v27;
	v27 =	vor.u32 s2, v3;
	v20 =	vld.idx.msk [tilespmem:v20+s18+$0x0], $0xffff  }
0x111: {  	v19 =	vor.u32 v17, v36;
	v36 =	vor.u32 s28, v3;
	v47 =	vadd.s32 v26, v9  }
0x112: {  	[tilespmem:v22+s19+$0x0] =	vst.idx.msk $0xffff, v24;
	v22 =	vld.idx.msk [tilespmem:v29+s15+$0x0], $0xffff;
	v56 =	vshll.u32 v52, $0x1;
	v45 =	vand.u32 $0x7F, v52;
	v26 =	vshll.u32 v26, $0x7  }
0x113: {  	v23 =	vadd.s32 v27, v10;
	v33 =	vld.idx.msk [tilespmem:v33+s15+$0x0], $0xffff;
	v46 =	vadd.s32 v36, v8;
	v53 =	vshll.u32 v47, $0x1  }
0x114: {  	[tilespmem:v18+s19+$0x0] =	vst.idx.msk $0xffff, v25;
	v18 =	vld.idx.msk [tilespmem:v34+s15+$0x0], $0xffff;
	v41 =	vand.u32 $0xFFFFFF00, v56;
	v44 =	vand.u32 $0x7F, v47;
	v27 =	vshll.u32 v27, $0x7  }
0x115: {  	v36 =	vshll.u32 v36, $0x7;
	v26 =	vor.u32 v57, v26;
	v48 =	vshll.u32 v23, $0x1;
	v21 =	vld.idx.msk [tilespmem:v21+s15+$0x0], $0xffff;
	[tilespmem:v28+s19+$0x0] =	vst.idx.msk $0xffff, v20  }
0x116: {  	v51 =	vshll.u32 v46, $0x1;
	v25 =	vand.u32 $0xFFFFFF00, v53;
	v23 =	vand.u32 $0x7F, v23;
	v19 =	vld.idx.msk [tilespmem:v19+s15+$0x0], $0xffff  }
0x117: {  	v43 =	vand.u32 $0x7F, v46;
	v46 =	vadd.s32 v39, v15;
	v22 =	vshll.u32 v22, $0x4  }
0x118: {  	v24 =	vand.u32 $0xFFFFFF00, v48;
	v42 =	vshll.u32 v33, $0x4;
	v22 =	vor.u32 v55, v22  }
0x119: {  	v25 =	vadd.s32 v14, v25;
	v18 =	vshll.u32 v18, $0x4;
	v29 =	vor.u32 v55, v42  }
0x11a: {  	v47 =	vshll.u32 v46, $0x1;
	v18 =	vor.u32 v55, v18;
	v21 =	vshll.u32 v21, $0x4  }
0x11b: {  	v48 =	vshll.u32 v35, $0x7;
	v21 =	vor.u32 v55, v21;
	v19 =	vshll.u32 v19, $0x4  }
0x11c: {  	v24 =	vadd.s32 v11, v24;
	v33 =	vand.u32 $0xFFFFFF00, v47;
	v19 =	vor.u32 v57, v19  }
0x11d: {  	v23 =	vor.u32 v23, v24;
	v24 =	vand.u32 $0x7F, v46;
	v33 =	vadd.s32 v16, v33;
	v22 =	vld.idx.msk [tilespmem:v22+s18+$0x0], $0xffff  }
0x11e: {  	v25 =	vor.u32 v44, v25;
	v34 =	vor.u32 v57, v48;
	v24 =	vor.u32 v24, v33;
	v29 =	vld.idx.msk [tilespmem:v29+s18+$0x0], $0xffff  }
0x11f: {  	v25 =	vor.u32 v1, v25;
	v23 =	vor.u32 v6, v23;
	v24 =	vor.u32 v17, v24;
	v52 =	vld.idx.msk [tilespmem:v18+s18+$0x0], $0xffff  }
0x120: {  	v18 =	vor.u32 s2, v58;
	v20 =	vand.u32 $0xFFFFFF00, v51;
	v28 =	vadd.s32 v12, v41;
	v40 =	vld.idx.msk [tilespmem:v21+s18+$0x0], $0xffff  }
0x121: {  	v53 =	vadd.s32 v18, v10;
	v20 =	vadd.s32 v13, v20;
	v28 =	vor.u32 v45, v28;
	v51 =	vld.idx.msk [tilespmem:v19+s18+$0x0], $0xffff  }
0x122: {  	v18 =	vshll.u32 v18, $0x7;
	v20 =	vor.u32 v43, v20;
	v28 =	vor.u32 v5, v28;
	[tilespmem:v32+s19+$0x0] =	vst.idx.msk $0xffff, v22  }
0x123: {  	v21 =	vor.u32 s28, v58;
	v43 =	vshll.u32 v39, $0x7;
	v39 =	vor.u32 s11, v60;
	[tilespmem:v30+s19+$0x0] =	vst.idx.msk $0xffff, v29  }
0x124: {  	v35 =	vor.u32 v0, v20;
	v20 =	vor.u32 s1, v58;
	v56 =	vadd.s32 v21, v8;
	[tilespmem:v31+s19+$0x0] =	vst.idx.msk $0xffff, v52  }
0x125: {  	v22 =	vshll.u32 v53, $0x1;
	v21 =	vshll.u32 v21, $0x7;
	v41 =	vadd.s32 v20, v7;
	v23 =	vld.idx.msk [tilespmem:v23+s15+$0x0], $0xffff;
	[tilespmem:v4+s19+$0x0] =	vst.idx.msk $0xffff, v40  }
0x126: {  	v46 =	vshll.u32 v56, $0x1;
	v22 =	vand.u32 $0xFFFFFF00, v22;
	v29 =	vand.u32 $0x7F, v53;
	v25 =	vld.idx.msk [tilespmem:v25+s15+$0x0], $0xffff;
	[tilespmem:v34+s19+$0x0] =	vst.idx.msk $0xffff, v51  }
0x127: {  	v30 =	vand.u32 $0x7F, v56;
	v20 =	vshll.u32 v20, $0x7;
	v42 =	vshll.u32 v41, $0x1;
	v4 =	vld [tilespmem:$0x1FFB0]  }
0x128: {  	v48 =	vand.u32 $0xFFFFFF00, v46;
	v22 =	vadd.s32 v11, v22;
	v53 =	vand.u32 $0x7F, v41;
	v38 =	vld [tilespmem:$0x1FFC0]  }
0x129: {  	v31 =	vadd.s32 v13, v48;
	v22 =	vor.u32 v29, v22;
	v29 =	vor.u32 s11, v59  }
0x12a: {  	v52 =	vand.u32 $0xFFFFFF00, v42;
	v15 =	vadd.s32 v29, v15;
	v30 =	vor.u32 v30, v31;
	v24 =	vld.idx.msk [tilespmem:v24+s15+$0x0], $0xffff  }
0x12b: {  	v22 =	vor.u32 v6, v22;
	v29 =	vshll.u32 v29, $0x7;
	v56 =	vshll.u32 v15, $0x1  }
0x12c: {  	v35 =	vld.idx.msk [tilespmem:v35+s15+$0x0], $0xffff;
	v15 =	vand.u32 $0x7F, v15;
	v30 =	vor.u32 v0, v30;
	v40 =	vand.u32 $0xFFFFFF00, v56  }
0x12d: {  	v28 =	vld.idx.msk [tilespmem:v28+s15+$0x0], $0xffff;
	v23 =	vshll.u32 v23, $0x4;
	v25 =	vshll.u32 v25, $0x4;
	v4 =	vcombine.low v4, v38  }
0x12e: {  	v16 =	vadd.s32 v16, v40;
	v23 =	vor.u32 v57, v23;
	v25 =	vor.u32 v57, v25  }
0x12f: {  	v15 =	vor.u32 v15, v16;
	v24 =	vshll.u32 v24, $0x4;
	v4 =	vand.u32 $0xF, v4  }
0x130: {  	v19 =	vor.u32 s26, v58;
	v15 =	vor.u32 v17, v15;
	v24 =	vor.u32 v4, v24  }
0x131: {  	v17 =	vor.u32 v57, v27;
	v45 =	vadd.s32 v19, v9;
	v35 =	vshll.u32 v35, $0x4  }
0x132: {  	v28 =	vshll.u32 v28, $0x4;
	v19 =	vshll.u32 v19, $0x7;
	v35 =	vor.u32 v57, v35  }
0x133: {  	v47 =	vshll.u32 v45, $0x1;
	v32 =	vand.u32 $0x7F, v45;
	v28 =	vor.u32 v57, v28  }
0x134: {  	v23 =	vld.idx.msk [tilespmem:v23+s18+$0x0], $0xffff;
	v51 =	vand.u32 $0xFFFFFF00, v47;
	v34 =	vadd.s32 v12, v52;
	v52 =	vmulhi.u32 $0x51EB851F, v39  }
0x135: {  	v33 =	vadd.s32 v14, v51;
	v44 =	vor.u32 v53, v34;
	v31 =	vor.u32 v4, v43;
	v24 =	vld.idx.msk [tilespmem:v24+s18+$0x0], $0xffff  }
0x136: {  	v16 =	vor.u32 v32, v33;
	v32 =	vor.u32 v57, v36;
	v33 =	vor.u32 v57, v37  }
0x137: {  	v45 =	vld.idx.msk [tilespmem:v35+s18+$0x0], $0xffff;
	v35 =	vor.u32 s2, v59;
	v36 =	vor.u32 s28, v59;
	v27 =	vor.u32 v5, v44  }
0x138: {  	v16 =	vor.u32 v1, v16;
	v46 =	vadd.s32 v35, v10;
	v8 =	vadd.s32 v36, v8  }
0x139: {  	v10 =	vor.u32 s1, v59;
	v47 =	vshll.u32 v46, $0x1;
	[tilespmem:v17+s19+$0x0] =	vst.idx.msk $0xffff, v23;
	v17 =	vshll.u32 v8, $0x1  }
0x13a: {  	v25 =	vld.idx.msk [tilespmem:v25+s18+$0x0], $0xffff;
	v7 =	vadd.s32 v10, v7;
	v8 =	vand.u32 $0x7F, v8;
	v10 =	vshll.u32 v10, $0x7;
	[tilespmem:v31+s19+$0x0] =	vst.idx.msk $0xffff, v24  }
0x13b: {  	v23 =	vand.u32 $0xFFFFFF00, v47;
	v51 =	vshll.u32 v7, $0x1;
	v17 =	vand.u32 $0xFFFFFF00, v17;
	v53 =	vld [tilespmem:$0x1FFD0]  }
0x13c: {  	v47 =	vshll.u32 v52, $0x1;
	v38 =	vor.u32 s26, v59;
	v23 =	vadd.s32 v11, v23;
	v56 =	vld [tilespmem:$0x1FFE0];
	[tilespmem:v32+s19+$0x0] =	vst.idx.msk $0xffff, v45  }
0x13d: {  	v13 =	vadd.s32 v13, v17;
	v17 =	vshrl.u32 v52, $0x6;
	v9 =	vadd.s32 v38, v9;
	v42 =	vld.idx.msk [tilespmem:v30+s15+$0x0], $0xffff  }
0x13e: {  	v17 =	vmul.u32 $0xFFFFFF38, v17;
	v8 =	vor.u32 v8, v13;
	v48 =	vshll.u32 v9, $0x1;
	v15 =	vld.idx.msk [tilespmem:v15+s15+$0x0], $0xffff  }
0x13f: {  	v22 =	vld.idx.msk [tilespmem:v22+s15+$0x0], $0xffff;
	v9 =	vand.u32 $0x7F, v9;
	v8 =	vor.u32 v0, v8;
	v0 =	vor.u32 s26, v60  }
0x140: {  	v28 =	vld.idx.msk [tilespmem:v28+s18+$0x0], $0xffff;
	v43 =	vand.u32 $0x7F, v46;
	v17 =	vadd.s32 v39, v17;
	v13 =	vor.u32 v4, v18  }
0x141: {  	v18 =	vor.u32 v4, v20;
	v24 =	vand.u32 $0xFFFFFF00, v48;
	[tilespmem:v26+s19+$0x0] =	vst.idx.msk $0xffff, v25;
	v41 =	vcombine.low v53, v56  }
0x142: {  	v20 =	vor.u32 s11, v61;
	v14 =	vadd.s32 v14, v24;
	v16 =	vld.idx.msk [tilespmem:v16+s15+$0x0], $0xffff;
	v24 =	vshll.u32 v42, $0x4  }
0x143: {  	v15 =	vshll.u32 v15, $0x4;
	v11 =	vand.u32 $0xF, v41;
	v24 =	vor.u32 v4, v24  }
0x144: {  	v22 =	vshll.u32 v22, $0x4;
	v46 =	vshll.u32 v17, $0x1;
	v15 =	vor.u32 v11, v15  }
0x145: {  	v17 =	vand.u32 $0x79, v17;
	v31 =	vand.u32 $0xFFFFFF00, v51;
	v48 =	vand.u32 $0x80, v47;
	[tilespmem:v33+s19+$0x0] =	vst.idx.msk $0xffff, v28  }
0x146: {  	v51 =	vand.u32 $0x7F, v7;
	v45 =	vshll.u32 v52, $0x2;
	v28 =	vand.u32 $0xFFFFFF00, v46;
	v44 =	vld.idx.msk [tilespmem:v27+s15+$0x0], $0xffff  }
0x147: {  	v27 =	vand.u32 $0x7FFFFE00, v45;
	v9 =	vor.u32 v9, v14;
	v16 =	vshll.u32 v16, $0x4  }
0x148: {  	v14 =	vor.u32 v4, v21;
	v27 =	vadd.s32 v27, v28;
	v16 =	vor.u32 v4, v16;
	v21 =	vld.idx.msk [tilespmem:v24+s18+$0x0], $0xffff  }
0x149: {  	v12 =	vadd.s32 v12, v31;
	v27 =	vor.u32 v48, v27;
	v29 =	vor.u32 v11, v29;
	v15 =	vld.idx.msk [tilespmem:v15+s18+$0x0], $0xffff  }
0x14a: {  	v22 =	vor.u32 v4, v22;
	v12 =	vor.u32 v51, v12;
	v17 =	vor.u32 v17, v27  }
0x14b: {  	v12 =	vor.u32 v5, v12;
	v5 =	vor.u32 s28, v60;
	v26 =	vshll.u32 v44, $0x4  }
0x14c: {  	v23 =	vor.u32 v43, v23;
	v56 =	vmulhi.u32 $0x51EB851F, v5;
	v26 =	vor.u32 v4, v26  }
0x14d: {  	v6 =	vor.u32 v6, v23;
	v23 =	vshll.u32 v35, $0x7;
	v7 =	vor.u32 s2, v60;
	v16 =	vld.idx.msk [tilespmem:v16+s18+$0x0], $0xffff;
	[tilespmem:v14+s19+$0x0] =	vst.idx.msk $0xffff, v21  }
0x14e: {  	v9 =	vor.u32 v1, v9;
	v1 =	vor.u32 s1, v60;
	v44 =	vshll.u32 v56, $0x2;
	[tilespmem:v29+s19+$0x0] =	vst.idx.msk $0xffff, v15;
	v8 =	vld.idx.msk [tilespmem:v8+s15+$0x0], $0xffff  }
0x14f: {  	v27 =	vshll.u32 v38, $0x7;
	v32 =	vand.u32 $0x7FFFFE00, v44;
	v24 =	vmulhi.u32 $0x51EB851F, v7;
	v15 =	vld.idx.msk [tilespmem:v17+s15+$0x0], $0xffff  }
0x150: {  	v23 =	vor.u32 v11, v23;
	v21 =	vmulhi.u32 $0x51EB851F, v1;
	v17 =	vor.u32 v4, v19;
	v19 =	vld.idx.msk [tilespmem:v22+s18+$0x0], $0xffff  }
0x151: {  	v52 =	vld.idx.msk [tilespmem:v26+s18+$0x0], $0xffff;
	v26 =	vshll.u32 v36, $0x7;
	v14 =	vshrl.u32 v56, $0x6;
	v22 =	vmulhi.u32 $0x51EB851F, v20  }
0x152: {  	v41 =	vshll.u32 v24, $0x2;
	v14 =	vmul.u32 $0xFFFFFF38, v14;
	v29 =	vshll.u32 v56, $0x1  }
0x153: {  	v56 =	vor.u32 v11, v27;
	v47 =	vshll.u32 v21, $0x2;
	v53 =	vshrl.u32 v22, $0x6  }
0x154: {  	v29 =	vand.u32 $0x80, v29;
	v14 =	vadd.s32 v5, v14;
	v28 =	vmul.u32 $0xFFFFFF38, v53  }
0x155: {  	v35 =	vand.u32 $0x7FFFFE00, v47;
	v8 =	vshll.u32 v8, $0x4;
	v15 =	vshll.u32 v15, $0x4;
	[tilespmem:v13+s19+$0x0] =	vst.idx.msk $0xffff, v19  }
0x156: {  	v19 =	vshrl.u32 v24, $0x6;
	v28 =	vadd.s32 v20, v28;
	[tilespmem:v17+s19+$0x0] =	vst.idx.msk $0xffff, v16;
	v17 =	vshll.u32 v22, $0x2  }
0x157: {  	v8 =	vor.u32 v11, v8;
	v24 =	vshll.u32 v24, $0x1;
	v13 =	vor.u32 v50, v15  }
0x158: {  	v20 =	vshll.u32 v20, $0x7;
	v15 =	vmulhi.u32 $0x51EB851F, v0;
	v16 =	vmul.u32 $0xFFFFFF38, v19  }
0x159: {  	[tilespmem:v18+s19+$0x0] =	vst.idx.msk $0xffff, v52;
	v19 =	vshll.u32 v28, $0x1;
	v17 =	vand.u32 $0x7FFFFE00, v17;
	v20 =	vor.u32 v55, v20  }
0x15a: {  	v12 =	vld.idx.msk [tilespmem:v12+s15+$0x0], $0xffff;
	v24 =	vand.u32 $0x80, v24;
	v18 =	vand.u32 $0xFFFFFF00, v19;
	v19 =	vshll.u32 v22, $0x1  }
0x15b: {  	v6 =	vld.idx.msk [tilespmem:v6+s15+$0x0], $0xffff;
	v17 =	vadd.s32 v17, v18;
	v18 =	vand.u32 $0x80, v19;
	v19 =	vshll.u32 v39, $0x7  }
0x15c: {  	v22 =	vshrl.u32 v15, $0x6;
	v39 =	vand.u32 $0x7B, v28;
	v19 =	vor.u32 v50, v19;
	v13 =	vld.idx.msk [tilespmem:v13+s18+$0x0], $0xffff  }
0x15d: {  	v16 =	vadd.s32 v7, v16;
	v45 =	vshll.u32 v15, $0x2;
	v28 =	vand.u32 $0x7FFFFE00, v41  }
0x15e: {  	v9 =	vld.idx.msk [tilespmem:v9+s15+$0x0], $0xffff;
	v15 =	vshll.u32 v15, $0x1;
	v17 =	vor.u32 v18, v17;
	v18 =	vshrl.u32 v21, $0x6  }
0x15f: {  	v22 =	vmul.u32 $0xFFFFFF38, v22;
	v42 =	vshll.u32 v16, $0x1;
	v33 =	vand.u32 $0x7FFFFE00, v45  }
0x160: {  	v21 =	vshll.u32 v21, $0x1;
	v15 =	vand.u32 $0x80, v15;
	v6 =	vshll.u32 v6, $0x4  }
0x161: {  	v17 =	vor.u32 v39, v17;
	v40 =	vor.u32 v11, v6;
	v6 =	vshll.u32 v12, $0x4;
	[tilespmem:v19+s19+$0x0] =	vst.idx.msk $0xffff, v13  }
0x162: {  	v30 =	vand.u32 $0xFFFFFF00, v42;
	v12 =	vmul.u32 $0xFFFFFF38, v18;
	v18 =	vor.u32 v11, v6;
	v6 =	vld [tilespmem:$0x1FFF0]  }
0x163: {  	v16 =	vand.u32 $0x79, v16;
	v9 =	vshll.u32 v9, $0x4;
	v28 =	vadd.s32 v28, v30  }
0x164: {  	v21 =	vand.u32 $0x80, v21;
	v9 =	vor.u32 v11, v9;
	v24 =	vor.u32 v24, v28  }
0x165: {  	v28 =	vshll.u32 v7, $0x7;
	v16 =	vor.u32 v16, v24;
	v12 =	vadd.s32 v1, v12  }
0x166: {  	v1 =	vshll.u32 v1, $0x7;
	v43 =	vshll.u32 v12, $0x1;
	v12 =	vand.u32 $0x79, v12  }
0x167: {  	v1 =	vor.u32 v50, v1;
	v13 =	vadd.s32 v0, v22;
	v17 =	vld.idx.msk [tilespmem:v17+s15+$0x0], $0xffff;
	v6 =	vadd.s32 $0xB, v6  }
0x168: {  	v19 =	vshll.u32 v14, $0x1;
	v31 =	vand.u32 $0xFFFFFF00, v43;
	v46 =	vor.u32 s11, v6  }
0x169: {  	v14 =	vand.u32 $0x79, v14;
	v0 =	vshll.u32 v0, $0x7;
	v48 =	vmulhi.u32 $0x51EB851F, v46  }
0x16a: {  	v22 =	vshll.u32 v13, $0x1;
	v19 =	vand.u32 $0xFFFFFF00, v19;
	v31 =	vadd.s32 v35, v31  }
0x16b: {  	v13 =	vand.u32 $0x79, v13;
	v0 =	vor.u32 v50, v0;
	v51 =	vshrl.u32 v48, $0x6  }
0x16c: {  	v22 =	vand.u32 $0xFFFFFF00, v22;
	v17 =	vshll.u32 v17, $0x4;
	v37 =	vmul.u32 $0xFFFFFF38, v51  }
0x16d: {  	v19 =	vadd.s32 v32, v19;
	v21 =	vor.u32 v21, v31;
	v17 =	vor.u32 v55, v17  }
0x16e: {  	v32 =	vor.u32 v11, v10;
	v22 =	vadd.s32 v33, v22;
	v37 =	vadd.s32 v46, v37  }
0x16f: {  	v15 =	vor.u32 v15, v22;
	v52 =	vshll.u32 v48, $0x2;
	v53 =	vshll.u32 v37, $0x1  }
0x170: {  	v22 =	vld.idx.msk [tilespmem:v40+s18+$0x0], $0xffff;
	v36 =	vshll.u32 v48, $0x1;
	v30 =	vand.u32 $0x7FFFFE00, v52;
	v38 =	vand.u32 $0xFFFFFF00, v53  }
0x171: {  	v19 =	vor.u32 v29, v19;
	v36 =	vand.u32 $0x80, v36;
	v30 =	vadd.s32 v30, v38  }
0x172: {  	v21 =	vor.u32 v12, v21;
	v17 =	vld.idx.msk [tilespmem:v17+s18+$0x0], $0xffff;
	v37 =	vand.u32 $0x7F, v37;
	v30 =	vor.u32 v36, v30  }
0x173: {  	v9 =	vld.idx.msk [tilespmem:v9+s18+$0x0], $0xffff;
	v19 =	vor.u32 v14, v19;
	v14 =	vor.u32 s2, v61;
	v30 =	vor.u32 v37, v30  }
0x174: {  	v12 =	vor.u32 s28, v61;
	v15 =	vor.u32 v13, v15;
	v7 =	vmulhi.u32 $0x51EB851F, v14  }
0x175: {  	v10 =	vor.u32 s1, v61;
	v29 =	vshll.u32 v5, $0x7;
	[tilespmem:v23+s19+$0x0] =	vst.idx.msk $0xffff, v22;
	v22 =	vmulhi.u32 $0x51EB851F, v12  }
0x176: {  	v8 =	vld.idx.msk [tilespmem:v8+s18+$0x0], $0xffff;
	v41 =	vshll.u32 v7, $0x2;
	v39 =	vshll.u32 v46, $0x7;
	v23 =	vmulhi.u32 $0x51EB851F, v10  }
0x177: {  	v13 =	vor.u32 s26, v61;
	v27 =	vand.u32 $0x7FFFFE00, v41;
	v25 =	vor.u32 v57, v39;
	v16 =	vld.idx.msk [tilespmem:v16+s15+$0x0], $0xffff;
	[tilespmem:v20+s19+$0x0] =	vst.idx.msk $0xffff, v17  }
0x178: {  	[tilespmem:v56+s19+$0x0] =	vst.idx.msk $0xffff, v9;
	v9 =	vshrl.u32 v22, $0x6;
	v40 =	vshrl.u32 v23, $0x6;
	v45 =	vshll.u32 v22, $0x2;
	v20 =	vld.idx.msk [tilespmem:v30+s15+$0x0], $0xffff  }
0x179: {  	v15 =	vld.idx.msk [tilespmem:v15+s15+$0x0], $0xffff;
	v47 =	vshll.u32 v23, $0x2;
	v17 =	vor.u32 v11, v26;
	v26 =	vor.u32 s11, v62  }
0x17a: {  	v22 =	vshll.u32 v22, $0x1;
	v9 =	vmul.u32 $0xFFFFFF38, v9;
	v33 =	vmulhi.u32 $0x51EB851F, v26  }
0x17b: {  	v18 =	vld.idx.msk [tilespmem:v18+s18+$0x0], $0xffff;
	v52 =	vshll.u32 v7, $0x1;
	v23 =	vshll.u32 v23, $0x1;
	v22 =	vand.u32 $0x80, v22  }
0x17c: {  	v23 =	vand.u32 $0x80, v23;
	v42 =	vadd.s32 v12, v9;
	v5 =	vshrl.u32 v33, $0x6  }
0x17d: {  	v12 =	vshll.u32 v12, $0x7;
	v5 =	vmul.u32 $0xFFFFFF38, v5;
	v20 =	vshll.u32 v20, $0x4  }
0x17e: {  	v16 =	vshll.u32 v16, $0x4;
	v15 =	vshll.u32 v15, $0x4;
	[tilespmem:v17+s19+$0x0] =	vst.idx.msk $0xffff, v8;
	v8 =	vor.u32 v57, v20  }
0x17f: {  	v53 =	vand.u32 $0x7FFFFE00, v47;
	v5 =	vadd.s32 v26, v5;
	v20 =	vshrl.u32 v7, $0x6  }
0x180: {  	[tilespmem:v32+s19+$0x0] =	vst.idx.msk $0xffff, v18;
	v35 =	vshll.u32 v5, $0x1;
	v18 =	vmul.u32 $0xFFFFFF38, v20;
	v20 =	vshll.u32 v33, $0x2  }
0x181: {  	v36 =	vshll.u32 v33, $0x1;
	v19 =	vld.idx.msk [tilespmem:v19+s15+$0x0], $0xffff;
	v24 =	vand.u32 $0xFFFFFF00, v35;
	v20 =	vand.u32 $0x7FFFFE00, v20  }
0x182: {  	v41 =	vand.u32 $0x7B, v42;
	v38 =	vand.u32 $0x80, v36;
	v20 =	vadd.s32 v20, v24  }
0x183: {  	v17 =	vmulhi.u32 $0x51EB851F, v13;
	v5 =	vand.u32 $0x7F, v5;
	v20 =	vor.u32 v38, v20;
	v8 =	vld.idx.msk [tilespmem:v8+s18+$0x0], $0xffff  }
0x184: {  	v16 =	vor.u32 v50, v16;
	v15 =	vor.u32 v50, v15;
	v5 =	vor.u32 v5, v20  }
0x185: {  	v21 =	vld.idx.msk [tilespmem:v21+s15+$0x0], $0xffff;
	v26 =	vshll.u32 v26, $0x7;
	v37 =	vshrl.u32 v17, $0x6;
	v46 =	vshll.u32 v17, $0x2  }
0x186: {  	v17 =	vshll.u32 v17, $0x1;
	v34 =	vand.u32 $0x7FFFFE00, v46;
	v19 =	vshll.u32 v19, $0x4  }
0x187: {  	v17 =	vand.u32 $0x80, v17;
	v19 =	vor.u32 v50, v19;
	v33 =	vand.u32 $0x7FFFFE00, v45  }
0x188: {  	v24 =	vmul.u32 $0xFFFFFF38, v40;
	v18 =	vadd.s32 v14, v18;
	v40 =	vand.u32 $0x80, v52;
	[tilespmem:v25+s19+$0x0] =	vst.idx.msk $0xffff, v8  }
0x189: {  	v14 =	vshll.u32 v14, $0x7;
	v9 =	vshll.u32 v18, $0x1;
	v25 =	vld.idx.msk [tilespmem:v5+s15+$0x0], $0xffff;
	v5 =	vor.u32 s11, v63  }
0x18a: {  	v18 =	vand.u32 $0x7B, v18;
	v20 =	vshll.u32 v21, $0x4;
	v48 =	vmulhi.u32 $0x51EB851F, v5  }
0x18b: {  	v21 =	vmul.u32 $0xFFFFFF38, v37;
	v24 =	vadd.s32 v10, v24;
	v9 =	vand.u32 $0xFFFFFF00, v9  }
0x18c: {  	v10 =	vshll.u32 v10, $0x7;
	v20 =	vor.u32 v50, v20;
	v51 =	vshrl.u32 v48, $0x6  }
0x18d: {  	v44 =	vshll.u32 v24, $0x1;
	v8 =	vshll.u32 v42, $0x1;
	v37 =	vmul.u32 $0xFFFFFF38, v51  }
0x18e: {  	v27 =	vadd.s32 v27, v9;
	v24 =	vand.u32 $0x7B, v24;
	v8 =	vand.u32 $0xFFFFFF00, v8  }
0x18f: {  	v21 =	vadd.s32 v13, v21;
	v33 =	vadd.s32 v33, v8;
	v56 =	vadd.s32 v5, v37  }
0x190: {  	v9 =	vshll.u32 v48, $0x2;
	v36 =	vshll.u32 v48, $0x1;
	v37 =	vshll.u32 v56, $0x1  }
0x191: {  	v9 =	vand.u32 $0x7FFFFE00, v9;
	v25 =	vshll.u32 v25, $0x4;
	v37 =	vand.u32 $0xFFFFFF00, v37  }
0x192: {  	[tilespmem:$0x1FF40] =	vst v5;
	v7 =	vor.u32 v4, v25;
	v8 =	vadd.s32 v9, v37;
	v9 =	vand.u32 $0x80, v36  }
0x193: {  	v5 =	vor.u32 v4, v26;
	[tilespmem:$0x1FED0] =	vst v7;
	v35 =	vand.u32 $0x7F, v56;
	v8 =	vor.u32 v9, v8  }
0x194: {  	v32 =	vand.u32 $0xFFFFFF00, v44;
	v43 =	vshll.u32 v21, $0x1;
	[tilespmem:$0x1FEE0] =	vst v5;
	v5 =	vor.u32 v35, v8  }
0x195: {  	v13 =	vshll.u32 v13, $0x7;
	v21 =	vand.u32 $0x7B, v21;
	v31 =	vand.u32 $0xFFFFFF00, v43;
	[tilespmem:$0x1FEF0] =	vst v5  }
0x196: {  	v43 =	vor.u32 v50, v29;
	v31 =	vadd.s32 v34, v31;
	v42 =	vor.u32 v50, v28;
	v16 =	vld.idx.msk [tilespmem:v16+s18+$0x0], $0xffff  }
0x197: {  	v29 =	vor.u32 s1, v6;
	v17 =	vor.u32 v17, v31;
	v25 =	vadd.s32 v53, v32;
	v19 =	vld.idx.msk [tilespmem:v19+s18+$0x0], $0xffff  }
0x198: {  	v17 =	vor.u32 v21, v17;
	v22 =	vor.u32 v22, v33;
	v23 =	vor.u32 v23, v25;
	v15 =	vld.idx.msk [tilespmem:v15+s18+$0x0], $0xffff  }
0x199: {  	v26 =	vor.u32 v40, v27;
	v21 =	vor.u32 v24, v23;
	v23 =	vor.u32 s2, v6;
	v20 =	vld.idx.msk [tilespmem:v20+s18+$0x0], $0xffff  }
0x19a: {  	v22 =	vor.u32 v41, v22;
	v18 =	vor.u32 v18, v26;
	v44 =	vmulhi.u32 $0x51EB851F, v23  }
0x19b: {  	v25 =	vor.u32 s26, v6;
	v7 =	vor.u32 s26, v62;
	v24 =	vor.u32 s28, v6;
	[tilespmem:v42+s19+$0x0] =	vst.idx.msk $0xffff, v16  }
0x19c: {  	v9 =	vor.u32 s2, v62;
	v45 =	vshrl.u32 v44, $0x6;
	v16 =	vmulhi.u32 $0x51EB851F, v24;
	[tilespmem:v43+s19+$0x0] =	vst.idx.msk $0xffff, v19  }
0x19d: {  	v26 =	vshll.u32 v44, $0x1;
	v8 =	vor.u32 s28, v62;
	v19 =	vmulhi.u32 $0x51EB851F, v25;
	[tilespmem:v0+s19+$0x0] =	vst.idx.msk $0xffff, v15  }
0x19e: {  	v26 =	vand.u32 $0x80, v26;
	v0 =	vmulhi.u32 $0x51EB851F, v29;
	[tilespmem:v1+s19+$0x0] =	vst.idx.msk $0xffff, v20;
	v1 =	vshll.u32 v44, $0x2  }
0x19f: {  	v5 =	vor.u32 s1, v62;
	v15 =	vmul.u32 $0xFFFFFF38, v45;
	v1 =	vand.u32 $0x7FFFFE00, v1  }
0x1a0: {  	v46 =	vshrl.u32 v16, $0x6;
	v48 =	vshrl.u32 v19, $0x6;
	v51 =	vshrl.u32 v0, $0x6  }
0x1a1: {  	v15 =	vadd.s32 v23, v15;
	v41 =	vshll.u32 v16, $0x2;
	v42 =	vshll.u32 v19, $0x2  }
0x1a2: {  	v43 =	vshll.u32 v0, $0x2;
	v16 =	vshll.u32 v16, $0x1;
	v19 =	vshll.u32 v19, $0x1  }
0x1a3: {  	v0 =	vshll.u32 v0, $0x1;
	v47 =	vmul.u32 $0xFFFFFF38, v46;
	v20 =	vmul.u32 $0xFFFFFF38, v48  }
0x1a4: {  	v18 =	vld.idx.msk [tilespmem:v18+s15+$0x0], $0xffff;
	v28 =	vmul.u32 $0xFFFFFF38, v51;
	v52 =	vshll.u32 v15, $0x1;
	v34 =	vand.u32 $0x7FFFFE00, v41  }
0x1a5: {  	v22 =	vld.idx.msk [tilespmem:v22+s15+$0x0], $0xffff;
	v35 =	vand.u32 $0x7FFFFE00, v42;
	v36 =	vand.u32 $0x7FFFFE00, v43;
	v16 =	vand.u32 $0x80, v16  }
0x1a6: {  	v17 =	vld.idx.msk [tilespmem:v17+s15+$0x0], $0xffff;
	v19 =	vand.u32 $0x80, v19;
	v0 =	vand.u32 $0x80, v0;
	v15 =	vand.u32 $0x7F, v15  }
0x1a7: {  	v21 =	vld.idx.msk [tilespmem:v21+s15+$0x0], $0xffff;
	v51 =	vor.u32 v55, v14;
	v41 =	vmulhi.u32 $0x51EB851F, v7;
	v30 =	vand.u32 $0xFFFFFF00, v52  }
0x1a8: {  	v52 =	vor.u32 v55, v12;
	v27 =	vadd.s32 v24, v47;
	v20 =	vadd.s32 v25, v20  }
0x1a9: {  	v28 =	vadd.s32 v29, v28;
	v1 =	vadd.s32 v1, v30;
	v24 =	vshll.u32 v24, $0x7  }
0x1aa: {  	v25 =	vshll.u32 v25, $0x7;
	v53 =	vshll.u32 v27, $0x1;
	v18 =	vshll.u32 v18, $0x4  }
0x1ab: {  	v22 =	vshll.u32 v22, $0x4;
	v17 =	vshll.u32 v17, $0x4;
	v56 =	vshll.u32 v20, $0x1  }
0x1ac: {  	v21 =	vshll.u32 v21, $0x4;
	v40 =	vshll.u32 v28, $0x1;
	v1 =	vor.u32 v26, v1  }
0x1ad: {  	v47 =	vand.u32 $0x7F, v27;
	v20 =	vand.u32 $0x7F, v20;
	v48 =	vand.u32 $0x7F, v28  }
0x1ae: {  	v28 =	vshll.u32 v41, $0x1;
	v24 =	vor.u32 v57, v24;
	v25 =	vor.u32 v57, v25  }
0x1af: {  	v18 =	vor.u32 v55, v18;
	v22 =	vor.u32 v55, v22;
	v17 =	vor.u32 v55, v17  }
0x1b0: {  	v21 =	vor.u32 v55, v21;
	v31 =	vand.u32 $0xFFFFFF00, v53;
	v32 =	vand.u32 $0xFFFFFF00, v56  }
0x1b1: {  	v33 =	vand.u32 $0xFFFFFF00, v40;
	v53 =	vor.u32 v55, v13;
	v1 =	vor.u32 v15, v1  }
0x1b2: {  	v56 =	vmulhi.u32 $0x51EB851F, v8;
	v44 =	vadd.s32 v34, v31;
	v45 =	vadd.s32 v35, v32  }
0x1b3: {  	v46 =	vadd.s32 v36, v33;
	v16 =	vor.u32 v16, v44;
	v19 =	vor.u32 v19, v45  }
0x1b4: {  	v0 =	vor.u32 v0, v46;
	v43 =	vshrl.u32 v56, $0x6;
	v44 =	vshrl.u32 v41, $0x6  }
0x1b5: {  	v45 =	vshll.u32 v56, $0x2;
	v26 =	vshll.u32 v56, $0x1;
	v15 =	vor.u32 v47, v16  }
0x1b6: {  	v19 =	vor.u32 v20, v19;
	v0 =	vor.u32 v48, v0;
	v20 =	vshll.u32 v23, $0x7  }
0x1b7: {  	v23 =	vmulhi.u32 $0x51EB851F, v9;
	v27 =	vmul.u32 $0xFFFFFF38, v43;
	v30 =	vmul.u32 $0xFFFFFF38, v44;
	v18 =	vld.idx.msk [tilespmem:v18+s18+$0x0], $0xffff  }
0x1b8: {  	v47 =	vshll.u32 v41, $0x2;
	v31 =	vand.u32 $0x7FFFFE00, v45;
	v26 =	vand.u32 $0x80, v26  }
0x1b9: {  	v33 =	vand.u32 $0x7FFFFE00, v47;
	v20 =	vor.u32 v57, v20;
	v16 =	vld.idx.msk [tilespmem:v22+s18+$0x0], $0xffff;
	v22 =	vor.u32 v55, v10  }
0x1ba: {  	v17 =	vld.idx.msk [tilespmem:v17+s18+$0x0], $0xffff;
	[tilespmem:$0x1FF00] =	vst v9;
	v40 =	vshrl.u32 v23, $0x6;
	v42 =	vshll.u32 v23, $0x2;
	v27 =	vadd.s32 v8, v27  }
0x1bb: {  	v30 =	vadd.s32 v7, v30;
	v23 =	vshll.u32 v23, $0x1;
	v21 =	vld.idx.msk [tilespmem:v21+s18+$0x0], $0xffff;
	[tilespmem:$0x1FF10] =	vst v8;
	v46 =	vshll.u32 v27, $0x1  }
0x1bc: {  	v48 =	vshll.u32 v30, $0x1;
	v23 =	vand.u32 $0x80, v23;
	v39 =	vand.u32 $0x7F, v30;
	[tilespmem:v51+s19+$0x0] =	vst.idx.msk $0xffff, v18  }
0x1bd: {  	v8 =	vor.u32 s28, v63;
	v32 =	vand.u32 $0xFFFFFF00, v46;
	v34 =	vand.u32 $0xFFFFFF00, v48;
	[tilespmem:$0x1FF20] =	vst v7  }
0x1be: {  	v56 =	vadd.s32 v33, v34;
	v18 =	vshll.u32 v29, $0x7;
	v29 =	vand.u32 $0x7FFFFE00, v42;
	[tilespmem:v52+s19+$0x0] =	vst.idx.msk $0xffff, v16  }
0x1bf: {  	s28 =	simm.s32 $0x70;
	v41 =	vor.u32 v57, v18;
	v1 =	vld.idx.msk [tilespmem:v1+s15+$0x0], $0xffff;
	v16 =	vmul.u32 $0xFFFFFF38, v40;
	[tilespmem:v53+s19+$0x0] =	vst.idx.msk $0xffff, v17;
	v17 =	vmulhi.u32 $0x51EB851F, v5  }
0x1c0: {  	v7 =	vor.u32 s26, v63;
	v18 =	vor.u32 s28, v3;
	v53 =	vadd.s32 v31, v32;
	v15 =	vld.idx.msk [tilespmem:v15+s15+$0x0], $0xffff;
	[tilespmem:$0x1FF30] =	vst v5  }
0x1c1: {  	v26 =	vor.u32 v26, v53;
	v16 =	vadd.s32 v9, v16;
	[tilespmem:v22+s19+$0x0] =	vst.idx.msk $0xffff, v21;
	v21 =	vshrl.u32 v17, $0x6  }
0x1c2: {  	v19 =	vld.idx.msk [tilespmem:v19+s15+$0x0], $0xffff;
	v52 =	vshll.u32 v17, $0x2;
	v17 =	vshll.u32 v17, $0x1;
	v9 =	vor.u32 s2, v63  }
0x1c3: {  	v22 =	vshll.u32 v16, $0x1;
	v0 =	vld.idx.msk [tilespmem:v0+s15+$0x0], $0xffff;
	v21 =	vmul.u32 $0xFFFFFF38, v21;
	v36 =	vand.u32 $0x7FFFFE00, v52  }
0x1c4: {  	v17 =	vand.u32 $0x80, v17;
	v16 =	vand.u32 $0x7F, v16;
	v1 =	vshll.u32 v1, $0x4  }
0x1c5: {  	v22 =	vand.u32 $0xFFFFFF00, v22;
	v21 =	vadd.s32 v5, v21;
	v1 =	vor.u32 v57, v1  }
0x1c6: {  	v22 =	vadd.s32 v29, v22;
	v5 =	vor.u32 s1, v63;
	v15 =	vshll.u32 v15, $0x4  }
0x1c7: {  	v51 =	vshll.u32 v21, $0x1;
	v15 =	vor.u32 v57, v15;
	v19 =	vshll.u32 v19, $0x4  }
0x1c8: {  	v22 =	vor.u32 v23, v22;
	v19 =	vor.u32 v57, v19;
	v0 =	vshll.u32 v0, $0x4  }
0x1c9: {  	v23 =	vand.u32 $0x80, v28;
	v21 =	vand.u32 $0x7F, v21;
	v0 =	vor.u32 v57, v0  }
0x1ca: {  	v28 =	vmulhi.u32 $0x51EB851F, v8;
	v35 =	vand.u32 $0xFFFFFF00, v51;
	v23 =	vor.u32 v23, v56;
	v1 =	vld.idx.msk [tilespmem:v1+s18+$0x0], $0xffff  }
0x1cb: {  	v22 =	vor.u32 v16, v22;
	v37 =	vadd.s32 v36, v35;
	v23 =	vor.u32 v39, v23  }
0x1cc: {  	v43 =	vshrl.u32 v28, $0x6;
	v45 =	vshll.u32 v28, $0x2;
	v28 =	vshll.u32 v28, $0x1;
	v40 =	vld.idx.msk [tilespmem:v15+s18+$0x0], $0xffff  }
0x1cd: {  	s1 =	simm.s32 $0x90;
	v38 =	vor.u32 v17, v37;
	v17 =	vand.u32 $0x7F, v27;
	v27 =	vmulhi.u32 $0x51EB851F, v9;
	v19 =	vld.idx.msk [tilespmem:v19+s18+$0x0], $0xffff;
	[tilespmem:$0x1FF70] =	vst v9  }
0x1ce: {  	s26 =	simm.s32 $0x50;
	v28 =	vand.u32 $0x80, v28;
	v37 =	vor.u32 s1, v54;
	v26 =	vor.u32 v17, v26;
	v0 =	vld.idx.msk [tilespmem:v0+s18+$0x0], $0xffff;
	[tilespmem:$0x1FF80] =	vst v8  }
0x1cf: {  	v21 =	vor.u32 v21, v38;
	v38 =	vor.u32 s26, v49;
	v42 =	vshll.u32 v27, $0x2;
	[tilespmem:v20+s19+$0x0] =	vst.idx.msk $0xffff, v1  }
0x1d0: {  	v1 =	vshrl.u32 v27, $0x6;
	v20 =	vmulhi.u32 $0x51EB851F, v7;
	v27 =	vshll.u32 v27, $0x1;
	[tilespmem:$0x1FF90] =	vst v7  }
0x1d1: {  	v15 =	vor.u32 s28, v54;
	v1 =	vmul.u32 $0xFFFFFF38, v1;
	v27 =	vand.u32 $0x80, v27;
	[tilespmem:v24+s19+$0x0] =	vst.idx.msk $0xffff, v40  }
0x1d2: {  	[tilespmem:v25+s19+$0x0] =	vst.idx.msk $0xffff, v19;
	v19 =	vmulhi.u32 $0x51EB851F, v5;
	v24 =	vmul.u32 $0xFFFFFF38, v43;
	v44 =	vshrl.u32 v20, $0x6  }
0x1d3: {  	v22 =	vld.idx.msk [tilespmem:v22+s15+$0x0], $0xffff;
	v52 =	vshll.u32 v20, $0x2;
	v20 =	vshll.u32 v20, $0x1;
	v1 =	vadd.s32 v9, v1  }
0x1d4: {  	v29 =	vld.idx.msk [tilespmem:v26+s15+$0x0], $0xffff;
	[tilespmem:$0x1FFA0] =	vst v5;
	v25 =	vmul.u32 $0xFFFFFF38, v44;
	v43 =	vand.u32 $0x7FFFFE00, v52;
	v20 =	vand.u32 $0x80, v20  }
0x1d5: {  	v52 =	vmov s28;
	[tilespmem:v41+s19+$0x0] =	vst.idx.msk $0xffff, v0;
	v0 =	vshrl.u32 v19, $0x6;
	v46 =	vshll.u32 v1, $0x1  }
0x1d6: {  	v47 =	vadd.s32 v8, v24;
	v40 =	vshll.u32 v19, $0x2;
	v19 =	vshll.u32 v19, $0x1  }
0x1d7: {  	v1 =	vand.u32 $0x7F, v1;
	v0 =	vmul.u32 $0xFFFFFF38, v0;
	v48 =	vshll.u32 v47, $0x1  }
0x1d8: {  	v23 =	vld.idx.msk [tilespmem:v23+s15+$0x0], $0xffff;
	v51 =	vadd.s32 v7, v25;
	v30 =	vand.u32 $0xFFFFFF00, v46;
	v44 =	vand.u32 $0x7FFFFE00, v40  }
0x1d9: {  	v21 =	vld.idx.msk [tilespmem:v21+s15+$0x0], $0xffff;
	v19 =	vand.u32 $0x80, v19;
	v47 =	vand.u32 $0x7F, v47;
	v53 =	vshll.u32 v51, $0x1  }
0x1da: {  	s31 =	simm.s32 $0x80;
	v22 =	vshll.u32 v22, $0x4;
	v0 =	vadd.s32 v5, v0;
	v41 =	vand.u32 $0xFFFFFF00, v53  }
0x1db: {  	v53 =	vmov s31;
	v26 =	vor.u32 v4, v22;
	v22 =	vshll.u32 v29, $0x4  }
0x1dc: {  	v56 =	vshll.u32 v0, $0x1;
	v0 =	vand.u32 $0x7F, v0;
	v39 =	vmulhi.u32 $0x51EB851F, v53  }
0x1dd: {  	v25 =	vor.u32 v4, v22;
	v22 =	vshll.u32 v23, $0x4;
	v29 =	vand.u32 $0xFFFFFF00, v56  }
0x1de: {  	v24 =	vor.u32 v4, v22;
	v21 =	vshll.u32 v21, $0x4;
	v22 =	vand.u32 $0xFFFFFF00, v48  }
0x1df: {  	v29 =	vadd.s32 v44, v29;
	v48 =	vand.u32 $0x7F, v51;
	v51 =	vmul.u32 $0xC28F5C29, v38  }
0x1e0: {  	v23 =	vor.u32 v4, v21;
	v21 =	vand.u32 $0x7FFFFE00, v42;
	v42 =	vand.u32 $0x7FFFFE00, v45  }
0x1e1: {  	v45 =	vadd.s32 v43, v41;
	v19 =	vor.u32 v19, v29;
	v41 =	vor.u32 s1, v49  }
0x1e2: {  	s30 =	simm.s32 $0x60;
	v21 =	vadd.s32 v21, v30;
	v22 =	vadd.s32 v42, v22;
	v20 =	vor.u32 v20, v45  }
0x1e3: {  	v0 =	vor.u32 v0, v19;
	v42 =	vor.u32 s30, v49;
	v45 =	vshll.u32 v51, $0x1D  }
0x1e4: {  	v21 =	vor.u32 v27, v21;
	v46 =	vor.u32 v28, v22;
	[tilespmem:$0x1FF60] =	vst v0;
	v0 =	vmov s1  }
0x1e5: {  	v27 =	vshrl.u32 v51, $0x3;
	v28 =	vmulhi.u32 $0x51EB851F, v52;
	v52 =	vshrl.u32 v39, $0x6  }
0x1e6: {  	v22 =	vor.u32 v1, v21;
	v21 =	vor.u32 v47, v46;
	v1 =	vor.u32 v48, v20  }
0x1e7: {  	v7 =	vmulhi.u32 $0x51EB851F, v0;
	v46 =	vmov s26;
	v27 =	vor.u32 v45, v27  }
0x1e8: {  	v31 =	vmul.u32 $0xFFFFFF38, v52;
	v45 =	vor.u32 s28, v49;
	[tilespmem:$0x1FF50] =	vst v1;
	v1 =	vmov s30  }
0x1e9: {  	v43 =	vmulhi.u32 $0x51EB851F, v46;
	vm14 =	veq.s32 v46, v49;
	vm15 =	vgt.u32 v27, $0x147AE14  }
0x1ea: {  	v48 =	vshrl.u32 v28, $0x6;
	v46 =	vor.u32 s31, v49;
	v5 =	vmulhi.u32 $0x51EB851F, v1  }
0x1eb: {  	v56 =	vshrl.u32 v7, $0x6;
	vm0 =	vmand vm14, vm15;
	v30 =	vmul.u32 $0xFFFFFF38, v48  }
0x1ec: {  	v48 =	vadd.s32 v46, v31;
	v0 =	vshll.u32 v7, $0x2;
	v7 =	vshll.u32 v7, $0x1  }
0x1ed: {  	v40 =	vshrl.u32 v43, $0x6;
	v51 =	vsel vm0, $0xFFFFFFFF, v2;
	v29 =	vmul.u32 $0xFFFFFF38, v56  }
0x1ee: {  	v47 =	vshrl.u32 v5, $0x6;
	v34 =	vadd.s32 v51, v40;
	v52 =	vshll.u32 v5, $0x2  }
0x1ef: {  	v5 =	vshll.u32 v5, $0x1;
	v8 =	vadd.s32 v15, v30;
	v15 =	vshll.u32 v15, $0x7  }
0x1f0: {  	v32 =	vmul.u32 $0xFFFFFF38, v47;
	v53 =	vmul.u32 $0xFFFFFF38, v34;
	v47 =	vadd.s32 v45, v30  }
0x1f1: {  	v56 =	vshll.u32 v34, $0x8;
	v51 =	vadd.s32 v41, v29;
	v34 =	vshll.u32 v34, $0x7  }
0x1f2: {  	v10 =	vadd.s32 v37, v29;
	v41 =	vshll.u32 v41, $0x7;
	v37 =	vshll.u32 v37, $0x7  }
0x1f3: {  	v15 =	vor.u32 v55, v15;
	v33 =	vand.u32 $0xFFFFFE00, v56;
	v34 =	vand.u32 $0x80, v34  }
0x1f4: {  	v56 =	vshll.u32 v39, $0x2;
	v39 =	vshll.u32 v39, $0x1;
	v41 =	vor.u32 v50, v41  }
0x1f5: {  	v44 =	vadd.s32 v42, v32;
	v27 =	vadd.s32 v38, v53;
	v53 =	vshll.u32 v28, $0x2  }
0x1f6: {  	v56 =	vand.u32 $0x7FFFFE00, v56;
	v19 =	vand.u32 $0x80, v39;
	v39 =	vmul.u32 $0xFFFFFF38, v40  }
0x1f7: {  	v40 =	vshll.u32 v43, $0x2;
	v38 =	vshll.u32 v38, $0x7;
	v36 =	vshll.u32 v27, $0x1  }
0x1f8: {  	v43 =	vshll.u32 v43, $0x1;
	v42 =	vshll.u32 v42, $0x7;
	v35 =	vand.u32 $0xFFFFFF00, v36  }
0x1f9: {  	v27 =	vand.u32 $0x79, v27;
	v40 =	vand.u32 $0x200, v40;
	v33 =	vadd.s32 v33, v35  }
0x1fa: {  	v12 =	vor.u32 v50, v38;
	v38 =	vand.u32 $0x80, v43;
	v33 =	vor.u32 v34, v33  }
0x1fb: {  	v36 =	vshll.u32 v51, $0x1;
	v35 =	vshll.u32 v44, $0x1;
	v27 =	vor.u32 v27, v33  }
0x1fc: {  	v36 =	vand.u32 $0xFFFFFF00, v36;
	v34 =	vshll.u32 v47, $0x1;
	v35 =	vand.u32 $0xFFFFFF00, v35  }
0x1fd: {  	v33 =	vshll.u32 v48, $0x1;
	v1 =	vand.u32 $0xFFFFFF00, v34;
	v34 =	vand.u32 $0x7FFFFE00, v52  }
0x1fe: {  	v52 =	vand.u32 $0x7FFFFE00, v53;
	v53 =	vand.u32 $0x7FFFFE00, v0;
	v33 =	vand.u32 $0xFFFFFF00, v33  }
0x1ff: {  	v0 =	vadd.s32 v34, v35;
	v1 =	vadd.s32 v52, v1;
	v35 =	vand.u32 $0x79, v44  }
0x200: {  	v44 =	vand.u32 $0x79, v47;
	v36 =	vadd.s32 v53, v36;
	v47 =	vand.u32 $0x79, v48;
	v27 =	vld.idx.msk [tilespmem:v27+s15+$0x0], $0xffff  }
0x201: {  	v48 =	vand.u32 $0x79, v51;
	v51 =	vshll.u32 v28, $0x1;
	v33 =	vadd.s32 v56, v33  }
0x202: {  	v28 =	vand.u32 $0x80, v5;
	v35 =	vor.u32 v35, v0;
	v33 =	vor.u32 v47, v33  }
0x203: {  	v5 =	vor.u32 v48, v36;
	v36 =	vor.u32 s26, v54;
	v33 =	vor.u32 v19, v33  }
0x204: {  	v44 =	vor.u32 v44, v1;
	v20 =	vand.u32 $0x80, v51;
	v47 =	vadd.s32 v36, v39  }
0x205: {  	v35 =	vor.u32 v28, v35;
	v51 =	vshll.u32 v47, $0x1;
	v48 =	vshll.u32 v27, $0x4  }
0x206: {  	v51 =	vand.u32 $0xFFFFFF00, v51;
	v27 =	vand.u32 $0x80, v7;
	v7 =	vor.u32 v50, v48  }
0x207: {  	v44 =	vor.u32 v20, v44;
	v47 =	vand.u32 $0x7B, v47;
	v51 =	vadd.s32 v40, v51  }
0x208: {  	v1 =	vshll.u32 v8, $0x1;
	v8 =	vand.u32 $0x7B, v8;
	v51 =	vor.u32 v47, v51;
	v33 =	vld.idx.msk [tilespmem:v33+s15+$0x0], $0xffff  }
0x209: {  	v43 =	vor.u32 v38, v51;
	v51 =	vor.u32 s31, v54;
	v13 =	vor.u32 v27, v5  }
0x20a: {  	v36 =	vshll.u32 v36, $0x7;
	v35 =	vld.idx.msk [tilespmem:v35+s15+$0x0], $0xffff;
	v9 =	vadd.s32 v51, v31;
	v48 =	vor.u32 s30, v54  }
0x20b: {  	v36 =	vor.u32 v55, v36;
	v5 =	vshll.u32 v9, $0x1;
	v47 =	vadd.s32 v48, v32;
	v14 =	vld.idx.msk [tilespmem:v7+s18+$0x0], $0xffff  }
0x20c: {  	v44 =	vld.idx.msk [tilespmem:v44+s15+$0x0], $0xffff;
	v9 =	vand.u32 $0x7B, v9;
	v5 =	vand.u32 $0xFFFFFF00, v5;
	v0 =	vshll.u32 v47, $0x1  }
0x20d: {  	v5 =	vadd.s32 v56, v5;
	v0 =	vand.u32 $0xFFFFFF00, v0;
	v33 =	vshll.u32 v33, $0x4  }
0x20e: {  	v5 =	vor.u32 v9, v5;
	v9 =	vor.u32 v50, v42;
	v0 =	vadd.s32 v34, v0;
	v13 =	vld.idx.msk [tilespmem:v13+s15+$0x0], $0xffff  }
0x20f: {  	v33 =	vor.u32 v50, v33;
	v5 =	vor.u32 v19, v5;
	v7 =	vand.u32 $0xFFFFFF00, v1  }
0x210: {  	v1 =	vshll.u32 v10, $0x1;
	v10 =	vand.u32 $0x7B, v10;
	[tilespmem:v12+s19+$0x0] =	vst.idx.msk $0xffff, v14;
	v12 =	vshll.u32 v35, $0x4  }
0x211: {  	v1 =	vand.u32 $0xFFFFFF00, v1;
	v35 =	vshll.u32 v44, $0x4;
	v14 =	vld.idx.msk [tilespmem:v43+s15+$0x0], $0xffff;
	v12 =	vor.u32 v50, v12  }
0x212: {  	v7 =	vadd.s32 v52, v7;
	v1 =	vadd.s32 v53, v1;
	v35 =	vor.u32 v50, v35  }
0x213: {  	v7 =	vor.u32 v8, v7;
	v13 =	vshll.u32 v13, $0x4;
	v44 =	vshll.u32 v45, $0x7  }
0x214: {  	v45 =	vshll.u32 v46, $0x7;
	v43 =	vand.u32 $0x7B, v47;
	v13 =	vor.u32 v50, v13  }
0x215: {  	v8 =	vor.u32 s26, v3;
	v33 =	vld.idx.msk [tilespmem:v33+s18+$0x0], $0xffff;
	v0 =	vor.u32 v43, v0;
	v43 =	vor.u32 v50, v45  }
0x216: {  	v1 =	vor.u32 v10, v1;
	v7 =	vor.u32 v20, v7;
	v14 =	vshll.u32 v14, $0x4;
	v10 =	vld.idx.msk [tilespmem:v12+s18+$0x0], $0xffff  }
0x217: {  	v42 =	vor.u32 v50, v44;
	v12 =	vadd.s32 v8, v39;
	v35 =	vld.idx.msk [tilespmem:v35+s18+$0x0], $0xffff;
	v14 =	vor.u32 v55, v14  }
0x218: {  	v1 =	vor.u32 v27, v1;
	v0 =	vor.u32 v28, v0;
	v44 =	vshll.u32 v12, $0x1  }
0x219: {  	v45 =	vor.u32 s1, v3;
	v13 =	vld.idx.msk [tilespmem:v13+s18+$0x0], $0xffff;
	v8 =	vshll.u32 v8, $0x7;
	v44 =	vand.u32 $0xFFFFFF00, v44  }
0x21a: {  	v12 =	vand.u32 $0x7F, v12;
	[tilespmem:v43+s19+$0x0] =	vst.idx.msk $0xffff, v33;
	v43 =	vadd.s32 v45, v29;
	v44 =	vadd.s32 v40, v44  }
0x21b: {  	v8 =	vor.u32 v57, v8;
	v5 =	vld.idx.msk [tilespmem:v5+s15+$0x0], $0xffff;
	v12 =	vor.u32 v12, v44;
	[tilespmem:v9+s19+$0x0] =	vst.idx.msk $0xffff, v10  }
0x21c: {  	v45 =	vshll.u32 v45, $0x7;
	v44 =	vor.u32 s30, v3;
	v9 =	vor.u32 v38, v12;
	[tilespmem:v42+s19+$0x0] =	vst.idx.msk $0xffff, v35;
	v14 =	vld.idx.msk [tilespmem:v14+s18+$0x0], $0xffff  }
0x21d: {  	v12 =	vadd.s32 v44, v32;
	v35 =	vor.u32 s31, v3;
	v42 =	vadd.s32 v18, v30;
	v0 =	vld.idx.msk [tilespmem:v0+s15+$0x0], $0xffff  }
0x21e: {  	v44 =	vshll.u32 v44, $0x7;
	v18 =	vshll.u32 v18, $0x7;
	v46 =	vadd.s32 v35, v31  }
0x21f: {  	[tilespmem:v41+s19+$0x0] =	vst.idx.msk $0xffff, v13;
	v7 =	vld.idx.msk [tilespmem:v7+s15+$0x0], $0xffff;
	v47 =	vshll.u32 v12, $0x1;
	v33 =	vshll.u32 v42, $0x1;
	v12 =	vand.u32 $0x7F, v12  }
0x220: {  	v1 =	vld.idx.msk [tilespmem:v1+s15+$0x0], $0xffff;
	v47 =	vand.u32 $0xFFFFFF00, v47;
	v33 =	vand.u32 $0xFFFFFF00, v33;
	v5 =	vshll.u32 v5, $0x4  }
0x221: {  	v41 =	vand.u32 $0x7F, v46;
	v47 =	vadd.s32 v34, v47;
	v13 =	vadd.s32 v52, v33  }
0x222: {  	v17 =	vor.u32 v55, v5;
	v12 =	vor.u32 v12, v47;
	[tilespmem:v36+s19+$0x0] =	vst.idx.msk $0xffff, v14;
	v0 =	vshll.u32 v0, $0x4  }
0x223: {  	v12 =	vor.u32 v28, v12;
	v14 =	vshll.u32 v46, $0x1;
	v9 =	vld.idx.msk [tilespmem:v9+s15+$0x0], $0xffff;
	v0 =	vor.u32 v55, v0  }
0x224: {  	v36 =	vshll.u32 v43, $0x1;
	v7 =	vshll.u32 v7, $0x4;
	v43 =	vand.u32 $0x7F, v43  }
0x225: {  	v46 =	vshll.u32 v51, $0x7;
	v1 =	vshll.u32 v1, $0x4;
	v14 =	vand.u32 $0xFFFFFF00, v14  }
0x226: {  	v36 =	vand.u32 $0xFFFFFF00, v36;
	v16 =	vor.u32 v55, v7;
	v10 =	vor.u32 v55, v1  }
0x227: {  	v33 =	vadd.s32 v53, v36;
	v36 =	vand.u32 $0x7F, v42;
	v42 =	vshll.u32 v48, $0x7  }
0x228: {  	v46 =	vor.u32 v55, v46;
	v51 =	vor.u32 v55, v42;
	v9 =	vshll.u32 v9, $0x4;
	v7 =	vld.idx.msk [tilespmem:v0+s18+$0x0], $0xffff  }
0x229: {  	v14 =	vadd.s32 v56, v14;
	v48 =	vor.u32 s26, v58;
	v9 =	vor.u32 v57, v9  }
0x22a: {  	v47 =	vadd.s32 v48, v39;
	v13 =	vor.u32 v36, v13;
	v14 =	vor.u32 v41, v14  }
0x22b: {  	v33 =	vor.u32 v43, v33;
	v43 =	vor.u32 s28, v58;
	v41 =	vshll.u32 v47, $0x1;
	v16 =	vld.idx.msk [tilespmem:v16+s18+$0x0], $0xffff  }
0x22c: {  	v13 =	vor.u32 v20, v13;
	v14 =	vor.u32 v19, v14;
	v36 =	vand.u32 $0xFFFFFF00, v41  }
0x22d: {  	v41 =	vand.u32 $0x7F, v47;
	v47 =	vor.u32 v55, v37;
	v37 =	vor.u32 s30, v58;
	[tilespmem:v51+s19+$0x0] =	vst.idx.msk $0xffff, v7;
	v7 =	vld.idx.msk [tilespmem:v17+s18+$0x0], $0xffff  }
0x22e: {  	v33 =	vor.u32 v27, v33;
	v36 =	vadd.s32 v40, v36;
	v0 =	vadd.s32 v37, v32;
	v9 =	vld.idx.msk [tilespmem:v9+s18+$0x0], $0xffff  }
0x22f: {  	v1 =	vadd.s32 v43, v30;
	v36 =	vor.u32 v41, v36;
	v5 =	vshll.u32 v0, $0x1  }
0x230: {  	v42 =	vor.u32 s1, v58;
	v36 =	vor.u32 v38, v36;
	v5 =	vand.u32 $0xFFFFFF00, v5;
	[tilespmem:v15+s19+$0x0] =	vst.idx.msk $0xffff, v16;
	v12 =	vld.idx.msk [tilespmem:v12+s15+$0x0], $0xffff  }
0x231: {  	v41 =	vor.u32 s31, v58;
	v0 =	vand.u32 $0x7F, v0;
	v5 =	vadd.s32 v34, v5;
	v13 =	vld.idx.msk [tilespmem:v13+s15+$0x0], $0xffff  }
0x232: {  	v0 =	vor.u32 v0, v5;
	v17 =	vadd.s32 v41, v31;
	v51 =	vshll.u32 v1, $0x1;
	[tilespmem:v46+s19+$0x0] =	vst.idx.msk $0xffff, v7  }
0x233: {  	v1 =	vand.u32 $0x7F, v1;
	v0 =	vor.u32 v28, v0;
	v7 =	vshll.u32 v17, $0x1;
	[tilespmem:v8+s19+$0x0] =	vst.idx.msk $0xffff, v9;
	v8 =	vld.idx.msk [tilespmem:v10+s18+$0x0], $0xffff  }
0x234: {  	v17 =	vand.u32 $0x7F, v17;
	v46 =	vshll.u32 v48, $0x7;
	v9 =	vand.u32 $0xFFFFFF00, v51;
	v14 =	vld.idx.msk [tilespmem:v14+s15+$0x0], $0xffff  }
0x235: {  	v10 =	vor.u32 s26, v59;
	v7 =	vand.u32 $0xFFFFFF00, v7;
	v12 =	vshll.u32 v12, $0x4;
	v36 =	vld.idx.msk [tilespmem:v36+s15+$0x0], $0xffff  }
0x236: {  	v13 =	vshll.u32 v13, $0x4;
	v9 =	vadd.s32 v52, v9;
	v39 =	vadd.s32 v10, v39  }
0x237: {  	v7 =	vadd.s32 v56, v7;
	v12 =	vor.u32 v57, v12;
	v13 =	vor.u32 v57, v13  }
0x238: {  	v5 =	vshll.u32 v39, $0x1;
	v1 =	vor.u32 v1, v9;
	v9 =	vadd.s32 v42, v29  }
0x239: {  	v15 =	vand.u32 $0x7F, v39;
	v5 =	vand.u32 $0xFFFFFF00, v5;
	v14 =	vshll.u32 v14, $0x4  }
0x23a: {  	[tilespmem:v47+s19+$0x0] =	vst.idx.msk $0xffff, v8;
	v8 =	vshll.u32 v9, $0x1;
	v16 =	vshll.u32 v36, $0x4;
	v14 =	vor.u32 v57, v14  }
0x23b: {  	v5 =	vadd.s32 v40, v5;
	v8 =	vand.u32 $0xFFFFFF00, v8;
	v16 =	vor.u32 v4, v16  }
0x23c: {  	v5 =	vor.u32 v15, v5;
	v9 =	vand.u32 $0x7F, v9;
	v15 =	vld.idx.msk [tilespmem:v33+s15+$0x0], $0xffff;
	v8 =	vadd.s32 v53, v8  }
0x23d: {  	v7 =	vor.u32 v17, v7;
	v17 =	vor.u32 v57, v44;
	v8 =	vor.u32 v9, v8;
	v9 =	vld.idx.msk [tilespmem:v12+s18+$0x0], $0xffff  }
0x23e: {  	v10 =	vshll.u32 v10, $0x7;
	v40 =	vshll.u32 v35, $0x7;
	v13 =	vld.idx.msk [tilespmem:v13+s18+$0x0], $0xffff;
	v12 =	vor.u32 v57, v18  }
0x23f: {  	v39 =	vor.u32 s26, v60;
	v1 =	vor.u32 v20, v1;
	v18 =	vor.u32 v57, v40;
	v14 =	vld.idx.msk [tilespmem:v14+s18+$0x0], $0xffff  }
0x240: {  	v36 =	vor.u32 v4, v46;
	v5 =	vor.u32 v38, v5;
	v38 =	vor.u32 s28, v59;
	v16 =	vld.idx.msk [tilespmem:v16+s18+$0x0], $0xffff  }
0x241: {  	v10 =	vor.u32 v11, v10;
	v7 =	vor.u32 v19, v7;
	v30 =	vadd.s32 v38, v30  }
0x242: {  	v47 =	vor.u32 v57, v45;
	v15 =	vshll.u32 v15, $0x4;
	[tilespmem:v17+s19+$0x0] =	vst.idx.msk $0xffff, v9;
	v9 =	vshll.u32 v30, $0x1  }
0x243: {  	v8 =	vor.u32 v27, v8;
	v15 =	vor.u32 v57, v15;
	[tilespmem:v12+s19+$0x0] =	vst.idx.msk $0xffff, v13;
	v9 =	vand.u32 $0xFFFFFF00, v9  }
0x244: {  	v35 =	vor.u32 s30, v59;
	v0 =	vld.idx.msk [tilespmem:v0+s15+$0x0], $0xffff;
	v9 =	vadd.s32 v52, v9;
	v52 =	vshll.u32 v42, $0x7;
	[tilespmem:v18+s19+$0x0] =	vst.idx.msk $0xffff, v14  }
0x245: {  	v1 =	vld.idx.msk [tilespmem:v1+s15+$0x0], $0xffff;
	v14 =	vmulhi.u32 $0x51EB851F, v39;
	[tilespmem:v36+s19+$0x0] =	vst.idx.msk $0xffff, v16;
	v16 =	vadd.s32 v35, v32;
	v36 =	vor.u32 s31, v59  }
0x246: {  	v32 =	vor.u32 s1, v59;
	v31 =	vadd.s32 v36, v31;
	v48 =	vshll.u32 v16, $0x1  }
0x247: {  	v17 =	vadd.s32 v32, v29;
	v44 =	vshrl.u32 v14, $0x6;
	v45 =	vshll.u32 v14, $0x2  }
0x248: {  	v5 =	vld.idx.msk [tilespmem:v5+s15+$0x0], $0xffff;
	v14 =	vshll.u32 v14, $0x1;
	v51 =	vand.u32 $0xFFFFFF00, v48;
	v12 =	vshll.u32 v31, $0x1  }
0x249: {  	v13 =	vshll.u32 v17, $0x1;
	v29 =	vmul.u32 $0xFFFFFF38, v44;
	v0 =	vshll.u32 v0, $0x4  }
0x24a: {  	v15 =	vld.idx.msk [tilespmem:v15+s18+$0x0], $0xffff;
	v1 =	vshll.u32 v1, $0x4;
	v14 =	vand.u32 $0x80, v14;
	v48 =	vshll.u32 v37, $0x7  }
0x24b: {  	v7 =	vld.idx.msk [tilespmem:v7+s15+$0x0], $0xffff;
	v17 =	vand.u32 $0x7F, v17;
	v44 =	vshll.u32 v39, $0x7;
	v12 =	vand.u32 $0xFFFFFF00, v12  }
0x24c: {  	v13 =	vand.u32 $0xFFFFFF00, v13;
	v18 =	vadd.s32 v34, v51;
	v0 =	vor.u32 v4, v0  }
0x24d: {  	v1 =	vor.u32 v4, v1;
	v51 =	vshll.u32 v43, $0x7;
	v5 =	vshll.u32 v5, $0x4  }
0x24e: {  	v34 =	vshll.u32 v36, $0x7;
	v12 =	vadd.s32 v56, v12;
	v5 =	vor.u32 v11, v5  }
0x24f: {  	v13 =	vadd.s32 v53, v13;
	v29 =	vadd.s32 v39, v29;
	[tilespmem:v47+s19+$0x0] =	vst.idx.msk $0xffff, v15;
	v15 =	vand.u32 $0x7F, v16  }
0x250: {  	v16 =	vand.u32 $0x7F, v30;
	v46 =	vshll.u32 v29, $0x1;
	v7 =	vshll.u32 v7, $0x4;
	v8 =	vld.idx.msk [tilespmem:v8+s15+$0x0], $0xffff  }
0x251: {  	v30 =	vand.u32 $0x7FFFFE00, v45;
	v29 =	vand.u32 $0x79, v29;
	v47 =	vand.u32 $0x7F, v31  }
0x252: {  	v13 =	vor.u32 v17, v13;
	v17 =	vor.u32 v4, v52;
	v31 =	vshll.u32 v38, $0x7  }
0x253: {  	v33 =	vand.u32 $0xFFFFFF00, v46;
	v7 =	vor.u32 v4, v7;
	v15 =	vor.u32 v15, v18;
	v5 =	vld.idx.msk [tilespmem:v5+s18+$0x0], $0xffff  }
0x254: {  	v18 =	vshll.u32 v41, $0x7;
	v13 =	vor.u32 v27, v13;
	v27 =	vshll.u32 v35, $0x7  }
0x255: {  	v30 =	vadd.s32 v30, v33;
	v33 =	vor.u32 s30, v60;
	v8 =	vshll.u32 v8, $0x4  }
0x256: {  	v15 =	vor.u32 v28, v15;
	v14 =	vor.u32 v14, v30;
	v8 =	vor.u32 v4, v8  }
0x257: {  	v30 =	vor.u32 s1, v60;
	v28 =	vmulhi.u32 $0x51EB851F, v33;
	v14 =	vor.u32 v29, v14  }
0x258: {  	v27 =	vor.u32 v11, v27;
	v29 =	vor.u32 s31, v60;
	v35 =	vmulhi.u32 $0x51EB851F, v30;
	[tilespmem:v10+s19+$0x0] =	vst.idx.msk $0xffff, v5  }
0x259: {  	v1 =	vld.idx.msk [tilespmem:v1+s18+$0x0], $0xffff;
	v5 =	vor.u32 v16, v9;
	v9 =	vor.u32 v47, v12;
	v10 =	vor.u32 v4, v48  }
0x25a: {  	v12 =	vor.u32 v4, v51;
	v16 =	vor.u32 v4, v18;
	v18 =	vld.idx.msk [tilespmem:v0+s18+$0x0], $0xffff;
	v0 =	vor.u32 s28, v60  }
0x25b: {  	v8 =	vld.idx.msk [tilespmem:v8+s18+$0x0], $0xffff;
	v48 =	vor.u32 s26, v6;
	v51 =	vshll.u32 v35, $0x2;
	v56 =	vmulhi.u32 $0x51EB851F, v0  }
0x25c: {  	v14 =	vld.idx.msk [tilespmem:v14+s15+$0x0], $0xffff;
	v9 =	vor.u32 v19, v9;
	v19 =	vor.u32 s26, v61;
	v52 =	vmulhi.u32 $0x51EB851F, v48  }
0x25d: {  	v5 =	vor.u32 v20, v5;
	v41 =	vand.u32 $0x7FFFFE00, v51;
	v20 =	vmulhi.u32 $0x51EB851F, v19  }
0x25e: {  	v46 =	vshll.u32 v56, $0x2;
	v36 =	vshll.u32 v56, $0x1;
	v42 =	vshll.u32 v52, $0x1  }
0x25f: {  	v7 =	vld.idx.msk [tilespmem:v7+s18+$0x0], $0xffff;
	v53 =	vshrl.u32 v20, $0x6;
	v38 =	vand.u32 $0x7FFFFE00, v46;
	v42 =	vand.u32 $0x80, v42;
	[tilespmem:v10+s19+$0x0] =	vst.idx.msk $0xffff, v18  }
0x260: {  	v36 =	vand.u32 $0x80, v36;
	v18 =	vmulhi.u32 $0x51EB851F, v29;
	[tilespmem:v12+s19+$0x0] =	vst.idx.msk $0xffff, v1;
	v1 =	vshrl.u32 v28, $0x6  }
0x261: {  	v12 =	vshrl.u32 v56, $0x6;
	[tilespmem:v17+s19+$0x0] =	vst.idx.msk $0xffff, v8;
	v8 =	vshll.u32 v20, $0x2;
	v14 =	vshll.u32 v14, $0x4  }
0x262: {  	v17 =	vshrl.u32 v35, $0x6;
	v10 =	vor.u32 v50, v14;
	v14 =	vmul.u32 $0xFFFFFF38, v53  }
0x263: {  	v20 =	vshll.u32 v20, $0x1;
	v35 =	vshll.u32 v35, $0x1;
	v1 =	vmul.u32 $0xFFFFFF38, v1  }
0x264: {  	[tilespmem:v16+s19+$0x0] =	vst.idx.msk $0xffff, v7;
	v8 =	vand.u32 $0x7FFFFE00, v8;
	v12 =	vmul.u32 $0xFFFFFF38, v12;
	v7 =	vadd.s32 v19, v14  }
0x265: {  	v5 =	vld.idx.msk [tilespmem:v5+s15+$0x0], $0xffff;
	v47 =	vshll.u32 v18, $0x2;
	v53 =	vshrl.u32 v52, $0x6;
	v16 =	vshll.u32 v7, $0x1  }
0x266: {  	v9 =	vld.idx.msk [tilespmem:v9+s15+$0x0], $0xffff;
	v1 =	vadd.s32 v33, v1;
	v12 =	vadd.s32 v0, v12;
	v16 =	vand.u32 $0xFFFFFF00, v16  }
0x267: {  	v13 =	vld.idx.msk [tilespmem:v13+s15+$0x0], $0xffff;
	v39 =	vand.u32 $0x7FFFFE00, v47;
	v8 =	vadd.s32 v8, v16;
	v16 =	vand.u32 $0x80, v20  }
0x268: {  	v7 =	vand.u32 $0x7B, v7;
	v20 =	vor.u32 v50, v44;
	v10 =	vld.idx.msk [tilespmem:v10+s18+$0x0], $0xffff;
	v8 =	vor.u32 v16, v8  }
0x269: {  	v43 =	vmul.u32 $0xFFFFFF38, v53;
	v14 =	vshrl.u32 v18, $0x6;
	v7 =	vor.u32 v7, v8  }
0x26a: {  	v18 =	vshll.u32 v18, $0x1;
	v19 =	vshll.u32 v19, $0x7;
	v14 =	vmul.u32 $0xFFFFFF38, v14  }
0x26b: {  	v15 =	vld.idx.msk [tilespmem:v15+s15+$0x0], $0xffff;
	v43 =	vadd.s32 v48, v43;
	v19 =	vor.u32 v55, v19;
	v18 =	vand.u32 $0x80, v18  }
0x26c: {  	v5 =	vshll.u32 v5, $0x4;
	v9 =	vshll.u32 v9, $0x4;
	v13 =	vshll.u32 v13, $0x4  }
0x26d: {  	v56 =	vshll.u32 v43, $0x1;
	v43 =	vand.u32 $0x7F, v43;
	v5 =	vor.u32 v11, v5;
	[tilespmem:v20+s19+$0x0] =	vst.idx.msk $0xffff, v10  }
0x26e: {  	v9 =	vor.u32 v11, v9;
	v13 =	vor.u32 v11, v13;
	v14 =	vadd.s32 v29, v14;
	v7 =	vld.idx.msk [tilespmem:v7+s15+$0x0], $0xffff  }
0x26f: {  	v44 =	vand.u32 $0xFFFFFF00, v56;
	v16 =	vshll.u32 v28, $0x2;
	v28 =	vshll.u32 v28, $0x1  }
0x270: {  	v8 =	vshll.u32 v15, $0x4;
	v15 =	vmul.u32 $0xFFFFFF38, v17;
	v17 =	vshll.u32 v12, $0x1  }
0x271: {  	v16 =	vand.u32 $0x7FFFFE00, v16;
	v28 =	vand.u32 $0x80, v28;
	v12 =	vand.u32 $0x79, v12  }
0x272: {  	v8 =	vor.u32 v11, v8;
	v17 =	vand.u32 $0xFFFFFF00, v17;
	v15 =	vadd.s32 v30, v15  }
0x273: {  	v17 =	vadd.s32 v38, v17;
	v10 =	vshll.u32 v1, $0x1;
	v7 =	vshll.u32 v7, $0x4  }
0x274: {  	v20 =	vshll.u32 v14, $0x1;
	v45 =	vshll.u32 v15, $0x1;
	v7 =	vor.u32 v55, v7  }
0x275: {  	v17 =	vor.u32 v36, v17;
	v1 =	vand.u32 $0x79, v1;
	v14 =	vand.u32 $0x79, v14  }
0x276: {  	v15 =	vand.u32 $0x79, v15;
	v10 =	vand.u32 $0xFFFFFF00, v10;
	v20 =	vand.u32 $0xFFFFFF00, v20  }
0x277: {  	v37 =	vand.u32 $0xFFFFFF00, v45;
	v10 =	vadd.s32 v16, v10;
	v16 =	vshll.u32 v52, $0x2  }
0x278: {  	v12 =	vor.u32 v12, v17;
	v16 =	vand.u32 $0x7FFFFE00, v16;
	v10 =	vor.u32 v28, v10;
	v8 =	vld.idx.msk [tilespmem:v8+s18+$0x0], $0xffff  }
0x279: {  	v17 =	vor.u32 s26, v62;
	v16 =	vadd.s32 v16, v44;
	v1 =	vor.u32 v1, v10;
	v7 =	vld.idx.msk [tilespmem:v7+s18+$0x0], $0xffff  }
0x27a: {  	v20 =	vadd.s32 v39, v20;
	v37 =	vadd.s32 v41, v37;
	v16 =	vor.u32 v42, v16  }
0x27b: {  	v18 =	vor.u32 v18, v20;
	v16 =	vor.u32 v43, v16;
	v43 =	vand.u32 $0x80, v35  }
0x27c: {  	v14 =	vor.u32 v14, v18;
	v18 =	vmulhi.u32 $0x51EB851F, v17;
	v20 =	vor.u32 v43, v37  }
0x27d: {  	v5 =	vld.idx.msk [tilespmem:v5+s18+$0x0], $0xffff;
	v42 =	vshll.u32 v32, $0x7;
	v35 =	vor.u32 s30, v61;
	v15 =	vor.u32 v15, v20;
	[tilespmem:v27+s19+$0x0] =	vst.idx.msk $0xffff, v8  }
0x27e: {  	v28 =	vmulhi.u32 $0x51EB851F, v35;
	v20 =	vshll.u32 v33, $0x7;
	v1 =	vld.idx.msk [tilespmem:v1+s15+$0x0], $0xffff;
	[tilespmem:v19+s19+$0x0] =	vst.idx.msk $0xffff, v7;
	v7 =	vor.u32 v11, v31  }
0x27f: {  	v13 =	vld.idx.msk [tilespmem:v13+s18+$0x0], $0xffff;
	v33 =	vshll.u32 v0, $0x7;
	v0 =	vshrl.u32 v18, $0x6;
	v19 =	vor.u32 v11, v42  }
0x280: {  	v29 =	vshll.u32 v29, $0x7;
	v30 =	vshll.u32 v30, $0x7;
	v0 =	vmul.u32 $0xFFFFFF38, v0;
	v10 =	vld.idx.msk [tilespmem:v16+s15+$0x0], $0xffff  }
0x281: {  	v9 =	vld.idx.msk [tilespmem:v9+s18+$0x0], $0xffff;
	v32 =	vor.u32 s28, v61;
	v45 =	vshll.u32 v28, $0x2;
	v16 =	vor.u32 v11, v34  }
0x282: {  	v27 =	vand.u32 $0x7FFFFE00, v45;
	v0 =	vadd.s32 v17, v0;
	v17 =	vshll.u32 v17, $0x7  }
0x283: {  	v1 =	vshll.u32 v1, $0x4;
	v31 =	vor.u32 s1, v61;
	v34 =	vor.u32 s31, v61;
	[tilespmem:v7+s19+$0x0] =	vst.idx.msk $0xffff, v5  }
0x284: {  	v7 =	vmulhi.u32 $0x51EB851F, v34;
	[tilespmem:v19+s19+$0x0] =	vst.idx.msk $0xffff, v13;
	v13 =	vshll.u32 v18, $0x2;
	v19 =	vshll.u32 v0, $0x1  }
0x285: {  	v18 =	vshll.u32 v18, $0x1;
	v8 =	vshll.u32 v10, $0x4;
	v10 =	vmulhi.u32 $0x51EB851F, v32  }
0x286: {  	v0 =	vand.u32 $0x7F, v0;
	[tilespmem:v16+s19+$0x0] =	vst.idx.msk $0xffff, v9;
	v16 =	vmulhi.u32 $0x51EB851F, v31;
	v13 =	vand.u32 $0x7FFFFE00, v13  }
0x287: {  	v19 =	vand.u32 $0xFFFFFF00, v19;
	v18 =	vand.u32 $0x80, v18;
	v5 =	vor.u32 v57, v8  }
0x288: {  	v8 =	vshrl.u32 v28, $0x6;
	v44 =	vshrl.u32 v7, $0x6;
	v13 =	vadd.s32 v13, v19  }
0x289: {  	v19 =	vshll.u32 v48, $0x7;
	v52 =	vshll.u32 v7, $0x2;
	v7 =	vshll.u32 v7, $0x1  }
0x28a: {  	v9 =	vshrl.u32 v10, $0x6;
	v8 =	vmul.u32 $0xFFFFFF38, v8;
	v13 =	vor.u32 v18, v13  }
0x28b: {  	v12 =	vld.idx.msk [tilespmem:v12+s15+$0x0], $0xffff;
	v18 =	vshrl.u32 v16, $0x6;
	v19 =	vor.u32 v57, v19;
	v51 =	vshll.u32 v10, $0x2  }
0x28c: {  	v53 =	vshll.u32 v16, $0x2;
	v40 =	vand.u32 $0x7FFFFE00, v52;
	v10 =	vshll.u32 v10, $0x1  }
0x28d: {  	v14 =	vld.idx.msk [tilespmem:v14+s15+$0x0], $0xffff;
	v16 =	vshll.u32 v16, $0x1;
	v7 =	vand.u32 $0x80, v7;
	v0 =	vor.u32 v0, v13  }
0x28e: {  	v15 =	vld.idx.msk [tilespmem:v15+s15+$0x0], $0xffff;
	v9 =	vmul.u32 $0xFFFFFF38, v9;
	v18 =	vmul.u32 $0xFFFFFF38, v18;
	v39 =	vand.u32 $0x7FFFFE00, v51  }
0x28f: {  	v51 =	vshll.u32 v28, $0x1;
	v10 =	vand.u32 $0x80, v10;
	v16 =	vand.u32 $0x80, v16  }
0x290: {  	v8 =	vadd.s32 v35, v8;
	v35 =	vshll.u32 v35, $0x7;
	v12 =	vshll.u32 v12, $0x4  }
0x291: {  	v9 =	vadd.s32 v32, v9;
	v46 =	vshll.u32 v8, $0x1;
	v18 =	vadd.s32 v31, v18;
	v5 =	vld.idx.msk [tilespmem:v5+s18+$0x0], $0xffff  }
0x292: {  	v8 =	vand.u32 $0x7B, v8;
	v35 =	vor.u32 v55, v35;
	v13 =	vshll.u32 v14, $0x4  }
0x293: {  	v14 =	vshll.u32 v15, $0x4;
	v15 =	vor.u32 v50, v1;
	v1 =	vmul.u32 $0xFFFFFF38, v44  }
0x294: {  	v12 =	vor.u32 v50, v12;
	v48 =	vshll.u32 v18, $0x1;
	v36 =	vand.u32 $0xFFFFFF00, v46  }
0x295: {  	v18 =	vand.u32 $0x7B, v18;
	v13 =	vor.u32 v50, v13;
	v14 =	vor.u32 v50, v14  }
0x296: {  	v38 =	vand.u32 $0xFFFFFF00, v48;
	v36 =	vadd.s32 v27, v36;
	[tilespmem:v19+s19+$0x0] =	vst.idx.msk $0xffff, v5;
	v5 =	vadd.s32 v34, v1  }
0x297: {  	v1 =	vshll.u32 v9, $0x1;
	v9 =	vand.u32 $0x7B, v9;
	v47 =	vshll.u32 v5, $0x1  }
0x298: {  	v19 =	vld.idx.msk [tilespmem:v0+s15+$0x0], $0xffff;
	v0 =	vor.u32 s26, v63;
	v1 =	vand.u32 $0xFFFFFF00, v1;
	v5 =	vand.u32 $0x7B, v5  }
0x299: {  	v56 =	vmulhi.u32 $0x51EB851F, v0;
	v37 =	vand.u32 $0xFFFFFF00, v47;
	v39 =	vadd.s32 v39, v1  }
0x29a: {  	v37 =	vadd.s32 v40, v37;
	v10 =	vor.u32 v10, v39;
	v40 =	vor.u32 v50, v30  }
0x29b: {  	v30 =	vor.u32 s1, v6;
	v48 =	vshrl.u32 v56, $0x6;
	v42 =	vshll.u32 v56, $0x1  }
0x29c: {  	v7 =	vor.u32 v7, v37;
	v9 =	vor.u32 v9, v10;
	v43 =	vmul.u32 $0xFFFFFF38, v48  }
0x29d: {  	v10 =	vld.idx.msk [tilespmem:v14+s18+$0x0], $0xffff;
	v14 =	vor.u32 s30, v6;
	v5 =	vor.u32 v5, v7;
	v19 =	vshll.u32 v19, $0x4  }
0x29e: {  	v28 =	vor.u32 v4, v19;
	v19 =	vand.u32 $0x7FFFFE00, v53;
	v52 =	vadd.s32 v0, v43  }
0x29f: {  	v53 =	vshll.u32 v56, $0x2;
	v56 =	vand.u32 $0x80, v42;
	v43 =	vshll.u32 v52, $0x1  }
0x2a0: {  	v27 =	vand.u32 $0x7FFFFE00, v53;
	v41 =	vand.u32 $0x7F, v52;
	v19 =	vadd.s32 v19, v38  }
0x2a1: {  	v43 =	vand.u32 $0xFFFFFF00, v43;
	v16 =	vor.u32 v16, v19;
	v19 =	vor.u32 v50, v20  }
0x2a2: {  	v15 =	vld.idx.msk [tilespmem:v15+s18+$0x0], $0xffff;
	v20 =	vor.u32 v50, v33;
	v1 =	vadd.s32 v27, v43;
	v27 =	vor.u32 v4, v17  }
0x2a3: {  	v12 =	vld.idx.msk [tilespmem:v12+s18+$0x0], $0xffff;
	v17 =	vand.u32 $0x80, v51;
	v7 =	vor.u32 v18, v16;
	v18 =	vmulhi.u32 $0x51EB851F, v14  }
0x2a4: {  	v16 =	vor.u32 s28, v6;
	v1 =	vor.u32 v56, v1;
	v17 =	vor.u32 v17, v36  }
0x2a5: {  	[tilespmem:v40+s19+$0x0] =	vst.idx.msk $0xffff, v10;
	v1 =	vor.u32 v41, v1;
	v8 =	vor.u32 v8, v17;
	v10 =	vshll.u32 v18, $0x2  }
0x2a6: {  	v13 =	vld.idx.msk [tilespmem:v13+s18+$0x0], $0xffff;
	v17 =	vor.u32 v50, v29;
	v29 =	vor.u32 s31, v6;
	v10 =	vand.u32 $0x7FFFFE00, v10  }
0x2a7: {  	[tilespmem:v19+s19+$0x0] =	vst.idx.msk $0xffff, v15;
	v15 =	vmulhi.u32 $0x51EB851F, v16;
	v19 =	vshll.u32 v32, $0x7;
	v32 =	vshll.u32 v34, $0x7  }
0x2a8: {  	[tilespmem:v20+s19+$0x0] =	vst.idx.msk $0xffff, v12;
	v12 =	vmulhi.u32 $0x51EB851F, v29;
	v20 =	vshrl.u32 v18, $0x6;
	v18 =	vshll.u32 v18, $0x1  }
0x2a9: {  	v18 =	vand.u32 $0x80, v18;
	v19 =	vor.u32 v55, v19;
	v41 =	vshrl.u32 v15, $0x6  }
0x2aa: {  	v42 =	vshrl.u32 v12, $0x6;
	v51 =	vshll.u32 v15, $0x2;
	v52 =	vshll.u32 v12, $0x2  }
0x2ab: {  	v15 =	vshll.u32 v15, $0x1;
	v12 =	vshll.u32 v12, $0x1;
	[tilespmem:v17+s19+$0x0] =	vst.idx.msk $0xffff, v13;
	v13 =	vmulhi.u32 $0x51EB851F, v30  }
0x2ac: {  	v17 =	vmul.u32 $0xFFFFFF38, v20;
	v20 =	vmul.u32 $0xFFFFFF38, v41;
	v43 =	vmul.u32 $0xFFFFFF38, v42  }
0x2ad: {  	v9 =	vld.idx.msk [tilespmem:v9+s15+$0x0], $0xffff;
	v40 =	vand.u32 $0x7FFFFE00, v51;
	v41 =	vand.u32 $0x7FFFFE00, v52;
	v15 =	vand.u32 $0x80, v15  }
0x2ae: {  	v7 =	vld.idx.msk [tilespmem:v7+s15+$0x0], $0xffff;
	v12 =	vand.u32 $0x80, v12;
	v44 =	vshrl.u32 v13, $0x6;
	v17 =	vadd.s32 v14, v17  }
0x2af: {  	v20 =	vadd.s32 v16, v20;
	v33 =	vadd.s32 v29, v43;
	v53 =	vshll.u32 v13, $0x2  }
0x2b0: {  	v13 =	vshll.u32 v13, $0x1;
	v14 =	vshll.u32 v14, $0x7;
	v16 =	vshll.u32 v16, $0x7  }
0x2b1: {  	v29 =	vshll.u32 v29, $0x7;
	v34 =	vmul.u32 $0xFFFFFF38, v44;
	v45 =	vshll.u32 v17, $0x1  }
0x2b2: {  	v8 =	vld.idx.msk [tilespmem:v8+s15+$0x0], $0xffff;
	v46 =	vshll.u32 v20, $0x1;
	v9 =	vshll.u32 v9, $0x4;
	v47 =	vshll.u32 v33, $0x1  }
0x2b3: {  	v7 =	vshll.u32 v7, $0x4;
	v42 =	vand.u32 $0x7FFFFE00, v53;
	v13 =	vand.u32 $0x80, v13  }
0x2b4: {  	v5 =	vld.idx.msk [tilespmem:v5+s15+$0x0], $0xffff;
	v17 =	vand.u32 $0x7F, v17;
	v20 =	vand.u32 $0x7F, v20;
	v44 =	vor.u32 v55, v32  }
0x2b5: {  	v32 =	vor.u32 s30, v62;
	v14 =	vor.u32 v57, v14;
	v16 =	vor.u32 v57, v16  }
0x2b6: {  	v9 =	vor.u32 v55, v9;
	v7 =	vor.u32 v55, v7;
	v36 =	vand.u32 $0xFFFFFF00, v45  }
0x2b7: {  	v37 =	vand.u32 $0xFFFFFF00, v46;
	v38 =	vand.u32 $0xFFFFFF00, v47;
	v8 =	vshll.u32 v8, $0x4  }
0x2b8: {  	v34 =	vadd.s32 v30, v34;
	v10 =	vadd.s32 v10, v36;
	v56 =	vadd.s32 v40, v37  }
0x2b9: {  	v40 =	vadd.s32 v41, v38;
	v8 =	vor.u32 v55, v8;
	v5 =	vshll.u32 v5, $0x4  }
0x2ba: {  	v48 =	vshll.u32 v34, $0x1;
	v10 =	vor.u32 v18, v10;
	v15 =	vor.u32 v15, v56  }
0x2bb: {  	v18 =	vshll.u32 v31, $0x7;
	v12 =	vor.u32 v12, v40;
	v43 =	vand.u32 $0x7F, v34  }
0x2bc: {  	v34 =	vor.u32 s28, v62;
	v31 =	vor.u32 s1, v62;
	v5 =	vor.u32 v55, v5;
	v9 =	vld.idx.msk [tilespmem:v9+s18+$0x0], $0xffff  }
0x2bd: {  	v10 =	vor.u32 v17, v10;
	v17 =	vor.u32 v55, v18;
	v18 =	vmulhi.u32 $0x51EB851F, v32;
	v7 =	vld.idx.msk [tilespmem:v7+s18+$0x0], $0xffff  }
0x2be: {  	v39 =	vand.u32 $0xFFFFFF00, v48;
	v15 =	vor.u32 v20, v15;
	v20 =	vmulhi.u32 $0x51EB851F, v34  }
0x2bf: {  	v45 =	vmulhi.u32 $0x51EB851F, v31;
	v41 =	vadd.s32 v42, v39;
	v42 =	vand.u32 $0x7F, v33;
	v8 =	vld.idx.msk [tilespmem:v8+s18+$0x0], $0xffff  }
0x2c0: {  	v33 =	vor.u32 s31, v62;
	v13 =	vor.u32 v13, v41;
	v12 =	vor.u32 v42, v12  }
0x2c1: {  	v56 =	vshll.u32 v45, $0x2;
	v37 =	vshll.u32 v45, $0x1;
	v13 =	vor.u32 v43, v13;
	v5 =	vld.idx.msk [tilespmem:v5+s18+$0x0], $0xffff;
	[tilespmem:v19+s19+$0x0] =	vst.idx.msk $0xffff, v9  }
0x2c2: {  	v9 =	vmulhi.u32 $0x51EB851F, v33;
	v19 =	vshrl.u32 v20, $0x6;
	[tilespmem:v17+s19+$0x0] =	vst.idx.msk $0xffff, v7;
	v17 =	vshrl.u32 v45, $0x6  }
0x2c3: {  	v42 =	vand.u32 $0x7FFFFE00, v56;
	v19 =	vmul.u32 $0xFFFFFF38, v19;
	v17 =	vmul.u32 $0xFFFFFF38, v17  }
0x2c4: {  	[tilespmem:v35+s19+$0x0] =	vst.idx.msk $0xffff, v8;
	v8 =	vshrl.u32 v18, $0x6;
	v35 =	vshll.u32 v18, $0x2;
	v46 =	vshrl.u32 v9, $0x6  }
0x2c5: {  	v51 =	vshll.u32 v9, $0x2;
	v18 =	vshll.u32 v18, $0x1;
	v9 =	vshll.u32 v9, $0x1  }
0x2c6: {  	v8 =	vmul.u32 $0xFFFFFF38, v8;
	[tilespmem:v44+s19+$0x0] =	vst.idx.msk $0xffff, v5;
	v5 =	vshll.u32 v20, $0x2;
	v7 =	vmul.u32 $0xFFFFFF38, v46  }
0x2c7: {  	v19 =	vadd.s32 v34, v19;
	v17 =	vadd.s32 v31, v17;
	v35 =	vand.u32 $0x7FFFFE00, v35  }
0x2c8: {  	v20 =	vshll.u32 v20, $0x1;
	v39 =	vand.u32 $0x7FFFFE00, v51;
	v18 =	vand.u32 $0x80, v18  }
0x2c9: {  	v15 =	vld.idx.msk [tilespmem:v15+s15+$0x0], $0xffff;
	v9 =	vand.u32 $0x80, v9;
	v46 =	vand.u32 $0x80, v37;
	v37 =	vor.u32 s1, v63  }
0x2ca: {  	v48 =	vshll.u32 v19, $0x1;
	v53 =	vshll.u32 v17, $0x1;
	v5 =	vand.u32 $0x7FFFFE00, v5  }
0x2cb: {  	v20 =	vand.u32 $0x80, v20;
	v19 =	vand.u32 $0x7F, v19;
	v17 =	vand.u32 $0x7F, v17  }
0x2cc: {  	v8 =	vadd.s32 v32, v8;
	v7 =	vadd.s32 v33, v7;
	v38 =	vand.u32 $0xFFFFFF00, v48  }
0x2cd: {  	v10 =	vld.idx.msk [tilespmem:v10+s15+$0x0], $0xffff;
	v41 =	vand.u32 $0xFFFFFF00, v53;
	v47 =	vshll.u32 v8, $0x1;
	v52 =	vshll.u32 v7, $0x1  }
0x2ce: {  	v15 =	vshll.u32 v15, $0x4;
	v5 =	vadd.s32 v5, v38;
	v45 =	vadd.s32 v42, v41  }
0x2cf: {  	v12 =	vld.idx.msk [tilespmem:v12+s15+$0x0], $0xffff;
	v8 =	vand.u32 $0x7F, v8;
	v7 =	vand.u32 $0x7F, v7;
	v38 =	vor.u32 s31, v63  }
0x2d0: {  	v42 =	vmulhi.u32 $0x51EB851F, v37;
	v15 =	vor.u32 v57, v15;
	v5 =	vor.u32 v20, v5  }
0x2d1: {  	v36 =	vand.u32 $0xFFFFFF00, v47;
	v40 =	vand.u32 $0xFFFFFF00, v52;
	v5 =	vor.u32 v19, v5;
	v19 =	vld [tilespmem:$0x1FED0]  }
0x2d2: {  	v20 =	vor.u32 v46, v45;
	v10 =	vshll.u32 v10, $0x4;
	v35 =	vadd.s32 v35, v36  }
0x2d3: {  	v44 =	vadd.s32 v39, v40;
	v36 =	vor.u32 s30, v63;
	v39 =	vmulhi.u32 $0x51EB851F, v38  }
0x2d4: {  	v52 =	vshrl.u32 v42, $0x6;
	v10 =	vor.u32 v57, v10;
	v12 =	vshll.u32 v12, $0x4  }
0x2d5: {  	v18 =	vor.u32 v18, v35;
	v9 =	vor.u32 v9, v44;
	v35 =	vor.u32 s28, v63  }
0x2d6: {  	v46 =	vld [tilespmem:$0x1FEE0];
	v45 =	vmul.u32 $0xFFFFFF38, v52;
	v12 =	vor.u32 v57, v12;
	v8 =	vor.u32 v8, v18  }
0x2d7: {  	v18 =	vmulhi.u32 $0x51EB851F, v36;
	v7 =	vor.u32 v7, v9;
	v9 =	vor.u32 v17, v20  }
0x2d8: {  	v17 =	vmulhi.u32 $0x51EB851F, v35;
	v51 =	vshrl.u32 v39, $0x6;
	v56 =	vshll.u32 v39, $0x2  }
0x2d9: {  	v44 =	vmul.u32 $0xFFFFFF38, v51;
	v45 =	vadd.s32 v37, v45;
	v20 =	vshrl.u32 v18, $0x6;
	v19 =	vld.idx.msk [tilespmem:v19+s18+$0x0], $0xffff  }
0x2da: {  	v47 =	vshrl.u32 v17, $0x6;
	v48 =	vshll.u32 v18, $0x2;
	v43 =	vshll.u32 v17, $0x2  }
0x2db: {  	v52 =	vshll.u32 v45, $0x1;
	v20 =	vmul.u32 $0xFFFFFF38, v20;
	v40 =	vmul.u32 $0xFFFFFF38, v47  }
0x2dc: {  	v44 =	vadd.s32 v38, v44;
	v41 =	vand.u32 $0x7FFFFE00, v48;
	v43 =	vand.u32 $0x7FFFFE00, v43  }
0x2dd: {  	v48 =	vand.u32 $0x7FFFFE00, v56;
	v20 =	vadd.s32 v36, v20;
	v40 =	vadd.s32 v35, v40  }
0x2de: {  	v13 =	vld.idx.msk [tilespmem:v13+s15+$0x0], $0xffff;
	v51 =	vshll.u32 v44, $0x1;
	v53 =	vshll.u32 v40, $0x1;
	[tilespmem:v46+s19+$0x0] =	vst.idx.msk $0xffff, v19;
	v19 =	vshll.u32 v20, $0x1  }
0x2df: {  	v28 =	vld.idx.msk [tilespmem:v28+s18+$0x0], $0xffff;
	v46 =	vand.u32 $0xFFFFFF00, v53;
	v53 =	vshll.u32 v42, $0x2;
	v19 =	vand.u32 $0xFFFFFF00, v19  }
0x2e0: {  	v10 =	vld.idx.msk [tilespmem:v10+s18+$0x0], $0xffff;
	v43 =	vadd.s32 v43, v46;
	v19 =	vadd.s32 v41, v19;
	v41 =	vand.u32 $0xFFFFFF00, v51  }
0x2e1: {  	v15 =	vld.idx.msk [tilespmem:v15+s18+$0x0], $0xffff;
	v46 =	vand.u32 $0xFFFFFF00, v52;
	v41 =	vadd.s32 v48, v41;
	v48 =	vand.u32 $0x7FFFFE00, v53  }
0x2e2: {  	v12 =	vld.idx.msk [tilespmem:v12+s18+$0x0], $0xffff;
	v46 =	vadd.s32 v48, v46;
	v48 =	vor.u32 v57, v29  }
0x2e3: {  	v13 =	vshll.u32 v13, $0x4;
	v18 =	vshll.u32 v18, $0x1  }
0x2e4: {  	v13 =	vor.u32 v57, v13;
	v18 =	vand.u32 $0x80, v18;
	v47 =	vld [tilespmem:$0x1FEF0];
	[tilespmem:v27+s19+$0x0] =	vst.idx.msk $0xffff, v28  }
0x2e5: {  	v18 =	vor.u32 v18, v19;
	v19 =	vld [tilespmem:$0x1FF00];
	[tilespmem:v14+s19+$0x0] =	vst.idx.msk $0xffff, v10  }
0x2e6: {  	v14 =	vld [tilespmem:$0x1FF10];
	[tilespmem:v16+s19+$0x0] =	vst.idx.msk $0xffff, v15;
	v16 =	vshll.u32 v17, $0x1  }
0x2e7: {  	v15 =	vld [tilespmem:$0x1FF20];
	v16 =	vand.u32 $0x80, v16;
	[tilespmem:v48+s19+$0x0] =	vst.idx.msk $0xffff, v12  }
0x2e8: {  	v56 =	vshll.u32 v30, $0x7;
	v12 =	vor.u32 v16, v43;
	v16 =	vld [tilespmem:$0x1FF30]  }
0x2e9: {  	v13 =	vld.idx.msk [tilespmem:v13+s18+$0x0], $0xffff;
	v27 =	vor.u32 v57, v56  }
0x2ea: {  	v19 =	vshll.u32 v19, $0x7  }
0x2eb: {  	v26 =	vld.idx.msk [tilespmem:v26+s18+$0x0], $0xffff;
	v14 =	vshll.u32 v14, $0x7;
	v19 =	vor.u32 v4, v19  }
0x2ec: {  	v25 =	vld.idx.msk [tilespmem:v25+s18+$0x0], $0xffff;
	v15 =	vshll.u32 v15, $0x7;
	v14 =	vor.u32 v4, v14  }
0x2ed: {  	v24 =	vld.idx.msk [tilespmem:v24+s18+$0x0], $0xffff;
	v15 =	vor.u32 v4, v15;
	v16 =	vshll.u32 v16, $0x7  }
0x2ee: {  	v23 =	vld.idx.msk [tilespmem:v23+s18+$0x0], $0xffff;
	[tilespmem:v27+s19+$0x0] =	vst.idx.msk $0xffff, v13;
	v13 =	vor.u32 v4, v16;
	_ =	sdelay $0x1  }
0x2ef: {  	[tilespmem:v19+s19+$0x0] =	vst.idx.msk $0xffff, v26  }
0x2f0: {  	[tilespmem:v14+s19+$0x0] =	vst.idx.msk $0xffff, v25  }
0x2f1: {  	v16 =	vshll.u32 v42, $0x1;
	[tilespmem:v15+s19+$0x0] =	vst.idx.msk $0xffff, v24  }
0x2f2: {  	v19 =	vand.u32 $0x7F, v20;
	v16 =	vand.u32 $0x80, v16;
	[tilespmem:v13+s19+$0x0] =	vst.idx.msk $0xffff, v23  }
0x2f3: {  	v14 =	vor.u32 v16, v46;
	v16 =	vor.u32 v19, v18;
	v19 =	vld [tilespmem:$0x1FF50];
	_ =	sdelay $0x2  }
0x2f4: {  	v47 =	vld.idx.msk [tilespmem:v47+s15+$0x0], $0xffff  }
0x2f5: {  	v1 =	vld.idx.msk [tilespmem:v1+s15+$0x0], $0xffff  }
0x2f6: {  	v8 =	vld.idx.msk [tilespmem:v8+s15+$0x0], $0xffff  }
0x2f7: {  	v18 =	vld.idx.msk [tilespmem:v21+s15+$0x0], $0xffff  }
0x2f8: {  	v13 =	vld [tilespmem:$0x1FF40]  }
0x2f9: {  	v10 =	vshll.u32 v47, $0x4;
	v21 =	vld.idx.msk [tilespmem:v19+s15+$0x0], $0xffff  }
0x2fa: {  	v1 =	vshll.u32 v1, $0x4;
	v10 =	vor.u32 v11, v10;
	v19 =	vld [tilespmem:$0x1FF60]  }
0x2fb: {  	v1 =	vor.u32 v11, v1  }
0x2fc: {  	v5 =	vld.idx.msk [tilespmem:v5+s15+$0x0], $0xffff  }
0x2fd: {  	v8 =	vshll.u32 v8, $0x4;
	v7 =	vld.idx.msk [tilespmem:v7+s15+$0x0], $0xffff  }
0x2fe: {  	v8 =	vor.u32 v4, v8;
	v9 =	vld.idx.msk [tilespmem:v9+s15+$0x0], $0xffff;
	v13 =	vshll.u32 v13, $0x7  }
0x2ff: {  	v10 =	vld.idx.msk [tilespmem:v10+s18+$0x0], $0xffff;
	v13 =	vor.u32 v11, v13  }
0x300: {  	v0 =	vshll.u32 v0, $0x7;
	v17 =	vshll.u32 v39, $0x1;
	v1 =	vld.idx.msk [tilespmem:v1+s18+$0x0], $0xffff;
	v15 =	vand.u32 $0x7F, v40  }
0x301: {  	v17 =	vand.u32 $0x80, v17;
	v5 =	vshll.u32 v5, $0x4;
	v15 =	vor.u32 v15, v12;
	v12 =	vld.idx.msk [tilespmem:v22+s15+$0x0], $0xffff  }
0x302: {  	v17 =	vor.u32 v17, v41;
	v5 =	vor.u32 v4, v5;
	v22 =	vld.idx.msk [tilespmem:v19+s15+$0x0], $0xffff;
	v19 =	vand.u32 $0x7F, v44  }
0x303: {  	v20 =	vshll.u32 v34, $0x7;
	v51 =	vld.idx.msk [tilespmem:v8+s18+$0x0], $0xffff;
	v8 =	vand.u32 $0x7F, v45;
	v23 =	vor.u32 v19, v17  }
0x304: {  	v19 =	vor.u32 v8, v14;
	v8 =	vshll.u32 v33, $0x7;
	v14 =	vor.u32 v4, v20;
	v20 =	vld [tilespmem:$0x1FF70];
	[tilespmem:v13+s19+$0x0] =	vst.idx.msk $0xffff, v10  }
0x305: {  	v0 =	vor.u32 v11, v0;
	v53 =	vor.u32 v4, v8;
	v8 =	vld [tilespmem:$0x1FF80];
	_ =	sdelay $0x1  }
0x306: {  	v7 =	vshll.u32 v7, $0x4  }
0x307: {  	v7 =	vor.u32 v4, v7;
	v9 =	vshll.u32 v9, $0x4  }
0x308: {  	v5 =	vld.idx.msk [tilespmem:v5+s18+$0x0], $0xffff;
	v9 =	vor.u32 v4, v9  }
0x309: {  	v10 =	vshll.u32 v8, $0x7;
	v8 =	vld [tilespmem:$0x1FF90];
	[tilespmem:v0+s19+$0x0] =	vst.idx.msk $0xffff, v1  }
0x30a: {  	v17 =	vshll.u32 v32, $0x7;
	v0 =	vld [tilespmem:$0x1FFA0]  }
0x30b: {  	v17 =	vor.u32 v4, v17  }
0x30c: {  	v52 =	vld.idx.msk [tilespmem:v7+s18+$0x0], $0xffff;
	v7 =	vshll.u32 v31, $0x7  }
0x30d: {  	v27 =	vld.idx.msk [tilespmem:v9+s18+$0x0], $0xffff;
	v56 =	vor.u32 v4, v7  }
0x30e: {  	v20 =	vshll.u32 v20, $0x7;
	v1 =	vshll.u32 v18, $0x4;
	v9 =	vor.u32 v11, v10  }
0x30f: {  	[tilespmem:v14+s19+$0x0] =	vst.idx.msk $0xffff, v5;
	v5 =	vshll.u32 v22, $0x4;
	v22 =	vor.u32 v11, v1;
	v0 =	vshll.u32 v0, $0x7  }
0x310: {  	[tilespmem:v17+s19+$0x0] =	vst.idx.msk $0xffff, v51;
	v1 =	vshll.u32 v38, $0x7;
	v7 =	vor.u32 v11, v0;
	v0 =	vshll.u32 v12, $0x4  }
0x311: {  	[tilespmem:v53+s19+$0x0] =	vst.idx.msk $0xffff, v52;
	v13 =	vshll.u32 v8, $0x7;
	v8 =	vor.u32 v11, v20;
	v20 =	vor.u32 v11, v0  }
0x312: {  	[tilespmem:v56+s19+$0x0] =	vst.idx.msk $0xffff, v27;
	v0 =	vshll.u32 v21, $0x4;
	v21 =	vor.u32 v11, v5;
	v5 =	vshll.u32 v37, $0x7  }
0x313: {  	v1 =	vor.u32 v11, v1;
	v14 =	vld.idx.msk [tilespmem:v23+s15+$0x0], $0xffff;
	v10 =	vor.u32 v11, v13;
	v13 =	vshll.u32 v36, $0x7  }
0x314: {  	v12 =	vld.idx.msk [tilespmem:v16+s15+$0x0], $0xffff;
	v16 =	vor.u32 v11, v13;
	v18 =	vor.u32 v11, v0;
	v0 =	vshll.u32 v35, $0x7  }
0x315: {  	s29 =	simm.s32 $0xE0;
	s26 =	sshll.u32 s25, $0x1;
	s28 =	simm.s32 $0x5;
	v13 =	vld.idx.msk [tilespmem:v15+s15+$0x0], $0xffff;
	v17 =	vor.u32 v11, v0;
	v0 =	vor.u32 v11, v5;
	v5 =	vmov v11  }
.LBB2_3:
0x316: {  	s2 =	sadd.s32 $0xFFFFFFC0, s29;
	s30 =	sadd.s32 $0xFFFFFFD0, s29;
	v23 =	vmov s29;
	v30 =	vor.u32 s29, v49;
	v26 =	vor.u32 s29, v54;
	s28 =	sadd.s32 $0x5, s28;
	v15 =	vld.idx.msk [tilespmem:v19+s15+$0x0], $0xffff  }
0x317: {  	s31 =	sadd.s32 $0xFFFFFFE0, s29;
	s1 =	sadd.s32 $0xFFFFFFF0, s29;
	v28 =	vor.u32 s2, v49;
	v19 =	vmov s30;
	v27 =	vmulhi.u32 $0x51EB851F, v23;
	p1 =	slt.u32 s28, $0x14;
	v20 =	vld.idx.msk [tilespmem:v20+s18+$0x0], $0xffff  }
0x318: {  	v24 =	vmov s31;
	v25 =	vmov s1;
	v23 =	vmul.u32 $0xC28F5C29, v28;
	v22 =	vld.idx.msk [tilespmem:v22+s18+$0x0], $0xffff  }
0x319: {  	v31 =	vor.u32 s30, v49;
	v29 =	vmulhi.u32 $0x51EB851F, v19;
	v19 =	vshrl.u32 v27, $0x6;
	v32 =	vld.idx.msk [tilespmem:v18+s18+$0x0], $0xffff  }
0x31a: {  	v33 =	vmulhi.u32 $0x51EB851F, v24;
	v18 =	vshll.u32 v23, $0x1D;
	v23 =	vshrl.u32 v23, $0x3;
	v24 =	vld.idx.msk [tilespmem:v21+s18+$0x0], $0xffff  }
0x31b: {  	v36 =	vmulhi.u32 $0x51EB851F, v25;
	v21 =	vmov s2;
	v18 =	vor.u32 v18, v23  }
0x31c: {  	v37 =	vmulhi.u32 $0x51EB851F, v21;
	vm0 =	veq.s32 v21, v49;
	vm1 =	vgt.u32 v18, $0x147AE14  }
0x31d: {  	v23 =	vshrl.u32 v33, $0x6;
	v18 =	vshrl.u32 v29, $0x6;
	vm0 =	vmand vm0, vm1;
	[tilespmem:v8+s19+$0x0] =	vst.idx.msk $0xffff, v20;
	v8 =	vmovc v16  }
0x31e: {  	v38 =	vshrl.u32 v37, $0x6;
	v20 =	vshrl.u32 v36, $0x6;
	v16 =	vsel vm0, $0xFFFFFFFF, v2;
	[tilespmem:v9+s19+$0x0] =	vst.idx.msk $0xffff, v22;
	v9 =	vmovc v17  }
0x31f: {  	v21 =	vmul.u32 $0xFFFFFF38, v18;
	v18 =	vmul.u32 $0xFFFFFF38, v23;
	v16 =	vadd.s32 v16, v38;
	[tilespmem:v10+s19+$0x0] =	vst.idx.msk $0xffff, v32;
	v10 =	vmovc v1  }
0x320: {  	v19 =	vmul.u32 $0xFFFFFF38, v19;
	v20 =	vmul.u32 $0xFFFFFF38, v20;
	v1 =	vmul.u32 $0xFFFFFF38, v16;
	[tilespmem:v7+s19+$0x0] =	vst.idx.msk $0xffff, v24;
	v7 =	vmovc v0  }
0x321: {  	v34 =	vor.u32 s31, v49;
	v35 =	vor.u32 s1, v49;
	v0 =	vadd.s32 v31, v21  }
0x322: {  	v17 =	vadd.s32 v34, v18;
	v32 =	vadd.s32 v35, v20;
	v1 =	vadd.s32 v28, v1  }
0x323: {  	v39 =	vadd.s32 v30, v19;
	v22 =	vshll.u32 v16, $0x8;
	v23 =	vshll.u32 v1, $0x1  }
0x324: {  	v16 =	vshll.u32 v16, $0x7;
	v22 =	vand.u32 $0xFFFFFE00, v22;
	v23 =	vand.u32 $0xFFFFFF00, v23  }
0x325: {  	v16 =	vand.u32 $0x80, v16;
	v22 =	vadd.s32 v22, v23;
	v23 =	vshll.u32 v0, $0x1  }
0x326: {  	v1 =	vand.u32 $0x79, v1;
	v16 =	vor.u32 v16, v22;
	v22 =	vshll.u32 v17, $0x1  }
0x327: {  	v24 =	vshll.u32 v39, $0x1;
	v1 =	vor.u32 v1, v16;
	v16 =	vshll.u32 v32, $0x1  }
0x328: {  	v25 =	vshll.u32 v29, $0x2;
	v40 =	vshll.u32 v33, $0x2;
	v41 =	vshll.u32 v36, $0x2  }
0x329: {  	v42 =	vand.u32 $0xFFFFFF00, v23;
	v43 =	vand.u32 $0xFFFFFF00, v22;
	v22 =	vshll.u32 v27, $0x2  }
0x32a: {  	v44 =	vand.u32 $0xFFFFFF00, v24;
	v23 =	vand.u32 $0x7FFFFE00, v25;
	v16 =	vand.u32 $0xFFFFFF00, v16  }
0x32b: {  	v24 =	vand.u32 $0x7FFFFE00, v40;
	v25 =	vand.u32 $0x7FFFFE00, v41;
	v22 =	vand.u32 $0x7FFFFE00, v22  }
0x32c: {  	v40 =	vadd.s32 v23, v42;
	v41 =	vadd.s32 v24, v43;
	v16 =	vadd.s32 v25, v16;
	v1 =	vld.idx.msk [tilespmem:v1+s15+$0x0], $0xffff  }
0x32d: {  	v0 =	vand.u32 $0x79, v0;
	v17 =	vand.u32 $0x79, v17;
	v42 =	vadd.s32 v22, v44  }
0x32e: {  	v29 =	vshll.u32 v29, $0x1;
	v39 =	vand.u32 $0x79, v39;
	v32 =	vand.u32 $0x79, v32  }
0x32f: {  	v33 =	vshll.u32 v33, $0x1;
	v36 =	vshll.u32 v36, $0x1;
	v27 =	vshll.u32 v27, $0x1  }
0x330: {  	v40 =	vor.u32 v0, v40;
	v41 =	vor.u32 v17, v41;
	v32 =	vor.u32 v32, v16  }
0x331: {  	v0 =	vand.u32 $0x80, v33;
	v17 =	vand.u32 $0x80, v29;
	v29 =	vor.u32 v39, v42  }
0x332: {  	v16 =	vand.u32 $0x80, v27;
	v33 =	vshll.u32 v1, $0x4;
	v1 =	vand.u32 $0x80, v36  }
0x333: {  	v27 =	vmul.u32 $0xFFFFFF38, v38;
	v38 =	vor.u32 v17, v40;
	v36 =	vor.u32 v50, v33  }
0x334: {  	v39 =	vor.u32 s2, v54;
	v40 =	vor.u32 v0, v41;
	v41 =	vor.u32 v1, v32  }
0x335: {  	v43 =	vor.u32 v16, v29;
	v42 =	vadd.s32 v39, v27;
	v32 =	vor.u32 s30, v54  }
0x336: {  	v29 =	vshll.u32 v37, $0x2;
	v44 =	vshll.u32 v42, $0x1;
	v33 =	vor.u32 s31, v54  }
0x337: {  	v45 =	vshll.u32 v28, $0x7;
	v28 =	vand.u32 $0x200, v29;
	v29 =	vand.u32 $0xFFFFFF00, v44  }
0x338: {  	v44 =	vld.idx.msk [tilespmem:v36+s18+$0x0], $0xffff;
	v36 =	vand.u32 $0x7B, v42;
	v42 =	vadd.s32 v28, v29;
	v29 =	vshll.u32 v37, $0x1  }
0x339: {  	v37 =	vor.u32 v50, v45;
	v29 =	vand.u32 $0x80, v29;
	v36 =	vor.u32 v36, v42;
	v38 =	vld.idx.msk [tilespmem:v38+s15+$0x0], $0xffff  }
0x33a: {  	v45 =	vadd.s32 v32, v21;
	v42 =	vor.u32 v29, v36;
	v40 =	vld.idx.msk [tilespmem:v40+s15+$0x0], $0xffff;
	v36 =	vor.u32 s1, v54  }
0x33b: {  	v48 =	vadd.s32 v26, v19;
	v46 =	vadd.s32 v33, v18;
	v41 =	vld.idx.msk [tilespmem:v41+s15+$0x0], $0xffff;
	v47 =	vadd.s32 v36, v20  }
0x33c: {  	v52 =	vshll.u32 v46, $0x1;
	v51 =	vshll.u32 v45, $0x1;
	v53 =	vshll.u32 v47, $0x1;
	v43 =	vld.idx.msk [tilespmem:v43+s15+$0x0], $0xffff  }
0x33d: {  	v56 =	vshll.u32 v48, $0x1;
	v52 =	vand.u32 $0xFFFFFF00, v52;
	v51 =	vand.u32 $0xFFFFFF00, v51  }
0x33e: {  	[tilespmem:v37+s19+$0x0] =	vst.idx.msk $0xffff, v44;
	v37 =	vadd.s32 v23, v51;
	v44 =	vand.u32 $0xFFFFFF00, v53;
	v51 =	vand.u32 $0xFFFFFF00, v56  }
0x33f: {  	v52 =	vadd.s32 v24, v52;
	v38 =	vshll.u32 v38, $0x4;
	v42 =	vld.idx.msk [tilespmem:v42+s15+$0x0], $0xffff;
	v44 =	vadd.s32 v25, v44  }
0x340: {  	v38 =	vor.u32 v50, v38;
	v40 =	vshll.u32 v40, $0x4;
	v51 =	vadd.s32 v22, v51  }
0x341: {  	v45 =	vand.u32 $0x7B, v45;
	v40 =	vor.u32 v50, v40;
	v41 =	vshll.u32 v41, $0x4  }
0x342: {  	v46 =	vand.u32 $0x7B, v46;
	v41 =	vor.u32 v50, v41;
	v43 =	vshll.u32 v43, $0x4  }
0x343: {  	v48 =	vand.u32 $0x7B, v48;
	v47 =	vand.u32 $0x7B, v47;
	v43 =	vor.u32 v50, v43  }
0x344: {  	v34 =	vshll.u32 v34, $0x7;
	v31 =	vshll.u32 v31, $0x7;
	v35 =	vshll.u32 v35, $0x7  }
0x345: {  	v30 =	vshll.u32 v30, $0x7;
	v37 =	vor.u32 v45, v37;
	v42 =	vshll.u32 v42, $0x4;
	v38 =	vld.idx.msk [tilespmem:v38+s18+$0x0], $0xffff  }
0x346: {  	v45 =	vor.u32 v46, v52;
	v44 =	vor.u32 v47, v44;
	v42 =	vor.u32 v55, v42;
	v40 =	vld.idx.msk [tilespmem:v40+s18+$0x0], $0xffff  }
0x347: {  	v31 =	vor.u32 v50, v31;
	v46 =	vor.u32 s2, v3;
	v47 =	vor.u32 v48, v51;
	v41 =	vld.idx.msk [tilespmem:v41+s18+$0x0], $0xffff  }
0x348: {  	v34 =	vor.u32 v50, v34;
	v35 =	vor.u32 v50, v35;
	v48 =	vadd.s32 v46, v27;
	v43 =	vld.idx.msk [tilespmem:v43+s18+$0x0], $0xffff  }
0x349: {  	v30 =	vor.u32 v50, v30;
	v37 =	vor.u32 v17, v37;
	v51 =	vshll.u32 v48, $0x1  }
0x34a: {  	v45 =	vor.u32 v0, v45;
	v44 =	vor.u32 v1, v44;
	v51 =	vand.u32 $0xFFFFFF00, v51  }
0x34b: {  	v39 =	vshll.u32 v39, $0x7;
	v48 =	vand.u32 $0x7F, v48;
	v51 =	vadd.s32 v28, v51;
	v42 =	vld.idx.msk [tilespmem:v42+s18+$0x0], $0xffff  }
0x34c: {  	v39 =	vor.u32 v55, v39;
	v48 =	vor.u32 v48, v51;
	[tilespmem:v31+s19+$0x0] =	vst.idx.msk $0xffff, v38;
	v38 =	vor.u32 s30, v3  }
0x34d: {  	v31 =	vor.u32 v29, v48;
	[tilespmem:v34+s19+$0x0] =	vst.idx.msk $0xffff, v40;
	v34 =	vor.u32 s31, v3;
	v40 =	vor.u32 v16, v47  }
0x34e: {  	v48 =	vadd.s32 v38, v21;
	v47 =	vld.idx.msk [tilespmem:v37+s15+$0x0], $0xffff;
	[tilespmem:v35+s19+$0x0] =	vst.idx.msk $0xffff, v41;
	v37 =	vor.u32 s1, v3;
	v35 =	vor.u32 s29, v3  }
0x34f: {  	v41 =	vld.idx.msk [tilespmem:v45+s15+$0x0], $0xffff;
	v45 =	vadd.s32 v34, v18;
	v51 =	vadd.s32 v37, v20;
	[tilespmem:v30+s19+$0x0] =	vst.idx.msk $0xffff, v43  }
0x350: {  	v30 =	vshll.u32 v48, $0x1;
	v52 =	vadd.s32 v35, v19;
	v43 =	vshll.u32 v45, $0x1;
	v44 =	vld.idx.msk [tilespmem:v44+s15+$0x0], $0xffff  }
0x351: {  	v30 =	vand.u32 $0xFFFFFF00, v30;
	[tilespmem:v39+s19+$0x0] =	vst.idx.msk $0xffff, v42;
	v39 =	vshll.u32 v51, $0x1;
	v42 =	vshll.u32 v52, $0x1  }
0x352: {  	v43 =	vand.u32 $0xFFFFFF00, v43;
	v31 =	vld.idx.msk [tilespmem:v31+s15+$0x0], $0xffff;
	v39 =	vand.u32 $0xFFFFFF00, v39;
	v42 =	vand.u32 $0xFFFFFF00, v42  }
0x353: {  	v30 =	vadd.s32 v23, v30;
	v43 =	vadd.s32 v24, v43;
	v39 =	vadd.s32 v25, v39;
	v40 =	vld.idx.msk [tilespmem:v40+s15+$0x0], $0xffff  }
0x354: {  	v48 =	vand.u32 $0x7F, v48;
	v47 =	vshll.u32 v47, $0x4;
	v42 =	vadd.s32 v22, v42  }
0x355: {  	v45 =	vand.u32 $0x7F, v45;
	v47 =	vor.u32 v55, v47;
	v41 =	vshll.u32 v41, $0x4  }
0x356: {  	v51 =	vand.u32 $0x7F, v51;
	v41 =	vor.u32 v55, v41;
	v44 =	vshll.u32 v44, $0x4  }
0x357: {  	v32 =	vshll.u32 v32, $0x7;
	v52 =	vand.u32 $0x7F, v52;
	v44 =	vor.u32 v55, v44  }
0x358: {  	v33 =	vshll.u32 v33, $0x7;
	v36 =	vshll.u32 v36, $0x7;
	v31 =	vshll.u32 v31, $0x4  }
0x359: {  	v26 =	vshll.u32 v26, $0x7;
	v31 =	vor.u32 v57, v31;
	v40 =	vshll.u32 v40, $0x4  }
0x35a: {  	v53 =	vor.u32 s2, v58;
	v30 =	vor.u32 v48, v30;
	v40 =	vor.u32 v55, v40;
	v47 =	vld.idx.msk [tilespmem:v47+s18+$0x0], $0xffff  }
0x35b: {  	v48 =	vadd.s32 v53, v27;
	v43 =	vor.u32 v45, v43;
	v39 =	vor.u32 v51, v39;
	v41 =	vld.idx.msk [tilespmem:v41+s18+$0x0], $0xffff  }
0x35c: {  	v32 =	vor.u32 v55, v32;
	v45 =	vshll.u32 v48, $0x1;
	v42 =	vor.u32 v52, v42;
	v44 =	vld.idx.msk [tilespmem:v44+s18+$0x0], $0xffff  }
0x35d: {  	v33 =	vor.u32 v55, v33;
	v36 =	vor.u32 v55, v36;
	v45 =	vand.u32 $0xFFFFFF00, v45  }
0x35e: {  	v45 =	vadd.s32 v28, v45;
	v51 =	vld.idx.msk [tilespmem:v31+s18+$0x0], $0xffff;
	v31 =	vshll.u32 v46, $0x7;
	v46 =	vand.u32 $0x7F, v48  }
0x35f: {  	v48 =	vor.u32 v57, v31;
	v31 =	vor.u32 v46, v45;
	v40 =	vld.idx.msk [tilespmem:v40+s18+$0x0], $0xffff;
	v45 =	vor.u32 v55, v26  }
0x360: {  	v52 =	vor.u32 v17, v30;
	v43 =	vor.u32 v0, v43;
	v46 =	vor.u32 v29, v31  }
0x361: {  	v39 =	vor.u32 v1, v39;
	v42 =	vor.u32 v16, v42;
	v26 =	vor.u32 s30, v58;
	[tilespmem:v32+s19+$0x0] =	vst.idx.msk $0xffff, v47  }
0x362: {  	v30 =	vor.u32 s1, v58;
	v31 =	vor.u32 s29, v58;
	v32 =	vor.u32 s31, v58;
	[tilespmem:v33+s19+$0x0] =	vst.idx.msk $0xffff, v41  }
0x363: {  	v33 =	vshll.u32 v38, $0x7;
	v38 =	vadd.s32 v26, v21;
	v41 =	vadd.s32 v32, v18;
	[tilespmem:v36+s19+$0x0] =	vst.idx.msk $0xffff, v44  }
0x364: {  	v47 =	vadd.s32 v31, v19;
	v36 =	vshll.u32 v38, $0x1;
	v44 =	vadd.s32 v30, v20;
	[tilespmem:v48+s19+$0x0] =	vst.idx.msk $0xffff, v51  }
0x365: {  	v48 =	vshll.u32 v41, $0x1;
	v51 =	vshll.u32 v44, $0x1;
	v46 =	vld.idx.msk [tilespmem:v46+s15+$0x0], $0xffff;
	[tilespmem:v45+s19+$0x0] =	vst.idx.msk $0xffff, v40;
	v40 =	vshll.u32 v47, $0x1  }
0x366: {  	v36 =	vand.u32 $0xFFFFFF00, v36;
	v48 =	vand.u32 $0xFFFFFF00, v48;
	v51 =	vand.u32 $0xFFFFFF00, v51;
	v45 =	vld.idx.msk [tilespmem:v52+s15+$0x0], $0xffff  }
0x367: {  	v36 =	vadd.s32 v23, v36;
	v48 =	vadd.s32 v24, v48;
	v40 =	vand.u32 $0xFFFFFF00, v40;
	v43 =	vld.idx.msk [tilespmem:v43+s15+$0x0], $0xffff  }
0x368: {  	v38 =	vand.u32 $0x7F, v38;
	v51 =	vadd.s32 v25, v51;
	v40 =	vadd.s32 v22, v40;
	v39 =	vld.idx.msk [tilespmem:v39+s15+$0x0], $0xffff  }
0x369: {  	v41 =	vand.u32 $0x7F, v41;
	v44 =	vand.u32 $0x7F, v44;
	v42 =	vld.idx.msk [tilespmem:v42+s15+$0x0], $0xffff  }
0x36a: {  	v34 =	vshll.u32 v34, $0x7;
	v37 =	vshll.u32 v37, $0x7;
	v47 =	vand.u32 $0x7F, v47  }
0x36b: {  	v35 =	vshll.u32 v35, $0x7;
	v46 =	vshll.u32 v46, $0x4  }
0x36c: {  	v36 =	vor.u32 v38, v36;
	v46 =	vor.u32 v4, v46;
	v45 =	vshll.u32 v45, $0x4  }
0x36d: {  	v38 =	vor.u32 s2, v59;
	v45 =	vor.u32 v57, v45;
	v43 =	vshll.u32 v43, $0x4  }
0x36e: {  	v27 =	vadd.s32 v38, v27;
	v43 =	vor.u32 v57, v43;
	v39 =	vshll.u32 v39, $0x4  }
0x36f: {  	v52 =	vshll.u32 v27, $0x1;
	v39 =	vor.u32 v57, v39;
	v42 =	vshll.u32 v42, $0x4  }
0x370: {  	v41 =	vor.u32 v41, v48;
	v52 =	vand.u32 $0xFFFFFF00, v52;
	v42 =	vor.u32 v57, v42  }
0x371: {  	v48 =	vshll.u32 v53, $0x7;
	v27 =	vand.u32 $0x7F, v27;
	v28 =	vadd.s32 v28, v52;
	v46 =	vld.idx.msk [tilespmem:v46+s18+$0x0], $0xffff  }
0x372: {  	v44 =	vor.u32 v44, v51;
	v48 =	vor.u32 v4, v48;
	v27 =	vor.u32 v27, v28;
	v28 =	vld.idx.msk [tilespmem:v45+s18+$0x0], $0xffff  }
0x373: {  	v40 =	vor.u32 v47, v40;
	v27 =	vor.u32 v29, v27;
	v29 =	vor.u32 v57, v33;
	v33 =	vld.idx.msk [tilespmem:v43+s18+$0x0], $0xffff  }
0x374: {  	v34 =	vor.u32 v57, v34;
	v37 =	vor.u32 v57, v37;
	v35 =	vor.u32 v57, v35;
	v39 =	vld.idx.msk [tilespmem:v39+s18+$0x0], $0xffff  }
0x375: {  	v36 =	vor.u32 v17, v36;
	v41 =	vor.u32 v0, v41;
	v43 =	vor.u32 v1, v44;
	v42 =	vld.idx.msk [tilespmem:v42+s18+$0x0], $0xffff  }
0x376: {  	v40 =	vor.u32 v16, v40;
	v45 =	vor.u32 s31, v59;
	v44 =	vor.u32 s30, v59  }
0x377: {  	v47 =	vor.u32 s1, v59;
	[tilespmem:v48+s19+$0x0] =	vst.idx.msk $0xffff, v46;
	v46 =	vadd.s32 v44, v21;
	v21 =	vor.u32 s29, v59  }
0x378: {  	v20 =	vadd.s32 v47, v20;
	v18 =	vadd.s32 v45, v18;
	v48 =	vld.idx.msk [tilespmem:v27+s15+$0x0], $0xffff;
	[tilespmem:v29+s19+$0x0] =	vst.idx.msk $0xffff, v28  }
0x379: {  	v27 =	vshll.u32 v46, $0x1;
	v28 =	vshll.u32 v18, $0x1;
	v19 =	vadd.s32 v21, v19;
	[tilespmem:v34+s19+$0x0] =	vst.idx.msk $0xffff, v33  }
0x37a: {  	v33 =	vand.u32 $0xFFFFFF00, v27;
	v34 =	vshll.u32 v20, $0x1;
	v29 =	vld.idx.msk [tilespmem:v36+s15+$0x0], $0xffff;
	[tilespmem:v37+s19+$0x0] =	vst.idx.msk $0xffff, v39;
	v36 =	vshll.u32 v19, $0x1  }
0x37b: {  	v27 =	vor.u32 s2, v60;
	v28 =	vand.u32 $0xFFFFFF00, v28;
	v34 =	vand.u32 $0xFFFFFF00, v34;
	v37 =	vld.idx.msk [tilespmem:v41+s15+$0x0], $0xffff;
	[tilespmem:v35+s19+$0x0] =	vst.idx.msk $0xffff, v42  }
0x37c: {  	v35 =	vmulhi.u32 $0x51EB851F, v27;
	v36 =	vand.u32 $0xFFFFFF00, v36;
	v39 =	vld.idx.msk [tilespmem:v43+s15+$0x0], $0xffff  }
0x37d: {  	v23 =	vadd.s32 v23, v33;
	v24 =	vadd.s32 v24, v28;
	v25 =	vadd.s32 v25, v34;
	v28 =	vld.idx.msk [tilespmem:v40+s15+$0x0], $0xffff  }
0x37e: {  	v33 =	vshll.u32 v48, $0x4;
	v34 =	vshrl.u32 v35, $0x6  }
0x37f: {  	v22 =	vadd.s32 v22, v36;
	v33 =	vor.u32 v11, v33;
	v34 =	vmul.u32 $0xFFFFFF38, v34  }
0x380: {  	v36 =	vand.u32 $0x7F, v46;
	v40 =	vand.u32 $0x7F, v18;
	v29 =	vshll.u32 v29, $0x4  }
0x381: {  	v18 =	vadd.s32 v27, v34;
	v29 =	vor.u32 v4, v29;
	v34 =	vshll.u32 v37, $0x4  }
0x382: {  	v37 =	vshll.u32 v35, $0x2;
	v41 =	vshll.u32 v18, $0x1;
	v39 =	vshll.u32 v39, $0x4  }
0x383: {  	v35 =	vshll.u32 v35, $0x1;
	v37 =	vand.u32 $0x7FFFFE00, v37;
	v41 =	vand.u32 $0xFFFFFF00, v41  }
0x384: {  	v38 =	vshll.u32 v38, $0x7;
	v35 =	vand.u32 $0x80, v35;
	v37 =	vadd.s32 v37, v41;
	v33 =	vld.idx.msk [tilespmem:v33+s18+$0x0], $0xffff  }
0x385: {  	v38 =	vor.u32 v11, v38;
	v18 =	vand.u32 $0x79, v18;
	v35 =	vor.u32 v35, v37  }
0x386: {  	v34 =	vor.u32 v4, v34;
	v35 =	vor.u32 v18, v35;
	v18 =	vshll.u32 v28, $0x4;
	v29 =	vld.idx.msk [tilespmem:v29+s18+$0x0], $0xffff  }
0x387: {  	v20 =	vand.u32 $0x7F, v20;
	v28 =	vor.u32 v4, v39;
	v37 =	vor.u32 v4, v18  }
0x388: {  	v26 =	vshll.u32 v26, $0x7;
	v32 =	vshll.u32 v32, $0x7;
	v19 =	vand.u32 $0x7F, v19  }
0x389: {  	v31 =	vshll.u32 v31, $0x7;
	v30 =	vshll.u32 v30, $0x7;
	v23 =	vor.u32 v36, v23  }
0x38a: {  	v20 =	vor.u32 v20, v25;
	v24 =	vor.u32 v40, v24;
	v18 =	vor.u32 s30, v60;
	[tilespmem:v38+s19+$0x0] =	vst.idx.msk $0xffff, v33  }
0x38b: {  	v26 =	vor.u32 v4, v26;
	v32 =	vor.u32 v4, v32;
	v19 =	vor.u32 v19, v22;
	v25 =	vld.idx.msk [tilespmem:v35+s15+$0x0], $0xffff  }
0x38c: {  	v31 =	vor.u32 v4, v31;
	v30 =	vor.u32 v4, v30;
	v22 =	vor.u32 v17, v23;
	v23 =	vld.idx.msk [tilespmem:v34+s18+$0x0], $0xffff  }
0x38d: {  	v24 =	vor.u32 v0, v24;
	v33 =	vor.u32 v1, v20;
	v34 =	vor.u32 v16, v19;
	v28 =	vld.idx.msk [tilespmem:v28+s18+$0x0], $0xffff  }
0x38e: {  	v17 =	vor.u32 s31, v60;
	v0 =	vor.u32 s1, v60;
	v35 =	vor.u32 s2, v61;
	v36 =	vld.idx.msk [tilespmem:v37+s18+$0x0], $0xffff  }
0x38f: {  	v1 =	vor.u32 s29, v60;
	v16 =	vshll.u32 v44, $0x7;
	v37 =	vmulhi.u32 $0x51EB851F, v35  }
0x390: {  	v20 =	vshll.u32 v45, $0x7;
	v19 =	vshll.u32 v47, $0x7;
	[tilespmem:v26+s19+$0x0] =	vst.idx.msk $0xffff, v29;
	v26 =	vmulhi.u32 $0x51EB851F, v18  }
0x391: {  	v38 =	vmulhi.u32 $0x51EB851F, v17;
	v25 =	vshll.u32 v25, $0x4;
	v29 =	vshrl.u32 v37, $0x6;
	v22 =	vld.idx.msk [tilespmem:v22+s15+$0x0], $0xffff  }
0x392: {  	v25 =	vor.u32 v50, v25;
	v29 =	vmul.u32 $0xFFFFFF38, v29;
	[tilespmem:v32+s19+$0x0] =	vst.idx.msk $0xffff, v23;
	v23 =	vmulhi.u32 $0x51EB851F, v0  }
0x393: {  	v39 =	vshrl.u32 v38, $0x6;
	v32 =	vshrl.u32 v26, $0x6;
	v24 =	vld.idx.msk [tilespmem:v24+s15+$0x0], $0xffff;
	[tilespmem:v30+s19+$0x0] =	vst.idx.msk $0xffff, v28;
	v28 =	vmulhi.u32 $0x51EB851F, v1  }
0x394: {  	v29 =	vadd.s32 v35, v29;
	v30 =	vmul.u32 $0xFFFFFF38, v32;
	v32 =	vld.idx.msk [tilespmem:v33+s15+$0x0], $0xffff;
	v33 =	vshrl.u32 v23, $0x6;
	[tilespmem:v31+s19+$0x0] =	vst.idx.msk $0xffff, v36  }
0x395: {  	v31 =	vshll.u32 v37, $0x2;
	v36 =	vshll.u32 v29, $0x1;
	v34 =	vld.idx.msk [tilespmem:v34+s15+$0x0], $0xffff;
	v40 =	vshrl.u32 v28, $0x6  }
0x396: {  	v37 =	vshll.u32 v37, $0x1;
	v31 =	vand.u32 $0x7FFFFE00, v31;
	v36 =	vand.u32 $0xFFFFFF00, v36  }
0x397: {  	v27 =	vshll.u32 v27, $0x7;
	v31 =	vadd.s32 v31, v36;
	v36 =	vand.u32 $0x80, v37;
	v25 =	vld.idx.msk [tilespmem:v25+s18+$0x0], $0xffff  }
0x398: {  	v27 =	vor.u32 v50, v27;
	v29 =	vand.u32 $0x7B, v29;
	v31 =	vor.u32 v36, v31  }
0x399: {  	v22 =	vshll.u32 v22, $0x4;
	v29 =	vor.u32 v29, v31;
	v24 =	vshll.u32 v24, $0x4  }
0x39a: {  	v33 =	vmul.u32 $0xFFFFFF38, v33;
	v31 =	vmul.u32 $0xFFFFFF38, v39;
	v32 =	vshll.u32 v32, $0x4  }
0x39b: {  	v22 =	vor.u32 v11, v22;
	v36 =	vmul.u32 $0xFFFFFF38, v40;
	v34 =	vshll.u32 v34, $0x4  }
0x39c: {  	v24 =	vor.u32 v11, v24;
	v32 =	vor.u32 v11, v32;
	v34 =	vor.u32 v11, v34  }
0x39d: {  	[tilespmem:v27+s19+$0x0] =	vst.idx.msk $0xffff, v25;
	v25 =	vadd.s32 v18, v30;
	v27 =	vshll.u32 v26, $0x2;
	v30 =	vadd.s32 v17, v31  }
0x39e: {  	v33 =	vadd.s32 v0, v33;
	v36 =	vadd.s32 v1, v36;
	v29 =	vld.idx.msk [tilespmem:v29+s15+$0x0], $0xffff;
	v31 =	vshll.u32 v25, $0x1  }
0x39f: {  	v39 =	vshll.u32 v33, $0x1;
	v40 =	vshll.u32 v36, $0x1;
	v37 =	vshll.u32 v30, $0x1  }
0x3a0: {  	v41 =	vshll.u32 v38, $0x2;
	v42 =	vshll.u32 v23, $0x2;
	v22 =	vld.idx.msk [tilespmem:v22+s18+$0x0], $0xffff  }
0x3a1: {  	v43 =	vor.u32 s2, v6;
	v44 =	vshll.u32 v28, $0x2;
	v31 =	vand.u32 $0xFFFFFF00, v31;
	v24 =	vld.idx.msk [tilespmem:v24+s18+$0x0], $0xffff  }
0x3a2: {  	v45 =	vmulhi.u32 $0x51EB851F, v43;
	v39 =	vand.u32 $0xFFFFFF00, v39;
	v37 =	vand.u32 $0xFFFFFF00, v37;
	v32 =	vld.idx.msk [tilespmem:v32+s18+$0x0], $0xffff  }
0x3a3: {  	v41 =	vand.u32 $0x7FFFFE00, v41;
	v40 =	vand.u32 $0xFFFFFF00, v40;
	v27 =	vand.u32 $0x7FFFFE00, v27;
	v34 =	vld.idx.msk [tilespmem:v34+s18+$0x0], $0xffff  }
0x3a4: {  	v46 =	vshrl.u32 v45, $0x6;
	v42 =	vand.u32 $0x7FFFFE00, v42;
	v29 =	vshll.u32 v29, $0x4  }
0x3a5: {  	v46 =	vmul.u32 $0xFFFFFF38, v46;
	v26 =	vshll.u32 v26, $0x1;
	v29 =	vor.u32 v55, v29  }
0x3a6: {  	v38 =	vshll.u32 v38, $0x1;
	v23 =	vshll.u32 v23, $0x1;
	v44 =	vand.u32 $0x7FFFFE00, v44  }
0x3a7: {  	v46 =	vadd.s32 v43, v46;
	v28 =	vshll.u32 v28, $0x1;
	v27 =	vadd.s32 v27, v31  }
0x3a8: {  	v47 =	vshll.u32 v46, $0x1;
	v31 =	vshll.u32 v45, $0x2;
	v37 =	vadd.s32 v41, v37  }
0x3a9: {  	v41 =	vand.u32 $0xFFFFFF00, v47;
	v45 =	vshll.u32 v45, $0x1;
	v31 =	vand.u32 $0x7FFFFE00, v31  }
0x3aa: {  	v35 =	vshll.u32 v35, $0x7;
	v31 =	vadd.s32 v31, v41;
	v41 =	vand.u32 $0x80, v45;
	v29 =	vld.idx.msk [tilespmem:v29+s18+$0x0], $0xffff  }
0x3ab: {  	v35 =	vor.u32 v55, v35;
	v45 =	vand.u32 $0x7F, v46;
	v31 =	vor.u32 v41, v31  }
0x3ac: {  	v39 =	vadd.s32 v42, v39;
	v40 =	vadd.s32 v44, v40;
	v31 =	vor.u32 v45, v31  }
0x3ad: {  	v38 =	vand.u32 $0x80, v38;
	v23 =	vand.u32 $0x80, v23;
	v26 =	vand.u32 $0x80, v26  }
0x3ae: {  	v21 =	vshll.u32 v21, $0x7;
	v26 =	vor.u32 v26, v27;
	v27 =	vand.u32 $0x80, v28  }
0x3af: {  	v23 =	vor.u32 v23, v39;
	v28 =	vor.u32 v38, v37;
	v27 =	vor.u32 v27, v40  }
0x3b0: {  	v25 =	vand.u32 $0x79, v25;
	[tilespmem:v35+s19+$0x0] =	vst.idx.msk $0xffff, v29;
	v29 =	vand.u32 $0x79, v30;
	v30 =	vand.u32 $0x79, v33  }
0x3b1: {  	v33 =	vor.u32 v11, v16;
	v35 =	vor.u32 v11, v20;
	v16 =	vand.u32 $0x79, v36;
	v31 =	vld.idx.msk [tilespmem:v31+s15+$0x0], $0xffff  }
0x3b2: {  	v25 =	vor.u32 v25, v26;
	v26 =	vor.u32 v11, v19;
	v36 =	vor.u32 v11, v21  }
0x3b3: {  	v28 =	vor.u32 v29, v28;
	v23 =	vor.u32 v30, v23;
	v27 =	vor.u32 v16, v27  }
0x3b4: {  	v19 =	vor.u32 s31, v61;
	v21 =	vor.u32 s30, v61;
	v29 =	vor.u32 s2, v62  }
0x3b5: {  	v20 =	vor.u32 s1, v61;
	v16 =	vor.u32 s29, v61;
	v30 =	vmulhi.u32 $0x51EB851F, v29  }
0x3b6: {  	v18 =	vshll.u32 v18, $0x7;
	v17 =	vshll.u32 v17, $0x7;
	[tilespmem:v33+s19+$0x0] =	vst.idx.msk $0xffff, v22;
	v22 =	vmulhi.u32 $0x51EB851F, v21  }
0x3b7: {  	v31 =	vshll.u32 v31, $0x4;
	v33 =	vshrl.u32 v30, $0x6;
	v25 =	vld.idx.msk [tilespmem:v25+s15+$0x0], $0xffff;
	[tilespmem:v35+s19+$0x0] =	vst.idx.msk $0xffff, v24;
	v24 =	vmulhi.u32 $0x51EB851F, v19  }
0x3b8: {  	v31 =	vor.u32 v57, v31;
	v33 =	vmul.u32 $0xFFFFFF38, v33;
	v28 =	vld.idx.msk [tilespmem:v28+s15+$0x0], $0xffff;
	[tilespmem:v26+s19+$0x0] =	vst.idx.msk $0xffff, v32;
	v26 =	vmulhi.u32 $0x51EB851F, v20  }
0x3b9: {  	v32 =	vshrl.u32 v22, $0x6;
	v35 =	vshrl.u32 v24, $0x6;
	v23 =	vld.idx.msk [tilespmem:v23+s15+$0x0], $0xffff;
	[tilespmem:v36+s19+$0x0] =	vst.idx.msk $0xffff, v34;
	v34 =	vmulhi.u32 $0x51EB851F, v16  }
0x3ba: {  	v33 =	vadd.s32 v29, v33;
	v32 =	vmul.u32 $0xFFFFFF38, v32;
	v36 =	vshrl.u32 v26, $0x6;
	v27 =	vld.idx.msk [tilespmem:v27+s15+$0x0], $0xffff  }
0x3bb: {  	v37 =	vshll.u32 v30, $0x2;
	v38 =	vshll.u32 v33, $0x1;
	v39 =	vshrl.u32 v34, $0x6  }
0x3bc: {  	v37 =	vand.u32 $0x7FFFFE00, v37;
	v30 =	vshll.u32 v30, $0x1;
	v38 =	vand.u32 $0xFFFFFF00, v38  }
0x3bd: {  	v40 =	vshll.u32 v43, $0x7;
	v30 =	vand.u32 $0x80, v30;
	v37 =	vadd.s32 v37, v38;
	v31 =	vld.idx.msk [tilespmem:v31+s18+$0x0], $0xffff  }
0x3be: {  	v33 =	vand.u32 $0x7F, v33;
	v38 =	vor.u32 v57, v40;
	v30 =	vor.u32 v30, v37  }
0x3bf: {  	v25 =	vshll.u32 v25, $0x4;
	v28 =	vshll.u32 v28, $0x4;
	v30 =	vor.u32 v33, v30  }
0x3c0: {  	v33 =	vmul.u32 $0xFFFFFF38, v35;
	v23 =	vshll.u32 v23, $0x4;
	v27 =	vshll.u32 v27, $0x4  }
0x3c1: {  	v25 =	vor.u32 v50, v25;
	v35 =	vmul.u32 $0xFFFFFF38, v36;
	v36 =	vmul.u32 $0xFFFFFF38, v39  }
0x3c2: {  	v28 =	vor.u32 v50, v28;
	v23 =	vor.u32 v50, v23;
	v27 =	vor.u32 v50, v27  }
0x3c3: {  	v33 =	vadd.s32 v19, v33;
	[tilespmem:v38+s19+$0x0] =	vst.idx.msk $0xffff, v31;
	v31 =	vadd.s32 v21, v32;
	v32 =	vshll.u32 v22, $0x2  }
0x3c4: {  	v35 =	vadd.s32 v20, v35;
	v36 =	vadd.s32 v16, v36;
	v30 =	vld.idx.msk [tilespmem:v30+s15+$0x0], $0xffff;
	v37 =	vshll.u32 v31, $0x1  }
0x3c5: {  	v39 =	vshll.u32 v35, $0x1;
	v40 =	vshll.u32 v36, $0x1;
	v38 =	vshll.u32 v33, $0x1  }
0x3c6: {  	v41 =	vshll.u32 v24, $0x2;
	v42 =	vshll.u32 v26, $0x2;
	v43 =	vshll.u32 v34, $0x2;
	v25 =	vld.idx.msk [tilespmem:v25+s18+$0x0], $0xffff  }
0x3c7: {  	v44 =	vor.u32 s2, v63;
	v38 =	vand.u32 $0xFFFFFF00, v38;
	v37 =	vand.u32 $0xFFFFFF00, v37;
	v28 =	vld.idx.msk [tilespmem:v28+s18+$0x0], $0xffff  }
0x3c8: {  	v45 =	vmulhi.u32 $0x51EB851F, v44;
	v39 =	vand.u32 $0xFFFFFF00, v39;
	v40 =	vand.u32 $0xFFFFFF00, v40;
	v23 =	vld.idx.msk [tilespmem:v23+s18+$0x0], $0xffff  }
0x3c9: {  	v41 =	vand.u32 $0x7FFFFE00, v41;
	v42 =	vand.u32 $0x7FFFFE00, v42;
	v32 =	vand.u32 $0x7FFFFE00, v32;
	v27 =	vld.idx.msk [tilespmem:v27+s18+$0x0], $0xffff  }
0x3ca: {  	v46 =	vshrl.u32 v45, $0x6;
	v22 =	vshll.u32 v22, $0x1;
	v30 =	vshll.u32 v30, $0x4  }
0x3cb: {  	v46 =	vmul.u32 $0xFFFFFF38, v46;
	v24 =	vshll.u32 v24, $0x1;
	v30 =	vor.u32 v4, v30  }
0x3cc: {  	v26 =	vshll.u32 v26, $0x1;
	v34 =	vshll.u32 v34, $0x1;
	v43 =	vand.u32 $0x7FFFFE00, v43  }
0x3cd: {  	v46 =	vadd.s32 v44, v46;
	v32 =	vadd.s32 v32, v37;
	v37 =	vadd.s32 v41, v38  }
0x3ce: {  	v39 =	vadd.s32 v42, v39;
	v38 =	vshll.u32 v45, $0x2;
	v41 =	vshll.u32 v46, $0x1  }
0x3cf: {  	v42 =	vshll.u32 v45, $0x1;
	v38 =	vand.u32 $0x7FFFFE00, v38;
	v41 =	vand.u32 $0xFFFFFF00, v41  }
0x3d0: {  	v29 =	vshll.u32 v29, $0x7;
	v38 =	vadd.s32 v38, v41;
	v41 =	vand.u32 $0x80, v42;
	v30 =	vld.idx.msk [tilespmem:v30+s18+$0x0], $0xffff  }
0x3d1: {  	v29 =	vor.u32 v4, v29;
	v42 =	vand.u32 $0x7F, v46;
	v38 =	vor.u32 v41, v38  }
0x3d2: {  	v40 =	vadd.s32 v43, v40;
	v22 =	vand.u32 $0x80, v22;
	v38 =	vor.u32 v42, v38  }
0x3d3: {  	v24 =	vand.u32 $0x80, v24;
	v26 =	vand.u32 $0x80, v26;
	v34 =	vand.u32 $0x80, v34  }
0x3d4: {  	v0 =	vshll.u32 v0, $0x7;
	v1 =	vshll.u32 v1, $0x7;
	v22 =	vor.u32 v22, v32  }
0x3d5: {  	v26 =	vor.u32 v26, v39;
	v24 =	vor.u32 v24, v37;
	v32 =	vor.u32 v34, v40  }
0x3d6: {  	[tilespmem:v29+s19+$0x0] =	vst.idx.msk $0xffff, v30;
	v29 =	vand.u32 $0x7B, v31;
	v30 =	vand.u32 $0x7B, v33;
	v31 =	vand.u32 $0x7B, v35  }
0x3d7: {  	v18 =	vor.u32 v50, v18;
	v17 =	vor.u32 v50, v17;
	v34 =	vand.u32 $0x7B, v36;
	v33 =	vld.idx.msk [tilespmem:v38+s15+$0x0], $0xffff  }
0x3d8: {  	v0 =	vor.u32 v50, v0;
	v22 =	vor.u32 v29, v22;
	v29 =	vor.u32 v50, v1  }
0x3d9: {  	v24 =	vor.u32 v30, v24;
	v26 =	vor.u32 v31, v26;
	v30 =	vor.u32 v34, v32  }
0x3da: {  	v31 =	vor.u32 s30, v6;
	v32 =	vor.u32 s31, v6;
	v1 =	vor.u32 s1, v6  }
0x3db: {  	v21 =	vshll.u32 v21, $0x7;
	v35 =	vor.u32 s29, v6;
	v34 =	vmulhi.u32 $0x51EB851F, v31  }
0x3dc: {  	v20 =	vshll.u32 v20, $0x7;
	[tilespmem:v18+s19+$0x0] =	vst.idx.msk $0xffff, v25;
	v18 =	vshll.u32 v19, $0x7;
	v19 =	vmulhi.u32 $0x51EB851F, v32  }
0x3dd: {  	v25 =	vshll.u32 v33, $0x4;
	v33 =	vshrl.u32 v34, $0x6;
	v22 =	vld.idx.msk [tilespmem:v22+s15+$0x0], $0xffff;
	[tilespmem:v17+s19+$0x0] =	vst.idx.msk $0xffff, v28;
	v17 =	vmulhi.u32 $0x51EB851F, v1  }
0x3de: {  	v25 =	vor.u32 v11, v25;
	v24 =	vld.idx.msk [tilespmem:v24+s15+$0x0], $0xffff;
	v28 =	vshrl.u32 v19, $0x6;
	[tilespmem:v0+s19+$0x0] =	vst.idx.msk $0xffff, v23;
	v0 =	vmulhi.u32 $0x51EB851F, v35  }
0x3df: {  	v23 =	vmul.u32 $0xFFFFFF38, v33;
	v28 =	vmul.u32 $0xFFFFFF38, v28;
	v26 =	vld.idx.msk [tilespmem:v26+s15+$0x0], $0xffff;
	v33 =	vshrl.u32 v17, $0x6;
	[tilespmem:v29+s19+$0x0] =	vst.idx.msk $0xffff, v27  }
0x3e0: {  	v27 =	vshll.u32 v34, $0x2;
	v29 =	vmul.u32 $0xFFFFFF38, v33;
	v30 =	vld.idx.msk [tilespmem:v30+s15+$0x0], $0xffff;
	v33 =	vshrl.u32 v0, $0x6  }
0x3e1: {  	v23 =	vadd.s32 v31, v23;
	v28 =	vadd.s32 v32, v28;
	v33 =	vmul.u32 $0xFFFFFF38, v33  }
0x3e2: {  	v36 =	vshll.u32 v23, $0x1;
	v37 =	vshll.u32 v28, $0x1;
	v29 =	vadd.s32 v1, v29  }
0x3e3: {  	v38 =	vshll.u32 v44, $0x7;
	v22 =	vshll.u32 v22, $0x4;
	v25 =	vld.idx.msk [tilespmem:v25+s18+$0x0], $0xffff;
	v33 =	vadd.s32 v35, v33  }
0x3e4: {  	v38 =	vor.u32 v11, v38;
	v22 =	vor.u32 v55, v22;
	v24 =	vshll.u32 v24, $0x4  }
0x3e5: {  	v39 =	vshll.u32 v29, $0x1;
	v24 =	vor.u32 v55, v24;
	v26 =	vshll.u32 v26, $0x4  }
0x3e6: {  	v40 =	vshll.u32 v33, $0x1;
	v26 =	vor.u32 v55, v26;
	v30 =	vshll.u32 v30, $0x4  }
0x3e7: {  	v41 =	vshll.u32 v19, $0x2;
	v42 =	vshll.u32 v17, $0x2;
	v30 =	vor.u32 v55, v30  }
0x3e8: {  	v43 =	vshll.u32 v0, $0x2;
	v36 =	vand.u32 $0xFFFFFF00, v36;
	v37 =	vand.u32 $0xFFFFFF00, v37  }
0x3e9: {  	[tilespmem:v38+s19+$0x0] =	vst.idx.msk $0xffff, v25;
	v22 =	vld.idx.msk [tilespmem:v22+s18+$0x0], $0xffff;
	v25 =	vand.u32 $0x7FFFFE00, v27;
	v27 =	vand.u32 $0xFFFFFF00, v39;
	v38 =	vand.u32 $0xFFFFFF00, v40  }
0x3ea: {  	v39 =	vand.u32 $0x7FFFFE00, v41;
	v40 =	vand.u32 $0x7FFFFE00, v42;
	v41 =	vand.u32 $0x7FFFFE00, v43;
	v24 =	vld.idx.msk [tilespmem:v24+s18+$0x0], $0xffff  }
0x3eb: {  	v19 =	vshll.u32 v19, $0x1;
	v34 =	vshll.u32 v34, $0x1;
	v17 =	vshll.u32 v17, $0x1;
	v26 =	vld.idx.msk [tilespmem:v26+s18+$0x0], $0xffff  }
0x3ec: {  	v0 =	vshll.u32 v0, $0x1;
	v25 =	vadd.s32 v25, v36;
	v36 =	vadd.s32 v39, v37;
	v30 =	vld.idx.msk [tilespmem:v30+s18+$0x0], $0xffff  }
0x3ed: {  	v34 =	vand.u32 $0x80, v34;
	v27 =	vadd.s32 v40, v27;
	v37 =	vadd.s32 v41, v38  }
0x3ee: {  	v19 =	vand.u32 $0x80, v19;
	v17 =	vand.u32 $0x80, v17;
	v0 =	vand.u32 $0x80, v0  }
0x3ef: {  	v16 =	vshll.u32 v16, $0x7;
	v25 =	vor.u32 v34, v25;
	v19 =	vor.u32 v19, v36  }
0x3f0: {  	v23 =	vand.u32 $0x7F, v23;
	v17 =	vor.u32 v17, v27;
	v0 =	vor.u32 v0, v37  }
0x3f1: {  	v27 =	vand.u32 $0x7F, v28;
	v28 =	vand.u32 $0x7F, v29;
	v29 =	vand.u32 $0x7F, v33  }
0x3f2: {  	v20 =	vor.u32 v55, v20;
	v21 =	vor.u32 v55, v21;
	v18 =	vor.u32 v55, v18  }
0x3f3: {  	v16 =	vor.u32 v55, v16;
	v23 =	vor.u32 v23, v25;
	v19 =	vor.u32 v27, v19  }
0x3f4: {  	v25 =	vor.u32 s30, v62;
	v17 =	vor.u32 v28, v17;
	v27 =	vor.u32 v29, v0  }
0x3f5: {  	v28 =	vor.u32 s31, v62;
	v29 =	vor.u32 s1, v62;
	v0 =	vor.u32 s29, v62  }
0x3f6: {  	v31 =	vshll.u32 v31, $0x7;
	v32 =	vshll.u32 v32, $0x7;
	v33 =	vmulhi.u32 $0x51EB851F, v25  }
0x3f7: {  	v1 =	vshll.u32 v1, $0x7;
	[tilespmem:v21+s19+$0x0] =	vst.idx.msk $0xffff, v22;
	v21 =	vmulhi.u32 $0x51EB851F, v28;
	v22 =	vshll.u32 v35, $0x7  }
0x3f8: {  	v34 =	vshrl.u32 v33, $0x6;
	v35 =	vshll.u32 v33, $0x2;
	v23 =	vld.idx.msk [tilespmem:v23+s15+$0x0], $0xffff;
	[tilespmem:v18+s19+$0x0] =	vst.idx.msk $0xffff, v24;
	v18 =	vmulhi.u32 $0x51EB851F, v29  }
0x3f9: {  	v24 =	vmul.u32 $0xFFFFFF38, v34;
	v19 =	vld.idx.msk [tilespmem:v19+s15+$0x0], $0xffff;
	v34 =	vshrl.u32 v21, $0x6;
	[tilespmem:v20+s19+$0x0] =	vst.idx.msk $0xffff, v26;
	v20 =	vmulhi.u32 $0x51EB851F, v0  }
0x3fa: {  	v26 =	vmul.u32 $0xFFFFFF38, v34;
	v34 =	vshll.u32 v21, $0x2;
	v17 =	vld.idx.msk [tilespmem:v17+s15+$0x0], $0xffff;
	v36 =	vshrl.u32 v18, $0x6;
	[tilespmem:v16+s19+$0x0] =	vst.idx.msk $0xffff, v30  }
0x3fb: {  	v16 =	vadd.s32 v25, v24;
	v24 =	vmul.u32 $0xFFFFFF38, v36;
	v27 =	vld.idx.msk [tilespmem:v27+s15+$0x0], $0xffff;
	v30 =	vshrl.u32 v20, $0x6  }
0x3fc: {  	v36 =	vshll.u32 v16, $0x1;
	v26 =	vadd.s32 v28, v26;
	v30 =	vmul.u32 $0xFFFFFF38, v30  }
0x3fd: {  	v38 =	vshll.u32 v18, $0x2;
	v37 =	vshll.u32 v26, $0x1;
	v24 =	vadd.s32 v29, v24  }
0x3fe: {  	v23 =	vshll.u32 v23, $0x4;
	v39 =	vshll.u32 v24, $0x1;
	v30 =	vadd.s32 v0, v30  }
0x3ff: {  	v23 =	vor.u32 v57, v23;
	v19 =	vshll.u32 v19, $0x4;
	v40 =	vshll.u32 v30, $0x1  }
0x400: {  	v41 =	vshll.u32 v20, $0x2;
	v19 =	vor.u32 v57, v19;
	v17 =	vshll.u32 v17, $0x4  }
0x401: {  	v36 =	vand.u32 $0xFFFFFF00, v36;
	v17 =	vor.u32 v57, v17;
	v27 =	vshll.u32 v27, $0x4  }
0x402: {  	v37 =	vand.u32 $0xFFFFFF00, v37;
	v39 =	vand.u32 $0xFFFFFF00, v39;
	v27 =	vor.u32 v57, v27  }
0x403: {  	v35 =	vand.u32 $0x7FFFFE00, v35;
	v34 =	vand.u32 $0x7FFFFE00, v34;
	v40 =	vand.u32 $0xFFFFFF00, v40  }
0x404: {  	v33 =	vshll.u32 v33, $0x1;
	v21 =	vshll.u32 v21, $0x1;
	v38 =	vand.u32 $0x7FFFFE00, v38;
	v23 =	vld.idx.msk [tilespmem:v23+s18+$0x0], $0xffff  }
0x405: {  	v18 =	vshll.u32 v18, $0x1;
	v20 =	vshll.u32 v20, $0x1;
	v41 =	vand.u32 $0x7FFFFE00, v41;
	v19 =	vld.idx.msk [tilespmem:v19+s18+$0x0], $0xffff  }
0x406: {  	v35 =	vadd.s32 v35, v36;
	v34 =	vadd.s32 v34, v37;
	v36 =	vadd.s32 v38, v39;
	v17 =	vld.idx.msk [tilespmem:v17+s18+$0x0], $0xffff  }
0x407: {  	v33 =	vand.u32 $0x80, v33;
	v21 =	vand.u32 $0x80, v21;
	v37 =	vadd.s32 v41, v40;
	v27 =	vld.idx.msk [tilespmem:v27+s18+$0x0], $0xffff  }
0x408: {  	v18 =	vand.u32 $0x80, v18;
	v20 =	vand.u32 $0x80, v20;
	v33 =	vor.u32 v33, v35  }
0x409: {  	v21 =	vor.u32 v21, v34;
	v18 =	vor.u32 v18, v36;
	v20 =	vor.u32 v20, v37  }
0x40a: {  	v16 =	vand.u32 $0x7F, v16;
	v26 =	vand.u32 $0x7F, v26;
	v24 =	vand.u32 $0x7F, v24  }
0x40b: {  	v31 =	vor.u32 v57, v31;
	v32 =	vor.u32 v57, v32;
	v30 =	vand.u32 $0x7F, v30  }
0x40c: {  	v1 =	vor.u32 v57, v1;
	v22 =	vor.u32 v57, v22;
	v16 =	vor.u32 v16, v33  }
0x40d: {  	v21 =	vor.u32 v26, v21;
	v18 =	vor.u32 v24, v18;
	v20 =	vor.u32 v30, v20  }
0x40e: {  	v26 =	vor.u32 s31, v63;
	v24 =	vor.u32 s30, v63;
	v30 =	vor.u32 s1, v63  }
0x40f: {  	v25 =	vshll.u32 v25, $0x7;
	v34 =	vor.u32 s29, v63;
	v33 =	vmulhi.u32 $0x51EB851F, v24  }
0x410: {  	v29 =	vshll.u32 v29, $0x7;
	[tilespmem:v31+s19+$0x0] =	vst.idx.msk $0xffff, v23;
	v23 =	vshll.u32 v28, $0x7;
	v28 =	vmulhi.u32 $0x51EB851F, v26  }
0x411: {  	v35 =	vshll.u32 v33, $0x2;
	v31 =	vshrl.u32 v33, $0x6;
	v16 =	vld.idx.msk [tilespmem:v16+s15+$0x0], $0xffff;
	[tilespmem:v32+s19+$0x0] =	vst.idx.msk $0xffff, v19;
	v19 =	vmulhi.u32 $0x51EB851F, v30  }
0x412: {  	v31 =	vmul.u32 $0xFFFFFF38, v31;
	v21 =	vld.idx.msk [tilespmem:v21+s15+$0x0], $0xffff;
	v32 =	vshrl.u32 v28, $0x6;
	[tilespmem:v1+s19+$0x0] =	vst.idx.msk $0xffff, v17;
	v1 =	vmulhi.u32 $0x51EB851F, v34  }
0x413: {  	v17 =	vmul.u32 $0xFFFFFF38, v32;
	v32 =	vshll.u32 v28, $0x2;
	v18 =	vld.idx.msk [tilespmem:v18+s15+$0x0], $0xffff;
	v36 =	vshrl.u32 v19, $0x6;
	[tilespmem:v22+s19+$0x0] =	vst.idx.msk $0xffff, v27  }
0x414: {  	v22 =	vadd.s32 v24, v31;
	v27 =	vmul.u32 $0xFFFFFF38, v36;
	v20 =	vld.idx.msk [tilespmem:v20+s15+$0x0], $0xffff;
	v31 =	vshrl.u32 v1, $0x6  }
0x415: {  	v36 =	vshll.u32 v22, $0x1;
	v17 =	vadd.s32 v26, v17;
	v31 =	vmul.u32 $0xFFFFFF38, v31  }
0x416: {  	v38 =	vshll.u32 v19, $0x2;
	v37 =	vshll.u32 v17, $0x1;
	v27 =	vadd.s32 v30, v27  }
0x417: {  	v16 =	vshll.u32 v16, $0x4;
	v39 =	vshll.u32 v27, $0x1;
	v31 =	vadd.s32 v34, v31  }
0x418: {  	v16 =	vor.u32 v4, v16;
	v21 =	vshll.u32 v21, $0x4;
	v40 =	vshll.u32 v31, $0x1  }
0x419: {  	v41 =	vshll.u32 v1, $0x2;
	v21 =	vor.u32 v4, v21;
	v18 =	vshll.u32 v18, $0x4  }
0x41a: {  	v36 =	vand.u32 $0xFFFFFF00, v36;
	v18 =	vor.u32 v4, v18;
	v20 =	vshll.u32 v20, $0x4  }
0x41b: {  	v37 =	vand.u32 $0xFFFFFF00, v37;
	v39 =	vand.u32 $0xFFFFFF00, v39;
	v20 =	vor.u32 v4, v20  }
0x41c: {  	v35 =	vand.u32 $0x7FFFFE00, v35;
	v32 =	vand.u32 $0x7FFFFE00, v32;
	v40 =	vand.u32 $0xFFFFFF00, v40  }
0x41d: {  	v33 =	vshll.u32 v33, $0x1;
	v28 =	vshll.u32 v28, $0x1;
	v38 =	vand.u32 $0x7FFFFE00, v38;
	v16 =	vld.idx.msk [tilespmem:v16+s18+$0x0], $0xffff  }
0x41e: {  	v19 =	vshll.u32 v19, $0x1;
	v1 =	vshll.u32 v1, $0x1;
	v41 =	vand.u32 $0x7FFFFE00, v41;
	v21 =	vld.idx.msk [tilespmem:v21+s18+$0x0], $0xffff  }
0x41f: {  	v35 =	vadd.s32 v35, v36;
	v32 =	vadd.s32 v32, v37;
	v36 =	vld.idx.msk [tilespmem:v18+s18+$0x0], $0xffff;
	v18 =	vadd.s32 v38, v39  }
0x420: {  	v33 =	vand.u32 $0x80, v33;
	v28 =	vand.u32 $0x80, v28;
	v37 =	vld.idx.msk [tilespmem:v20+s18+$0x0], $0xffff;
	v20 =	vadd.s32 v41, v40  }
0x421: {  	v0 =	vshll.u32 v0, $0x7;
	v19 =	vand.u32 $0x80, v19;
	v1 =	vand.u32 $0x80, v1  }
0x422: {  	v33 =	vor.u32 v33, v35;
	v28 =	vor.u32 v28, v32;
	v18 =	vor.u32 v19, v18  }
0x423: {  	v17 =	vand.u32 $0x7F, v17;
	v19 =	vand.u32 $0x7F, v22;
	v1 =	vor.u32 v1, v20  }
0x424: {  	v22 =	vor.u32 v4, v25;
	v25 =	vand.u32 $0x7F, v31;
	v20 =	vand.u32 $0x7F, v27  }
0x425: {  	v0 =	vor.u32 v4, v0;
	v23 =	vor.u32 v4, v23;
	v27 =	vor.u32 v4, v29  }
0x426: {  	v17 =	vor.u32 v17, v28;
	v29 =	vor.u32 v19, v33;
	v28 =	vor.u32 v20, v18  }
0x427: {  	v19 =	vor.u32 v25, v1;
	v1 =	vshll.u32 v12, $0x4;
	v12 =	vshll.u32 v13, $0x4  }
0x428: {  	v13 =	vshll.u32 v15, $0x4;
	v20 =	vor.u32 v5, v1;
	v1 =	vshll.u32 v14, $0x4  }
.Ltmp2:
0x429: {  	v14 =	vshll.u32 v24, $0x7;
	v18 =	vor.u32 v5, v1;
	[tilespmem:v22+s19+$0x0] =	vst.idx.msk $0xffff, v16;
	v22 =	vor.u32 v5, v12;
	(pc) =	sbr.rel @p1 .LBB2_3-.Ltmp2, $4  }
0x42a: {  	v15 =	vshll.u32 v30, $0x7;
	v1 =	vshll.u32 v26, $0x7;
	[tilespmem:v23+s19+$0x0] =	vst.idx.msk $0xffff, v21;
	v21 =	vor.u32 v5, v13;
	v5 =	vmovc v11  }
0x42b: {  	v23 =	vshll.u32 v34, $0x7;
	v12 =	vld.idx.msk [tilespmem:v29+s15+$0x0], $0xffff;
	v16 =	vor.u32 v5, v14;
	[tilespmem:v27+s19+$0x0] =	vst.idx.msk $0xffff, v36  }
0x42c: {  	v13 =	vld.idx.msk [tilespmem:v17+s15+$0x0], $0xffff;
	v17 =	vor.u32 v5, v1;
	v1 =	vor.u32 v5, v15;
	[tilespmem:v0+s19+$0x0] =	vst.idx.msk $0xffff, v37  }
0x42d: {  	s29 =	sadd.s32 $0x50, s29;
	v0 =	vor.u32 v5, v23;
	v14 =	vld.idx.msk [tilespmem:v28+s15+$0x0], $0xffff  }
0x42e: {  	_ =	sdelay $0x3  }
0x42f: {  	v15 =	vld.idx.msk [tilespmem:v19+s15+$0x0], $0xffff;
	_ =	sdelay $0x1  }
0x430: {  	v12 =	vshll.u32 v12, $0x4  }
0x431: {  	v13 =	vshll.u32 v13, $0x4;
	v12 =	vor.u32 v5, v12  }
0x432: {  	v52 =	vld.idx.msk [tilespmem:v20+s18+$0x0], $0xffff;
	v14 =	vshll.u32 v14, $0x4;
	v13 =	vor.u32 v5, v13  }
0x433: {  	v53 =	vld.idx.msk [tilespmem:v22+s18+$0x0], $0xffff;
	v15 =	vshll.u32 v15, $0x4;
	v14 =	vor.u32 v5, v14  }
0x434: {  	v18 =	vld.idx.msk [tilespmem:v18+s18+$0x0], $0xffff;
	v5 =	vor.u32 v5, v15  }
0x435: {  	v56 =	vld.idx.msk [tilespmem:v21+s18+$0x0], $0xffff  }
0x436: {  	v12 =	vld.idx.msk [tilespmem:v12+s18+$0x0], $0xffff  }
0x437: {  	[tilespmem:v8+s19+$0x0] =	vst.idx.msk $0xffff, v52;
	v8 =	vld.idx.msk [tilespmem:v13+s18+$0x0], $0xffff  }
0x438: {  	[tilespmem:v9+s19+$0x0] =	vst.idx.msk $0xffff, v53;
	v9 =	vld.idx.msk [tilespmem:v14+s18+$0x0], $0xffff  }
0x439: {  	[tilespmem:v10+s19+$0x0] =	vst.idx.msk $0xffff, v18;
	v5 =	vld.idx.msk [tilespmem:v5+s18+$0x0], $0xffff  }
0x43a: {  	s28 =	sshll.u32 s25, $0x2;
	p1 =	sne.s32 s25, $0x7F;
	[tilespmem:v7+s19+$0x0] =	vst.idx.msk $0xffff, v56  }
.Ltmp3:
0x43b: {  	s1 =	sadd.s32 s4, s28;
	[tilespmem:v16+s19+$0x0] =	vst.idx.msk $0xffff, v12;
	(pc) =	sbr.rel @p1 .LBB2_6-.Ltmp3, $4  }
0x43c: {  	s1 =	smul.u32 $0xC80, s1;
	[tilespmem:v17+s19+$0x0] =	vst.idx.msk $0xffff, v8  }
0x43d: {  	[tilespmem:v1+s19+$0x0] =	vst.idx.msk $0xffff, v9  }
0x43e: {  	s1 =	sadd.s32 s8, s1;
	[tilespmem:v0+s19+$0x0] =	vst.idx.msk $0xffff, v5  }
0x43f: {  	[hbm4b:s1+s3] =	stream.linear.scatter [tilespmem:s19], [sflag:$0x3], $0xC800, $0x38;
	[tilespmem:$0x19680] =	vst v63  }
.Ltmp4:
0x440: {  	(pc) =	sbr.rel .LBB2_7-.Ltmp4, $4  }
0x441: {  	_ = 	snop  }
0x442: {  	_ =	swait.ge [sflag:s20], $0x200  }
0x443: {  	[sflag:s20] =	ssyncset.done $0x0  }
0x444: {  	[sflag:s20] =	ssyncadd.s32 $0xFFFFFE00  }
.LBB2_6:
0x445: {  	s1 =	sadd.s32 $0x2, s26  }
0x446: {  	s2 =	sshll.u32 s1, $0x6;
	s1 =	sshll.u32 s1, $0x5  }
0x447: {  	s2 =	sadd.s32 s5, s2;
	s1 =	sand.u32 $0x40, s1  }
0x448: {  	s2 =	sand.u32 $0xFFF00, s2;
	s1 =	sadd.s32 s0, s1  }
.Ltmp5:
0x449: {  	s1 =	sadd.s32 s2, s1;
	(pc) =	sbr.rel @p0 .LBB2_8-.Ltmp5, $4  }
0x44a: {  	[tilespmem:s15], [sflag:$0x1] =	stream.strided.gather [hbm4b:s1+s13], $0x200, s14, s13, $0x38;
	[tilespmem:$0x19680] =	vst v63  }
0x44b: {  	_ =	swait.ge [sflag:s20], $0x200  }
0x44c: {  	[sflag:s20] =	ssyncset.done $0x0  }
0x44d: {  	[sflag:s20] =	ssyncadd.s32 $0xFFFFFE00  }
.LBB2_7:
0x44e: {  	_ =	swait.ge [sflag:s21], $0xC800  }
0x44f: {  	[sflag:s21] =	ssyncset.done $0x0  }
0x450: {  	[sflag:s21] =	ssyncadd.s32 $0xFFFF3800  }
.LBB2_8:
0x451: {  	s1 =	simm.s32 $0x40  }
0x452: {  	s30 =	simm.s32 $0x0;
	s29 =	simm.s32 $0x10;
	s11 =	simm.s32 $0x20;
	v0 =	vmov s1;
	v18 =	vor.u32 s1, v49;
	v19 =	vor.u32 s1, v54  }
0x453: {  	s2 =	simm.s32 $0x30;
	v17 =	vor.u32 s30, v49;
	v1 =	vmov s29;
	v7 =	vmov s11  }
0x454: {  	v8 =	vmov s2;
	v24 =	vor.u32 s29, v49;
	v0 =	vmulhi.u32 $0x51EB851F, v0  }
0x455: {  	v12 =	vmov s30;
	v45 =	vor.u32 s11, v49;
	v1 =	vmulhi.u32 $0x51EB851F, v1  }
0x456: {  	v51 =	vor.u32 s2, v49;
	v5 =	vmul.u32 $0xC28F5C29, v17;
	v7 =	vmulhi.u32 $0x51EB851F, v7  }
0x457: {  	v20 =	vor.u32 s29, v54;
	v8 =	vmulhi.u32 $0x51EB851F, v8;
	vm0 =	veq.s32 v12, v49  }
0x458: {  	v9 =	vshrl.u32 v0, $0x6;
	v10 =	vshll.u32 v5, $0x1D;
	v5 =	vshrl.u32 v5, $0x3  }
0x459: {  	v15 =	vshrl.u32 v8, $0x6;
	v30 =	vshll.u32 v1, $0x2;
	v31 =	vshll.u32 v7, $0x2  }
0x45a: {  	v32 =	vshll.u32 v8, $0x2;
	v33 =	vshll.u32 v0, $0x2;
	v8 =	vshll.u32 v8, $0x1  }
0x45b: {  	v35 =	vshll.u32 v0, $0x1;
	v5 =	vor.u32 v10, v5;
	v10 =	vmulhi.u32 $0x51EB851F, v12  }
0x45c: {  	v12 =	vshrl.u32 v7, $0x6;
	v29 =	vmul.u32 $0xFFFFFF38, v15;
	v26 =	vmul.u32 $0xFFFFFF38, v9  }
0x45d: {  	v38 =	vand.u32 $0x7FFFFE00, v30;
	v36 =	vand.u32 $0x7FFFFE00, v31;
	v34 =	vand.u32 $0x7FFFFE00, v32  }
0x45e: {  	v32 =	vand.u32 $0x7FFFFE00, v33;
	v7 =	vshll.u32 v7, $0x1;
	v31 =	vand.u32 $0x80, v8  }
0x45f: {  	v35 =	vand.u32 $0x80, v35;
	v9 =	vor.u32 s11, v60;
	vm1 =	vgt.u32 v5, $0x147AE14  }
0x460: {  	v5 =	vshrl.u32 v1, $0x6;
	v25 =	vmul.u32 $0xFFFFFF38, v12;
	v1 =	vshll.u32 v1, $0x1  }
0x461: {  	v30 =	vand.u32 $0x80, v7;
	vm0 =	vmand vm0, vm1;
	v13 =	vshrl.u32 v10, $0x6  }
0x462: {  	v28 =	vmul.u32 $0xFFFFFF38, v5;
	v16 =	vadd.s32 v51, v29;
	v23 =	vadd.s32 v18, v26  }
0x463: {  	[tilespmem:$0x1F9E0] =	vst v18;
	v33 =	vand.u32 $0x80, v1;
	v18 =	vor.u32 s30, v54;
	v8 =	vshll.u32 v10, $0x2  }
0x464: {  	v10 =	vshll.u32 v10, $0x1;
	v14 =	vsel vm0, $0xFFFFFFFF, v2;
	v15 =	vadd.s32 v45, v25  }
0x465: {  	v37 =	vmul.u32 $0xFFFFFF38, v13;
	v39 =	vand.u32 $0x200, v8;
	v40 =	vand.u32 $0x80, v10  }
0x466: {  	[tilespmem:$0x1FA40] =	vst v19;
	v10 =	vadd.s32 v19, v26;
	v19 =	vor.u32 s30, v3;
	v14 =	vadd.s32 v14, v13  }
0x467: {  	v12 =	vadd.s32 v24, v28;
	v27 =	vshll.u32 v15, $0x1;
	v15 =	vand.u32 $0x79, v15  }
0x468: {  	v52 =	vshll.u32 v10, $0x1;
	v10 =	vand.u32 $0x7B, v10;
	v13 =	vor.u32 s30, v6  }
0x469: {  	v5 =	vmul.u32 $0xFFFFFF38, v14;
	v21 =	vshll.u32 v14, $0x8;
	v14 =	vshll.u32 v14, $0x7  }
0x46a: {  	v27 =	vand.u32 $0xFFFFFF00, v27;
	v7 =	vadd.s32 v18, v37;
	v53 =	vadd.s32 v19, v37  }
0x46b: {  	v21 =	vand.u32 $0xFFFFFE00, v21;
	v14 =	vand.u32 $0x80, v14;
	v27 =	vadd.s32 v36, v27  }
0x46c: {  	v5 =	vadd.s32 v17, v5;
	v15 =	vor.u32 v15, v27;
	v27 =	vand.u32 $0xFFFFFF00, v52  }
0x46d: {  	v22 =	vshll.u32 v5, $0x1;
	v5 =	vand.u32 $0x79, v5;
	v27 =	vadd.s32 v32, v27  }
0x46e: {  	v22 =	vand.u32 $0xFFFFFF00, v22;
	v42 =	vor.u32 v10, v27;
	v27 =	vor.u32 s2, v3  }
0x46f: {  	v21 =	vadd.s32 v21, v22;
	v22 =	vshll.u32 v12, $0x1;
	v12 =	vand.u32 $0x79, v12  }
0x470: {  	v56 =	vadd.s32 v27, v29;
	v14 =	vor.u32 v14, v21;
	v22 =	vand.u32 $0xFFFFFF00, v22  }
0x471: {  	v46 =	vshll.u32 v56, $0x1;
	v21 =	vor.u32 v5, v14;
	v5 =	vshll.u32 v16, $0x1  }
0x472: {  	v14 =	vshll.u32 v23, $0x1;
	v22 =	vadd.s32 v38, v22;
	v16 =	vand.u32 $0x79, v16  }
0x473: {  	v23 =	vand.u32 $0x79, v23;
	v46 =	vand.u32 $0xFFFFFF00, v46;
	v5 =	vand.u32 $0xFFFFFF00, v5  }
0x474: {  	v14 =	vand.u32 $0xFFFFFF00, v14;
	v12 =	vor.u32 v12, v22;
	v22 =	vor.u32 s2, v54  }
0x475: {  	v46 =	vadd.s32 v34, v46;
	v5 =	vadd.s32 v34, v5;
	v14 =	vadd.s32 v32, v14  }
0x476: {  	v0 =	vor.u32 v33, v12;
	v12 =	vshll.u32 v7, $0x1;
	v7 =	vand.u32 $0x7B, v7  }
0x477: {  	v5 =	vor.u32 v16, v5;
	v1 =	vor.u32 v23, v14;
	[tilespmem:$0x1F970] =	vst v0;
	v0 =	vor.u32 v30, v15  }
0x478: {  	v23 =	vor.u32 s11, v54;
	[tilespmem:$0x1F990] =	vst v0;
	v0 =	vor.u32 v31, v5;
	v5 =	vand.u32 $0xFFFFFF00, v12  }
0x479: {  	v12 =	vor.u32 s29, v60;
	[tilespmem:$0x1F9A0] =	vst v0;
	v8 =	vadd.s32 v39, v5;
	v0 =	vor.u32 v35, v1  }
0x47a: {  	v1 =	vadd.s32 v20, v28;
	v7 =	vor.u32 v7, v8;
	v8 =	vadd.s32 v22, v29  }
0x47b: {  	v14 =	vshll.u32 v1, $0x1;
	v41 =	vand.u32 $0x7B, v1;
	v1 =	vor.u32 v35, v42  }
0x47c: {  	[tilespmem:$0x1F9B0] =	vst v0;
	v42 =	vand.u32 $0x7F, v56;
	v0 =	vor.u32 v40, v7;
	v7 =	vadd.s32 v23, v25  }
0x47d: {  	v16 =	vshll.u32 v8, $0x1;
	v14 =	vand.u32 $0xFFFFFF00, v14;
	v8 =	vand.u32 $0x7B, v8  }
0x47e: {  	v42 =	vor.u32 v42, v46;
	v46 =	vor.u32 s11, v58;
	v15 =	vshll.u32 v7, $0x1  }
0x47f: {  	v14 =	vadd.s32 v38, v14;
	v16 =	vand.u32 $0xFFFFFF00, v16;
	v7 =	vand.u32 $0x7B, v7  }
0x480: {  	v15 =	vand.u32 $0xFFFFFF00, v15;
	v16 =	vadd.s32 v34, v16;
	v14 =	vor.u32 v41, v14  }
0x481: {  	[tilespmem:$0x1F980] =	vst v0;
	v15 =	vadd.s32 v36, v15;
	v8 =	vor.u32 v8, v16;
	v0 =	vor.u32 v33, v14  }
0x482: {  	v14 =	vor.u32 s30, v58;
	v7 =	vor.u32 v7, v15;
	v15 =	vshll.u32 v53, $0x1  }
0x483: {  	v16 =	vor.u32 s29, v3;
	v52 =	vadd.s32 v14, v37;
	v10 =	vand.u32 $0xFFFFFF00, v15  }
0x484: {  	[tilespmem:$0x1F9C0] =	vst v0;
	v0 =	vor.u32 v30, v7;
	v7 =	vand.u32 $0x7F, v53;
	v53 =	vor.u32 s1, v3  }
0x485: {  	v56 =	vshll.u32 v52, $0x1;
	v52 =	vand.u32 $0x7F, v52;
	v15 =	vor.u32 s30, v59  }
0x486: {  	[tilespmem:$0x1F9F0] =	vst v0;
	v10 =	vadd.s32 v39, v10;
	v0 =	vor.u32 v31, v8;
	v8 =	vadd.s32 v16, v28  }
0x487: {  	v44 =	vadd.s32 v53, v26;
	v56 =	vand.u32 $0xFFFFFF00, v56;
	v37 =	vadd.s32 v15, v37  }
0x488: {  	v7 =	vor.u32 v7, v10;
	v47 =	vshll.u32 v44, $0x1;
	v44 =	vand.u32 $0x7F, v44  }
0x489: {  	[tilespmem:$0x1FA00] =	vst v0;
	v10 =	vor.u32 s2, v60;
	v0 =	vor.u32 v40, v7;
	v7 =	vshll.u32 v8, $0x1  }
0x48a: {  	v47 =	vand.u32 $0xFFFFFF00, v47;
	v8 =	vand.u32 $0x7F, v8;
	[tilespmem:$0x1F9D0] =	vst v0;
	v0 =	vor.u32 s11, v3  }
0x48b: {  	v7 =	vand.u32 $0xFFFFFF00, v7;
	v47 =	vadd.s32 v32, v47;
	v41 =	vadd.s32 v0, v25  }
0x48c: {  	v48 =	vadd.s32 v38, v7;
	v44 =	vor.u32 v44, v47;
	v43 =	vshll.u32 v41, $0x1  }
0x48d: {  	v47 =	vor.u32 s1, v58;
	v41 =	vand.u32 $0x7F, v41;
	v43 =	vand.u32 $0xFFFFFF00, v43  }
0x48e: {  	v8 =	vor.u32 v8, v48;
	v48 =	vadd.s32 v39, v56;
	v43 =	vadd.s32 v36, v43  }
0x48f: {  	[tilespmem:$0x1FA10] =	vst v1;
	v7 =	vor.u32 s1, v59;
	v41 =	vor.u32 v41, v43;
	v43 =	vor.u32 v52, v48  }
0x490: {  	[tilespmem:$0x1FA80] =	vst v0;
	v48 =	vor.u32 v35, v44;
	v44 =	vadd.s32 v47, v26;
	v0 =	vor.u32 v40, v43  }
0x491: {  	v52 =	vor.u32 s29, v58;
	v1 =	vshll.u32 v44, $0x1;
	[tilespmem:$0x1FA20] =	vst v0;
	v0 =	vor.u32 v33, v8  }
0x492: {  	v44 =	vand.u32 $0x7F, v44;
	[tilespmem:$0x1FA30] =	vst v0;
	v0 =	vor.u32 v30, v41;
	v41 =	vadd.s32 v52, v28  }
0x493: {  	[tilespmem:$0x1FA50] =	vst v0;
	v0 =	vor.u32 v31, v42;
	v42 =	vadd.s32 v46, v25;
	v8 =	vshll.u32 v41, $0x1  }
0x494: {  	v41 =	vand.u32 $0x7F, v41;
	[tilespmem:$0x1FA60] =	vst v0;
	v0 =	vor.u32 s2, v58;
	v56 =	vshll.u32 v42, $0x1  }
0x495: {  	v8 =	vand.u32 $0xFFFFFF00, v8;
	v42 =	vand.u32 $0x7F, v42;
	v43 =	vadd.s32 v0, v29  }
0x496: {  	[tilespmem:$0x1FAD0] =	vst v0;
	v56 =	vand.u32 $0xFFFFFF00, v56;
	v8 =	vadd.s32 v38, v8;
	v0 =	vshll.u32 v43, $0x1  }
0x497: {  	v56 =	vadd.s32 v36, v56;
	v5 =	vand.u32 $0xFFFFFF00, v0;
	v0 =	vand.u32 $0xFFFFFF00, v1  }
0x498: {  	v43 =	vand.u32 $0x7F, v43;
	v1 =	vadd.s32 v32, v0;
	v0 =	vshll.u32 v37, $0x1  }
0x499: {  	v8 =	vor.u32 v41, v8;
	v41 =	vor.u32 s2, v59;
	v0 =	vand.u32 $0xFFFFFF00, v0  }
0x49a: {  	v5 =	vadd.s32 v34, v5;
	v37 =	vand.u32 $0x7F, v37;
	v0 =	vadd.s32 v39, v0  }
0x49b: {  	v56 =	vor.u32 v42, v56;
	v5 =	vor.u32 v43, v5;
	v0 =	vor.u32 v37, v0  }
0x49c: {  	v1 =	vor.u32 v44, v1;
	v44 =	vor.u32 s29, v59;
	v0 =	vor.u32 v40, v0  }
0x49d: {  	v37 =	vor.u32 v33, v8;
	v40 =	vor.u32 s11, v59;
	[tilespmem:$0x1FA70] =	vst v0;
	v0 =	vor.u32 v30, v56  }
0x49e: {  	v56 =	vor.u32 s30, v60;
	[tilespmem:$0x1FA90] =	vst v0;
	v0 =	vor.u32 v31, v5;
	v5 =	vadd.s32 v41, v29  }
0x49f: {  	v8 =	vmulhi.u32 $0x51EB851F, v56;
	[tilespmem:$0x1FAA0] =	vst v0;
	v0 =	vor.u32 v35, v1;
	v1 =	vadd.s32 v40, v25  }
0x4a0: {  	v25 =	vadd.s32 v7, v26;
	v29 =	vshll.u32 v5, $0x1;
	v5 =	vand.u32 $0x7F, v5  }
0x4a1: {  	[tilespmem:$0x1FAB0] =	vst v0;
	v0 =	vadd.s32 v44, v28;
	v28 =	vshll.u32 v1, $0x1;
	v42 =	vshrl.u32 v8, $0x6  }
0x4a2: {  	v43 =	vshll.u32 v25, $0x1;
	v29 =	vand.u32 $0xFFFFFF00, v29;
	v1 =	vand.u32 $0x7F, v1  }
0x4a3: {  	v39 =	vshll.u32 v0, $0x1;
	v28 =	vand.u32 $0xFFFFFF00, v28;
	v0 =	vand.u32 $0x7F, v0  }
0x4a4: {  	v29 =	vadd.s32 v34, v29;
	v26 =	vand.u32 $0xFFFFFF00, v39;
	v39 =	vmul.u32 $0xFFFFFF38, v42  }
0x4a5: {  	v28 =	vadd.s32 v36, v28;
	v5 =	vor.u32 v5, v29;
	v29 =	vmulhi.u32 $0x51EB851F, v13  }
0x4a6: {  	v26 =	vadd.s32 v38, v26;
	v38 =	vand.u32 $0xFFFFFF00, v43;
	v43 =	vshll.u32 v8, $0x2  }
0x4a7: {  	v8 =	vshll.u32 v8, $0x1;
	v1 =	vor.u32 v1, v28;
	v42 =	vadd.s32 v56, v39  }
0x4a8: {  	v34 =	vand.u32 $0x7FFFFE00, v43;
	v32 =	vadd.s32 v32, v38;
	v43 =	vor.u32 s30, v61  }
0x4a9: {  	v0 =	vor.u32 v0, v26;
	v1 =	vor.u32 v30, v1;
	v39 =	vshll.u32 v42, $0x1  }
0x4aa: {  	v36 =	vand.u32 $0x79, v42;
	v42 =	vmulhi.u32 $0x51EB851F, v43;
	v39 =	vand.u32 $0xFFFFFF00, v39  }
0x4ab: {  	v8 =	vand.u32 $0x80, v8;
	v0 =	vor.u32 v33, v0;
	[tilespmem:$0x1FAF0] =	vst v1;
	v34 =	vadd.s32 v34, v39  }
0x4ac: {  	v1 =	vor.u32 v31, v5;
	[tilespmem:$0x1FAE0] =	vst v0;
	v0 =	vshrl.u32 v42, $0x6;
	v8 =	vor.u32 v8, v34  }
0x4ad: {  	[tilespmem:$0x1FB40] =	vst v7;
	v5 =	vmulhi.u32 $0x51EB851F, v9;
	v0 =	vmul.u32 $0xFFFFFF38, v0;
	v7 =	vor.u32 v36, v8  }
0x4ae: {  	v8 =	vand.u32 $0x7F, v25;
	v25 =	vshll.u32 v42, $0x1;
	v36 =	vshrl.u32 v29, $0x6  }
0x4af: {  	[tilespmem:$0x1FAC0] =	vst v7;
	v8 =	vor.u32 v8, v32;
	v7 =	vor.u32 s1, v60;
	v0 =	vadd.s32 v43, v0  }
0x4b0: {  	[tilespmem:$0x1FB00] =	vst v1;
	v25 =	vand.u32 $0x80, v25;
	v1 =	vor.u32 v35, v8;
	v8 =	vshll.u32 v42, $0x2  }
0x4b1: {  	v32 =	vshll.u32 v0, $0x1;
	v35 =	vshrl.u32 v5, $0x6;
	v30 =	vmulhi.u32 $0x51EB851F, v7  }
0x4b2: {  	[tilespmem:$0x1FB10] =	vst v1;
	v1 =	vmulhi.u32 $0x51EB851F, v12;
	v8 =	vand.u32 $0x7FFFFE00, v8;
	v26 =	vand.u32 $0xFFFFFF00, v32  }
0x4b3: {  	v0 =	vand.u32 $0x7B, v0;
	v28 =	vmul.u32 $0xFFFFFF38, v35;
	v8 =	vadd.s32 v8, v26  }
0x4b4: {  	v39 =	vshrl.u32 v30, $0x6;
	v33 =	vshrl.u32 v1, $0x6;
	v8 =	vor.u32 v25, v8  }
0x4b5: {  	v25 =	vmulhi.u32 $0x51EB851F, v10;
	v32 =	vmul.u32 $0xFFFFFF38, v39;
	v39 =	vshll.u32 v29, $0x2  }
0x4b6: {  	v29 =	vshll.u32 v29, $0x1;
	v34 =	vmul.u32 $0xFFFFFF38, v33;
	v0 =	vor.u32 v0, v8  }
0x4b7: {  	v35 =	vshll.u32 v5, $0x2;
	v29 =	vand.u32 $0x80, v29;
	[tilespmem:$0x1FB20] =	vst v0;
	v0 =	vshll.u32 v1, $0x2  }
0x4b8: {  	v38 =	vshrl.u32 v25, $0x6;
	v1 =	vshll.u32 v1, $0x1;
	v26 =	vadd.s32 v12, v34  }
0x4b9: {  	v0 =	vand.u32 $0x7FFFFE00, v0;
	v31 =	vmul.u32 $0xFFFFFF38, v38;
	v34 =	vand.u32 $0x7FFFFE00, v39  }
0x4ba: {  	[tilespmem:$0x1FB90] =	vst v12;
	v12 =	vmovc v7;
	v38 =	vshll.u32 v30, $0x2;
	v1 =	vand.u32 $0x80, v1;
	v8 =	vshll.u32 v26, $0x1  }
0x4bb: {  	v32 =	vadd.s32 v12, v32;
	v26 =	vand.u32 $0x79, v26;
	v12 =	vor.u32 s29, v61  }
0x4bc: {  	[tilespmem:$0x1FBC0] =	vst v10;
	v8 =	vand.u32 $0xFFFFFF00, v8;
	v31 =	vadd.s32 v10, v31;
	v10 =	vor.u32 s2, v61  }
0x4bd: {  	[tilespmem:$0x1FBF0] =	vst v7;
	v7 =	vadd.s32 v0, v8;
	v8 =	vadd.s32 v9, v28;
	v28 =	vmul.u32 $0xFFFFFF38, v36  }
0x4be: {  	[tilespmem:$0x1FBB0] =	vst v9;
	v36 =	vand.u32 $0x7FFFFE00, v35;
	v35 =	vshll.u32 v31, $0x1;
	v9 =	vor.u32 s30, v62  }
0x4bf: {  	v42 =	vshll.u32 v8, $0x1;
	v39 =	vmulhi.u32 $0x51EB851F, v9;
	v28 =	vadd.s32 v13, v28  }
0x4c0: {  	v8 =	vand.u32 $0x79, v8;
	v33 =	vand.u32 $0xFFFFFF00, v42;
	v0 =	vshll.u32 v28, $0x1  }
0x4c1: {  	v33 =	vadd.s32 v36, v33;
	v36 =	vand.u32 $0xFFFFFF00, v35;
	v0 =	vand.u32 $0xFFFFFF00, v0  }
0x4c2: {  	v35 =	vshll.u32 v32, $0x1;
	v0 =	vadd.s32 v34, v0;
	v34 =	vshll.u32 v25, $0x2  }
0x4c3: {  	v28 =	vand.u32 $0x7F, v28;
	v42 =	vand.u32 $0x7FFFFE00, v34;
	v0 =	vor.u32 v29, v0  }
0x4c4: {  	v29 =	vand.u32 $0xFFFFFF00, v35;
	v36 =	vadd.s32 v42, v36;
	v42 =	vand.u32 $0x7FFFFE00, v38  }
0x4c5: {  	[tilespmem:$0x1FBE0] =	vst v13;
	v13 =	vor.u32 s1, v61;
	v0 =	vor.u32 v28, v0;
	v29 =	vadd.s32 v42, v29  }
0x4c6: {  	[tilespmem:$0x1FB80] =	vst v0;
	v0 =	vor.u32 v1, v7;
	v1 =	vshll.u32 v5, $0x1;
	v5 =	vshll.u32 v25, $0x1  }
0x4c7: {  	v7 =	vshll.u32 v30, $0x1;
	v42 =	vshrl.u32 v39, $0x6;
	v1 =	vand.u32 $0x80, v1  }
0x4c8: {  	v5 =	vand.u32 $0x80, v5;
	v7 =	vand.u32 $0x80, v7;
	v28 =	vmul.u32 $0xFFFFFF38, v42  }
0x4c9: {  	v0 =	vor.u32 v26, v0;
	v26 =	vmulhi.u32 $0x51EB851F, v10;
	v1 =	vor.u32 v1, v33  }
0x4ca: {  	[tilespmem:$0x1FD30] =	vst v9;
	v5 =	vor.u32 v5, v36;
	v7 =	vor.u32 v7, v29;
	v29 =	vmulhi.u32 $0x51EB851F, v13  }
0x4cb: {  	[tilespmem:$0x1FB30] =	vst v0;
	v0 =	vor.u32 v8, v1;
	v1 =	vadd.s32 v9, v28;
	v34 =	vshrl.u32 v26, $0x6  }
0x4cc: {  	v9 =	vmulhi.u32 $0x51EB851F, v12;
	[tilespmem:$0x1FB50] =	vst v0;
	v0 =	vand.u32 $0x79, v31;
	v28 =	vmul.u32 $0xFFFFFF38, v34  }
0x4cd: {  	v38 =	vshrl.u32 v29, $0x6;
	v0 =	vor.u32 v0, v5;
	v5 =	vshll.u32 v1, $0x1  }
0x4ce: {  	v1 =	vand.u32 $0x7F, v1;
	v35 =	vshll.u32 v9, $0x2;
	[tilespmem:$0x1FB60] =	vst v0;
	v0 =	vand.u32 $0x79, v32  }
0x4cf: {  	v5 =	vand.u32 $0xFFFFFF00, v5;
	v32 =	vshrl.u32 v9, $0x6;
	v0 =	vor.u32 v0, v7  }
0x4d0: {  	v30 =	vand.u32 $0x7FFFFE00, v35;
	v28 =	vadd.s32 v10, v28;
	[tilespmem:$0x1FBA0] =	vst v0;
	v0 =	vshll.u32 v39, $0x2  }
0x4d1: {  	v35 =	vor.u32 s29, v6;
	v7 =	vshll.u32 v39, $0x1;
	v0 =	vand.u32 $0x7FFFFE00, v0  }
0x4d2: {  	v7 =	vand.u32 $0x80, v7;
	v0 =	vadd.s32 v0, v5;
	v5 =	vor.u32 s11, v61  }
0x4d3: {  	v8 =	vmulhi.u32 $0x51EB851F, v5;
	v0 =	vor.u32 v7, v0;
	v7 =	vmul.u32 $0xFFFFFF38, v32  }
0x4d4: {  	v42 =	vshll.u32 v28, $0x1;
	v0 =	vor.u32 v1, v0;
	v1 =	vmul.u32 $0xFFFFFF38, v38  }
0x4d5: {  	[tilespmem:$0x1FC40] =	vst v12;
	v33 =	vshrl.u32 v8, $0x6;
	v12 =	vadd.s32 v12, v7;
	v38 =	vshll.u32 v8, $0x2  }
0x4d6: {  	[tilespmem:$0x1FCB0] =	vst v0;
	v0 =	vshll.u32 v26, $0x2;
	v25 =	vmul.u32 $0xFFFFFF38, v33;
	v36 =	vshll.u32 v12, $0x1  }
0x4d7: {  	[tilespmem:$0x1FC90] =	vst v10;
	v33 =	vand.u32 $0x7FFFFE00, v38;
	v0 =	vand.u32 $0x7FFFFE00, v0;
	v38 =	vor.u32 s2, v6  }
0x4d8: {  	[tilespmem:$0x1FC80] =	vst v5;
	v7 =	vmovc v13;
	v31 =	vand.u32 $0xFFFFFF00, v36;
	v25 =	vadd.s32 v5, v25;
	v5 =	vor.u32 s30, v63  }
0x4d9: {  	[tilespmem:$0x1FCA0] =	vst v13;
	v13 =	vadd.s32 v30, v31;
	v10 =	vadd.s32 v7, v1;
	v36 =	vmulhi.u32 $0x51EB851F, v5  }
0x4da: {  	v31 =	vand.u32 $0xFFFFFF00, v42;
	v42 =	vshll.u32 v29, $0x2;
	v39 =	vshll.u32 v25, $0x1  }
0x4db: {  	v7 =	vadd.s32 v0, v31;
	v30 =	vand.u32 $0xFFFFFF00, v39;
	v1 =	vshrl.u32 v36, $0x6  }
0x4dc: {  	v39 =	vshll.u32 v10, $0x1;
	v30 =	vadd.s32 v33, v30;
	v1 =	vmul.u32 $0xFFFFFF38, v1  }
0x4dd: {  	v31 =	vand.u32 $0xFFFFFF00, v39;
	v33 =	vand.u32 $0x7FFFFE00, v42;
	v0 =	vshll.u32 v36, $0x2  }
0x4de: {  	v32 =	vshll.u32 v36, $0x1;
	v36 =	vor.u32 s11, v6;
	v1 =	vadd.s32 v5, v1  }
0x4df: {  	[tilespmem:$0x1FE00] =	vst v5;
	v39 =	vor.u32 s1, v6;
	v0 =	vand.u32 $0x7FFFFE00, v0;
	v5 =	vshll.u32 v1, $0x1  }
0x4e0: {  	v31 =	vadd.s32 v33, v31;
	v42 =	vmulhi.u32 $0x51EB851F, v39;
	v5 =	vand.u32 $0xFFFFFF00, v5  }
0x4e1: {  	v1 =	vand.u32 $0x7F, v1;
	v0 =	vadd.s32 v0, v5;
	v5 =	vand.u32 $0x80, v32  }
0x4e2: {  	v0 =	vor.u32 v5, v0;
	v5 =	vshll.u32 v9, $0x1;
	v9 =	vand.u32 $0x7B, v12  }
0x4e3: {  	v12 =	vand.u32 $0x7B, v25;
	v0 =	vor.u32 v1, v0;
	v1 =	vand.u32 $0x80, v5  }
0x4e4: {  	v5 =	vshll.u32 v26, $0x1;
	[tilespmem:$0x1FDB0] =	vst v0;
	v0 =	vshll.u32 v8, $0x1;
	v1 =	vor.u32 v1, v13  }
0x4e5: {  	v8 =	vshll.u32 v29, $0x1;
	v5 =	vand.u32 $0x80, v5;
	v13 =	vmulhi.u32 $0x51EB851F, v36  }
0x4e6: {  	v0 =	vand.u32 $0x80, v0;
	v5 =	vor.u32 v5, v7;
	v7 =	vand.u32 $0x80, v8  }
0x4e7: {  	v8 =	vmulhi.u32 $0x51EB851F, v35;
	v1 =	vor.u32 v9, v1;
	v0 =	vor.u32 v0, v30  }
0x4e8: {  	v7 =	vor.u32 v7, v31;
	[tilespmem:$0x1FBD0] =	vst v1;
	v1 =	vand.u32 $0x7B, v28;
	v9 =	vshrl.u32 v13, $0x6  }
0x4e9: {  	v32 =	vshll.u32 v13, $0x2;
	v13 =	vshll.u32 v13, $0x1;
	v0 =	vor.u32 v12, v0  }
0x4ea: {  	v1 =	vor.u32 v1, v5;
	v5 =	vmul.u32 $0xFFFFFF38, v9;
	v9 =	vshll.u32 v8, $0x2;
	[tilespmem:$0x1FC20] =	vst v0  }
0x4eb: {  	v26 =	vand.u32 $0x7FFFFE00, v32;
	v0 =	vshrl.u32 v8, $0x6;
	[tilespmem:$0x1FC30] =	vst v1;
	v1 =	vand.u32 $0x7B, v10  }
0x4ec: {  	v10 =	vmulhi.u32 $0x51EB851F, v38;
	v9 =	vand.u32 $0x7FFFFE00, v9;
	v8 =	vshll.u32 v8, $0x1  }
0x4ed: {  	v0 =	vmul.u32 $0xFFFFFF38, v0;
	v1 =	vor.u32 v1, v7;
	v5 =	vadd.s32 v36, v5  }
0x4ee: {  	[tilespmem:$0x1FD70] =	vst v36;
	v36 =	vshll.u32 v42, $0x2;
	v8 =	vand.u32 $0x80, v8;
	v7 =	vshrl.u32 v10, $0x6  }
0x4ef: {  	v34 =	vshll.u32 v10, $0x2;
	v0 =	vadd.s32 v35, v0;
	v7 =	vmul.u32 $0xFFFFFF38, v7  }
0x4f0: {  	[tilespmem:$0x1FD50] =	vst v35;
	v29 =	vand.u32 $0x7FFFFE00, v36;
	v28 =	vand.u32 $0x7FFFFE00, v34;
	v12 =	vshll.u32 v0, $0x1  }
0x4f1: {  	[tilespmem:$0x1FD80] =	vst v38;
	v0 =	vand.u32 $0x7F, v0;
	v12 =	vand.u32 $0xFFFFFF00, v12;
	v7 =	vadd.s32 v38, v7  }
0x4f2: {  	[tilespmem:$0x1FC50] =	vst v1;
	v38 =	vor.u32 s11, v62;
	v1 =	vadd.s32 v9, v12;
	v9 =	vshrl.u32 v42, $0x6  }
0x4f3: {  	[tilespmem:$0x1FD90] =	vst v39;
	v12 =	vshll.u32 v5, $0x1;
	v33 =	vshll.u32 v7, $0x1;
	v9 =	vmul.u32 $0xFFFFFF38, v9  }
0x4f4: {  	v21 =	vld.idx.msk [tilespmem:v21+s16+$0x0], $0xffff;
	v12 =	vand.u32 $0xFFFFFF00, v12;
	v1 =	vor.u32 v8, v1;
	v8 =	vshll.u32 v10, $0x1  }
0x4f5: {  	v10 =	vand.u32 $0x80, v13;
	v12 =	vadd.s32 v26, v12;
	v26 =	vand.u32 $0xFFFFFF00, v33  }
0x4f6: {  	v8 =	vand.u32 $0x80, v8;
	v0 =	vor.u32 v0, v1;
	v1 =	vand.u32 $0x7F, v7  }
0x4f7: {  	v9 =	vadd.s32 v39, v9;
	v10 =	vor.u32 v10, v12;
	[tilespmem:$0x1FCC0] =	vst v0;
	v0 =	vand.u32 $0x7F, v5  }
0x4f8: {  	v26 =	vadd.s32 v28, v26;
	v12 =	vshll.u32 v42, $0x1;
	v0 =	vor.u32 v0, v10  }
0x4f9: {  	v39 =	vor.u32 s2, v62;
	v35 =	vshll.u32 v9, $0x1;
	[tilespmem:$0x1FCD0] =	vst v0;
	v0 =	vshll.u32 v21, $0x4  }
0x4fa: {  	[tilespmem:$0x1FE20] =	vst v38;
	v8 =	vor.u32 v8, v26;
	v28 =	vand.u32 $0xFFFFFF00, v35;
	v0 =	vor.u32 v50, v0  }
0x4fb: {  	v12 =	vand.u32 $0x80, v12;
	[tilespmem:$0x1FE30] =	vst v39;
	v1 =	vor.u32 v1, v8;
	v28 =	vadd.s32 v29, v28  }
0x4fc: {  	v21 =	vor.u32 s29, v62;
	[tilespmem:$0x1FCE0] =	vst v1;
	v1 =	vand.u32 $0x7F, v9;
	v12 =	vor.u32 v12, v28  }
0x4fd: {  	[tilespmem:$0x1FE10] =	vst v21;
	v1 =	vor.u32 v1, v12  }
0x4fe: {  	v7 =	vshll.u32 v17, $0x7;
	[tilespmem:$0x1FCF0] =	vst v1  }
0x4ff: {  	v7 =	vor.u32 v50, v7;
	v0 =	vld.idx.msk [tilespmem:v0+s18+$0x0], $0xffff  }
0x500: {  	v5 =	vmulhi.u32 $0x51EB851F, v21;
	_ =	sdelay $0x1  }
0x501: {  	v42 =	vor.u32 s1, v62;
	v8 =	vshrl.u32 v5, $0x6  }
0x502: {  	v1 =	vmulhi.u32 $0x51EB851F, v38;
	v8 =	vmul.u32 $0xFFFFFF38, v8;
	[tilespmem:$0x1FE40] =	vst v42  }
0x503: {  	v12 =	vmulhi.u32 $0x51EB851F, v42;
	[tilespmem:v7+s22+$0x0] =	vst.idx.msk $0xffff, v0  }
0x504: {  	v17 =	vshll.u32 v5, $0x2;
	v10 =	vshrl.u32 v1, $0x6;
	v8 =	vadd.s32 v21, v8;
	v0 =	vld [tilespmem:$0x1F970]  }
0x505: {  	v21 =	vshrl.u32 v12, $0x6;
	v10 =	vmul.u32 $0xFFFFFF38, v10;
	v32 =	vshll.u32 v8, $0x1;
	v34 =	vld [tilespmem:$0x1F980]  }
0x506: {  	v17 =	vand.u32 $0x7FFFFE00, v17;
	v21 =	vmul.u32 $0xFFFFFF38, v21;
	v25 =	vand.u32 $0xFFFFFF00, v32  }
0x507: {  	v17 =	vadd.s32 v17, v25;
	v10 =	vadd.s32 v38, v10  }
0x508: {  	v33 =	vshll.u32 v10, $0x1;
	v7 =	vadd.s32 v42, v21;
	v21 =	vshll.u32 v1, $0x2  }
0x509: {  	v25 =	vand.u32 $0xFFFFFF00, v33;
	v1 =	vshll.u32 v1, $0x1;
	v21 =	vand.u32 $0x7FFFFE00, v21  }
0x50a: {  	v9 =	vmulhi.u32 $0x51EB851F, v39;
	v1 =	vand.u32 $0x80, v1;
	v32 =	vld [tilespmem:$0x1F9A0];
	v21 =	vadd.s32 v21, v25  }
0x50b: {  	v1 =	vor.u32 v1, v21;
	v21 =	vld [tilespmem:$0x1F990]  }
0x50c: {  	v13 =	vshrl.u32 v9, $0x6;
	v0 =	vld.idx.msk [tilespmem:v0+s16+$0x0], $0xffff  }
0x50d: {  	v13 =	vmul.u32 $0xFFFFFF38, v13;
	v26 =	vld.idx.msk [tilespmem:v34+s16+$0x0], $0xffff  }
0x50e: {  	v5 =	vshll.u32 v5, $0x1  }
0x50f: {  	v5 =	vand.u32 $0x80, v5;
	v13 =	vadd.s32 v39, v13  }
0x510: {  	v39 =	vshll.u32 v9, $0x2;
	v9 =	vshll.u32 v9, $0x1;
	v35 =	vshll.u32 v13, $0x1  }
0x511: {  	v29 =	vand.u32 $0x7FFFFE00, v39;
	v36 =	vand.u32 $0xFFFFFF00, v35;
	v0 =	vshll.u32 v0, $0x4  }
0x512: {  	v5 =	vor.u32 v5, v17;
	v17 =	vshll.u32 v26, $0x4;
	v0 =	vor.u32 v50, v0  }
0x513: {  	v9 =	vand.u32 $0x80, v9;
	v25 =	vadd.s32 v29, v36;
	v17 =	vor.u32 v55, v17  }
0x514: {  	v8 =	vand.u32 $0x7F, v8;
	v33 =	vor.u32 s29, v63;
	v9 =	vor.u32 v9, v25;
	v25 =	vld.idx.msk [tilespmem:v32+s16+$0x0], $0xffff  }
0x515: {  	v5 =	vor.u32 v8, v5;
	v21 =	vld.idx.msk [tilespmem:v21+s16+$0x0], $0xffff;
	[tilespmem:$0x1FE50] =	vst v33  }
0x516: {  	[tilespmem:$0x1FDC0] =	vst v5  }
0x517: {  	v10 =	vand.u32 $0x7F, v10;
	v0 =	vld.idx.msk [tilespmem:v0+s18+$0x0], $0xffff  }
0x518: {  	v1 =	vor.u32 v10, v1;
	v17 =	vld.idx.msk [tilespmem:v17+s18+$0x0], $0xffff  }
0x519: {  	[tilespmem:$0x1FDD0] =	vst v1;
	v1 =	vld [tilespmem:$0x1F9B0];
	_ =	sdelay $0x2  }
0x51a: {  	v24 =	vshll.u32 v24, $0x7;
	v42 =	vshll.u32 v12, $0x2  }
0x51b: {  	v8 =	vshll.u32 v18, $0x7;
	v34 =	vmulhi.u32 $0x51EB851F, v33;
	v5 =	vor.u32 v50, v24  }
0x51c: {  	v12 =	vshll.u32 v12, $0x1;
	v38 =	vshll.u32 v7, $0x1;
	v8 =	vor.u32 v55, v8  }
0x51d: {  	v30 =	vand.u32 $0x7FFFFE00, v42;
	v10 =	vand.u32 $0x7F, v13;
	v18 =	vshrl.u32 v34, $0x6  }
0x51e: {  	v28 =	vand.u32 $0xFFFFFF00, v38;
	v9 =	vor.u32 v10, v9;
	v13 =	vmul.u32 $0xFFFFFF38, v18  }
0x51f: {  	v12 =	vand.u32 $0x80, v12;
	v28 =	vadd.s32 v30, v28;
	v1 =	vld.idx.msk [tilespmem:v1+s16+$0x0], $0xffff;
	[tilespmem:$0x1FDE0] =	vst v9  }
0x520: {  	v12 =	vor.u32 v12, v28;
	v13 =	vadd.s32 v33, v13;
	[tilespmem:v5+s22+$0x0] =	vst.idx.msk $0xffff, v0;
	v0 =	vand.u32 $0x7F, v7  }
0x521: {  	v5 =	vshll.u32 v34, $0x2;
	v7 =	vshll.u32 v13, $0x1;
	[tilespmem:v8+s22+$0x0] =	vst.idx.msk $0xffff, v17;
	v0 =	vor.u32 v0, v12  }
0x522: {  	v7 =	vand.u32 $0xFFFFFF00, v7;
	v5 =	vand.u32 $0x7FFFFE00, v5;
	[tilespmem:$0x1FDF0] =	vst v0;
	v0 =	vld [tilespmem:$0x1F9C0]  }
0x523: {  	v5 =	vadd.s32 v5, v7;
	v7 =	vld [tilespmem:$0x1F9D0];
	_ =	sdelay $0x2  }
0x524: {  	v9 =	vshll.u32 v21, $0x4  }
0x525: {  	v10 =	vshll.u32 v25, $0x4;
	v9 =	vor.u32 v50, v9  }
0x526: {  	v10 =	vor.u32 v50, v10  }
0x527: {  	v39 =	vld [tilespmem:$0x1F9E0]  }
0x528: {  	v36 =	vor.u32 s11, v63;
	v0 =	vld.idx.msk [tilespmem:v0+s16+$0x0], $0xffff  }
0x529: {  	v8 =	vshll.u32 v45, $0x7;
	v12 =	vmulhi.u32 $0x51EB851F, v36;
	v7 =	vld.idx.msk [tilespmem:v7+s16+$0x0], $0xffff;
	[tilespmem:$0x1FE60] =	vst v36  }
0x52a: {  	v17 =	vshll.u32 v51, $0x7;
	v8 =	vor.u32 v50, v8;
	v9 =	vld.idx.msk [tilespmem:v9+s18+$0x0], $0xffff  }
0x52b: {  	v17 =	vor.u32 v50, v17;
	v21 =	vshrl.u32 v12, $0x6;
	v10 =	vld.idx.msk [tilespmem:v10+s18+$0x0], $0xffff  }
0x52c: {  	v1 =	vshll.u32 v1, $0x4;
	v21 =	vmul.u32 $0xFFFFFF38, v21  }
0x52d: {  	v38 =	vor.u32 s2, v63;
	v45 =	vor.u32 s1, v63;
	v1 =	vor.u32 v50, v1  }
0x52e: {  	v28 =	vadd.s32 v36, v21;
	[tilespmem:$0x1FE70] =	vst v38;
	v0 =	vshll.u32 v0, $0x4;
	v7 =	vshll.u32 v7, $0x4  }
0x52f: {  	v24 =	vshll.u32 v39, $0x7;
	v0 =	vor.u32 v55, v0;
	v7 =	vor.u32 v57, v7;
	[tilespmem:v8+s22+$0x0] =	vst.idx.msk $0xffff, v9  }
0x530: {  	v8 =	vshll.u32 v12, $0x2;
	v9 =	vshll.u32 v28, $0x1;
	[tilespmem:v17+s22+$0x0] =	vst.idx.msk $0xffff, v10;
	v10 =	vmulhi.u32 $0x51EB851F, v45  }
0x531: {  	v17 =	vshll.u32 v20, $0x7;
	v9 =	vand.u32 $0xFFFFFF00, v9;
	v8 =	vand.u32 $0x7FFFFE00, v8;
	[tilespmem:$0x1FE80] =	vst v45;
	v20 =	vld [tilespmem:$0x1F9F0]  }
0x532: {  	v8 =	vadd.s32 v8, v9;
	v1 =	vld.idx.msk [tilespmem:v1+s18+$0x0], $0xffff;
	v9 =	vor.u32 v50, v24;
	v21 =	vshrl.u32 v10, $0x6  }
0x533: {  	v18 =	vmulhi.u32 $0x51EB851F, v38;
	v35 =	vld [tilespmem:$0x1FA00];
	v21 =	vmul.u32 $0xFFFFFF38, v21  }
0x534: {  	v19 =	vshll.u32 v19, $0x7;
	v17 =	vor.u32 v55, v17;
	v0 =	vld.idx.msk [tilespmem:v0+s18+$0x0], $0xffff  }
0x535: {  	v19 =	vor.u32 v57, v19;
	v42 =	vshrl.u32 v18, $0x6;
	v7 =	vld.idx.msk [tilespmem:v7+s18+$0x0], $0xffff;
	v39 =	vadd.s32 v45, v21  }
0x536: {  	v25 =	vmul.u32 $0xFFFFFF38, v42;
	v42 =	vshll.u32 v10, $0x2;
	v31 =	vshll.u32 v39, $0x1  }
0x537: {  	[tilespmem:v9+s22+$0x0] =	vst.idx.msk $0xffff, v1;
	v1 =	vand.u32 $0xFFFFFF00, v31;
	v9 =	vand.u32 $0x7FFFFE00, v42  }
0x538: {  	v1 =	vadd.s32 v9, v1;
	v9 =	vld [tilespmem:$0x1FA10]  }
0x539: {  	v12 =	vshll.u32 v12, $0x1;
	[tilespmem:v17+s22+$0x0] =	vst.idx.msk $0xffff, v0  }
0x53a: {  	v12 =	vand.u32 $0x80, v12;
	v20 =	vld.idx.msk [tilespmem:v20+s16+$0x0], $0xffff;
	[tilespmem:v19+s22+$0x0] =	vst.idx.msk $0xffff, v7  }
0x53b: {  	v8 =	vor.u32 v12, v8;
	v12 =	vld [tilespmem:$0x1FA20]  }
0x53c: {  	v51 =	vadd.s32 v38, v25;
	v25 =	vld.idx.msk [tilespmem:v35+s16+$0x0], $0xffff;
	_ =	sdelay $0x1  }
0x53d: {  	s31 =	simm.s32 $0x50  }
0x53e: {  	v21 =	vshll.u32 v34, $0x1;
	v34 =	vor.u32 s31, v49;
	v20 =	vshll.u32 v20, $0x4  }
0x53f: {  	v17 =	vmul.u32 $0xC28F5C29, v34;
	v0 =	vor.u32 v55, v20;
	v9 =	vld.idx.msk [tilespmem:v9+s16+$0x0], $0xffff  }
0x540: {  	v7 =	vshll.u32 v25, $0x4  }
0x541: {  	v19 =	vld [tilespmem:$0x1FA30];
	v7 =	vor.u32 v55, v7;
	v20 =	vshll.u32 v17, $0x1D;
	v17 =	vshrl.u32 v17, $0x3  }
0x542: {  	v17 =	vor.u32 v20, v17;
	v12 =	vld.idx.msk [tilespmem:v12+s16+$0x0], $0xffff  }
0x543: {  	vm14 =	vgt.u32 v17, $0x147AE14;
	v17 =	vshll.u32 v23, $0x7  }
0x544: {  	v17 =	vor.u32 v55, v17;
	v0 =	vld.idx.msk [tilespmem:v0+s18+$0x0], $0xffff;
	v9 =	vshll.u32 v9, $0x4  }
0x545: {  	v20 =	vshll.u32 v22, $0x7;
	v9 =	vor.u32 v55, v9  }
0x546: {  	v13 =	vand.u32 $0x7F, v13;
	v20 =	vor.u32 v55, v20;
	v7 =	vld.idx.msk [tilespmem:v7+s18+$0x0], $0xffff  }
0x547: {  	v10 =	vshll.u32 v10, $0x1;
	v21 =	vand.u32 $0x80, v21;
	v12 =	vshll.u32 v12, $0x4  }
0x548: {  	v10 =	vand.u32 $0x80, v10;
	v5 =	vor.u32 v21, v5;
	v21 =	vld [tilespmem:$0x1FA40];
	v12 =	vor.u32 v4, v12  }
0x549: {  	v19 =	vld.idx.msk [tilespmem:v19+s16+$0x0], $0xffff;
	[tilespmem:v17+s22+$0x0] =	vst.idx.msk $0xffff, v0;
	v0 =	vor.u32 v10, v1;
	v1 =	vor.u32 v13, v5  }
0x54a: {  	v9 =	vld.idx.msk [tilespmem:v9+s18+$0x0], $0xffff;
	[tilespmem:$0x1FE90] =	vst v1  }
0x54b: {  	[tilespmem:v20+s22+$0x0] =	vst.idx.msk $0xffff, v7  }
0x54c: {  	v36 =	vshll.u32 v18, $0x2;
	v1 =	vld [tilespmem:$0x1FA50]  }
0x54d: {  	v18 =	vshll.u32 v18, $0x1;
	v38 =	vshll.u32 v51, $0x1;
	v10 =	vld.idx.msk [tilespmem:v12+s18+$0x0], $0xffff;
	v12 =	vand.u32 $0x7F, v28  }
0x54e: {  	v29 =	vand.u32 $0x7FFFFE00, v36;
	v22 =	vshll.u32 v21, $0x7;
	v8 =	vor.u32 v12, v8;
	v12 =	vld [tilespmem:$0x1FA60]  }
0x54f: {  	v23 =	vor.u32 v55, v22;
	v22 =	vmov s31;
	v19 =	vshll.u32 v19, $0x4  }
0x550: {  	vm15 =	veq.s32 v22, v49;
	v33 =	vmulhi.u32 $0x51EB851F, v22;
	v19 =	vor.u32 v57, v19  }
0x551: {  	v18 =	vand.u32 $0x80, v18;
	v30 =	vand.u32 $0xFFFFFF00, v38;
	vm0 =	vmand vm15, vm14  }
0x552: {  	v5 =	vshll.u32 v14, $0x7;
	v17 =	vshrl.u32 v33, $0x6;
	v7 =	vsel vm0, $0xFFFFFFFF, v2  }
0x553: {  	v29 =	vadd.s32 v29, v30;
	v5 =	vor.u32 v4, v5;
	v7 =	vadd.s32 v7, v17  }
0x554: {  	v18 =	vor.u32 v18, v29;
	v14 =	vand.u32 $0x7F, v51;
	v13 =	vmul.u32 $0xFFFFFF38, v7;
	v1 =	vld.idx.msk [tilespmem:v1+s16+$0x0], $0xffff;
	[tilespmem:$0x1FEA0] =	vst v8  }
0x555: {  	v14 =	vor.u32 v14, v18;
	v8 =	vshll.u32 v16, $0x7;
	v16 =	vand.u32 $0x7F, v39;
	[tilespmem:v23+s22+$0x0] =	vst.idx.msk $0xffff, v9;
	v9 =	vld.idx.msk [tilespmem:v19+s18+$0x0], $0xffff  }
0x556: {  	v13 =	vadd.s32 v34, v13;
	v0 =	vor.u32 v16, v0;
	v12 =	vld.idx.msk [tilespmem:v12+s16+$0x0], $0xffff;
	[tilespmem:$0x1FEB0] =	vst v14  }
0x557: {  	v8 =	vor.u32 v57, v8;
	v16 =	vshll.u32 v13, $0x1;
	[tilespmem:$0x1FEC0] =	vst v0;
	v14 =	vshll.u32 v7, $0x8  }
0x558: {  	[tilespmem:v5+s22+$0x0] =	vst.idx.msk $0xffff, v10;
	v5 =	vand.u32 $0xFFFFFE00, v14;
	v10 =	vand.u32 $0xFFFFFF00, v16  }
0x559: {  	v5 =	vadd.s32 v5, v10;
	v10 =	vld [tilespmem:$0x1FA70]  }
0x55a: {  	v7 =	vshll.u32 v7, $0x7  }
0x55b: {  	v7 =	vand.u32 $0x80, v7  }
0x55c: {  	v5 =	vor.u32 v7, v5;
	[tilespmem:v8+s22+$0x0] =	vst.idx.msk $0xffff, v9;
	v8 =	vand.u32 $0x79, v13  }
0x55d: {  	v1 =	vshll.u32 v1, $0x4;
	v5 =	vor.u32 v8, v5;
	v8 =	vld [tilespmem:$0x1FA80]  }
0x55e: {  	v1 =	vor.u32 v57, v1;
	_ =	sdelay $0x2  }
0x55f: {  	v10 =	vld.idx.msk [tilespmem:v10+s16+$0x0], $0xffff  }
0x560: {  	v0 =	vld.idx.msk [tilespmem:v48+s16+$0x0], $0xffff;
	[tilespmem:$0x1FB70] =	vst v5;
	v8 =	vshll.u32 v8, $0x7  }
0x561: {  	v8 =	vor.u32 v57, v8;
	v18 =	vld.idx.msk [tilespmem:v1+s18+$0x0], $0xffff  }
0x562: {  	s2 =	simm.s32 $0x60  }
0x563: {  	v13 =	vmov s2;
	v7 =	vshll.u32 v12, $0x4  }
0x564: {  	s11 =	simm.s32 $0x70;
	v12 =	vshll.u32 v53, $0x7;
	v21 =	vmulhi.u32 $0x51EB851F, v13;
	v1 =	vshll.u32 v10, $0x4  }
0x565: {  	v10 =	vor.u32 v57, v12;
	v12 =	vor.u32 v11, v1;
	v1 =	vmov s11  }
0x566: {  	[tilespmem:v8+s22+$0x0] =	vst.idx.msk $0xffff, v18;
	v22 =	vmulhi.u32 $0x51EB851F, v1;
	v1 =	vshrl.u32 v21, $0x6  }
0x567: {  	v0 =	vshll.u32 v0, $0x4;
	v5 =	vor.u32 v57, v7;
	v48 =	vmul.u32 $0xFFFFFF38, v1;
	v1 =	vld [tilespmem:$0x1FA90]  }
0x568: {  	v0 =	vor.u32 v57, v0  }
0x569: {  	v7 =	vld.idx.msk [tilespmem:v37+s16+$0x0], $0xffff;
	_ =	sdelay $0x1  }
0x56a: {  	v9 =	vshll.u32 v27, $0x7  }
0x56b: {  	v9 =	vor.u32 v57, v9;
	v5 =	vld.idx.msk [tilespmem:v5+s18+$0x0], $0xffff  }
0x56c: {  	v0 =	vld.idx.msk [tilespmem:v0+s18+$0x0], $0xffff  }
0x56d: {  	v7 =	vshll.u32 v7, $0x4  }
0x56e: {  	v13 =	vor.u32 v4, v7;
	v7 =	vshll.u32 v15, $0x7;
	v19 =	vld.idx.msk [tilespmem:v1+s16+$0x0], $0xffff;
	v1 =	vor.u32 s11, v49  }
0x56f: {  	v15 =	vor.u32 v11, v7;
	v7 =	vshrl.u32 v22, $0x6;
	[tilespmem:$0x1FC60] =	vst v1  }
0x570: {  	v37 =	vmul.u32 $0xFFFFFF38, v7;
	[tilespmem:v9+s22+$0x0] =	vst.idx.msk $0xffff, v5  }
0x571: {  	[tilespmem:v10+s22+$0x0] =	vst.idx.msk $0xffff, v0  }
0x572: {  	v20 =	vadd.s32 v1, v37;
	v1 =	vld [tilespmem:$0x1FAB0]  }
0x573: {  	v0 =	vld [tilespmem:$0x1FAA0];
	_ =	sdelay $0x2  }
0x574: {  	v35 =	vor.u32 s2, v49;
	v5 =	vshll.u32 v21, $0x2  }
0x575: {  	s29 =	simm.s32 $0x80;
	v9 =	vld.idx.msk [tilespmem:v12+s18+$0x0], $0xffff;
	v10 =	vshll.u32 v22, $0x2;
	v51 =	vand.u32 $0x7FFFFE00, v5;
	v5 =	vshll.u32 v20, $0x1  }
0x576: {  	v8 =	vmov s29;
	v39 =	vand.u32 $0x7FFFFE00, v10;
	v32 =	vand.u32 $0xFFFFFF00, v5  }
0x577: {  	v18 =	vadd.s32 v35, v48;
	v20 =	vand.u32 $0x79, v20;
	v10 =	vadd.s32 v39, v32  }
0x578: {  	v27 =	vmulhi.u32 $0x51EB851F, v8;
	v8 =	vshll.u32 v18, $0x1;
	v45 =	vld.idx.msk [tilespmem:v1+s16+$0x0], $0xffff;
	v1 =	vor.u32 v20, v10  }
0x579: {  	v8 =	vand.u32 $0xFFFFFF00, v8;
	v0 =	vld.idx.msk [tilespmem:v0+s16+$0x0], $0xffff;
	[tilespmem:$0x1FC00] =	vst v1  }
0x57a: {  	v18 =	vand.u32 $0x79, v18;
	v8 =	vadd.s32 v51, v8;
	[tilespmem:v15+s22+$0x0] =	vst.idx.msk $0xffff, v9  }
0x57b: {  	v38 =	vor.u32 v18, v8;
	v8 =	vshrl.u32 v27, $0x6;
	v1 =	vld [tilespmem:$0x1FAC0]  }
0x57c: {  	v29 =	vmul.u32 $0xFFFFFF38, v8  }
0x57d: {  	v8 =	vshll.u32 v27, $0x2;
	v10 =	vshll.u32 v52, $0x7;
	v52 =	vor.u32 s29, v49  }
0x57e: {  	v30 =	vand.u32 $0x7FFFFE00, v8;
	v42 =	vadd.s32 v52, v29;
	v0 =	vshll.u32 v0, $0x4  }
0x57f: {  	v10 =	vor.u32 v4, v10;
	v13 =	vld.idx.msk [tilespmem:v13+s18+$0x0], $0xffff;
	v20 =	vor.u32 v4, v0;
	v0 =	vshll.u32 v42, $0x1  }
0x580: {  	s30 =	simm.s32 $0x90;
	v15 =	vshll.u32 v19, $0x4;
	v19 =	vshll.u32 v45, $0x4;
	v45 =	vand.u32 $0xFFFFFF00, v0  }
0x581: {  	v24 =	vand.u32 $0x79, v42;
	v0 =	vmov s30;
	v26 =	vadd.s32 v30, v45  }
0x582: {  	v16 =	vmulhi.u32 $0x51EB851F, v0;
	v0 =	vor.u32 v24, v26  }
0x583: {  	v18 =	vld.idx.msk [tilespmem:v1+s16+$0x0], $0xffff;
	[tilespmem:$0x1FC10] =	vst v0  }
0x584: {  	[tilespmem:v10+s22+$0x0] =	vst.idx.msk $0xffff, v13  }
0x585: {  	v0 =	vld [tilespmem:$0x1FAD0];
	_ =	sdelay $0x1  }
0x586: {  	v15 =	vor.u32 v4, v15;
	_ =	sdelay $0x2  }
0x587: {  	v10 =	vshll.u32 v0, $0x7;
	v0 =	vld [tilespmem:$0x1FAE0]  }
0x588: {  	v53 =	vshll.u32 v46, $0x7  }
0x589: {  	v24 =	vor.u32 v4, v53;
	v31 =	vld.idx.msk [tilespmem:v15+s18+$0x0], $0xffff  }
0x58a: {  	v20 =	vld.idx.msk [tilespmem:v20+s18+$0x0], $0xffff;
	v28 =	vor.u32 v4, v10;
	_ =	sdelay $0x3  }
0x58b: {  	[tilespmem:v24+s22+$0x0] =	vst.idx.msk $0xffff, v31  }
0x58c: {  	v19 =	vor.u32 v4, v19;
	[tilespmem:v28+s22+$0x0] =	vst.idx.msk $0xffff, v20;
	v36 =	vld.idx.msk [tilespmem:v0+s16+$0x0], $0xffff  }
0x58d: {  	v0 =	vld [tilespmem:$0x1FAF0]  }
0x58e: {  	v18 =	vshll.u32 v18, $0x4  }
0x58f: {  	v18 =	vor.u32 v50, v18  }
0x590: {  	v15 =	vshll.u32 v47, $0x7  }
0x591: {  	v47 =	vld.idx.msk [tilespmem:v19+s18+$0x0], $0xffff;
	v45 =	vor.u32 v4, v15;
	_ =	sdelay $0x2  }
0x592: {  	v1 =	vor.u32 s2, v54;
	v18 =	vld.idx.msk [tilespmem:v18+s18+$0x0], $0xffff  }
0x593: {  	v20 =	vld.idx.msk [tilespmem:v0+s16+$0x0], $0xffff;
	[tilespmem:$0x1FD00] =	vst v1  }
0x594: {  	[tilespmem:v45+s22+$0x0] =	vst.idx.msk $0xffff, v47  }
0x595: {  	v0 =	vld [tilespmem:$0x1FB00];
	_ =	sdelay $0x1  }
0x596: {  	v10 =	vshll.u32 v56, $0x7  }
0x597: {  	v53 =	vor.u32 v50, v10;
	_ =	sdelay $0x2  }
0x598: {  	v26 =	vshrl.u32 v16, $0x6  }
0x599: {  	v25 =	vmul.u32 $0xFFFFFF38, v26  }
0x59a: {  	v42 =	vor.u32 s30, v49;
	[tilespmem:v53+s22+$0x0] =	vst.idx.msk $0xffff, v18;
	v47 =	vld.idx.msk [tilespmem:v0+s16+$0x0], $0xffff  }
0x59b: {  	v56 =	vadd.s32 v42, v25;
	v0 =	vld [tilespmem:$0x1FB10]  }
0x59c: {  	v15 =	vshll.u32 v16, $0x2;
	v10 =	vshll.u32 v56, $0x1  }
0x59d: {  	v23 =	vmul.u32 $0xFFFFFF38, v17;
	v26 =	vand.u32 $0x7FFFFE00, v15;
	v19 =	vand.u32 $0xFFFFFF00, v10  }
0x59e: {  	v17 =	vadd.s32 v26, v19;
	v19 =	vand.u32 $0x79, v56;
	v56 =	vor.u32 s31, v54  }
0x59f: {  	v24 =	vor.u32 v19, v17;
	v31 =	vadd.s32 v56, v23  }
0x5a0: {  	v28 =	vshll.u32 v33, $0x2;
	v17 =	vshll.u32 v36, $0x4;
	v36 =	vshll.u32 v31, $0x1  }
0x5a1: {  	v36 =	vand.u32 $0xFFFFFF00, v36;
	v45 =	vand.u32 $0x200, v28  }
0x5a2: {  	v18 =	vand.u32 $0x7B, v31;
	v28 =	vadd.s32 v45, v36  }
0x5a3: {  	v19 =	vor.u32 v18, v28;
	v18 =	vld.idx.msk [tilespmem:v0+s16+$0x0], $0xffff  }
0x5a4: {  	v0 =	vld [tilespmem:$0x1FB20];
	_ =	sdelay $0x4  }
0x5a5: {  	v46 =	vadd.s32 v1, v48;
	v17 =	vor.u32 v11, v17  }
0x5a6: {  	v53 =	vshll.u32 v46, $0x1  }
0x5a7: {  	v36 =	vand.u32 $0xFFFFFF00, v53  }
0x5a8: {  	v46 =	vand.u32 $0x7B, v46;
	v28 =	vadd.s32 v51, v36;
	v53 =	vld.idx.msk [tilespmem:v0+s16+$0x0], $0xffff;
	v0 =	vor.u32 s11, v54  }
0x5a9: {  	v31 =	vor.u32 v46, v28;
	v28 =	vshll.u32 v44, $0x7;
	[tilespmem:$0x1FD10] =	vst v0;
	v32 =	vadd.s32 v0, v37  }
0x5aa: {  	v44 =	vshll.u32 v47, $0x4;
	v0 =	vor.u32 v11, v28;
	v36 =	vshll.u32 v32, $0x1;
	v17 =	vld.idx.msk [tilespmem:v17+s18+$0x0], $0xffff  }
0x5ab: {  	v1 =	vor.u32 v11, v44;
	v44 =	vand.u32 $0xFFFFFF00, v36  }
0x5ac: {  	v32 =	vand.u32 $0x7B, v32;
	v46 =	vadd.s32 v39, v44  }
0x5ad: {  	v5 =	vor.u32 v32, v46  }
0x5ae: {  	[tilespmem:$0x1FC70] =	vst v5  }
0x5af: {  	v20 =	vshll.u32 v20, $0x4;
	[tilespmem:v0+s22+$0x0] =	vst.idx.msk $0xffff, v17  }
0x5b0: {  	v20 =	vor.u32 v11, v20;
	v0 =	vld [tilespmem:$0x1FB30];
	_ =	sdelay $0x2  }
0x5b1: {  	v18 =	vshll.u32 v18, $0x4  }
0x5b2: {  	v36 =	vor.u32 v11, v18;
	v18 =	vshll.u32 v40, $0x7  }
0x5b3: {  	v18 =	vor.u32 v11, v18;
	v47 =	vshll.u32 v53, $0x4;
	v53 =	vshll.u32 v41, $0x7;
	v20 =	vld.idx.msk [tilespmem:v20+s18+$0x0], $0xffff  }
0x5b4: {  	v40 =	vor.u32 v11, v53;
	v9 =	vld.idx.msk [tilespmem:v1+s18+$0x0], $0xffff  }
0x5b5: {  	v44 =	vor.u32 s30, v54;
	v53 =	vor.u32 s31, v3  }
0x5b6: {  	v1 =	vadd.s32 v44, v25;
	v8 =	vld.idx.msk [tilespmem:v0+s16+$0x0], $0xffff;
	v0 =	vadd.s32 v53, v23  }
0x5b7: {  	v5 =	vshll.u32 v1, $0x1;
	v7 =	vshll.u32 v0, $0x1  }
0x5b8: {  	v1 =	vand.u32 $0x7B, v1;
	v5 =	vand.u32 $0xFFFFFF00, v5;
	[tilespmem:v18+s22+$0x0] =	vst.idx.msk $0xffff, v20;
	v7 =	vand.u32 $0xFFFFFF00, v7  }
0x5b9: {  	v5 =	vadd.s32 v26, v5;
	[tilespmem:v40+s22+$0x0] =	vst.idx.msk $0xffff, v9;
	v0 =	vand.u32 $0x7F, v0;
	v7 =	vadd.s32 v45, v7  }
0x5ba: {  	v46 =	vor.u32 v1, v5;
	v1 =	vld [tilespmem:$0x1FB40];
	v20 =	vor.u32 v0, v7;
	v0 =	vshll.u32 v43, $0x7  }
0x5bb: {  	v10 =	vor.u32 v55, v0;
	v0 =	vld [tilespmem:$0x1FB50];
	_ =	sdelay $0x1  }
0x5bc: {  	v32 =	vor.u32 v55, v47;
	_ =	sdelay $0x2  }
0x5bd: {  	v1 =	vshll.u32 v1, $0x7  }
0x5be: {  	v14 =	vld.idx.msk [tilespmem:v36+s18+$0x0], $0xffff;
	v13 =	vor.u32 v11, v1;
	v1 =	vor.u32 s29, v3  }
0x5bf: {  	v9 =	vld.idx.msk [tilespmem:v32+s18+$0x0], $0xffff;
	[tilespmem:$0x1FDA0] =	vst v1  }
0x5c0: {  	v36 =	vld.idx.msk [tilespmem:v0+s16+$0x0], $0xffff  }
0x5c1: {  	v0 =	vadd.s32 v1, v29;
	v1 =	vld [tilespmem:$0x1FB60]  }
0x5c2: {  	v47 =	vor.u32 s29, v54  }
0x5c3: {  	v28 =	vadd.s32 v47, v29  }
0x5c4: {  	v17 =	vshll.u32 v28, $0x1;
	v40 =	vor.u32 s11, v3;
	v5 =	vshll.u32 v8, $0x4;
	v8 =	vld [tilespmem:$0x1FB70]  }
0x5c5: {  	v41 =	vand.u32 $0x7B, v28;
	v17 =	vand.u32 $0xFFFFFF00, v17;
	v43 =	vadd.s32 v40, v37  }
0x5c6: {  	v17 =	vadd.s32 v30, v17;
	v15 =	vor.u32 v50, v5;
	v5 =	vshll.u32 v43, $0x1  }
0x5c7: {  	v28 =	vor.u32 v41, v17;
	v41 =	vor.u32 s2, v3;
	v5 =	vand.u32 $0xFFFFFF00, v5  }
0x5c8: {  	v32 =	vadd.s32 v41, v48;
	v5 =	vadd.s32 v39, v5;
	v7 =	vshll.u32 v0, $0x1  }
0x5c9: {  	[tilespmem:v10+s22+$0x0] =	vst.idx.msk $0xffff, v9;
	v9 =	vand.u32 $0x7F, v32;
	v7 =	vand.u32 $0xFFFFFF00, v7;
	v12 =	vld.idx.msk [tilespmem:v1+s16+$0x0], $0xffff;
	v1 =	vshll.u32 v32, $0x1  }
0x5ca: {  	v0 =	vand.u32 $0x7F, v0;
	v7 =	vadd.s32 v30, v7;
	v1 =	vand.u32 $0xFFFFFF00, v1  }
0x5cb: {  	v10 =	vand.u32 $0x7F, v43;
	v0 =	vor.u32 v0, v7;
	v1 =	vadd.s32 v51, v1  }
0x5cc: {  	v8 =	vld.idx.msk [tilespmem:v8+s16+$0x0], $0xffff;
	[tilespmem:$0x1FD40] =	vst v0;
	v43 =	vor.u32 v9, v1;
	v1 =	vor.u32 v10, v5  }
0x5cd: {  	v0 =	vld [tilespmem:$0x1FB80];
	[tilespmem:$0x1FD20] =	vst v1  }
0x5ce: {  	[tilespmem:v13+s22+$0x0] =	vst.idx.msk $0xffff, v14  }
0x5cf: {  	v1 =	vld [tilespmem:$0x1FB90];
	_ =	sdelay $0x1  }
0x5d0: {  	v9 =	vld [tilespmem:$0x1FBA0]  }
0x5d1: {  	v5 =	vshll.u32 v36, $0x4  }
0x5d2: {  	v36 =	vor.u32 s30, v3;
	v7 =	vshll.u32 v12, $0x4;
	v12 =	vor.u32 v50, v5  }
0x5d3: {  	v5 =	vshll.u32 v8, $0x4;
	v8 =	vadd.s32 v36, v25;
	v14 =	vld.idx.msk [tilespmem:v15+s18+$0x0], $0xffff;
	v1 =	vshll.u32 v1, $0x7  }
0x5d4: {  	v15 =	vor.u32 v50, v5;
	v5 =	vshll.u32 v8, $0x1;
	v0 =	vld.idx.msk [tilespmem:v0+s16+$0x0], $0xffff;
	v1 =	vor.u32 v50, v1  }
0x5d5: {  	v5 =	vand.u32 $0xFFFFFF00, v5  }
0x5d6: {  	v8 =	vand.u32 $0x7F, v8;
	v5 =	vadd.s32 v26, v5  }
0x5d7: {  	v5 =	vor.u32 v8, v5  }
0x5d8: {  	v10 =	vld.idx.msk [tilespmem:v9+s16+$0x0], $0xffff;
	[tilespmem:$0x1FD60] =	vst v5  }
0x5d9: {  	v0 =	vshll.u32 v0, $0x4;
	[tilespmem:v1+s22+$0x0] =	vst.idx.msk $0xffff, v14  }
0x5da: {  	v5 =	vor.u32 v57, v0;
	v0 =	vld [tilespmem:$0x1FBB0];
	_ =	sdelay $0x4  }
0x5db: {  	v1 =	vshll.u32 v0, $0x7;
	v0 =	vld [tilespmem:$0x1FBC0];
	_ =	sdelay $0x2  }
0x5dc: {  	v14 =	vld.idx.msk [tilespmem:v15+s18+$0x0], $0xffff  }
0x5dd: {  	v8 =	vshll.u32 v10, $0x4;
	v10 =	vld.idx.msk [tilespmem:v12+s18+$0x0], $0xffff;
	v12 =	vshll.u32 v34, $0x7  }
0x5de: {  	v15 =	vor.u32 v50, v12;
	v12 =	vshll.u32 v0, $0x7;
	v0 =	vld [tilespmem:$0x1FBD0];
	_ =	sdelay $0x6  }
0x5df: {  	v33 =	vshll.u32 v33, $0x1;
	v13 =	vor.u32 v50, v7  }
0x5e0: {  	v34 =	vand.u32 $0x80, v33;
	v33 =	vld.idx.msk [tilespmem:v0+s16+$0x0], $0xffff  }
0x5e1: {  	v0 =	vld [tilespmem:$0x1FBE0];
	_ =	sdelay $0x1  }
0x5e2: {  	v1 =	vor.u32 v50, v1  }
0x5e3: {  	v7 =	vshll.u32 v21, $0x1;
	v13 =	vld.idx.msk [tilespmem:v13+s18+$0x0], $0xffff;
	v32 =	vor.u32 v50, v12  }
0x5e4: {  	v17 =	vand.u32 $0x80, v7;
	v7 =	vld [tilespmem:$0x1FC00]  }
0x5e5: {  	v9 =	vshll.u32 v0, $0x7;
	v0 =	vld [tilespmem:$0x1FBF0]  }
0x5e6: {  	[tilespmem:v15+s22+$0x0] =	vst.idx.msk $0xffff, v14;
	v14 =	vld.idx.msk [tilespmem:v5+s18+$0x0], $0xffff  }
0x5e7: {  	v12 =	vshll.u32 v22, $0x1;
	v5 =	vld [tilespmem:$0x1FC10];
	[tilespmem:v1+s22+$0x0] =	vst.idx.msk $0xffff, v10  }
0x5e8: {  	v27 =	vshll.u32 v27, $0x1;
	v8 =	vor.u32 v50, v8;
	v22 =	vand.u32 $0x80, v12;
	[tilespmem:v32+s22+$0x0] =	vst.idx.msk $0xffff, v13  }
0x5e9: {  	v12 =	vand.u32 $0x80, v27;
	v27 =	vor.u32 v22, v7;
	v7 =	vld [tilespmem:$0x1FC20];
	_ =	sdelay $0x1  }
0x5ea: {  	v21 =	vor.u32 v17, v38  }
0x5eb: {  	v0 =	vshll.u32 v0, $0x7  }
0x5ec: {  	v8 =	vld.idx.msk [tilespmem:v8+s18+$0x0], $0xffff;
	v0 =	vor.u32 v50, v0;
	_ =	sdelay $0x2  }
0x5ed: {  	v21 =	vld.idx.msk [tilespmem:v21+s16+$0x0], $0xffff  }
0x5ee: {  	v13 =	vld.idx.msk [tilespmem:v7+s16+$0x0], $0xffff  }
0x5ef: {  	v19 =	vor.u32 v34, v19;
	v7 =	vld [tilespmem:$0x1FC30];
	[tilespmem:v0+s22+$0x0] =	vst.idx.msk $0xffff, v8  }
0x5f0: {  	v0 =	vld [tilespmem:$0x1FC40];
	_ =	sdelay $0x1  }
0x5f1: {  	v18 =	vor.u32 s31, v58;
	v15 =	vshll.u32 v16, $0x1  }
0x5f2: {  	v16 =	vand.u32 $0x80, v15;
	v15 =	vadd.s32 v18, v23  }
0x5f3: {  	v10 =	vld.idx.msk [tilespmem:v19+s16+$0x0], $0xffff;
	v19 =	vshll.u32 v21, $0x4;
	v21 =	vshll.u32 v15, $0x1  }
0x5f4: {  	v38 =	vor.u32 v50, v19;
	v19 =	vand.u32 $0xFFFFFF00, v21;
	v21 =	vshll.u32 v0, $0x7;
	v0 =	vld [tilespmem:$0x1FC50];
	_ =	sdelay $0x3  }
0x5f5: {  	v1 =	vshll.u32 v33, $0x4  }
0x5f6: {  	v1 =	vor.u32 v55, v1;
	v33 =	vld.idx.msk [tilespmem:v7+s16+$0x0], $0xffff  }
0x5f7: {  	v8 =	vand.u32 $0x7F, v15;
	v15 =	vadd.s32 v45, v19;
	v19 =	vor.u32 s2, v58;
	v7 =	vld.idx.msk [tilespmem:v27+s16+$0x0], $0xffff  }
0x5f8: {  	v8 =	vor.u32 v8, v15;
	v15 =	vadd.s32 v19, v48  }
0x5f9: {  	v27 =	vld.idx.msk [tilespmem:v0+s16+$0x0], $0xffff;
	v0 =	vshll.u32 v15, $0x1  }
0x5fa: {  	v35 =	vshll.u32 v35, $0x7;
	v9 =	vor.u32 v57, v9;
	v0 =	vand.u32 $0xFFFFFF00, v0  }
0x5fb: {  	v1 =	vld.idx.msk [tilespmem:v1+s18+$0x0], $0xffff;
	v21 =	vor.u32 v55, v21;
	v15 =	vand.u32 $0x7F, v15;
	v0 =	vadd.s32 v51, v0  }
0x5fc: {  	v35 =	vor.u32 v50, v35;
	v32 =	vor.u32 v15, v0;
	v0 =	vshll.u32 v7, $0x4;
	v7 =	vld.idx.msk [tilespmem:v38+s18+$0x0], $0xffff;
	_ =	sdelay $0x2  }
0x5fd: {  	v5 =	vor.u32 v12, v5;
	[tilespmem:v9+s22+$0x0] =	vst.idx.msk $0xffff, v14  }
0x5fe: {  	[tilespmem:v21+s22+$0x0] =	vst.idx.msk $0xffff, v1  }
0x5ff: {  	v24 =	vor.u32 v16, v24;
	v10 =	vshll.u32 v10, $0x4;
	[tilespmem:v35+s22+$0x0] =	vst.idx.msk $0xffff, v7  }
0x600: {  	v10 =	vor.u32 v55, v10;
	v7 =	vld [tilespmem:$0x1FC60]  }
0x601: {  	v0 =	vor.u32 v50, v0  }
0x602: {  	v5 =	vld.idx.msk [tilespmem:v5+s16+$0x0], $0xffff;
	_ =	sdelay $0x1  }
0x603: {  	v56 =	vshll.u32 v56, $0x7;
	v24 =	vld.idx.msk [tilespmem:v24+s16+$0x0], $0xffff  }
0x604: {  	v56 =	vor.u32 v55, v56;
	v10 =	vld.idx.msk [tilespmem:v10+s18+$0x0], $0xffff;
	v7 =	vshll.u32 v7, $0x7  }
0x605: {  	v0 =	vld.idx.msk [tilespmem:v0+s18+$0x0], $0xffff;
	v7 =	vor.u32 v50, v7  }
0x606: {  	v5 =	vshll.u32 v5, $0x4  }
0x607: {  	v5 =	vor.u32 v50, v5  }
0x608: {  	v14 =	vshll.u32 v24, $0x4  }
0x609: {  	v13 =	vshll.u32 v13, $0x4;
	v14 =	vor.u32 v50, v14;
	[tilespmem:v56+s22+$0x0] =	vst.idx.msk $0xffff, v10  }
0x60a: {  	v13 =	vor.u32 v55, v13;
	v9 =	vshll.u32 v33, $0x4;
	v15 =	vld [tilespmem:$0x1FC70];
	[tilespmem:v7+s22+$0x0] =	vst.idx.msk $0xffff, v0  }
0x60b: {  	v21 =	vshll.u32 v52, $0x7;
	v1 =	vor.u32 v55, v9;
	v35 =	vor.u32 s11, v58;
	v0 =	vld [tilespmem:$0x1FC80]  }
0x60c: {  	v33 =	vld.idx.msk [tilespmem:v5+s18+$0x0], $0xffff;
	v21 =	vor.u32 v50, v21;
	v9 =	vshll.u32 v27, $0x4;
	v27 =	vadd.s32 v35, v37  }
0x60d: {  	v5 =	vshll.u32 v27, $0x1  }
0x60e: {  	v52 =	vor.u32 v17, v31;
	v14 =	vld.idx.msk [tilespmem:v14+s18+$0x0], $0xffff;
	v5 =	vand.u32 $0xFFFFFF00, v5  }
0x60f: {  	v10 =	vld.idx.msk [tilespmem:v13+s18+$0x0], $0xffff;
	v13 =	vshll.u32 v42, $0x7;
	v27 =	vand.u32 $0x7F, v27;
	v5 =	vadd.s32 v39, v5  }
0x610: {  	v13 =	vor.u32 v50, v13;
	v31 =	vor.u32 v27, v5;
	v5 =	vld [tilespmem:$0x1FC90];
	v0 =	vshll.u32 v0, $0x7  }
0x611: {  	v20 =	vor.u32 v34, v20;
	[tilespmem:v21+s22+$0x0] =	vst.idx.msk $0xffff, v33;
	v33 =	vor.u32 v55, v0;
	_ =	sdelay $0x3  }
0x612: {  	v7 =	vshll.u32 v5, $0x7;
	v5 =	vld [tilespmem:$0x1FCA0];
	[tilespmem:v13+s22+$0x0] =	vst.idx.msk $0xffff, v14  }
0x613: {  	v27 =	vld.idx.msk [tilespmem:v20+s16+$0x0], $0xffff;
	[tilespmem:v33+s22+$0x0] =	vst.idx.msk $0xffff, v10  }
0x614: {  	v56 =	vor.u32 v22, v15;
	v0 =	vld [tilespmem:$0x1FCB0];
	_ =	sdelay $0x1  }
0x615: {  	v42 =	vor.u32 v16, v46  }
0x616: {  	v1 =	vld.idx.msk [tilespmem:v1+s18+$0x0], $0xffff;
	v20 =	vor.u32 s29, v58;
	v15 =	vor.u32 s30, v58;
	v7 =	vor.u32 v55, v7  }
0x617: {  	v38 =	vld.idx.msk [tilespmem:v52+s16+$0x0], $0xffff;
	v46 =	vadd.s32 v20, v29;
	v52 =	vadd.s32 v15, v25  }
0x618: {  	v24 =	vld.idx.msk [tilespmem:v56+s16+$0x0], $0xffff;
	v56 =	vshll.u32 v46, $0x1;
	v13 =	vshll.u32 v27, $0x4;
	v27 =	vshll.u32 v52, $0x1  }
0x619: {  	v14 =	vand.u32 $0xFFFFFF00, v56;
	v27 =	vand.u32 $0xFFFFFF00, v27  }
0x61a: {  	v56 =	vld.idx.msk [tilespmem:v42+s16+$0x0], $0xffff;
	v42 =	vand.u32 $0x7F, v46;
	v46 =	vand.u32 $0x7F, v52;
	v10 =	vadd.s32 v26, v27  }
0x61b: {  	v33 =	vor.u32 v46, v10;
	[tilespmem:v7+s22+$0x0] =	vst.idx.msk $0xffff, v1;
	v10 =	vld.idx.msk [tilespmem:v0+s16+$0x0], $0xffff  }
0x61c: {  	v0 =	vld [tilespmem:$0x1FCC0];
	_ =	sdelay $0x5  }
0x61d: {  	v9 =	vor.u32 v55, v9  }
0x61e: {  	v28 =	vor.u32 v12, v28  }
0x61f: {  	v21 =	vshll.u32 v5, $0x7;
	v5 =	vld.idx.msk [tilespmem:v0+s16+$0x0], $0xffff  }
0x620: {  	v0 =	vld [tilespmem:$0x1FCD0];
	_ =	sdelay $0x1  }
0x621: {  	v9 =	vld.idx.msk [tilespmem:v9+s18+$0x0], $0xffff  }
0x622: {  	v28 =	vld.idx.msk [tilespmem:v28+s16+$0x0], $0xffff;
	v21 =	vor.u32 v55, v21;
	_ =	sdelay $0x4  }
0x623: {  	v52 =	vshll.u32 v28, $0x4;
	[tilespmem:v21+s22+$0x0] =	vst.idx.msk $0xffff, v9;
	v28 =	vld.idx.msk [tilespmem:v0+s16+$0x0], $0xffff  }
0x624: {  	v0 =	vld [tilespmem:$0x1FCE0];
	_ =	sdelay $0x7  }
0x625: {  	v9 =	vld.idx.msk [tilespmem:v0+s16+$0x0], $0xffff  }
0x626: {  	v0 =	vld [tilespmem:$0x1FCF0];
	_ =	sdelay $0x5  }
0x627: {  	v14 =	vadd.s32 v30, v14  }
0x628: {  	v27 =	vor.u32 v42, v14;
	v14 =	vshll.u32 v38, $0x4  }
0x629: {  	v7 =	vor.u32 v55, v14;
	v14 =	vshll.u32 v24, $0x4;
	v24 =	vor.u32 v55, v52;
	v52 =	vld.idx.msk [tilespmem:v0+s16+$0x0], $0xffff  }
0x62a: {  	v0 =	vld [tilespmem:$0x1FD00];
	_ =	sdelay $0x3  }
0x62b: {  	v53 =	vshll.u32 v53, $0x7;
	v13 =	vor.u32 v57, v13;
	v42 =	vor.u32 s31, v59  }
0x62c: {  	v46 =	vadd.s32 v42, v23;
	v23 =	vor.u32 v57, v53;
	v53 =	vshll.u32 v0, $0x7;
	v0 =	vld [tilespmem:$0x1FD10];
	_ =	sdelay $0x3  }
0x62d: {  	v13 =	vld.idx.msk [tilespmem:v13+s18+$0x0], $0xffff;
	v21 =	vshll.u32 v56, $0x4;
	v56 =	vshll.u32 v46, $0x1  }
0x62e: {  	v38 =	vand.u32 $0xFFFFFF00, v56;
	v56 =	vshll.u32 v0, $0x7;
	v0 =	vld [tilespmem:$0x1FD20];
	_ =	sdelay $0x3  }
0x62f: {  	v14 =	vor.u32 v55, v14;
	v7 =	vld.idx.msk [tilespmem:v7+s18+$0x0], $0xffff;
	[tilespmem:v23+s22+$0x0] =	vst.idx.msk $0xffff, v13  }
0x630: {  	v53 =	vor.u32 v55, v53;
	v1 =	vor.u32 v22, v0;
	v0 =	vld [tilespmem:$0x1FD30];
	_ =	sdelay $0x3  }
0x631: {  	v14 =	vld.idx.msk [tilespmem:v14+s18+$0x0], $0xffff  }
0x632: {  	v10 =	vshll.u32 v10, $0x4;
	v56 =	vor.u32 v55, v56;
	v13 =	vshll.u32 v0, $0x7;
	v0 =	vld [tilespmem:$0x1FD40];
	[tilespmem:v53+s22+$0x0] =	vst.idx.msk $0xffff, v7  }
0x633: {  	v38 =	vadd.s32 v45, v38;
	v45 =	vor.u32 v4, v10;
	v10 =	vld [tilespmem:$0x1FD60]  }
0x634: {  	v21 =	vor.u32 v55, v21  }
0x635: {  	v8 =	vor.u32 v34, v8  }
0x636: {  	v43 =	vor.u32 v17, v43;
	v24 =	vld.idx.msk [tilespmem:v24+s18+$0x0], $0xffff  }
0x637: {  	v47 =	vshll.u32 v47, $0x7;
	v7 =	vld [tilespmem:$0x1FD50];
	[tilespmem:v56+s22+$0x0] =	vst.idx.msk $0xffff, v14  }
0x638: {  	v44 =	vshll.u32 v44, $0x7;
	v47 =	vor.u32 v55, v47;
	v53 =	vor.u32 v16, v10;
	v10 =	vld [tilespmem:$0x1FD70]  }
0x639: {  	v44 =	vor.u32 v55, v44;
	v18 =	vshll.u32 v18, $0x7;
	v21 =	vld.idx.msk [tilespmem:v21+s18+$0x0], $0xffff  }
0x63a: {  	v36 =	vshll.u32 v36, $0x7;
	v18 =	vor.u32 v4, v18;
	v5 =	vshll.u32 v5, $0x4;
	v8 =	vld.idx.msk [tilespmem:v8+s16+$0x0], $0xffff  }
0x63b: {  	v23 =	vor.u32 v4, v13;
	v13 =	vor.u32 v57, v5;
	v5 =	vld.idx.msk [tilespmem:v43+s16+$0x0], $0xffff;
	v0 =	vor.u32 v12, v0  }
0x63c: {  	v32 =	vor.u32 v17, v32;
	v31 =	vor.u32 v22, v31;
	v20 =	vshll.u32 v20, $0x7;
	v1 =	vld.idx.msk [tilespmem:v1+s16+$0x0], $0xffff  }
0x63d: {  	v20 =	vor.u32 v4, v20;
	v15 =	vshll.u32 v15, $0x7;
	v56 =	vshll.u32 v10, $0x7;
	v10 =	vld [tilespmem:$0x1FD80];
	[tilespmem:v47+s22+$0x0] =	vst.idx.msk $0xffff, v24  }
0x63e: {  	v15 =	vor.u32 v4, v15;
	v27 =	vor.u32 v12, v27;
	v9 =	vshll.u32 v9, $0x4;
	[tilespmem:v44+s22+$0x0] =	vst.idx.msk $0xffff, v21  }
0x63f: {  	v33 =	vor.u32 v16, v33;
	v7 =	vshll.u32 v7, $0x7;
	v47 =	vor.u32 v57, v9;
	v9 =	vld [tilespmem:$0x1FD90]  }
0x640: {  	v43 =	vshll.u32 v52, $0x4;
	v21 =	vor.u32 v57, v7;
	v7 =	vshll.u32 v8, $0x4;
	v0 =	vld.idx.msk [tilespmem:v0+s16+$0x0], $0xffff  }
0x641: {  	v5 =	vshll.u32 v5, $0x4;
	v1 =	vshll.u32 v1, $0x4;
	v8 =	vld.idx.msk [tilespmem:v53+s16+$0x0], $0xffff;
	v7 =	vor.u32 v4, v7  }
0x642: {  	v5 =	vor.u32 v57, v5;
	v1 =	vor.u32 v57, v1;
	v24 =	vor.u32 v57, v56  }
0x643: {  	v53 =	vand.u32 $0x7F, v46;
	v14 =	vshll.u32 v10, $0x7;
	v10 =	vshll.u32 v28, $0x4  }
0x644: {  	v28 =	vor.u32 v57, v10;
	v10 =	vor.u32 v57, v43;
	v9 =	vshll.u32 v9, $0x7  }
0x645: {  	v52 =	vld [tilespmem:$0x1FDA0];
	v44 =	vor.u32 v57, v14;
	v14 =	vshll.u32 v40, $0x7;
	v0 =	vshll.u32 v0, $0x4  }
0x646: {  	v8 =	vshll.u32 v8, $0x4;
	v7 =	vld.idx.msk [tilespmem:v7+s18+$0x0], $0xffff;
	v43 =	vor.u32 v57, v9;
	v0 =	vor.u32 v57, v0  }
0x647: {  	v1 =	vld.idx.msk [tilespmem:v1+s18+$0x0], $0xffff;
	v9 =	vshll.u32 v41, $0x7;
	v8 =	vor.u32 v57, v8;
	v14 =	vor.u32 v57, v14  }
0x648: {  	v5 =	vld.idx.msk [tilespmem:v5+s18+$0x0], $0xffff;
	v46 =	vor.u32 s2, v59;
	v38 =	vor.u32 v53, v38;
	v56 =	vor.u32 v57, v9  }
0x649: {  	v53 =	vor.u32 v57, v36;
	v36 =	vor.u32 s11, v59;
	v34 =	vor.u32 v34, v38  }
0x64a: {  	v37 =	vadd.s32 v36, v37;
	v38 =	vor.u32 s31, v60;
	v40 =	vshll.u32 v52, $0x7  }
0x64b: {  	v36 =	vshll.u32 v36, $0x7;
	v52 =	vor.u32 v57, v40;
	v9 =	vor.u32 s29, v59;
	[tilespmem:v18+s22+$0x0] =	vst.idx.msk $0xffff, v7;
	v0 =	vld.idx.msk [tilespmem:v0+s18+$0x0], $0xffff  }
0x64c: {  	v18 =	vor.u32 s30, v59;
	v7 =	vld.idx.msk [tilespmem:v8+s18+$0x0], $0xffff;
	v8 =	vshll.u32 v19, $0x7;
	v19 =	vadd.s32 v46, v48;
	[tilespmem:v14+s22+$0x0] =	vst.idx.msk $0xffff, v1  }
0x64d: {  	v25 =	vadd.s32 v18, v25;
	v1 =	vshll.u32 v37, $0x1;
	[tilespmem:v56+s22+$0x0] =	vst.idx.msk $0xffff, v5;
	v5 =	vadd.s32 v9, v29  }
0x64e: {  	v34 =	vld.idx.msk [tilespmem:v34+s16+$0x0], $0xffff;
	v41 =	vshll.u32 v19, $0x1;
	v1 =	vand.u32 $0xFFFFFF00, v1;
	v19 =	vand.u32 $0x7F, v19  }
0x64f: {  	v31 =	vld.idx.msk [tilespmem:v31+s16+$0x0], $0xffff;
	v8 =	vor.u32 v4, v8;
	v9 =	vshll.u32 v9, $0x7;
	v14 =	vshll.u32 v5, $0x1  }
0x650: {  	v56 =	vld.idx.msk [tilespmem:v32+s16+$0x0], $0xffff;
	v32 =	vand.u32 $0xFFFFFF00, v41;
	v1 =	vadd.s32 v39, v1;
	v5 =	vand.u32 $0x7F, v5  }
0x651: {  	v9 =	vor.u32 v11, v9;
	v14 =	vand.u32 $0xFFFFFF00, v14;
	v32 =	vadd.s32 v51, v32  }
0x652: {  	v14 =	vadd.s32 v30, v14;
	v19 =	vor.u32 v19, v32;
	[tilespmem:v52+s22+$0x0] =	vst.idx.msk $0xffff, v0;
	v0 =	vshll.u32 v25, $0x1  }
0x653: {  	[tilespmem:v53+s22+$0x0] =	vst.idx.msk $0xffff, v7;
	v7 =	vmulhi.u32 $0x51EB851F, v38;
	v48 =	vshll.u32 v34, $0x4;
	v34 =	vand.u32 $0x7F, v37  }
0x654: {  	v25 =	vand.u32 $0x7F, v25;
	v5 =	vor.u32 v5, v14;
	v17 =	vor.u32 v17, v19  }
0x655: {  	v19 =	vor.u32 s31, v61;
	v0 =	vand.u32 $0xFFFFFF00, v0;
	v31 =	vshll.u32 v31, $0x4  }
0x656: {  	v1 =	vor.u32 v34, v1;
	v34 =	vor.u32 s2, v60;
	v5 =	vor.u32 v12, v5  }
0x657: {  	v0 =	vadd.s32 v26, v0;
	v51 =	vshrl.u32 v7, $0x6;
	v26 =	vor.u32 v11, v48  }
0x658: {  	v27 =	vld.idx.msk [tilespmem:v27+s16+$0x0], $0xffff;
	v29 =	vshll.u32 v56, $0x4;
	v31 =	vor.u32 v4, v31;
	v52 =	vshll.u32 v7, $0x2  }
0x659: {  	v33 =	vld.idx.msk [tilespmem:v33+s16+$0x0], $0xffff;
	v7 =	vshll.u32 v7, $0x1;
	v56 =	vshll.u32 v42, $0x7;
	v30 =	vmul.u32 $0xFFFFFF38, v51  }
0x65a: {  	v1 =	vor.u32 v22, v1;
	v22 =	vshll.u32 v46, $0x7;
	v29 =	vor.u32 v4, v29  }
0x65b: {  	v37 =	vand.u32 $0x7FFFFE00, v52;
	v7 =	vand.u32 $0x80, v7;
	v30 =	vadd.s32 v38, v30  }
0x65c: {  	v48 =	vor.u32 v11, v56;
	v52 =	vshll.u32 v35, $0x7;
	v53 =	vshll.u32 v30, $0x1  }
0x65d: {  	v0 =	vor.u32 v25, v0;
	v27 =	vshll.u32 v27, $0x4;
	v39 =	vand.u32 $0xFFFFFF00, v53  }
0x65e: {  	v33 =	vshll.u32 v33, $0x4;
	v27 =	vor.u32 v4, v27;
	v37 =	vadd.s32 v37, v39  }
0x65f: {  	v30 =	vand.u32 $0x79, v30;
	v26 =	vld.idx.msk [tilespmem:v26+s18+$0x0], $0xffff;
	v51 =	vor.u32 v4, v33;
	v7 =	vor.u32 v7, v37  }
0x660: {  	v0 =	vor.u32 v16, v0;
	v16 =	vmulhi.u32 $0x51EB851F, v34;
	v53 =	vld.idx.msk [tilespmem:v29+s18+$0x0], $0xffff;
	v7 =	vor.u32 v30, v7  }
0x661: {  	v40 =	vmulhi.u32 $0x51EB851F, v19;
	v22 =	vor.u32 v11, v22;
	v14 =	vor.u32 v4, v52;
	v56 =	vld.idx.msk [tilespmem:v31+s18+$0x0], $0xffff  }
0x662: {  	v38 =	vshll.u32 v38, $0x7;
	v41 =	vshrl.u32 v16, $0x6;
	v33 =	vor.u32 s30, v60  }
0x663: {  	v52 =	vor.u32 v50, v38;
	v31 =	vshll.u32 v40, $0x1;
	v25 =	vmulhi.u32 $0x51EB851F, v33;
	v12 =	vld.idx.msk [tilespmem:v27+s18+$0x0], $0xffff  }
0x664: {  	v29 =	vor.u32 s11, v60;
	v31 =	vand.u32 $0x80, v31;
	v37 =	vshll.u32 v16, $0x2;
	[tilespmem:v48+s22+$0x0] =	vst.idx.msk $0xffff, v26;
	v30 =	vld.idx.msk [tilespmem:v51+s18+$0x0], $0xffff  }
0x665: {  	v16 =	vshll.u32 v16, $0x1;
	v46 =	vshrl.u32 v25, $0x6;
	v37 =	vand.u32 $0x7FFFFE00, v37;
	[tilespmem:v8+s22+$0x0] =	vst.idx.msk $0xffff, v53;
	v7 =	vld.idx.msk [tilespmem:v7+s16+$0x0], $0xffff  }
0x666: {  	v27 =	vor.u32 s29, v60;
	v26 =	vmulhi.u32 $0x51EB851F, v29;
	[tilespmem:v14+s22+$0x0] =	vst.idx.msk $0xffff, v56;
	v14 =	vld.idx.msk [tilespmem:v17+s16+$0x0], $0xffff;
	v17 =	vshrl.u32 v40, $0x6  }
0x667: {  	v16 =	vand.u32 $0x80, v16;
	v35 =	vmulhi.u32 $0x51EB851F, v27;
	v17 =	vmul.u32 $0xFFFFFF38, v17  }
0x668: {  	v48 =	vshll.u32 v40, $0x2;
	v8 =	vmul.u32 $0xFFFFFF38, v41;
	v42 =	vshrl.u32 v26, $0x6;
	[tilespmem:v20+s22+$0x0] =	vst.idx.msk $0xffff, v12  }
0x669: {  	v1 =	vld.idx.msk [tilespmem:v1+s16+$0x0], $0xffff;
	v12 =	vshrl.u32 v35, $0x6;
	v20 =	vmul.u32 $0xFFFFFF38, v42;
	[tilespmem:v15+s22+$0x0] =	vst.idx.msk $0xffff, v30;
	v15 =	vadd.s32 v19, v17  }
0x66a: {  	v17 =	vadd.s32 v34, v8;
	v8 =	vmul.u32 $0xFFFFFF38, v46;
	v7 =	vshll.u32 v7, $0x4  }
0x66b: {  	v30 =	vand.u32 $0x7FFFFE00, v48;
	v48 =	vshll.u32 v26, $0x2;
	v7 =	vor.u32 v50, v7  }
0x66c: {  	v26 =	vshll.u32 v26, $0x1;
	v19 =	vshll.u32 v19, $0x7;
	v42 =	vshll.u32 v18, $0x7  }
0x66d: {  	v34 =	vshll.u32 v34, $0x7;
	v12 =	vmul.u32 $0xFFFFFF38, v12;
	v51 =	vshll.u32 v15, $0x1  }
0x66e: {  	v15 =	vand.u32 $0x7B, v15;
	v1 =	vshll.u32 v1, $0x4;
	v32 =	vand.u32 $0xFFFFFF00, v51  }
0x66f: {  	v26 =	vand.u32 $0x80, v26;
	v19 =	vor.u32 v55, v19;
	v30 =	vadd.s32 v30, v32  }
0x670: {  	v34 =	vor.u32 v50, v34;
	v20 =	vadd.s32 v29, v20;
	v30 =	vor.u32 v31, v30;
	v53 =	vld.idx.msk [tilespmem:v7+s18+$0x0], $0xffff  }
0x671: {  	v0 =	vld.idx.msk [tilespmem:v0+s16+$0x0], $0xffff;
	v51 =	vshll.u32 v35, $0x2;
	v35 =	vshll.u32 v35, $0x1;
	v15 =	vor.u32 v15, v30  }
0x672: {  	v29 =	vshll.u32 v29, $0x7;
	v12 =	vadd.s32 v27, v12;
	v32 =	vand.u32 $0x7FFFFE00, v51  }
0x673: {  	v5 =	vld.idx.msk [tilespmem:v5+s16+$0x0], $0xffff;
	v35 =	vand.u32 $0x80, v35;
	v18 =	vand.u32 $0x79, v20;
	v27 =	vshll.u32 v27, $0x7  }
0x674: {  	v56 =	vshll.u32 v12, $0x1;
	v31 =	vand.u32 $0x7FFFFE00, v48;
	v27 =	vor.u32 v50, v27  }
0x675: {  	v30 =	vadd.s32 v33, v8;
	v8 =	vshll.u32 v20, $0x1;
	v38 =	vand.u32 $0xFFFFFF00, v56;
	[tilespmem:v52+s22+$0x0] =	vst.idx.msk $0xffff, v53  }
0x676: {  	v33 =	vshll.u32 v33, $0x7;
	v0 =	vshll.u32 v0, $0x4;
	v46 =	vshll.u32 v30, $0x1;
	v15 =	vld.idx.msk [tilespmem:v15+s16+$0x0], $0xffff  }
0x677: {  	v32 =	vadd.s32 v32, v38;
	v30 =	vand.u32 $0x79, v30;
	v33 =	vor.u32 v50, v33  }
0x678: {  	v0 =	vor.u32 v11, v0;
	v7 =	vshll.u32 v14, $0x4;
	v14 =	vshll.u32 v5, $0x4  }
0x679: {  	v5 =	vor.u32 v11, v1;
	v1 =	vor.u32 v11, v14;
	v14 =	vshll.u32 v17, $0x1  }
0x67a: {  	v39 =	vand.u32 $0xFFFFFF00, v46;
	v7 =	vor.u32 v11, v7;
	v14 =	vand.u32 $0xFFFFFF00, v14  }
0x67b: {  	v17 =	vand.u32 $0x79, v17;
	v14 =	vadd.s32 v37, v14;
	v15 =	vshll.u32 v15, $0x4  }
0x67c: {  	v14 =	vor.u32 v16, v14;
	v52 =	vshll.u32 v25, $0x2;
	v15 =	vor.u32 v55, v15  }
0x67d: {  	v53 =	vand.u32 $0xFFFFFF00, v8;
	v8 =	vor.u32 s31, v6;
	v25 =	vshll.u32 v25, $0x1  }
0x67e: {  	v14 =	vor.u32 v17, v14;
	v17 =	vor.u32 s11, v61;
	v56 =	vmulhi.u32 $0x51EB851F, v8  }
0x67f: {  	v46 =	vand.u32 $0x7FFFFE00, v52;
	v31 =	vadd.s32 v31, v53;
	v25 =	vand.u32 $0x80, v25  }
0x680: {  	v37 =	vadd.s32 v46, v39;
	v16 =	vor.u32 v26, v31;
	v46 =	vor.u32 v35, v32  }
0x681: {  	v31 =	vor.u32 v11, v36;
	v35 =	vor.u32 s29, v61;
	v48 =	vshrl.u32 v56, $0x6;
	v15 =	vld.idx.msk [tilespmem:v15+s18+$0x0], $0xffff  }
0x682: {  	v36 =	vor.u32 s30, v61;
	v52 =	vshll.u32 v56, $0x2;
	v40 =	vmul.u32 $0xFFFFFF38, v48  }
0x683: {  	v53 =	vshll.u32 v56, $0x1;
	v20 =	vor.u32 v25, v37;
	v37 =	vmulhi.u32 $0x51EB851F, v17  }
0x684: {  	v41 =	vmulhi.u32 $0x51EB851F, v35;
	v39 =	vand.u32 $0x7FFFFE00, v52;
	v51 =	vadd.s32 v8, v40  }
0x685: {  	v56 =	vand.u32 $0x80, v53;
	v48 =	vand.u32 $0x79, v12;
	v40 =	vshll.u32 v51, $0x1  }
0x686: {  	v40 =	vand.u32 $0xFFFFFF00, v40;
	[tilespmem:v19+s22+$0x0] =	vst.idx.msk $0xffff, v15;
	v15 =	vor.u32 v18, v16;
	v18 =	vor.u32 s31, v62  }
0x687: {  	v12 =	vor.u32 s2, v61;
	v39 =	vadd.s32 v39, v40;
	v19 =	vmulhi.u32 $0x51EB851F, v18  }
0x688: {  	v26 =	vor.u32 v30, v20;
	v38 =	vand.u32 $0x7F, v51;
	v39 =	vor.u32 v56, v39  }
0x689: {  	v20 =	vmulhi.u32 $0x51EB851F, v12;
	v38 =	vor.u32 v38, v39;
	v51 =	vshrl.u32 v19, $0x6  }
0x68a: {  	v45 =	vld.idx.msk [tilespmem:v45+s18+$0x0], $0xffff;
	v32 =	vor.u32 v11, v42;
	v42 =	vmulhi.u32 $0x51EB851F, v36;
	v30 =	vmul.u32 $0xFFFFFF38, v51  }
0x68b: {  	v13 =	vld.idx.msk [tilespmem:v13+s18+$0x0], $0xffff;
	v25 =	vor.u32 v48, v46;
	v52 =	vshrl.u32 v20, $0x6;
	v40 =	vshrl.u32 v37, $0x6  }
0x68c: {  	v47 =	vld.idx.msk [tilespmem:v47+s18+$0x0], $0xffff;
	v40 =	vmul.u32 $0xFFFFFF38, v40;
	v39 =	vshll.u32 v20, $0x2;
	v30 =	vadd.s32 v18, v30  }
0x68d: {  	v28 =	vld.idx.msk [tilespmem:v28+s18+$0x0], $0xffff;
	v20 =	vshll.u32 v20, $0x1;
	v53 =	vshll.u32 v19, $0x2;
	v56 =	vshll.u32 v30, $0x1  }
0x68e: {  	v16 =	vld.idx.msk [tilespmem:v38+s16+$0x0], $0xffff;
	v19 =	vshll.u32 v19, $0x1;
	v46 =	vand.u32 $0x7FFFFE00, v53;
	v48 =	vand.u32 $0xFFFFFF00, v56  }
0x68f: {  	v10 =	vld.idx.msk [tilespmem:v10+s18+$0x0], $0xffff;
	v40 =	vadd.s32 v17, v40;
	v19 =	vand.u32 $0x80, v19;
	v46 =	vadd.s32 v46, v48  }
0x690: {  	[tilespmem:v23+s22+$0x0] =	vst.idx.msk $0xffff, v45;
	v5 =	vld.idx.msk [tilespmem:v5+s18+$0x0], $0xffff;
	v38 =	vmul.u32 $0xFFFFFF38, v52;
	v30 =	vand.u32 $0x7F, v30;
	v19 =	vor.u32 v19, v46  }
0x691: {  	v39 =	vand.u32 $0x7FFFFE00, v39;
	v52 =	vshrl.u32 v41, $0x6;
	v30 =	vor.u32 v30, v19;
	v19 =	vld [tilespmem:$0x1FDB0];
	[tilespmem:v21+s22+$0x0] =	vst.idx.msk $0xffff, v13  }
0x692: {  	v7 =	vld.idx.msk [tilespmem:v7+s18+$0x0], $0xffff;
	v20 =	vand.u32 $0x80, v20;
	v38 =	vadd.s32 v12, v38;
	v48 =	vmul.u32 $0xFFFFFF38, v52;
	[tilespmem:v24+s22+$0x0] =	vst.idx.msk $0xffff, v28  }
0x693: {  	v53 =	vshrl.u32 v42, $0x6;
	v23 =	vshll.u32 v38, $0x1;
	v16 =	vshll.u32 v16, $0x4;
	v21 =	vld [tilespmem:$0x1FDC0];
	[tilespmem:v44+s22+$0x0] =	vst.idx.msk $0xffff, v47  }
0x694: {  	v16 =	vor.u32 v57, v16;
	v46 =	vmul.u32 $0xFFFFFF38, v53;
	v45 =	vadd.s32 v35, v48;
	v44 =	vld [tilespmem:$0x1FDD0];
	[tilespmem:v43+s22+$0x0] =	vst.idx.msk $0xffff, v10  }
0x695: {  	v13 =	vshll.u32 v40, $0x1;
	v24 =	vshll.u32 v45, $0x1;
	v47 =	vshll.u32 v37, $0x2;
	v10 =	vld [tilespmem:$0x1FDE0]  }
0x696: {  	v13 =	vand.u32 $0xFFFFFF00, v13;
	v43 =	vshll.u32 v41, $0x2;
	v47 =	vand.u32 $0x7FFFFE00, v47;
	v56 =	vld [tilespmem:$0x1FDF0]  }
0x697: {  	v24 =	vand.u32 $0xFFFFFF00, v24;
	v43 =	vand.u32 $0x7FFFFE00, v43;
	v47 =	vadd.s32 v47, v13;
	v13 =	vld.idx.msk [tilespmem:v1+s18+$0x0], $0xffff  }
0x698: {  	v46 =	vadd.s32 v36, v46;
	[tilespmem:v22+s22+$0x0] =	vst.idx.msk $0xffff, v7;
	v24 =	vadd.s32 v43, v24;
	v43 =	vld.idx.msk [tilespmem:v0+s18+$0x0], $0xffff  }
0x699: {  	v23 =	vand.u32 $0xFFFFFF00, v23;
	v53 =	vshll.u32 v42, $0x2;
	v28 =	vshll.u32 v46, $0x1;
	v7 =	vld [tilespmem:$0x1FE00]  }
0x69a: {  	v28 =	vand.u32 $0xFFFFFF00, v28;
	v0 =	vand.u32 $0x7FFFFE00, v53;
	v48 =	vld.idx.msk [tilespmem:v19+s16+$0x0], $0xffff;
	v19 =	vor.u32 s31, v63  }
0x69b: {  	v28 =	vadd.s32 v0, v28;
	v0 =	vshll.u32 v8, $0x7;
	v8 =	vld.idx.msk [tilespmem:v16+s18+$0x0], $0xffff;
	v51 =	vmulhi.u32 $0x51EB851F, v19  }
0x69c: {  	v39 =	vadd.s32 v39, v23;
	v18 =	vshll.u32 v18, $0x7;
	v16 =	vor.u32 v57, v0;
	v21 =	vld.idx.msk [tilespmem:v21+s16+$0x0], $0xffff  }
0x69d: {  	v12 =	vshll.u32 v12, $0x7;
	v18 =	vor.u32 v4, v18;
	[tilespmem:v31+s22+$0x0] =	vst.idx.msk $0xffff, v5;
	v44 =	vld.idx.msk [tilespmem:v44+s16+$0x0], $0xffff;
	v23 =	vshrl.u32 v51, $0x6  }
0x69e: {  	v38 =	vand.u32 $0x7B, v38;
	v20 =	vor.u32 v20, v39;
	v31 =	vld.idx.msk [tilespmem:v14+s16+$0x0], $0xffff;
	[tilespmem:v9+s22+$0x0] =	vst.idx.msk $0xffff, v13;
	v23 =	vmul.u32 $0xFFFFFF38, v23  }
0x69f: {  	v39 =	vor.u32 s11, v6;
	v42 =	vshll.u32 v42, $0x1;
	v7 =	vshll.u32 v7, $0x7;
	v9 =	vld [tilespmem:$0x1FE20]  }
0x6a0: {  	v0 =	vor.u32 v11, v7;
	v52 =	vld.idx.msk [tilespmem:v56+s16+$0x0], $0xffff;
	v1 =	vshll.u32 v51, $0x2;
	v56 =	vadd.s32 v19, v23  }
0x6a1: {  	v7 =	vld [tilespmem:$0x1FE10];
	[tilespmem:v16+s22+$0x0] =	vst.idx.msk $0xffff, v8;
	v1 =	vand.u32 $0x7FFFFE00, v1;
	v5 =	vshll.u32 v21, $0x4;
	v23 =	vshll.u32 v56, $0x1  }
0x6a2: {  	[tilespmem:v32+s22+$0x0] =	vst.idx.msk $0xffff, v43;
	v30 =	vld.idx.msk [tilespmem:v30+s16+$0x0], $0xffff;
	v22 =	vor.u32 v4, v5;
	v5 =	vshll.u32 v44, $0x4;
	v23 =	vand.u32 $0xFFFFFF00, v23  }
0x6a3: {  	v42 =	vand.u32 $0x80, v42;
	v53 =	vadd.s32 v1, v23;
	v23 =	vor.u32 v4, v5;
	v5 =	vld [tilespmem:$0x1FE30]  }
0x6a4: {  	v35 =	vshll.u32 v35, $0x7;
	v37 =	vshll.u32 v37, $0x1;
	v41 =	vshll.u32 v41, $0x1;
	v25 =	vld.idx.msk [tilespmem:v25+s16+$0x0], $0xffff  }
0x6a5: {  	v36 =	vshll.u32 v36, $0x7;
	v37 =	vand.u32 $0x80, v37;
	v41 =	vand.u32 $0x80, v41;
	v26 =	vld.idx.msk [tilespmem:v26+s16+$0x0], $0xffff  }
0x6a6: {  	v37 =	vor.u32 v37, v47;
	v24 =	vor.u32 v41, v24;
	v41 =	vor.u32 s29, v6;
	v10 =	vld.idx.msk [tilespmem:v10+s16+$0x0], $0xffff  }
0x6a7: {  	v28 =	vor.u32 v42, v28;
	v13 =	vshll.u32 v52, $0x4;
	v52 =	vld.idx.msk [tilespmem:v15+s16+$0x0], $0xffff;
	v30 =	vshll.u32 v30, $0x4  }
0x6a8: {  	v42 =	vmulhi.u32 $0x51EB851F, v39;
	v8 =	vld [tilespmem:$0x1FE40];
	v30 =	vor.u32 v4, v30;
	v5 =	vshll.u32 v5, $0x7  }
0x6a9: {  	v31 =	vshll.u32 v31, $0x4;
	v15 =	vor.u32 v4, v13;
	v13 =	vor.u32 v4, v5;
	v5 =	vld [tilespmem:$0x1FE50]  }
0x6aa: {  	v31 =	vor.u32 v50, v31;
	v9 =	vshll.u32 v9, $0x7;
	v26 =	vshll.u32 v26, $0x4  }
0x6ab: {  	v25 =	vshll.u32 v25, $0x4;
	v7 =	vshll.u32 v7, $0x7;
	v26 =	vor.u32 v50, v26  }
0x6ac: {  	v10 =	vshll.u32 v10, $0x4;
	v16 =	vor.u32 v4, v7;
	v32 =	vshll.u32 v52, $0x4  }
0x6ad: {  	v8 =	vshll.u32 v8, $0x7;
	v52 =	vshll.u32 v51, $0x1;
	v32 =	vor.u32 v50, v32;
	v30 =	vld.idx.msk [tilespmem:v30+s18+$0x0], $0xffff  }
0x6ae: {  	v43 =	vand.u32 $0x80, v52;
	v7 =	vshll.u32 v5, $0x7;
	v5 =	vor.u32 v4, v8;
	v8 =	vld [tilespmem:$0x1FE60]  }
0x6af: {  	v56 =	vand.u32 $0x7F, v56;
	v21 =	vor.u32 v4, v10;
	v10 =	vld [tilespmem:$0x1FE80];
	v43 =	vor.u32 v43, v53  }
0x6b0: {  	v19 =	vshll.u32 v19, $0x7;
	v52 =	vand.u32 $0x7B, v46;
	v26 =	vld.idx.msk [tilespmem:v26+s18+$0x0], $0xffff;
	v43 =	vor.u32 v56, v43  }
0x6b1: {  	v14 =	vor.u32 v4, v9;
	v31 =	vld.idx.msk [tilespmem:v31+s18+$0x0], $0xffff;
	v44 =	vshll.u32 v42, $0x2;
	v28 =	vor.u32 v52, v28  }
0x6b2: {  	v25 =	vor.u32 v50, v25;
	v44 =	vand.u32 $0x7FFFFE00, v44;
	v1 =	vshll.u32 v48, $0x4;
	v32 =	vld.idx.msk [tilespmem:v32+s18+$0x0], $0xffff  }
0x6b3: {  	v9 =	vshll.u32 v8, $0x7;
	v8 =	vor.u32 v11, v7;
	v7 =	vld [tilespmem:$0x1FE70];
	[tilespmem:v18+s22+$0x0] =	vst.idx.msk $0xffff, v30;
	v18 =	vor.u32 v50, v29  }
0x6b4: {  	v1 =	vor.u32 v11, v1;
	v51 =	vand.u32 $0x7B, v45;
	v48 =	vshll.u32 v10, $0x7  }
0x6b5: {  	v24 =	vor.u32 v51, v24;
	v53 =	vor.u32 v38, v20;
	[tilespmem:v33+s22+$0x0] =	vst.idx.msk $0xffff, v26;
	v56 =	vld.idx.msk [tilespmem:v43+s16+$0x0], $0xffff  }
0x6b6: {  	v20 =	vor.u32 s30, v6;
	[tilespmem:v34+s22+$0x0] =	vst.idx.msk $0xffff, v31;
	v31 =	vshll.u32 v17, $0x7;
	v34 =	vmulhi.u32 $0x51EB851F, v41;
	v28 =	vld.idx.msk [tilespmem:v28+s16+$0x0], $0xffff  }
0x6b7: {  	v30 =	vor.u32 s2, v6;
	v10 =	vor.u32 v11, v9;
	v31 =	vor.u32 v55, v31  }
0x6b8: {  	v47 =	vshrl.u32 v34, $0x6;
	v7 =	vshll.u32 v7, $0x7;
	[tilespmem:v18+s22+$0x0] =	vst.idx.msk $0xffff, v32;
	v18 =	vshrl.u32 v42, $0x6  }
0x6b9: {  	v32 =	vmulhi.u32 $0x51EB851F, v20;
	v42 =	vshll.u32 v42, $0x1;
	v9 =	vor.u32 v11, v7  }
0x6ba: {  	v25 =	vld.idx.msk [tilespmem:v25+s18+$0x0], $0xffff;
	v7 =	vor.u32 v11, v48;
	v48 =	vand.u32 $0x7B, v40;
	v40 =	vmulhi.u32 $0x51EB851F, v30  }
0x6bb: {  	v45 =	vshll.u32 v56, $0x4;
	v46 =	vmul.u32 $0xFFFFFF38, v18;
	v28 =	vshll.u32 v28, $0x4  }
0x6bc: {  	v42 =	vand.u32 $0x80, v42;
	v37 =	vor.u32 v48, v37;
	v18 =	vor.u32 v11, v45  }
0x6bd: {  	v48 =	vmul.u32 $0xFFFFFF38, v47;
	v51 =	vshrl.u32 v32, $0x6;
	v56 =	vshll.u32 v32, $0x2  }
0x6be: {  	v28 =	vor.u32 v55, v28;
	v32 =	vshll.u32 v32, $0x1;
	v17 =	vshrl.u32 v40, $0x6  }
0x6bf: {  	[tilespmem:v27+s22+$0x0] =	vst.idx.msk $0xffff, v25;
	v43 =	vshll.u32 v40, $0x2;
	v27 =	vadd.s32 v39, v46;
	v40 =	vshll.u32 v40, $0x1  }
0x6c0: {  	v32 =	vand.u32 $0x80, v32;
	v39 =	vshll.u32 v39, $0x7;
	v17 =	vmul.u32 $0xFFFFFF38, v17  }
0x6c1: {  	v25 =	vadd.s32 v41, v48;
	v38 =	vshll.u32 v27, $0x1;
	v43 =	vand.u32 $0x7FFFFE00, v43  }
0x6c2: {  	v29 =	vld.idx.msk [tilespmem:v53+s16+$0x0], $0xffff;
	v40 =	vand.u32 $0x80, v40;
	v27 =	vand.u32 $0x7F, v27;
	v39 =	vor.u32 v57, v39  }
0x6c3: {  	v45 =	vshll.u32 v25, $0x1;
	v38 =	vand.u32 $0xFFFFFF00, v38;
	v25 =	vand.u32 $0x7F, v25  }
0x6c4: {  	v33 =	vadd.s32 v30, v17;
	v17 =	vmul.u32 $0xFFFFFF38, v51;
	v45 =	vand.u32 $0xFFFFFF00, v45  }
0x6c5: {  	v24 =	vld.idx.msk [tilespmem:v24+s16+$0x0], $0xffff;
	v38 =	vadd.s32 v44, v38;
	v30 =	vshll.u32 v30, $0x7;
	v26 =	vshll.u32 v33, $0x1  }
0x6c6: {  	v38 =	vor.u32 v42, v38;
	v33 =	vand.u32 $0x7F, v33;
	v30 =	vor.u32 v57, v30  }
0x6c7: {  	v46 =	vadd.s32 v20, v17;
	v17 =	vshll.u32 v29, $0x4;
	v29 =	vshll.u32 v34, $0x2  }
0x6c8: {  	v26 =	vand.u32 $0xFFFFFF00, v26;
	v34 =	vshll.u32 v34, $0x1;
	v27 =	vor.u32 v27, v38  }
0x6c9: {  	v37 =	vld.idx.msk [tilespmem:v37+s16+$0x0], $0xffff;
	v38 =	vor.u32 s11, v62;
	v20 =	vshll.u32 v20, $0x7;
	v47 =	vshll.u32 v46, $0x1  }
0x6ca: {  	v52 =	vor.u32 v55, v17;
	v17 =	vor.u32 v11, v19;
	v19 =	vshll.u32 v24, $0x4  }
0x6cb: {  	v29 =	vand.u32 $0x7FFFFE00, v29;
	v26 =	vadd.s32 v43, v26;
	v34 =	vand.u32 $0x80, v34  }
0x6cc: {  	v42 =	vmulhi.u32 $0x51EB851F, v38;
	v20 =	vor.u32 v57, v20;
	v19 =	vor.u32 v55, v19  }
0x6cd: {  	v47 =	vand.u32 $0xFFFFFF00, v47;
	v29 =	vadd.s32 v29, v45;
	v26 =	vor.u32 v40, v26  }
0x6ce: {  	v29 =	vor.u32 v34, v29;
	v26 =	vor.u32 v33, v26;
	v37 =	vshll.u32 v37, $0x4  }
0x6cf: {  	v34 =	vshll.u32 v41, $0x7;
	v53 =	vor.u32 v55, v37;
	v37 =	vand.u32 $0x7FFFFE00, v56  }
0x6d0: {  	v25 =	vor.u32 v25, v29;
	v34 =	vor.u32 v57, v34;
	v37 =	vadd.s32 v37, v47  }
0x6d1: {  	v47 =	vor.u32 v55, v12;
	v51 =	vld.idx.msk [tilespmem:v52+s18+$0x0], $0xffff;
	v12 =	vand.u32 $0x7F, v46;
	v52 =	vor.u32 v55, v35  }
0x6d2: {  	v32 =	vor.u32 v32, v37;
	v56 =	vld.idx.msk [tilespmem:v19+s18+$0x0], $0xffff;
	v19 =	vor.u32 s29, v62;
	v37 =	vshll.u32 v42, $0x2  }
0x6d3: {  	v32 =	vor.u32 v12, v32;
	v12 =	vor.u32 s30, v62;
	v41 =	vmulhi.u32 $0x51EB851F, v19  }
0x6d4: {  	v29 =	vmulhi.u32 $0x51EB851F, v12;
	v24 =	vld.idx.msk [tilespmem:v53+s18+$0x0], $0xffff;
	v53 =	vor.u32 v55, v36;
	v36 =	vor.u32 s2, v62  }
0x6d5: {  	v37 =	vand.u32 $0x7FFFFE00, v37;
	v48 =	vshrl.u32 v41, $0x6;
	v40 =	vmulhi.u32 $0x51EB851F, v36  }
0x6d6: {  	[tilespmem:v47+s22+$0x0] =	vst.idx.msk $0xffff, v51;
	v47 =	vshrl.u32 v42, $0x6;
	v33 =	vmul.u32 $0xFFFFFF38, v48;
	v51 =	vshrl.u32 v29, $0x6  }
0x6d7: {  	v42 =	vshll.u32 v42, $0x1;
	[tilespmem:v52+s22+$0x0] =	vst.idx.msk $0xffff, v56;
	v56 =	vshll.u32 v29, $0x2;
	v29 =	vshll.u32 v29, $0x1  }
0x6d8: {  	v28 =	vld.idx.msk [tilespmem:v28+s18+$0x0], $0xffff;
	v42 =	vand.u32 $0x80, v42;
	v45 =	vshrl.u32 v40, $0x6;
	v43 =	vshll.u32 v40, $0x2  }
0x6d9: {  	v33 =	vadd.s32 v19, v33;
	v40 =	vshll.u32 v40, $0x1;
	v48 =	vand.u32 $0x7FFFFE00, v56  }
0x6da: {  	v29 =	vand.u32 $0x80, v29;
	v19 =	vshll.u32 v19, $0x7;
	v46 =	vmul.u32 $0xFFFFFF38, v45  }
0x6db: {  	v26 =	vld.idx.msk [tilespmem:v26+s16+$0x0], $0xffff;
	v45 =	vshll.u32 v41, $0x2;
	v52 =	vshll.u32 v33, $0x1;
	v43 =	vand.u32 $0x7FFFFE00, v43  }
0x6dc: {  	v41 =	vshll.u32 v41, $0x1;
	v40 =	vand.u32 $0x80, v40;
	v33 =	vand.u32 $0x7F, v33;
	[tilespmem:v31+s22+$0x0] =	vst.idx.msk $0xffff, v24  }
0x6dd: {  	v25 =	vld.idx.msk [tilespmem:v25+s16+$0x0], $0xffff;
	v31 =	vmul.u32 $0xFFFFFF38, v47;
	[tilespmem:v53+s22+$0x0] =	vst.idx.msk $0xffff, v28;
	v28 =	vmul.u32 $0xFFFFFF38, v51;
	v45 =	vand.u32 $0x7FFFFE00, v45  }
0x6de: {  	v41 =	vand.u32 $0x80, v41;
	v27 =	vld.idx.msk [tilespmem:v27+s16+$0x0], $0xffff;
	v24 =	vadd.s32 v36, v46;
	v46 =	vand.u32 $0xFFFFFF00, v52  }
0x6df: {  	v32 =	vld.idx.msk [tilespmem:v32+s16+$0x0], $0xffff;
	v36 =	vshll.u32 v36, $0x7;
	v35 =	vshll.u32 v24, $0x1;
	v31 =	vadd.s32 v38, v31  }
0x6e0: {  	v26 =	vshll.u32 v26, $0x4;
	v28 =	vadd.s32 v12, v28;
	v51 =	vadd.s32 v45, v46  }
0x6e1: {  	v24 =	vand.u32 $0x7F, v24;
	v44 =	vshll.u32 v31, $0x1;
	v26 =	vor.u32 v57, v26  }
0x6e2: {  	v53 =	vshll.u32 v28, $0x1;
	v25 =	vshll.u32 v25, $0x4;
	v35 =	vand.u32 $0xFFFFFF00, v35  }
0x6e3: {  	v31 =	vand.u32 $0x7F, v31;
	v25 =	vor.u32 v57, v25;
	v27 =	vshll.u32 v27, $0x4  }
0x6e4: {  	v28 =	vand.u32 $0x7F, v28;
	v32 =	vshll.u32 v32, $0x4;
	v27 =	vor.u32 v57, v27  }
0x6e5: {  	v44 =	vand.u32 $0xFFFFFF00, v44;
	v47 =	vand.u32 $0xFFFFFF00, v53;
	v32 =	vor.u32 v57, v32  }
0x6e6: {  	v22 =	vld.idx.msk [tilespmem:v22+s18+$0x0], $0xffff;
	v35 =	vadd.s32 v43, v35;
	v53 =	vor.u32 v41, v51;
	v37 =	vadd.s32 v37, v44  }
0x6e7: {  	v52 =	vadd.s32 v48, v47;
	v35 =	vor.u32 v40, v35;
	v37 =	vor.u32 v42, v37;
	v26 =	vld.idx.msk [tilespmem:v26+s18+$0x0], $0xffff  }
0x6e8: {  	v29 =	vor.u32 v29, v52;
	v31 =	vor.u32 v31, v37;
	v37 =	vor.u32 s11, v63;
	v25 =	vld.idx.msk [tilespmem:v25+s18+$0x0], $0xffff  }
0x6e9: {  	v24 =	vor.u32 v24, v35;
	v35 =	vor.u32 s2, v63;
	v42 =	vmulhi.u32 $0x51EB851F, v37;
	v27 =	vld.idx.msk [tilespmem:v27+s18+$0x0], $0xffff  }
0x6ea: {  	v33 =	vor.u32 v33, v53;
	v28 =	vor.u32 v28, v29;
	v29 =	vmulhi.u32 $0x51EB851F, v35;
	v32 =	vld.idx.msk [tilespmem:v32+s18+$0x0], $0xffff  }
0x6eb: {  	v23 =	vld.idx.msk [tilespmem:v23+s18+$0x0], $0xffff;
	[tilespmem:v16+s22+$0x0] =	vst.idx.msk $0xffff, v22;
	v41 =	vor.u32 s30, v63;
	v40 =	vor.u32 s29, v63;
	v45 =	vshrl.u32 v42, $0x6  }
0x6ec: {  	v21 =	vld.idx.msk [tilespmem:v21+s18+$0x0], $0xffff;
	v56 =	vshrl.u32 v29, $0x6;
	v43 =	vshll.u32 v29, $0x2;
	v46 =	vmul.u32 $0xFFFFFF38, v45;
	[tilespmem:v30+s22+$0x0] =	vst.idx.msk $0xffff, v26  }
0x6ed: {  	v15 =	vld.idx.msk [tilespmem:v15+s18+$0x0], $0xffff;
	v22 =	vshll.u32 v29, $0x1;
	v43 =	vand.u32 $0x7FFFFE00, v43;
	v26 =	vshll.u32 v38, $0x7;
	[tilespmem:v34+s22+$0x0] =	vst.idx.msk $0xffff, v25  }
0x6ee: {  	v38 =	vmulhi.u32 $0x51EB851F, v40;
	v30 =	vmul.u32 $0xFFFFFF38, v56;
	v24 =	vld.idx.msk [tilespmem:v24+s16+$0x0], $0xffff;
	v25 =	vadd.s32 v37, v46;
	[tilespmem:v39+s22+$0x0] =	vst.idx.msk $0xffff, v27  }
0x6ef: {  	v34 =	vshll.u32 v42, $0x2;
	v26 =	vor.u32 v4, v26;
	v39 =	vmulhi.u32 $0x51EB851F, v41;
	[tilespmem:v20+s22+$0x0] =	vst.idx.msk $0xffff, v32;
	v32 =	vld.idx.msk [tilespmem:v33+s16+$0x0], $0xffff  }
0x6f0: {  	v47 =	vshrl.u32 v38, $0x6;
	v30 =	vadd.s32 v35, v30;
	v44 =	vshll.u32 v25, $0x1;
	v31 =	vld.idx.msk [tilespmem:v31+s16+$0x0], $0xffff  }
0x6f1: {  	v34 =	vand.u32 $0x7FFFFE00, v34;
	v51 =	vshll.u32 v30, $0x1;
	v28 =	vld.idx.msk [tilespmem:v28+s16+$0x0], $0xffff;
	v48 =	vshrl.u32 v39, $0x6  }
0x6f2: {  	v44 =	vand.u32 $0xFFFFFF00, v44;
	v33 =	vand.u32 $0xFFFFFF00, v51;
	v51 =	vld [tilespmem:$0x1FE90];
	[tilespmem:v14+s22+$0x0] =	vst.idx.msk $0xffff, v23;
	v27 =	vmul.u32 $0xFFFFFF38, v48  }
0x6f3: {  	v20 =	vmul.u32 $0xFFFFFF38, v47;
	v23 =	vadd.s32 v43, v33;
	v24 =	vshll.u32 v24, $0x4;
	v43 =	vld [tilespmem:$0x1FEA0]  }
0x6f4: {  	v14 =	vshll.u32 v39, $0x1;
	v24 =	vor.u32 v4, v24;
	v27 =	vadd.s32 v41, v27  }
0x6f5: {  	v1 =	vld.idx.msk [tilespmem:v1+s18+$0x0], $0xffff;
	[tilespmem:v13+s22+$0x0] =	vst.idx.msk $0xffff, v21;
	v21 =	vand.u32 $0x80, v22;
	v32 =	vshll.u32 v32, $0x4;
	v56 =	vshll.u32 v27, $0x1  }
0x6f6: {  	v31 =	vshll.u32 v31, $0x4;
	v48 =	vand.u32 $0xFFFFFF00, v56;
	v56 =	vadd.s32 v34, v44;
	v44 =	vld [tilespmem:$0x1FEB0];
	[tilespmem:v5+s22+$0x0] =	vst.idx.msk $0xffff, v15  }
0x6f7: {  	v32 =	vor.u32 v4, v32;
	v5 =	vand.u32 $0x80, v14;
	v14 =	vor.u32 v21, v23;
	v21 =	vld [tilespmem:$0x1FEC0]  }
0x6f8: {  	v18 =	vld.idx.msk [tilespmem:v18+s18+$0x0], $0xffff;
	v45 =	vshll.u32 v38, $0x2;
	v28 =	vshll.u32 v28, $0x4;
	v31 =	vor.u32 v4, v31  }
0x6f9: {  	v20 =	vadd.s32 v40, v20;
	v16 =	vor.u32 v4, v28;
	v28 =	vshll.u32 v42, $0x1;
	v24 =	vld.idx.msk [tilespmem:v24+s18+$0x0], $0xffff  }
0x6fa: {  	v53 =	vshll.u32 v39, $0x2;
	v52 =	vshll.u32 v20, $0x1;
	v22 =	vand.u32 $0x80, v28;
	v29 =	vld.idx.msk [tilespmem:v51+s16+$0x0], $0xffff  }
0x6fb: {  	v53 =	vand.u32 $0x7FFFFE00, v53;
	v15 =	vor.u32 v22, v56;
	v22 =	vand.u32 $0x7F, v30;
	v34 =	vld.idx.msk [tilespmem:v43+s16+$0x0], $0xffff  }
0x6fc: {  	v46 =	vand.u32 $0xFFFFFF00, v52;
	v52 =	vand.u32 $0x7FFFFE00, v45;
	v14 =	vor.u32 v22, v14;
	v22 =	vld.idx.msk [tilespmem:v32+s18+$0x0], $0xffff  }
0x6fd: {  	v13 =	vadd.s32 v52, v46;
	v46 =	vadd.s32 v53, v48;
	v48 =	vor.u32 v4, v36;
	v51 =	vld.idx.msk [tilespmem:v31+s18+$0x0], $0xffff  }
0x6fe: {  	v12 =	vshll.u32 v12, $0x7;
	v38 =	vshll.u32 v38, $0x1;
	v52 =	vor.u32 v4, v19;
	[tilespmem:v0+s22+$0x0] =	vst.idx.msk $0xffff, v1;
	v1 =	vld.idx.msk [tilespmem:v16+s18+$0x0], $0xffff  }
0x6ff: {  	v38 =	vand.u32 $0x80, v38;
	v20 =	vand.u32 $0x7F, v20;
	v23 =	vand.u32 $0x7F, v25;
	v21 =	vld.idx.msk [tilespmem:v21+s16+$0x0], $0xffff  }
0x700: {  	v13 =	vor.u32 v38, v13;
	v15 =	vor.u32 v23, v15;
	v23 =	vor.u32 v4, v12;
	v28 =	vld.idx.msk [tilespmem:v44+s16+$0x0], $0xffff  }
0x701: {  	v47 =	vand.u32 $0x7F, v27;
	v13 =	vor.u32 v20, v13;
	[tilespmem:v17+s22+$0x0] =	vst.idx.msk $0xffff, v18  }
0x702: {  	v53 =	vshll.u32 v37, $0x7;
	v5 =	vor.u32 v5, v46;
	v56 =	vshll.u32 v41, $0x7;
	[tilespmem:v48+s22+$0x0] =	vst.idx.msk $0xffff, v24  }
0x703: {  	v20 =	vor.u32 v47, v5;
	v0 =	vshll.u32 v29, $0x4;
	v5 =	vshll.u32 v34, $0x4;
	[tilespmem:v52+s22+$0x0] =	vst.idx.msk $0xffff, v22  }
0x704: {  	v19 =	vor.u32 v11, v5;
	[tilespmem:v26+s22+$0x0] =	vst.idx.msk $0xffff, v51;
	v16 =	vshll.u32 v21, $0x4;
	v21 =	vor.u32 v11, v0  }
0x705: {  	v5 =	vld.idx.msk [tilespmem:v14+s16+$0x0], $0xffff;
	v14 =	vshll.u32 v40, $0x7;
	[tilespmem:v23+s22+$0x0] =	vst.idx.msk $0xffff, v1;
	v1 =	vor.u32 v11, v56;
	v12 =	vshll.u32 v28, $0x4  }
0x706: {  	v17 =	vor.u32 v11, v12;
	v0 =	vshll.u32 v35, $0x7;
	v12 =	vld.idx.msk [tilespmem:v15+s16+$0x0], $0xffff;
	v15 =	vor.u32 v11, v14  }
0x707: {  	s30 =	simm.s32 $0xE0;
	s29 =	simm.s32 $0x5;
	v13 =	vld.idx.msk [tilespmem:v13+s16+$0x0], $0xffff;
	v18 =	vor.u32 v11, v16;
	v0 =	vor.u32 v11, v0;
	v16 =	vor.u32 v11, v53  }
.LBB2_9:
0x708: {  	s11 =	sadd.s32 $0xFFFFFFC0, s30;
	s31 =	sadd.s32 $0xFFFFFFD0, s30;
	v22 =	vmov s30;
	v29 =	vor.u32 s30, v49;
	v25 =	vor.u32 s30, v54;
	s29 =	sadd.s32 $0x5, s29;
	v14 =	vld.idx.msk [tilespmem:v20+s16+$0x0], $0xffff  }
0x709: {  	s2 =	sadd.s32 $0xFFFFFFE0, s30;
	s1 =	sadd.s32 $0xFFFFFFF0, s30;
	v27 =	vor.u32 s11, v49;
	v20 =	vmov s31;
	v26 =	vmulhi.u32 $0x51EB851F, v22;
	p0 =	slt.u32 s29, $0x14;
	v21 =	vld.idx.msk [tilespmem:v21+s18+$0x0], $0xffff  }
0x70a: {  	v23 =	vmov s2;
	v24 =	vmov s1;
	v22 =	vmul.u32 $0xC28F5C29, v27;
	v19 =	vld.idx.msk [tilespmem:v19+s18+$0x0], $0xffff  }
0x70b: {  	v30 =	vor.u32 s31, v49;
	v28 =	vmulhi.u32 $0x51EB851F, v20;
	v20 =	vshrl.u32 v26, $0x6;
	v31 =	vld.idx.msk [tilespmem:v17+s18+$0x0], $0xffff  }
0x70c: {  	v32 =	vmulhi.u32 $0x51EB851F, v23;
	v17 =	vshll.u32 v22, $0x1D;
	v22 =	vshrl.u32 v22, $0x3;
	v23 =	vld.idx.msk [tilespmem:v18+s18+$0x0], $0xffff  }
0x70d: {  	v35 =	vmulhi.u32 $0x51EB851F, v24;
	v18 =	vmov s11;
	v17 =	vor.u32 v17, v22  }
0x70e: {  	v36 =	vmulhi.u32 $0x51EB851F, v18;
	vm0 =	veq.s32 v18, v49;
	vm1 =	vgt.u32 v17, $0x147AE14  }
0x70f: {  	v18 =	vshrl.u32 v32, $0x6;
	v17 =	vshrl.u32 v28, $0x6;
	vm0 =	vmand vm0, vm1;
	[tilespmem:v8+s22+$0x0] =	vst.idx.msk $0xffff, v21;
	v8 =	vmovc v0  }
0x710: {  	v37 =	vshrl.u32 v36, $0x6;
	v21 =	vshrl.u32 v35, $0x6;
	v0 =	vsel vm0, $0xFFFFFFFF, v2;
	[tilespmem:v10+s22+$0x0] =	vst.idx.msk $0xffff, v19;
	v10 =	vmovc v16  }
0x711: {  	v18 =	vmul.u32 $0xFFFFFF38, v18;
	v17 =	vmul.u32 $0xFFFFFF38, v17;
	v0 =	vadd.s32 v0, v37;
	[tilespmem:v9+s22+$0x0] =	vst.idx.msk $0xffff, v31;
	v9 =	vmovc v15  }
0x712: {  	v20 =	vmul.u32 $0xFFFFFF38, v20;
	v19 =	vmul.u32 $0xFFFFFF38, v21;
	v15 =	vmul.u32 $0xFFFFFF38, v0;
	[tilespmem:v7+s22+$0x0] =	vst.idx.msk $0xffff, v23;
	v7 =	vmovc v1  }
0x713: {  	v33 =	vor.u32 s2, v49;
	v34 =	vor.u32 s1, v49;
	v1 =	vadd.s32 v30, v17  }
0x714: {  	v16 =	vadd.s32 v33, v18;
	v31 =	vadd.s32 v34, v19;
	v15 =	vadd.s32 v27, v15  }
0x715: {  	v38 =	vadd.s32 v29, v20;
	v21 =	vshll.u32 v0, $0x8;
	v22 =	vshll.u32 v15, $0x1  }
0x716: {  	v0 =	vshll.u32 v0, $0x7;
	v21 =	vand.u32 $0xFFFFFE00, v21;
	v22 =	vand.u32 $0xFFFFFF00, v22  }
0x717: {  	v0 =	vand.u32 $0x80, v0;
	v21 =	vadd.s32 v21, v22;
	v22 =	vshll.u32 v1, $0x1  }
0x718: {  	v15 =	vand.u32 $0x79, v15;
	v0 =	vor.u32 v0, v21;
	v21 =	vshll.u32 v16, $0x1  }
0x719: {  	v23 =	vshll.u32 v38, $0x1;
	v0 =	vor.u32 v15, v0;
	v15 =	vshll.u32 v31, $0x1  }
0x71a: {  	v24 =	vshll.u32 v28, $0x2;
	v39 =	vshll.u32 v32, $0x2;
	v40 =	vshll.u32 v35, $0x2  }
0x71b: {  	v43 =	vshll.u32 v26, $0x2;
	v41 =	vand.u32 $0xFFFFFF00, v22;
	v42 =	vand.u32 $0xFFFFFF00, v21  }
0x71c: {  	v44 =	vand.u32 $0xFFFFFF00, v23;
	v21 =	vand.u32 $0x7FFFFE00, v24;
	v15 =	vand.u32 $0xFFFFFF00, v15  }
0x71d: {  	v23 =	vand.u32 $0x7FFFFE00, v43;
	v22 =	vand.u32 $0x7FFFFE00, v40;
	v24 =	vand.u32 $0x7FFFFE00, v39  }
0x71e: {  	v39 =	vadd.s32 v21, v41;
	v40 =	vadd.s32 v24, v42;
	v15 =	vadd.s32 v22, v15;
	v0 =	vld.idx.msk [tilespmem:v0+s16+$0x0], $0xffff  }
0x71f: {  	v1 =	vand.u32 $0x79, v1;
	v16 =	vand.u32 $0x79, v16;
	v41 =	vadd.s32 v23, v44  }
0x720: {  	v28 =	vshll.u32 v28, $0x1;
	v38 =	vand.u32 $0x79, v38;
	v31 =	vand.u32 $0x79, v31  }
0x721: {  	v26 =	vshll.u32 v26, $0x1;
	v32 =	vshll.u32 v32, $0x1;
	v35 =	vshll.u32 v35, $0x1  }
0x722: {  	v39 =	vor.u32 v1, v39;
	v40 =	vor.u32 v16, v40;
	v31 =	vor.u32 v31, v15  }
0x723: {  	v16 =	vand.u32 $0x80, v32;
	v15 =	vand.u32 $0x80, v28;
	v28 =	vor.u32 v38, v41  }
0x724: {  	v1 =	vand.u32 $0x80, v26;
	v32 =	vshll.u32 v0, $0x4;
	v0 =	vand.u32 $0x80, v35  }
0x725: {  	v26 =	vmul.u32 $0xFFFFFF38, v37;
	v37 =	vor.u32 v15, v39;
	v35 =	vor.u32 v50, v32  }
0x726: {  	v38 =	vor.u32 s11, v54;
	v39 =	vor.u32 v16, v40;
	v40 =	vor.u32 v0, v31  }
0x727: {  	v41 =	vadd.s32 v38, v26;
	v42 =	vor.u32 v1, v28;
	v31 =	vor.u32 s31, v54  }
0x728: {  	v28 =	vshll.u32 v36, $0x2;
	v43 =	vshll.u32 v41, $0x1;
	v32 =	vor.u32 s2, v54  }
0x729: {  	v44 =	vshll.u32 v27, $0x7;
	v27 =	vand.u32 $0x200, v28;
	v28 =	vand.u32 $0xFFFFFF00, v43  }
0x72a: {  	v43 =	vld.idx.msk [tilespmem:v35+s18+$0x0], $0xffff;
	v35 =	vand.u32 $0x7B, v41;
	v41 =	vadd.s32 v27, v28;
	v28 =	vshll.u32 v36, $0x1  }
0x72b: {  	v36 =	vor.u32 v50, v44;
	v28 =	vand.u32 $0x80, v28;
	v35 =	vor.u32 v35, v41;
	v37 =	vld.idx.msk [tilespmem:v37+s16+$0x0], $0xffff  }
0x72c: {  	v44 =	vadd.s32 v31, v17;
	v41 =	vor.u32 v28, v35;
	v39 =	vld.idx.msk [tilespmem:v39+s16+$0x0], $0xffff;
	v35 =	vor.u32 s1, v54  }
0x72d: {  	v47 =	vadd.s32 v25, v20;
	v45 =	vadd.s32 v32, v18;
	v40 =	vld.idx.msk [tilespmem:v40+s16+$0x0], $0xffff;
	v46 =	vadd.s32 v35, v19  }
0x72e: {  	v51 =	vshll.u32 v45, $0x1;
	v48 =	vshll.u32 v44, $0x1;
	v52 =	vshll.u32 v46, $0x1;
	v42 =	vld.idx.msk [tilespmem:v42+s16+$0x0], $0xffff  }
0x72f: {  	v53 =	vshll.u32 v47, $0x1;
	v51 =	vand.u32 $0xFFFFFF00, v51;
	v48 =	vand.u32 $0xFFFFFF00, v48  }
0x730: {  	[tilespmem:v36+s22+$0x0] =	vst.idx.msk $0xffff, v43;
	v36 =	vadd.s32 v21, v48;
	v43 =	vand.u32 $0xFFFFFF00, v52;
	v48 =	vand.u32 $0xFFFFFF00, v53  }
0x731: {  	v51 =	vadd.s32 v24, v51;
	v37 =	vshll.u32 v37, $0x4;
	v41 =	vld.idx.msk [tilespmem:v41+s16+$0x0], $0xffff;
	v43 =	vadd.s32 v22, v43  }
0x732: {  	v37 =	vor.u32 v50, v37;
	v39 =	vshll.u32 v39, $0x4;
	v48 =	vadd.s32 v23, v48  }
0x733: {  	v44 =	vand.u32 $0x7B, v44;
	v39 =	vor.u32 v50, v39;
	v40 =	vshll.u32 v40, $0x4  }
0x734: {  	v45 =	vand.u32 $0x7B, v45;
	v40 =	vor.u32 v50, v40;
	v42 =	vshll.u32 v42, $0x4  }
0x735: {  	v47 =	vand.u32 $0x7B, v47;
	v46 =	vand.u32 $0x7B, v46;
	v42 =	vor.u32 v50, v42  }
0x736: {  	v33 =	vshll.u32 v33, $0x7;
	v30 =	vshll.u32 v30, $0x7;
	v34 =	vshll.u32 v34, $0x7  }
0x737: {  	v29 =	vshll.u32 v29, $0x7;
	v36 =	vor.u32 v44, v36;
	v41 =	vshll.u32 v41, $0x4;
	v37 =	vld.idx.msk [tilespmem:v37+s18+$0x0], $0xffff  }
0x738: {  	v44 =	vor.u32 v45, v51;
	v43 =	vor.u32 v46, v43;
	v41 =	vor.u32 v55, v41;
	v39 =	vld.idx.msk [tilespmem:v39+s18+$0x0], $0xffff  }
0x739: {  	v30 =	vor.u32 v50, v30;
	v45 =	vor.u32 s11, v3;
	v46 =	vor.u32 v47, v48;
	v40 =	vld.idx.msk [tilespmem:v40+s18+$0x0], $0xffff  }
0x73a: {  	v33 =	vor.u32 v50, v33;
	v34 =	vor.u32 v50, v34;
	v47 =	vadd.s32 v45, v26;
	v42 =	vld.idx.msk [tilespmem:v42+s18+$0x0], $0xffff  }
0x73b: {  	v29 =	vor.u32 v50, v29;
	v36 =	vor.u32 v15, v36;
	v48 =	vshll.u32 v47, $0x1  }
0x73c: {  	v44 =	vor.u32 v16, v44;
	v43 =	vor.u32 v0, v43;
	v48 =	vand.u32 $0xFFFFFF00, v48  }
0x73d: {  	v38 =	vshll.u32 v38, $0x7;
	v47 =	vand.u32 $0x7F, v47;
	v48 =	vadd.s32 v27, v48;
	v41 =	vld.idx.msk [tilespmem:v41+s18+$0x0], $0xffff  }
0x73e: {  	v38 =	vor.u32 v55, v38;
	v47 =	vor.u32 v47, v48;
	[tilespmem:v30+s22+$0x0] =	vst.idx.msk $0xffff, v37;
	v37 =	vor.u32 s31, v3  }
0x73f: {  	v30 =	vor.u32 v28, v47;
	[tilespmem:v33+s22+$0x0] =	vst.idx.msk $0xffff, v39;
	v33 =	vor.u32 s2, v3;
	v39 =	vor.u32 v1, v46  }
0x740: {  	v47 =	vadd.s32 v37, v17;
	v46 =	vld.idx.msk [tilespmem:v36+s16+$0x0], $0xffff;
	[tilespmem:v34+s22+$0x0] =	vst.idx.msk $0xffff, v40;
	v34 =	vor.u32 s1, v3;
	v36 =	vor.u32 s30, v3  }
0x741: {  	v40 =	vld.idx.msk [tilespmem:v44+s16+$0x0], $0xffff;
	v44 =	vadd.s32 v33, v18;
	v48 =	vadd.s32 v34, v19;
	[tilespmem:v29+s22+$0x0] =	vst.idx.msk $0xffff, v42  }
0x742: {  	v29 =	vshll.u32 v47, $0x1;
	v51 =	vadd.s32 v36, v20;
	v42 =	vshll.u32 v44, $0x1;
	v43 =	vld.idx.msk [tilespmem:v43+s16+$0x0], $0xffff  }
0x743: {  	v29 =	vand.u32 $0xFFFFFF00, v29;
	[tilespmem:v38+s22+$0x0] =	vst.idx.msk $0xffff, v41;
	v38 =	vshll.u32 v48, $0x1;
	v41 =	vshll.u32 v51, $0x1  }
0x744: {  	v42 =	vand.u32 $0xFFFFFF00, v42;
	v30 =	vld.idx.msk [tilespmem:v30+s16+$0x0], $0xffff;
	v38 =	vand.u32 $0xFFFFFF00, v38;
	v41 =	vand.u32 $0xFFFFFF00, v41  }
0x745: {  	v29 =	vadd.s32 v21, v29;
	v42 =	vadd.s32 v24, v42;
	v38 =	vadd.s32 v22, v38;
	v39 =	vld.idx.msk [tilespmem:v39+s16+$0x0], $0xffff  }
0x746: {  	v47 =	vand.u32 $0x7F, v47;
	v46 =	vshll.u32 v46, $0x4;
	v41 =	vadd.s32 v23, v41  }
0x747: {  	v44 =	vand.u32 $0x7F, v44;
	v46 =	vor.u32 v55, v46;
	v40 =	vshll.u32 v40, $0x4  }
0x748: {  	v48 =	vand.u32 $0x7F, v48;
	v40 =	vor.u32 v55, v40;
	v43 =	vshll.u32 v43, $0x4  }
0x749: {  	v31 =	vshll.u32 v31, $0x7;
	v51 =	vand.u32 $0x7F, v51;
	v43 =	vor.u32 v55, v43  }
0x74a: {  	v32 =	vshll.u32 v32, $0x7;
	v35 =	vshll.u32 v35, $0x7;
	v30 =	vshll.u32 v30, $0x4  }
0x74b: {  	v25 =	vshll.u32 v25, $0x7;
	v30 =	vor.u32 v57, v30;
	v39 =	vshll.u32 v39, $0x4  }
0x74c: {  	v52 =	vor.u32 s11, v58;
	v29 =	vor.u32 v47, v29;
	v39 =	vor.u32 v55, v39;
	v46 =	vld.idx.msk [tilespmem:v46+s18+$0x0], $0xffff  }
0x74d: {  	v47 =	vadd.s32 v52, v26;
	v42 =	vor.u32 v44, v42;
	v38 =	vor.u32 v48, v38;
	v40 =	vld.idx.msk [tilespmem:v40+s18+$0x0], $0xffff  }
0x74e: {  	v31 =	vor.u32 v55, v31;
	v44 =	vshll.u32 v47, $0x1;
	v41 =	vor.u32 v51, v41;
	v43 =	vld.idx.msk [tilespmem:v43+s18+$0x0], $0xffff  }
0x74f: {  	v32 =	vor.u32 v55, v32;
	v35 =	vor.u32 v55, v35;
	v44 =	vand.u32 $0xFFFFFF00, v44  }
0x750: {  	v44 =	vadd.s32 v27, v44;
	v48 =	vld.idx.msk [tilespmem:v30+s18+$0x0], $0xffff;
	v30 =	vshll.u32 v45, $0x7;
	v45 =	vand.u32 $0x7F, v47  }
0x751: {  	v25 =	vor.u32 v55, v25;
	v47 =	vor.u32 v57, v30;
	v30 =	vor.u32 v45, v44;
	v39 =	vld.idx.msk [tilespmem:v39+s18+$0x0], $0xffff  }
0x752: {  	v42 =	vor.u32 v16, v42;
	v45 =	vor.u32 v15, v29;
	v44 =	vor.u32 v28, v30  }
0x753: {  	v38 =	vor.u32 v0, v38;
	v41 =	vor.u32 v1, v41;
	[tilespmem:v31+s22+$0x0] =	vst.idx.msk $0xffff, v46;
	v46 =	vor.u32 s31, v58  }
0x754: {  	v29 =	vor.u32 s30, v58;
	v30 =	vor.u32 s2, v58;
	v31 =	vor.u32 s1, v58;
	[tilespmem:v32+s22+$0x0] =	vst.idx.msk $0xffff, v40  }
0x755: {  	v32 =	vshll.u32 v37, $0x7;
	v37 =	vadd.s32 v46, v17;
	v40 =	vadd.s32 v30, v18;
	[tilespmem:v35+s22+$0x0] =	vst.idx.msk $0xffff, v43  }
0x756: {  	v35 =	vshll.u32 v37, $0x1;
	v43 =	vadd.s32 v31, v19;
	[tilespmem:v47+s22+$0x0] =	vst.idx.msk $0xffff, v48;
	v47 =	vadd.s32 v29, v20  }
0x757: {  	v48 =	vshll.u32 v40, $0x1;
	v51 =	vshll.u32 v43, $0x1;
	v44 =	vld.idx.msk [tilespmem:v44+s16+$0x0], $0xffff;
	[tilespmem:v25+s22+$0x0] =	vst.idx.msk $0xffff, v39;
	v25 =	vshll.u32 v47, $0x1  }
0x758: {  	v35 =	vand.u32 $0xFFFFFF00, v35;
	v39 =	vld.idx.msk [tilespmem:v45+s16+$0x0], $0xffff;
	v45 =	vand.u32 $0xFFFFFF00, v48;
	v48 =	vand.u32 $0xFFFFFF00, v51  }
0x759: {  	v35 =	vadd.s32 v21, v35;
	v25 =	vand.u32 $0xFFFFFF00, v25;
	v42 =	vld.idx.msk [tilespmem:v42+s16+$0x0], $0xffff;
	v45 =	vadd.s32 v24, v45  }
0x75a: {  	v37 =	vand.u32 $0x7F, v37;
	v48 =	vadd.s32 v22, v48;
	v25 =	vadd.s32 v23, v25;
	v38 =	vld.idx.msk [tilespmem:v38+s16+$0x0], $0xffff  }
0x75b: {  	v40 =	vand.u32 $0x7F, v40;
	v43 =	vand.u32 $0x7F, v43;
	v47 =	vand.u32 $0x7F, v47;
	v41 =	vld.idx.msk [tilespmem:v41+s16+$0x0], $0xffff  }
0x75c: {  	v33 =	vshll.u32 v33, $0x7;
	v34 =	vshll.u32 v34, $0x7;
	v36 =	vshll.u32 v36, $0x7  }
0x75d: {  	v35 =	vor.u32 v37, v35;
	v37 =	vor.u32 v40, v45;
	v44 =	vshll.u32 v44, $0x4  }
0x75e: {  	v43 =	vor.u32 v43, v48;
	v40 =	vor.u32 v4, v44;
	v39 =	vshll.u32 v39, $0x4  }
0x75f: {  	v44 =	vor.u32 s11, v59;
	v39 =	vor.u32 v57, v39;
	v42 =	vshll.u32 v42, $0x4  }
0x760: {  	v26 =	vadd.s32 v44, v26;
	v42 =	vor.u32 v57, v42;
	v38 =	vshll.u32 v38, $0x4  }
0x761: {  	v45 =	vshll.u32 v26, $0x1;
	v38 =	vor.u32 v57, v38;
	v41 =	vshll.u32 v41, $0x4  }
0x762: {  	v25 =	vor.u32 v47, v25;
	v45 =	vand.u32 $0xFFFFFF00, v45;
	v41 =	vor.u32 v57, v41  }
0x763: {  	v47 =	vshll.u32 v52, $0x7;
	v26 =	vand.u32 $0x7F, v26;
	v27 =	vadd.s32 v27, v45;
	v40 =	vld.idx.msk [tilespmem:v40+s18+$0x0], $0xffff  }
0x764: {  	v32 =	vor.u32 v57, v32;
	v45 =	vor.u32 v4, v47;
	v26 =	vor.u32 v26, v27;
	v39 =	vld.idx.msk [tilespmem:v39+s18+$0x0], $0xffff  }
0x765: {  	v33 =	vor.u32 v57, v33;
	v34 =	vor.u32 v57, v34;
	v28 =	vor.u32 v28, v26;
	v42 =	vld.idx.msk [tilespmem:v42+s18+$0x0], $0xffff  }
0x766: {  	v36 =	vor.u32 v57, v36;
	v35 =	vor.u32 v15, v35;
	v37 =	vor.u32 v16, v37;
	v38 =	vld.idx.msk [tilespmem:v38+s18+$0x0], $0xffff  }
0x767: {  	v43 =	vor.u32 v0, v43;
	v48 =	vor.u32 v1, v25;
	v47 =	vor.u32 s31, v59;
	v41 =	vld.idx.msk [tilespmem:v41+s18+$0x0], $0xffff  }
0x768: {  	v25 =	vor.u32 s1, v59;
	v27 =	vor.u32 s2, v59;
	v26 =	vor.u32 s30, v59  }
0x769: {  	v18 =	vadd.s32 v27, v18;
	[tilespmem:v45+s22+$0x0] =	vst.idx.msk $0xffff, v40;
	v40 =	vshll.u32 v46, $0x7;
	v45 =	vadd.s32 v47, v17  }
0x76a: {  	v19 =	vadd.s32 v25, v19;
	v20 =	vadd.s32 v26, v20;
	v28 =	vld.idx.msk [tilespmem:v28+s16+$0x0], $0xffff;
	[tilespmem:v32+s22+$0x0] =	vst.idx.msk $0xffff, v39  }
0x76b: {  	v17 =	vshll.u32 v45, $0x1;
	v32 =	vld.idx.msk [tilespmem:v35+s16+$0x0], $0xffff;
	[tilespmem:v33+s22+$0x0] =	vst.idx.msk $0xffff, v42;
	v33 =	vshll.u32 v18, $0x1;
	v35 =	vshll.u32 v19, $0x1  }
0x76c: {  	v39 =	vand.u32 $0xFFFFFF00, v17;
	v37 =	vld.idx.msk [tilespmem:v37+s16+$0x0], $0xffff;
	v33 =	vand.u32 $0xFFFFFF00, v33;
	[tilespmem:v34+s22+$0x0] =	vst.idx.msk $0xffff, v38;
	v34 =	vshll.u32 v20, $0x1  }
0x76d: {  	v17 =	vor.u32 s11, v60;
	v35 =	vand.u32 $0xFFFFFF00, v35;
	v38 =	vld.idx.msk [tilespmem:v43+s16+$0x0], $0xffff;
	[tilespmem:v36+s22+$0x0] =	vst.idx.msk $0xffff, v41;
	v34 =	vand.u32 $0xFFFFFF00, v34  }
0x76e: {  	v21 =	vadd.s32 v21, v39;
	v36 =	vmulhi.u32 $0x51EB851F, v17;
	v24 =	vadd.s32 v24, v33;
	v33 =	vld.idx.msk [tilespmem:v48+s16+$0x0], $0xffff  }
0x76f: {  	v39 =	vand.u32 $0x7F, v45;
	v22 =	vadd.s32 v22, v35;
	v23 =	vadd.s32 v23, v34  }
0x770: {  	v18 =	vand.u32 $0x7F, v18;
	v28 =	vshll.u32 v28, $0x4;
	v34 =	vshrl.u32 v36, $0x6  }
0x771: {  	v28 =	vor.u32 v11, v28;
	v34 =	vmul.u32 $0xFFFFFF38, v34;
	v32 =	vshll.u32 v32, $0x4  }
0x772: {  	v19 =	vand.u32 $0x7F, v19;
	v32 =	vor.u32 v4, v32;
	v35 =	vshll.u32 v37, $0x4  }
0x773: {  	v34 =	vadd.s32 v17, v34;
	v35 =	vor.u32 v4, v35;
	v37 =	vshll.u32 v38, $0x4  }
0x774: {  	v38 =	vshll.u32 v36, $0x2;
	v41 =	vshll.u32 v34, $0x1;
	v33 =	vshll.u32 v33, $0x4  }
0x775: {  	v36 =	vshll.u32 v36, $0x1;
	v38 =	vand.u32 $0x7FFFFE00, v38;
	v41 =	vand.u32 $0xFFFFFF00, v41  }
0x776: {  	v42 =	vshll.u32 v44, $0x7;
	v36 =	vand.u32 $0x80, v36;
	v38 =	vadd.s32 v38, v41;
	v28 =	vld.idx.msk [tilespmem:v28+s18+$0x0], $0xffff  }
0x777: {  	v34 =	vand.u32 $0x79, v34;
	v41 =	vor.u32 v11, v42;
	v36 =	vor.u32 v36, v38;
	v32 =	vld.idx.msk [tilespmem:v32+s18+$0x0], $0xffff  }
0x778: {  	v33 =	vor.u32 v4, v33;
	v34 =	vor.u32 v34, v36;
	v36 =	vor.u32 v4, v37;
	v35 =	vld.idx.msk [tilespmem:v35+s18+$0x0], $0xffff  }
0x779: {  	v30 =	vshll.u32 v30, $0x7;
	v31 =	vshll.u32 v31, $0x7;
	v20 =	vand.u32 $0x7F, v20  }
0x77a: {  	v29 =	vshll.u32 v29, $0x7;
	v21 =	vor.u32 v39, v21;
	v24 =	vor.u32 v18, v24  }
0x77b: {  	v19 =	vor.u32 v19, v22;
	v20 =	vor.u32 v20, v23;
	v37 =	vor.u32 v4, v40  }
0x77c: {  	v18 =	vor.u32 s31, v60;
	v22 =	vor.u32 v4, v30;
	v23 =	vor.u32 v4, v31;
	[tilespmem:v41+s22+$0x0] =	vst.idx.msk $0xffff, v28  }
0x77d: {  	v29 =	vor.u32 v4, v29;
	v21 =	vor.u32 v15, v21;
	v24 =	vor.u32 v16, v24;
	v28 =	vld.idx.msk [tilespmem:v34+s16+$0x0], $0xffff  }
0x77e: {  	v15 =	vor.u32 s2, v60;
	v19 =	vor.u32 v0, v19;
	v20 =	vor.u32 v1, v20;
	v30 =	vld.idx.msk [tilespmem:v36+s18+$0x0], $0xffff  }
0x77f: {  	v31 =	vmulhi.u32 $0x51EB851F, v18;
	v0 =	vor.u32 s1, v60;
	v1 =	vor.u32 s30, v60;
	v33 =	vld.idx.msk [tilespmem:v33+s18+$0x0], $0xffff  }
0x780: {  	v16 =	vshll.u32 v47, $0x7;
	v34 =	vor.u32 s11, v61;
	[tilespmem:v37+s22+$0x0] =	vst.idx.msk $0xffff, v32;
	v32 =	vmulhi.u32 $0x51EB851F, v15  }
0x781: {  	v38 =	vshll.u32 v31, $0x2;
	v36 =	vmulhi.u32 $0x51EB851F, v34;
	v37 =	vshrl.u32 v31, $0x6;
	[tilespmem:v22+s22+$0x0] =	vst.idx.msk $0xffff, v35  }
0x782: {  	v22 =	vmul.u32 $0xFFFFFF38, v37;
	v37 =	vmulhi.u32 $0x51EB851F, v0;
	v21 =	vld.idx.msk [tilespmem:v21+s16+$0x0], $0xffff;
	v35 =	vshrl.u32 v32, $0x6  }
0x783: {  	v40 =	vmulhi.u32 $0x51EB851F, v1;
	v39 =	vshrl.u32 v36, $0x6;
	v28 =	vshll.u32 v28, $0x4;
	v24 =	vld.idx.msk [tilespmem:v24+s16+$0x0], $0xffff  }
0x784: {  	v39 =	vmul.u32 $0xFFFFFF38, v39;
	v28 =	vor.u32 v50, v28;
	[tilespmem:v23+s22+$0x0] =	vst.idx.msk $0xffff, v30;
	v23 =	vshrl.u32 v37, $0x6  }
0x785: {  	v30 =	vmul.u32 $0xFFFFFF38, v35;
	v19 =	vld.idx.msk [tilespmem:v19+s16+$0x0], $0xffff;
	v23 =	vmul.u32 $0xFFFFFF38, v23;
	[tilespmem:v29+s22+$0x0] =	vst.idx.msk $0xffff, v33;
	v29 =	vshrl.u32 v40, $0x6  }
0x786: {  	v22 =	vadd.s32 v18, v22;
	v33 =	vadd.s32 v34, v39;
	v20 =	vld.idx.msk [tilespmem:v20+s16+$0x0], $0xffff;
	v29 =	vmul.u32 $0xFFFFFF38, v29  }
0x787: {  	v35 =	vshll.u32 v36, $0x2;
	v39 =	vshll.u32 v33, $0x1;
	v30 =	vadd.s32 v15, v30  }
0x788: {  	v36 =	vshll.u32 v36, $0x1;
	v35 =	vand.u32 $0x7FFFFE00, v35;
	v39 =	vand.u32 $0xFFFFFF00, v39  }
0x789: {  	v17 =	vshll.u32 v17, $0x7;
	v36 =	vand.u32 $0x80, v36;
	v35 =	vadd.s32 v35, v39;
	v28 =	vld.idx.msk [tilespmem:v28+s18+$0x0], $0xffff  }
0x78a: {  	v17 =	vor.u32 v50, v17;
	v33 =	vand.u32 $0x7B, v33;
	v35 =	vor.u32 v36, v35  }
0x78b: {  	v21 =	vshll.u32 v21, $0x4;
	v24 =	vshll.u32 v24, $0x4;
	v33 =	vor.u32 v33, v35  }
0x78c: {  	v21 =	vor.u32 v11, v21;
	v19 =	vshll.u32 v19, $0x4;
	v20 =	vshll.u32 v20, $0x4  }
0x78d: {  	v24 =	vor.u32 v11, v24;
	v19 =	vor.u32 v11, v19;
	v20 =	vor.u32 v11, v20  }
0x78e: {  	v23 =	vadd.s32 v0, v23;
	v29 =	vadd.s32 v1, v29;
	v35 =	vshll.u32 v22, $0x1  }
0x78f: {  	v36 =	vshll.u32 v29, $0x1;
	[tilespmem:v17+s22+$0x0] =	vst.idx.msk $0xffff, v28;
	v17 =	vshll.u32 v30, $0x1;
	v28 =	vshll.u32 v23, $0x1  }
0x790: {  	v42 =	vshll.u32 v40, $0x2;
	v41 =	vshll.u32 v37, $0x2;
	v39 =	vshll.u32 v32, $0x2;
	v33 =	vld.idx.msk [tilespmem:v33+s16+$0x0], $0xffff  }
0x791: {  	v35 =	vand.u32 $0xFFFFFF00, v35;
	v17 =	vand.u32 $0xFFFFFF00, v17;
	v28 =	vand.u32 $0xFFFFFF00, v28;
	v21 =	vld.idx.msk [tilespmem:v21+s18+$0x0], $0xffff  }
0x792: {  	v38 =	vand.u32 $0x7FFFFE00, v38;
	v39 =	vand.u32 $0x7FFFFE00, v39;
	v36 =	vand.u32 $0xFFFFFF00, v36;
	v24 =	vld.idx.msk [tilespmem:v24+s18+$0x0], $0xffff  }
0x793: {  	v43 =	vor.u32 s11, v6;
	v31 =	vshll.u32 v31, $0x1;
	v44 =	vld.idx.msk [tilespmem:v19+s18+$0x0], $0xffff;
	v19 =	vand.u32 $0x7FFFFE00, v41  }
0x794: {  	v37 =	vshll.u32 v37, $0x1;
	v32 =	vshll.u32 v32, $0x1;
	v41 =	vmulhi.u32 $0x51EB851F, v43;
	v45 =	vld.idx.msk [tilespmem:v20+s18+$0x0], $0xffff  }
0x795: {  	v20 =	vadd.s32 v38, v35;
	v35 =	vand.u32 $0x7FFFFE00, v42;
	v38 =	vshll.u32 v40, $0x1  }
0x796: {  	v17 =	vadd.s32 v39, v17;
	v33 =	vshll.u32 v33, $0x4;
	v40 =	vshrl.u32 v41, $0x6  }
0x797: {  	v19 =	vadd.s32 v19, v28;
	v33 =	vor.u32 v55, v33;
	v39 =	vmul.u32 $0xFFFFFF38, v40  }
0x798: {  	v28 =	vand.u32 $0x80, v31;
	v31 =	vand.u32 $0x80, v32;
	v32 =	vadd.s32 v35, v36  }
0x799: {  	v36 =	vand.u32 $0x80, v37;
	v37 =	vand.u32 $0x80, v38;
	v35 =	vadd.s32 v43, v39  }
0x79a: {  	v27 =	vshll.u32 v27, $0x7;
	v38 =	vshll.u32 v41, $0x2;
	v39 =	vshll.u32 v35, $0x1  }
0x79b: {  	v38 =	vand.u32 $0x7FFFFE00, v38;
	v40 =	vshll.u32 v41, $0x1;
	v39 =	vand.u32 $0xFFFFFF00, v39  }
0x79c: {  	v34 =	vshll.u32 v34, $0x7;
	v38 =	vadd.s32 v38, v39;
	v39 =	vand.u32 $0x80, v40;
	v33 =	vld.idx.msk [tilespmem:v33+s18+$0x0], $0xffff  }
0x79d: {  	v34 =	vor.u32 v55, v34;
	v35 =	vand.u32 $0x7F, v35;
	v38 =	vor.u32 v39, v38  }
0x79e: {  	v25 =	vshll.u32 v25, $0x7;
	v26 =	vshll.u32 v26, $0x7;
	v35 =	vor.u32 v35, v38  }
0x79f: {  	v20 =	vor.u32 v28, v20;
	v17 =	vor.u32 v31, v17;
	v28 =	vor.u32 v36, v19  }
0x7a0: {  	v22 =	vand.u32 $0x79, v22;
	v30 =	vand.u32 $0x79, v30;
	v31 =	vor.u32 v37, v32  }
0x7a1: {  	v32 =	vor.u32 v11, v16;
	v16 =	vand.u32 $0x79, v23;
	v23 =	vand.u32 $0x79, v29  }
0x7a2: {  	v25 =	vor.u32 v11, v25;
	v27 =	vor.u32 v11, v27;
	v19 =	vor.u32 s31, v61;
	[tilespmem:v34+s22+$0x0] =	vst.idx.msk $0xffff, v33  }
0x7a3: {  	v26 =	vor.u32 v11, v26;
	v22 =	vor.u32 v22, v20;
	v30 =	vor.u32 v30, v17;
	v29 =	vld.idx.msk [tilespmem:v35+s16+$0x0], $0xffff  }
0x7a4: {  	v20 =	vor.u32 s2, v61;
	v28 =	vor.u32 v16, v28;
	v23 =	vor.u32 v23, v31  }
0x7a5: {  	v17 =	vor.u32 s30, v61;
	v31 =	vmulhi.u32 $0x51EB851F, v19;
	v16 =	vor.u32 s1, v61  }
0x7a6: {  	v18 =	vshll.u32 v18, $0x7;
	v33 =	vor.u32 s11, v62;
	[tilespmem:v32+s22+$0x0] =	vst.idx.msk $0xffff, v21;
	v21 =	vmulhi.u32 $0x51EB851F, v20  }
0x7a7: {  	v34 =	vshrl.u32 v31, $0x6;
	v35 =	vshll.u32 v31, $0x2;
	v32 =	vmulhi.u32 $0x51EB851F, v33;
	[tilespmem:v27+s22+$0x0] =	vst.idx.msk $0xffff, v24  }
0x7a8: {  	v24 =	vmul.u32 $0xFFFFFF38, v34;
	v22 =	vld.idx.msk [tilespmem:v22+s16+$0x0], $0xffff;
	v27 =	vshrl.u32 v21, $0x6;
	[tilespmem:v25+s22+$0x0] =	vst.idx.msk $0xffff, v44;
	v25 =	vmulhi.u32 $0x51EB851F, v16  }
0x7a9: {  	v29 =	vshll.u32 v29, $0x4;
	v34 =	vshrl.u32 v32, $0x6;
	v30 =	vld.idx.msk [tilespmem:v30+s16+$0x0], $0xffff;
	[tilespmem:v26+s22+$0x0] =	vst.idx.msk $0xffff, v45;
	v26 =	vmulhi.u32 $0x51EB851F, v17  }
0x7aa: {  	v29 =	vor.u32 v57, v29;
	v34 =	vmul.u32 $0xFFFFFF38, v34;
	v28 =	vld.idx.msk [tilespmem:v28+s16+$0x0], $0xffff;
	v36 =	vshrl.u32 v25, $0x6  }
0x7ab: {  	v27 =	vmul.u32 $0xFFFFFF38, v27;
	v36 =	vmul.u32 $0xFFFFFF38, v36;
	v23 =	vld.idx.msk [tilespmem:v23+s16+$0x0], $0xffff;
	v37 =	vshrl.u32 v26, $0x6  }
0x7ac: {  	v24 =	vadd.s32 v19, v24;
	v34 =	vadd.s32 v33, v34;
	v37 =	vmul.u32 $0xFFFFFF38, v37  }
0x7ad: {  	v38 =	vshll.u32 v32, $0x2;
	v27 =	vadd.s32 v20, v27;
	v39 =	vshll.u32 v34, $0x1  }
0x7ae: {  	v32 =	vshll.u32 v32, $0x1;
	v38 =	vand.u32 $0x7FFFFE00, v38;
	v39 =	vand.u32 $0xFFFFFF00, v39  }
0x7af: {  	v40 =	vshll.u32 v43, $0x7;
	v32 =	vand.u32 $0x80, v32;
	v38 =	vadd.s32 v38, v39;
	v29 =	vld.idx.msk [tilespmem:v29+s18+$0x0], $0xffff  }
0x7b0: {  	v34 =	vand.u32 $0x7F, v34;
	v39 =	vor.u32 v57, v40;
	v32 =	vor.u32 v32, v38  }
0x7b1: {  	v22 =	vshll.u32 v22, $0x4;
	v30 =	vshll.u32 v30, $0x4;
	v32 =	vor.u32 v34, v32  }
0x7b2: {  	v22 =	vor.u32 v50, v22;
	v28 =	vshll.u32 v28, $0x4;
	v23 =	vshll.u32 v23, $0x4  }
0x7b3: {  	v30 =	vor.u32 v50, v30;
	v28 =	vor.u32 v50, v28;
	v23 =	vor.u32 v50, v23  }
0x7b4: {  	v36 =	vadd.s32 v16, v36;
	v37 =	vadd.s32 v17, v37;
	v34 =	vshll.u32 v24, $0x1  }
0x7b5: {  	v38 =	vshll.u32 v36, $0x1;
	[tilespmem:v39+s22+$0x0] =	vst.idx.msk $0xffff, v29;
	v29 =	vshll.u32 v27, $0x1;
	v39 =	vshll.u32 v37, $0x1  }
0x7b6: {  	v41 =	vshll.u32 v25, $0x2;
	v42 =	vshll.u32 v26, $0x2;
	v40 =	vshll.u32 v21, $0x2;
	v32 =	vld.idx.msk [tilespmem:v32+s16+$0x0], $0xffff  }
0x7b7: {  	v38 =	vand.u32 $0xFFFFFF00, v38;
	v34 =	vand.u32 $0xFFFFFF00, v34;
	v29 =	vand.u32 $0xFFFFFF00, v29;
	v22 =	vld.idx.msk [tilespmem:v22+s18+$0x0], $0xffff  }
0x7b8: {  	v35 =	vand.u32 $0x7FFFFE00, v35;
	v40 =	vand.u32 $0x7FFFFE00, v40;
	v39 =	vand.u32 $0xFFFFFF00, v39;
	v30 =	vld.idx.msk [tilespmem:v30+s18+$0x0], $0xffff  }
0x7b9: {  	v43 =	vor.u32 s11, v63;
	v31 =	vshll.u32 v31, $0x1;
	v41 =	vand.u32 $0x7FFFFE00, v41;
	v28 =	vld.idx.msk [tilespmem:v28+s18+$0x0], $0xffff  }
0x7ba: {  	v44 =	vmulhi.u32 $0x51EB851F, v43;
	v25 =	vshll.u32 v25, $0x1;
	v21 =	vshll.u32 v21, $0x1;
	v23 =	vld.idx.msk [tilespmem:v23+s18+$0x0], $0xffff  }
0x7bb: {  	v26 =	vshll.u32 v26, $0x1;
	v34 =	vadd.s32 v35, v34;
	v35 =	vand.u32 $0x7FFFFE00, v42  }
0x7bc: {  	v42 =	vshrl.u32 v44, $0x6;
	v29 =	vadd.s32 v40, v29;
	v32 =	vshll.u32 v32, $0x4  }
0x7bd: {  	v38 =	vadd.s32 v41, v38;
	v40 =	vmul.u32 $0xFFFFFF38, v42;
	v32 =	vor.u32 v4, v32  }
0x7be: {  	v31 =	vand.u32 $0x80, v31;
	v21 =	vand.u32 $0x80, v21;
	v35 =	vadd.s32 v35, v39  }
0x7bf: {  	v25 =	vand.u32 $0x80, v25;
	v26 =	vand.u32 $0x80, v26;
	v39 =	vadd.s32 v43, v40  }
0x7c0: {  	v15 =	vshll.u32 v15, $0x7;
	v40 =	vshll.u32 v44, $0x2;
	v41 =	vshll.u32 v39, $0x1  }
0x7c1: {  	v42 =	vshll.u32 v44, $0x1;
	v40 =	vand.u32 $0x7FFFFE00, v40;
	v41 =	vand.u32 $0xFFFFFF00, v41  }
0x7c2: {  	v33 =	vshll.u32 v33, $0x7;
	v40 =	vadd.s32 v40, v41;
	v41 =	vand.u32 $0x80, v42;
	v32 =	vld.idx.msk [tilespmem:v32+s18+$0x0], $0xffff  }
0x7c3: {  	v33 =	vor.u32 v4, v33;
	v39 =	vand.u32 $0x7F, v39;
	v40 =	vor.u32 v41, v40  }
0x7c4: {  	v0 =	vshll.u32 v0, $0x7;
	v39 =	vor.u32 v39, v40;
	v40 =	vshll.u32 v1, $0x7  }
0x7c5: {  	v25 =	vor.u32 v25, v38;
	v31 =	vor.u32 v31, v34;
	v21 =	vor.u32 v21, v29  }
0x7c6: {  	v24 =	vand.u32 $0x7B, v24;
	v27 =	vand.u32 $0x7B, v27;
	v26 =	vor.u32 v26, v35  }
0x7c7: {  	v34 =	vand.u32 $0x7B, v36;
	v29 =	vor.u32 v50, v18;
	v35 =	vand.u32 $0x7B, v37  }
0x7c8: {  	v15 =	vor.u32 v50, v15;
	v1 =	vor.u32 s31, v6;
	[tilespmem:v33+s22+$0x0] =	vst.idx.msk $0xffff, v32;
	v32 =	vor.u32 v50, v0  }
0x7c9: {  	v24 =	vor.u32 v24, v31;
	v21 =	vor.u32 v27, v21;
	v27 =	vor.u32 v50, v40;
	v33 =	vld.idx.msk [tilespmem:v39+s16+$0x0], $0xffff  }
0x7ca: {  	v25 =	vor.u32 v34, v25;
	v18 =	vor.u32 s2, v6;
	v26 =	vor.u32 v35, v26  }
0x7cb: {  	v34 =	vor.u32 s1, v6;
	v31 =	vmulhi.u32 $0x51EB851F, v1;
	v0 =	vor.u32 s30, v6  }
0x7cc: {  	v19 =	vshll.u32 v19, $0x7;
	v20 =	vshll.u32 v20, $0x7;
	[tilespmem:v29+s22+$0x0] =	vst.idx.msk $0xffff, v22;
	v22 =	vmulhi.u32 $0x51EB851F, v18  }
0x7cd: {  	v35 =	vshll.u32 v31, $0x2;
	v29 =	vshrl.u32 v31, $0x6;
	[tilespmem:v15+s22+$0x0] =	vst.idx.msk $0xffff, v30;
	v15 =	vmulhi.u32 $0x51EB851F, v34  }
0x7ce: {  	v29 =	vmul.u32 $0xFFFFFF38, v29;
	v24 =	vld.idx.msk [tilespmem:v24+s16+$0x0], $0xffff;
	v30 =	vshrl.u32 v22, $0x6;
	[tilespmem:v32+s22+$0x0] =	vst.idx.msk $0xffff, v28;
	v28 =	vmulhi.u32 $0x51EB851F, v0  }
0x7cf: {  	v32 =	vshll.u32 v33, $0x4;
	v21 =	vld.idx.msk [tilespmem:v21+s16+$0x0], $0xffff;
	v30 =	vmul.u32 $0xFFFFFF38, v30;
	v33 =	vshrl.u32 v15, $0x6;
	[tilespmem:v27+s22+$0x0] =	vst.idx.msk $0xffff, v23  }
0x7d0: {  	v23 =	vor.u32 v11, v32;
	v25 =	vld.idx.msk [tilespmem:v25+s16+$0x0], $0xffff;
	v27 =	vmul.u32 $0xFFFFFF38, v33;
	v32 =	vshrl.u32 v28, $0x6  }
0x7d1: {  	v29 =	vadd.s32 v1, v29;
	v30 =	vadd.s32 v18, v30;
	v26 =	vld.idx.msk [tilespmem:v26+s16+$0x0], $0xffff;
	v32 =	vmul.u32 $0xFFFFFF38, v32  }
0x7d2: {  	v33 =	vshll.u32 v29, $0x1;
	v36 =	vshll.u32 v30, $0x1;
	v27 =	vadd.s32 v34, v27  }
0x7d3: {  	v37 =	vshll.u32 v22, $0x2;
	v38 =	vshll.u32 v27, $0x1;
	v32 =	vadd.s32 v0, v32  }
0x7d4: {  	v39 =	vshll.u32 v15, $0x2;
	v24 =	vshll.u32 v24, $0x4;
	v40 =	vshll.u32 v32, $0x1  }
0x7d5: {  	v41 =	vshll.u32 v43, $0x7;
	v24 =	vor.u32 v55, v24;
	v21 =	vshll.u32 v21, $0x4;
	v23 =	vld.idx.msk [tilespmem:v23+s18+$0x0], $0xffff  }
0x7d6: {  	v41 =	vor.u32 v11, v41;
	v21 =	vor.u32 v55, v21;
	v25 =	vshll.u32 v25, $0x4  }
0x7d7: {  	v42 =	vshll.u32 v28, $0x2;
	v25 =	vor.u32 v55, v25;
	v26 =	vshll.u32 v26, $0x4  }
0x7d8: {  	v33 =	vand.u32 $0xFFFFFF00, v33;
	v36 =	vand.u32 $0xFFFFFF00, v36;
	v26 =	vor.u32 v55, v26  }
0x7d9: {  	v35 =	vand.u32 $0x7FFFFE00, v35;
	v38 =	vand.u32 $0xFFFFFF00, v38;
	v40 =	vand.u32 $0xFFFFFF00, v40  }
0x7da: {  	v31 =	vshll.u32 v31, $0x1;
	v37 =	vand.u32 $0x7FFFFE00, v37;
	v39 =	vand.u32 $0x7FFFFE00, v39;
	v24 =	vld.idx.msk [tilespmem:v24+s18+$0x0], $0xffff  }
0x7db: {  	v22 =	vshll.u32 v22, $0x1;
	v15 =	vshll.u32 v15, $0x1;
	[tilespmem:v41+s22+$0x0] =	vst.idx.msk $0xffff, v23;
	v21 =	vld.idx.msk [tilespmem:v21+s18+$0x0], $0xffff;
	v23 =	vand.u32 $0x7FFFFE00, v42  }
0x7dc: {  	v28 =	vshll.u32 v28, $0x1;
	v33 =	vadd.s32 v35, v33;
	v35 =	vadd.s32 v37, v36;
	v25 =	vld.idx.msk [tilespmem:v25+s18+$0x0], $0xffff  }
0x7dd: {  	v31 =	vand.u32 $0x80, v31;
	v36 =	vadd.s32 v39, v38;
	v23 =	vadd.s32 v23, v40;
	v26 =	vld.idx.msk [tilespmem:v26+s18+$0x0], $0xffff  }
0x7de: {  	v22 =	vand.u32 $0x80, v22;
	v15 =	vand.u32 $0x80, v15;
	v28 =	vand.u32 $0x80, v28  }
0x7df: {  	v16 =	vshll.u32 v16, $0x7;
	v17 =	vshll.u32 v17, $0x7;
	v31 =	vor.u32 v31, v33  }
0x7e0: {  	v22 =	vor.u32 v22, v35;
	v15 =	vor.u32 v15, v36;
	v23 =	vor.u32 v28, v23  }
0x7e1: {  	v27 =	vand.u32 $0x7F, v27;
	v28 =	vand.u32 $0x7F, v29;
	v29 =	vand.u32 $0x7F, v30  }
0x7e2: {  	v19 =	vor.u32 v55, v19;
	v20 =	vor.u32 v55, v20;
	v30 =	vand.u32 $0x7F, v32  }
0x7e3: {  	v16 =	vor.u32 v55, v16;
	v17 =	vor.u32 v55, v17;
	v28 =	vor.u32 v28, v31  }
0x7e4: {  	v27 =	vor.u32 v27, v15;
	v22 =	vor.u32 v29, v22;
	v23 =	vor.u32 v30, v23  }
0x7e5: {  	v15 =	vor.u32 s1, v62;
	v29 =	vor.u32 s31, v62;
	v30 =	vor.u32 s2, v62  }
0x7e6: {  	v31 =	vshll.u32 v1, $0x7;
	v1 =	vor.u32 s30, v62;
	v32 =	vmulhi.u32 $0x51EB851F, v29  }
0x7e7: {  	v18 =	vshll.u32 v18, $0x7;
	[tilespmem:v19+s22+$0x0] =	vst.idx.msk $0xffff, v24;
	v19 =	vmulhi.u32 $0x51EB851F, v30;
	v24 =	vshll.u32 v34, $0x7  }
0x7e8: {  	v33 =	vshrl.u32 v32, $0x6;
	v34 =	vshll.u32 v32, $0x2;
	v28 =	vld.idx.msk [tilespmem:v28+s16+$0x0], $0xffff;
	[tilespmem:v20+s22+$0x0] =	vst.idx.msk $0xffff, v21;
	v20 =	vmulhi.u32 $0x51EB851F, v15  }
0x7e9: {  	v21 =	vmul.u32 $0xFFFFFF38, v33;
	v22 =	vld.idx.msk [tilespmem:v22+s16+$0x0], $0xffff;
	v33 =	vshrl.u32 v19, $0x6;
	[tilespmem:v16+s22+$0x0] =	vst.idx.msk $0xffff, v25;
	v16 =	vmulhi.u32 $0x51EB851F, v1  }
0x7ea: {  	v25 =	vmul.u32 $0xFFFFFF38, v33;
	v33 =	vshll.u32 v19, $0x2;
	v27 =	vld.idx.msk [tilespmem:v27+s16+$0x0], $0xffff;
	v35 =	vshrl.u32 v20, $0x6;
	[tilespmem:v17+s22+$0x0] =	vst.idx.msk $0xffff, v26  }
0x7eb: {  	v17 =	vadd.s32 v29, v21;
	v21 =	vmul.u32 $0xFFFFFF38, v35;
	v23 =	vld.idx.msk [tilespmem:v23+s16+$0x0], $0xffff;
	v26 =	vshrl.u32 v16, $0x6  }
0x7ec: {  	v35 =	vshll.u32 v17, $0x1;
	v25 =	vadd.s32 v30, v25;
	v26 =	vmul.u32 $0xFFFFFF38, v26  }
0x7ed: {  	v37 =	vshll.u32 v20, $0x2;
	v36 =	vshll.u32 v25, $0x1;
	v21 =	vadd.s32 v15, v21  }
0x7ee: {  	v28 =	vshll.u32 v28, $0x4;
	v38 =	vshll.u32 v21, $0x1;
	v26 =	vadd.s32 v1, v26  }
0x7ef: {  	v28 =	vor.u32 v57, v28;
	v22 =	vshll.u32 v22, $0x4;
	v39 =	vshll.u32 v26, $0x1  }
0x7f0: {  	v40 =	vshll.u32 v16, $0x2;
	v22 =	vor.u32 v57, v22;
	v27 =	vshll.u32 v27, $0x4  }
0x7f1: {  	v35 =	vand.u32 $0xFFFFFF00, v35;
	v27 =	vor.u32 v57, v27;
	v23 =	vshll.u32 v23, $0x4  }
0x7f2: {  	v36 =	vand.u32 $0xFFFFFF00, v36;
	v38 =	vand.u32 $0xFFFFFF00, v38;
	v23 =	vor.u32 v57, v23  }
0x7f3: {  	v34 =	vand.u32 $0x7FFFFE00, v34;
	v33 =	vand.u32 $0x7FFFFE00, v33;
	v39 =	vand.u32 $0xFFFFFF00, v39  }
0x7f4: {  	v32 =	vshll.u32 v32, $0x1;
	v19 =	vshll.u32 v19, $0x1;
	v37 =	vand.u32 $0x7FFFFE00, v37;
	v28 =	vld.idx.msk [tilespmem:v28+s18+$0x0], $0xffff  }
0x7f5: {  	v20 =	vshll.u32 v20, $0x1;
	v16 =	vshll.u32 v16, $0x1;
	v40 =	vand.u32 $0x7FFFFE00, v40;
	v22 =	vld.idx.msk [tilespmem:v22+s18+$0x0], $0xffff  }
0x7f6: {  	v34 =	vadd.s32 v34, v35;
	v33 =	vadd.s32 v33, v36;
	v35 =	vadd.s32 v37, v38;
	v27 =	vld.idx.msk [tilespmem:v27+s18+$0x0], $0xffff  }
0x7f7: {  	v32 =	vand.u32 $0x80, v32;
	v19 =	vand.u32 $0x80, v19;
	v36 =	vadd.s32 v40, v39;
	v23 =	vld.idx.msk [tilespmem:v23+s18+$0x0], $0xffff  }
0x7f8: {  	v0 =	vshll.u32 v0, $0x7;
	v20 =	vand.u32 $0x80, v20;
	v16 =	vand.u32 $0x80, v16  }
0x7f9: {  	v32 =	vor.u32 v32, v34;
	v19 =	vor.u32 v19, v33;
	v20 =	vor.u32 v20, v35  }
0x7fa: {  	v17 =	vand.u32 $0x7F, v17;
	v25 =	vand.u32 $0x7F, v25;
	v16 =	vor.u32 v16, v36  }
0x7fb: {  	v31 =	vor.u32 v57, v31;
	v21 =	vand.u32 $0x7F, v21;
	v26 =	vand.u32 $0x7F, v26  }
0x7fc: {  	v18 =	vor.u32 v57, v18;
	v0 =	vor.u32 v57, v0;
	v24 =	vor.u32 v57, v24  }
0x7fd: {  	v17 =	vor.u32 v17, v32;
	v19 =	vor.u32 v25, v19;
	v20 =	vor.u32 v21, v20  }
0x7fe: {  	v32 =	vor.u32 s2, v63;
	v25 =	vor.u32 s31, v63;
	v16 =	vor.u32 v26, v16  }
0x7ff: {  	v33 =	vor.u32 s30, v63;
	v21 =	vmulhi.u32 $0x51EB851F, v25;
	v26 =	vor.u32 s1, v63  }
0x800: {  	[tilespmem:v31+s22+$0x0] =	vst.idx.msk $0xffff, v28;
	v28 =	vshll.u32 v29, $0x7;
	v29 =	vshll.u32 v30, $0x7;
	v30 =	vmulhi.u32 $0x51EB851F, v32  }
0x801: {  	v34 =	vshll.u32 v21, $0x2;
	v31 =	vshrl.u32 v21, $0x6;
	[tilespmem:v18+s22+$0x0] =	vst.idx.msk $0xffff, v22;
	v18 =	vmulhi.u32 $0x51EB851F, v26  }
0x802: {  	v22 =	vmul.u32 $0xFFFFFF38, v31;
	v17 =	vld.idx.msk [tilespmem:v17+s16+$0x0], $0xffff;
	v31 =	vshrl.u32 v30, $0x6;
	[tilespmem:v24+s22+$0x0] =	vst.idx.msk $0xffff, v27;
	v24 =	vmulhi.u32 $0x51EB851F, v33  }
0x803: {  	v19 =	vld.idx.msk [tilespmem:v19+s16+$0x0], $0xffff;
	v27 =	vmul.u32 $0xFFFFFF38, v31;
	v31 =	vshll.u32 v30, $0x2;
	v35 =	vshrl.u32 v18, $0x6;
	[tilespmem:v0+s22+$0x0] =	vst.idx.msk $0xffff, v23  }
0x804: {  	v0 =	vadd.s32 v25, v22;
	v20 =	vld.idx.msk [tilespmem:v20+s16+$0x0], $0xffff;
	v22 =	vmul.u32 $0xFFFFFF38, v35;
	v23 =	vshrl.u32 v24, $0x6  }
0x805: {  	v35 =	vshll.u32 v0, $0x1;
	v27 =	vadd.s32 v32, v27;
	v16 =	vld.idx.msk [tilespmem:v16+s16+$0x0], $0xffff;
	v23 =	vmul.u32 $0xFFFFFF38, v23  }
0x806: {  	v37 =	vshll.u32 v18, $0x2;
	v36 =	vshll.u32 v27, $0x1;
	v22 =	vadd.s32 v26, v22  }
0x807: {  	v39 =	vshll.u32 v24, $0x2;
	v38 =	vshll.u32 v22, $0x1;
	v23 =	vadd.s32 v33, v23  }
0x808: {  	v35 =	vand.u32 $0xFFFFFF00, v35;
	v17 =	vshll.u32 v17, $0x4;
	v40 =	vshll.u32 v23, $0x1  }
0x809: {  	v36 =	vand.u32 $0xFFFFFF00, v36;
	v17 =	vor.u32 v4, v17;
	v19 =	vshll.u32 v19, $0x4  }
0x80a: {  	v38 =	vand.u32 $0xFFFFFF00, v38;
	v19 =	vor.u32 v4, v19;
	v20 =	vshll.u32 v20, $0x4  }
0x80b: {  	v40 =	vand.u32 $0xFFFFFF00, v40;
	v20 =	vor.u32 v4, v20;
	v16 =	vshll.u32 v16, $0x4  }
0x80c: {  	v34 =	vand.u32 $0x7FFFFE00, v34;
	v31 =	vand.u32 $0x7FFFFE00, v31;
	v16 =	vor.u32 v4, v16  }
0x80d: {  	v21 =	vshll.u32 v21, $0x1;
	v30 =	vshll.u32 v30, $0x1;
	v37 =	vand.u32 $0x7FFFFE00, v37  }
0x80e: {  	v24 =	vshll.u32 v24, $0x1;
	v41 =	vld.idx.msk [tilespmem:v17+s18+$0x0], $0xffff;
	v17 =	vshll.u32 v18, $0x1;
	v18 =	vand.u32 $0x7FFFFE00, v39  }
0x80f: {  	v34 =	vadd.s32 v34, v35;
	v35 =	vld.idx.msk [tilespmem:v19+s18+$0x0], $0xffff;
	v19 =	vadd.s32 v31, v36;
	v31 =	vadd.s32 v37, v38  }
0x810: {  	v21 =	vand.u32 $0x80, v21;
	v30 =	vand.u32 $0x80, v30;
	v18 =	vadd.s32 v18, v40;
	v36 =	vld.idx.msk [tilespmem:v20+s18+$0x0], $0xffff  }
0x811: {  	v15 =	vshll.u32 v15, $0x7;
	v17 =	vand.u32 $0x80, v17;
	v37 =	vld.idx.msk [tilespmem:v16+s18+$0x0], $0xffff;
	v16 =	vand.u32 $0x80, v24  }
0x812: {  	v1 =	vshll.u32 v1, $0x7;
	v20 =	vor.u32 v21, v34;
	v19 =	vor.u32 v30, v19  }
0x813: {  	v0 =	vand.u32 $0x7F, v0;
	v17 =	vor.u32 v17, v31;
	v16 =	vor.u32 v16, v18  }
0x814: {  	v21 =	vand.u32 $0x7F, v22;
	v22 =	vand.u32 $0x7F, v23;
	v18 =	vand.u32 $0x7F, v27  }
0x815: {  	v15 =	vor.u32 v4, v15;
	v23 =	vor.u32 v4, v28;
	v24 =	vor.u32 v4, v29  }
0x816: {  	v1 =	vor.u32 v4, v1;
	v0 =	vor.u32 v0, v20;
	v27 =	vor.u32 v18, v19  }
0x817: {  	v5 =	vshll.u32 v5, $0x4;
	v28 =	vor.u32 v21, v17;
	v20 =	vor.u32 v22, v16  }
0x818: {  	v12 =	vshll.u32 v12, $0x4;
	v13 =	vshll.u32 v13, $0x4;
	v14 =	vshll.u32 v14, $0x4  }
.Ltmp6:
0x819: {  	v21 =	vor.u32 v11, v5;
	v17 =	vor.u32 v11, v13;
	v19 =	vor.u32 v11, v12;
	(pc) =	sbr.rel @p0 .LBB2_9-.Ltmp6, $4  }
0x81a: {  	v13 =	vshll.u32 v32, $0x7;
	v12 =	vshll.u32 v25, $0x7;
	v18 =	vor.u32 v11, v14;
	[tilespmem:v23+s22+$0x0] =	vst.idx.msk $0xffff, v41  }
0x81b: {  	v14 =	vshll.u32 v26, $0x7;
	v22 =	vshll.u32 v33, $0x7;
	v5 =	vld.idx.msk [tilespmem:v0+s16+$0x0], $0xffff;
	v0 =	vor.u32 v11, v12;
	[tilespmem:v24+s22+$0x0] =	vst.idx.msk $0xffff, v35  }
0x81c: {  	v16 =	vor.u32 v11, v13;
	v12 =	vld.idx.msk [tilespmem:v27+s16+$0x0], $0xffff;
	[tilespmem:v15+s22+$0x0] =	vst.idx.msk $0xffff, v36;
	v15 =	vor.u32 v11, v14  }
0x81d: {  	s30 =	sadd.s32 $0x50, s30;
	v13 =	vld.idx.msk [tilespmem:v28+s16+$0x0], $0xffff;
	[tilespmem:v1+s22+$0x0] =	vst.idx.msk $0xffff, v37;
	v1 =	vor.u32 v11, v22  }
0x81e: {  	_ =	sdelay $0x3  }
0x81f: {  	v4 =	vld.idx.msk [tilespmem:v20+s16+$0x0], $0xffff;
	_ =	sdelay $0x1  }
0x820: {  	v5 =	vshll.u32 v5, $0x4  }
0x821: {  	v6 =	vshll.u32 v12, $0x4;
	v5 =	vor.u32 v11, v5  }
0x822: {  	v52 =	vld.idx.msk [tilespmem:v21+s18+$0x0], $0xffff;
	v13 =	vshll.u32 v13, $0x4;
	v6 =	vor.u32 v11, v6  }
0x823: {  	v14 =	vld.idx.msk [tilespmem:v19+s18+$0x0], $0xffff;
	v4 =	vshll.u32 v4, $0x4;
	v13 =	vor.u32 v11, v13  }
0x824: {  	v17 =	vld.idx.msk [tilespmem:v17+s18+$0x0], $0xffff;
	v4 =	vor.u32 v11, v4  }
0x825: {  	v53 =	vld.idx.msk [tilespmem:v18+s18+$0x0], $0xffff  }
0x826: {  	v5 =	vld.idx.msk [tilespmem:v5+s18+$0x0], $0xffff  }
0x827: {  	[tilespmem:v8+s22+$0x0] =	vst.idx.msk $0xffff, v52;
	v6 =	vld.idx.msk [tilespmem:v6+s18+$0x0], $0xffff  }
0x828: {  	[tilespmem:v10+s22+$0x0] =	vst.idx.msk $0xffff, v14;
	v56 =	vld.idx.msk [tilespmem:v13+s18+$0x0], $0xffff  }
0x829: {  	s1 =	sadd.s32 s28, s4;
	[tilespmem:v9+s22+$0x0] =	vst.idx.msk $0xffff, v17;
	v4 =	vld.idx.msk [tilespmem:v4+s18+$0x0], $0xffff  }
0x82a: {  	p0 =	seq.s32 s25, $0x7F;
	s1 =	smul.u32 $0xC80, s1;
	[tilespmem:v7+s22+$0x0] =	vst.idx.msk $0xffff, v53  }
.Ltmp7:
0x82b: {  	[tilespmem:v0+s22+$0x0] =	vst.idx.msk $0xffff, v5;
	(pc) =	sbr.rel @p0 .LBB2_12-.Ltmp7, $4  }
0x82c: {  	[tilespmem:v16+s22+$0x0] =	vst.idx.msk $0xffff, v6  }
0x82d: {  	s1 =	sadd.s32 s8, s1;
	[tilespmem:v15+s22+$0x0] =	vst.idx.msk $0xffff, v56  }
0x82e: {  	s1 =	sadd.s32 $0x1900, s1;
	[tilespmem:v1+s22+$0x0] =	vst.idx.msk $0xffff, v4  }
0x82f: {  	[hbm4b:s1+s3] =	stream.linear.scatter [tilespmem:s22], [sflag:$0x4], $0xC800, $0x38;
	[tilespmem:$0x19680] =	vst v63  }
0x830: {  	s1 =	sadd.s32 $0x3, s26  }
.Ltmp8:
0x831: {  	s2 =	sshll.u32 s1, $0x6;
	s1 =	sshll.u32 s1, $0x5;
	(pc) =	sbr.rel .LBB2_2-.Ltmp8, $4  }
0x832: {  	s2 =	sadd.s32 s5, s2;
	s1 =	sand.u32 $0x60, s1  }
0x833: {  	s2 =	sand.u32 $0xFFF00, s2;
	s1 =	sadd.s32 s0, s1  }
0x834: {  	s25 =	sadd.s32 $0x1, s25;
	s1 =	sadd.s32 s2, s1  }
0x835: {  	[tilespmem:s16], [sflag:$0x2] =	stream.strided.gather [hbm4b:s1+s13], $0x200, s14, s13, $0x38;
	[tilespmem:$0x19680] =	vst v63  }
.LBB2_13:
0x836: {  	_ =	sfence.sel $0x180000  }
0x837: {  	[bflag:$0x0] =	sbarrier.arrive $0xFFFF  }
0x838: {  	_ =	strace $0x90000047  }
0x839: {  	s0 =	stileid.u32;
	[bflag:$0x2] =	sbarrier.arrive $0xFFFF  }
0x83a: {  	p0 =	sne.s32 s0, $0x0;
	s0 =	rddreg [dreg:$0x2]  }
0x83b: {  	s0 =	sadd.s32 @!p0 $0x100000, s0  }
0x83c: {  	[sflag:s0] =	ssyncadd.tile.s32 @!p0 $0x1;
	_ =	shalt  }
.Lfunc_end2:
_tile_overlayer_lowered:
.L_overlay_start_2:
0x83d: {  	(tag) =	ssettag $0x2  }
0x83e: {  	s0 =	rddreg [dreg:$0x0];
	s2 =	stileid.u32  }
0x83f: {  	s1 =	rddreg [dreg:$0x1];
	p0 =	sne.s32 s2, $0x0  }
0x840: {  	s3 =	rddreg [dreg:$0x2];
	[bflag:$0x3] =	sbarrier.arrive $0xFFFF;
	s2 =	simm.s32 @!p0 $0x1C05  }
0x841: {  	[timem:s3], [sflag:s2] =	dma.local @!p0 [hbm:s0], s1  }
0x842: {  	s0 =	simm.s32 @!p0 $0x5  }
0x843: {  	_ =	swait.ge @!p0 [sflag:s0], s1  }
0x844: {  	s1 =	ssub.s32 @!p0 $0x0, s1;
	[sflag:s0] =	ssyncset.done @!p0 $0x0  }
0x845: {  	[sflag:s0] =	ssyncadd.s32 @!p0 s1  }
0x846: {  	[bflag:$0x3] =	sbarrier.arrive $0xFFFF  }
0x847: {  	_ =	shalt  }

</sc_bundles>
